<compile_context>
chip_gen: v7x
topology: tpu7x:2x2x1
jax: 0.10.2.dev20260603
libtpu: 0.0.44.dev20260713+nightly
codegen_flags: <defaults>
</compile_context>

<pallas_src>
import functools

import jax
import jax.numpy as jnp
from jax import lax
from jax.experimental import pallas as pl
from jax.experimental.pallas import tpu as pltpu
from jax.experimental.pallas import tpu_sc as plsc

_N = 10000
_E = 320000
_D = 128
_CW = 8

_NC = 2
_NS = 16
_NW = _NC * _NS
_BATCH = 125
_BPW = (_E // _BATCH) // _NW
_GRP = 16
_NG = _BPW // _GRP
_RPT = _N // _NS

_mesh = plsc.VectorSubcoreMesh(
    core_axis_name="c", subcore_axis_name="s", num_cores=_NC, num_subcores=_NS
)


@functools.partial(
    pl.kernel,
    out_type=[
        jax.ShapeDtypeStruct((_NC, _N, _D), jnp.float32),
        jax.ShapeDtypeStruct((_NC, _N, _CW), jnp.float32),
    ],
    mesh=_mesh,
    compiler_params=pltpu.CompilerParams(use_tc_tiling_on_sc=False,
                                         skip_device_barrier=True),
    scratch_types=[
        pltpu.VMEM_SHARED((_N, _D), jnp.float32),
        pltpu.VMEM_SHARED((_N, _CW), jnp.float32),
        pltpu.VMEM((2, _GRP, _BATCH), jnp.int32),
        pltpu.VMEM((2, _GRP, _BATCH), jnp.int32),
        pltpu.VMEM((2, _BATCH, _D), jnp.float32),
        pltpu.VMEM((_BATCH, _CW), jnp.float32),
        pltpu.SemaphoreType.DMA,
        pltpu.SemaphoreType.DMA,
    ],
)
def _sc_aggregate(src3d, dst3d, x, zfeat, zcnt, ones8, out_sum, out_cnt,
                  acc_sh, cnt_sh, srcg_v, dstg_v, rows_v, ones_v, sem0, sem1):
    c = lax.axis_index("c")
    s = lax.axis_index("s")
    wid = s * _NC + c
    sems = (sem0, sem1)

    r0 = s * _RPT
    pltpu.sync_copy(zcnt, cnt_sh.at[pl.ds(r0, _RPT)])
    pltpu.sync_copy(ones8, ones_v)
    pltpu.sync_copy(zfeat, rows_v.at[0])
    for j in range(_RPT // _BATCH):
        pltpu.sync_copy(rows_v.at[0],
                        acc_sh.at[pl.ds(r0 + j * _BATCH, _BATCH)])

    pltpu.sync_copy(src3d.at[wid, pl.ds(0, _GRP)], srcg_v.at[0])
    pltpu.sync_copy(dst3d.at[wid, pl.ds(0, _GRP)], dstg_v.at[0])
    for j in range(2):
        pltpu.async_copy(x.at[srcg_v.at[0, j]], rows_v.at[j], sems[j])
    plsc.subcore_barrier()

    def wait_gather(slot):
        pltpu.make_async_copy(x.at[srcg_v.at[0, 0]], rows_v.at[slot],
                              sems[slot]).wait()

    def group(g, last):
        gp = lax.rem(g, 2)
        if not last:
            pltpu.sync_copy(src3d.at[wid, pl.ds((g + 1) * _GRP, _GRP)],
                            srcg_v.at[1 - gp])
            pltpu.sync_copy(dst3d.at[wid, pl.ds((g + 1) * _GRP, _GRP)],
                            dstg_v.at[1 - gp])
        for j in range(_GRP):
            slot = j % 2
            wait_gather(slot)
            pltpu.sync_copy(rows_v.at[slot], acc_sh.at[dstg_v.at[gp, j]],
                            add=True)
            pltpu.sync_copy(ones_v, cnt_sh.at[dstg_v.at[gp, j]], add=True)
            if j < _GRP - 2:
                pltpu.async_copy(x.at[srcg_v.at[gp, j + 2]],
                                 rows_v.at[slot], sems[slot])
            elif not last:
                pltpu.async_copy(x.at[srcg_v.at[1 - gp, j - (_GRP - 2)]],
                                 rows_v.at[slot], sems[slot])

    lax.fori_loop(0, _NG - 1, lambda g, _: (group(g, False), 0)[1], 0)
    group(_NG - 1, True)
    plsc.subcore_barrier()

    pltpu.sync_copy(acc_sh.at[pl.ds(r0, _RPT)],
                    out_sum.at[c, pl.ds(r0, _RPT)])
    pltpu.sync_copy(cnt_sh.at[pl.ds(r0, _RPT)],
                    out_cnt.at[c, pl.ds(r0, _RPT)])


_R = 1000


def _tc_heads_body(sum_ref, cnt_ref, w1m, b1m, w1v, b1v, wmo, bmo, wvo, bvo,
                   mean_ref, var_ref):
    sums = sum_ref[0] + sum_ref[1]
    cnt = cnt_ref[0, :, :1] + cnt_ref[1, :, :1]
    agg = sums / jnp.maximum(cnt, 1.0)
    hm = jnp.maximum(
        jnp.dot(agg, w1m[...], preferred_element_type=jnp.float32) + b1m[...],
        0.0)
    mean_ref[...] = (
        jnp.dot(hm, wmo[...], preferred_element_type=jnp.float32) + bmo[...])
    hv = jnp.maximum(
        jnp.dot(agg, w1v[...], preferred_element_type=jnp.float32) + b1v[...],
        0.0)
    var_ref[...] = (
        jnp.dot(hv, wvo[...], preferred_element_type=jnp.float32) + bvo[...])


def _tc_heads(sums, cnt, W1m, b1m, W1v, b1v, Wmo, bmo, Wvo, bvo):
    wspec = pl.BlockSpec((_D, _D), lambda i: (0, 0))
    bspec = pl.BlockSpec((1, _D), lambda i: (0, 0))
    return pl.pallas_call(
        _tc_heads_body,
        grid=(_N // _R,),
        in_specs=[
            pl.BlockSpec((_NC, _R, _D), lambda i: (0, i, 0)),
            pl.BlockSpec((_NC, _R, _CW), lambda i: (0, i, 0)),
            wspec, bspec, wspec, bspec, wspec, bspec, wspec, bspec,
        ],
        out_specs=[
            pl.BlockSpec((_R, _D), lambda i: (i, 0)),
            pl.BlockSpec((_R, _D), lambda i: (i, 0)),
        ],
        out_shape=[
            jax.ShapeDtypeStruct((_N, _D), jnp.float32),
            jax.ShapeDtypeStruct((_N, _D), jnp.float32),
        ],
    )(sums, cnt, W1m, b1m, W1v, b1v, Wmo, bmo, Wvo, bvo)


@jax.jit
def kernel(x, edge_index, W1_mean, b1_mean, W1_var, b1_var,
           W_mean_out, b_mean_out, W_var_out, b_var_out):
    src3d = edge_index[0].reshape(_NW, _BPW, _BATCH)
    dst3d = edge_index[1].reshape(_NW, _BPW, _BATCH)
    zfeat = jnp.zeros((_BATCH, _D), jnp.float32)
    zcnt = jnp.zeros((_RPT, _CW), jnp.float32)
    ones8 = jnp.ones((_BATCH, _CW), jnp.float32)
    sums, cnt = _sc_aggregate(src3d, dst3d, x, zfeat, zcnt, ones8)
    mean, variance = _tc_heads(
        sums, cnt, W1_mean, b1_mean.reshape(1, _D), W1_var,
        b1_var.reshape(1, _D), W_mean_out, b_mean_out.reshape(1, _D),
        W_var_out, b_var_out.reshape(1, _D))
    return (mean, variance)

# --- scband reference (transcript-rebuilt; emitter-appended) ---
"""Pipeline reference for scband-para-learner-16681652977987 (READ-ONLY COPY).

The authoritative reference and input builder live on the scoring server;
editing this copy changes nothing except your own understanding.
"""

import jax, jax.numpy as jnp
import numpy as np

N = 10000
E = 320000
D_IN = 128
D_HID = 128
D_OUT = 128


def setup_inputs(seed: int = 0) -> dict:
    key = jax.random.key(seed)
    ks = jax.random.split(key, 12)
    x = jax.random.normal(ks[0], (N, D_IN), dtype=jnp.float32)
    edge_index = jax.random.randint(ks[1], (2, E), 0, N, dtype=jnp.int32)
    s = 1.0 / np.sqrt(D_IN)
    sh = 1.0 / np.sqrt(D_HID)
    W1_mean = jax.random.uniform(ks[2], (D_IN, D_HID), jnp.float32, -s, s)
    b1_mean = jax.random.uniform(ks[3], (D_HID,), jnp.float32, -s, s)
    W1_var = jax.random.uniform(ks[4], (D_IN, D_HID), jnp.float32, -s, s)
    b1_var = jax.random.uniform(ks[5], (D_HID,), jnp.float32, -s, s)
    W_mean_out = jax.random.uniform(ks[6], (D_HID, D_OUT), jnp.float32, -sh, sh)
    b_mean_out = jax.random.uniform(ks[7], (D_OUT,), jnp.float32, -sh, sh)
    W_var_out = jax.random.uniform(ks[8], (D_HID, D_OUT), jnp.float32, -sh, sh)
    b_var_out = jax.random.uniform(ks[9], (D_OUT,), jnp.float32, -sh, sh)
    return {
        "x": x,
        "edge_index": edge_index,
        "W1_mean": W1_mean, "b1_mean": b1_mean,
        "W1_var": W1_var, "b1_var": b1_var,
        "W_mean_out": W_mean_out, "b_mean_out": b_mean_out,
        "W_var_out": W_var_out, "b_var_out": b_var_out,
    }


def _gnn_layer(x, edge_index, W, b):
    # MessagePassing with aggr='mean': message is x_j (source features),
    # aggregated at destination nodes by mean, then Linear + ReLU.
    src = edge_index[0]
    dst = edge_index[1]
    msgs = jnp.take(x, src, axis=0)                      # gather [E, D]
    summed = jax.ops.segment_sum(msgs, dst, num_segments=N)
    counts = jax.ops.segment_sum(jnp.ones((msgs.shape[0],), jnp.float32), dst, num_segments=N)
    agg = summed / jnp.clip(counts, 1.0, None)[:, None]  # scatter-mean
    return jax.nn.relu(agg @ W + b)


def reference(x, edge_index, W1_mean, b1_mean, W1_var, b1_var,
              W_mean_out, b_mean_out, W_var_out, b_var_out):
    h_mean = _gnn_layer(x, edge_index, W1_mean, b1_mean)
    h_var = _gnn_layer(x, edge_index, W1_var, b1_var)
    mean = h_mean @ W_mean_out + b_mean_out
    variance = h_var @ W_var_out + b_var_out
    return (mean, variance)

if __name__ == "__main__":
    import jax
    _d = setup_inputs()
    print(jax.jit(kernel)(*tuple(_d.values())))

</pallas_src>

<mosaic_0001>
#map = affine_map<(d0, d1) -> (0, 0, 0)>
#map1 = affine_map<(d0, d1) -> (0, 0)>
module attributes {stable_mosaic.version = 14 : i64} {
  func.func @_sc_aggregate(%arg0: i32, %arg1: i32, %arg2: memref<32x80x125xi32, #tpu.memory_space<hbm>>, %arg3: memref<32x80x125xi32, #tpu.memory_space<hbm>>, %arg4: memref<10000x128xf32, #tpu.memory_space<hbm>>, %arg5: memref<125x128xf32, #tpu.memory_space<hbm>>, %arg6: memref<625x8xf32, #tpu.memory_space<hbm>>, %arg7: memref<125x8xf32, #tpu.memory_space<hbm>>, %arg8: memref<2x10000x128xf32, #tpu.memory_space<hbm>>, %arg9: memref<2x10000x8xf32, #tpu.memory_space<hbm>>, %arg10: memref<10000x128xf32, #tpu.memory_space<vmem_shared>>, %arg11: memref<10000x8xf32, #tpu.memory_space<vmem_shared>>, %arg12: memref<2x16x125xi32, #tpu.memory_space<vmem>>, %arg13: memref<2x16x125xi32, #tpu.memory_space<vmem>>, %arg14: memref<2x125x128xf32, #tpu.memory_space<vmem>>, %arg15: memref<125x8xf32, #tpu.memory_space<vmem>>, %arg16: memref<!tpu.dma_semaphore, #tpu.memory_space<semaphore_mem>>, %arg17: memref<!tpu.dma_semaphore, #tpu.memory_space<semaphore_mem>>) attributes {dimension_semantics = [#tpu.dimension_semantics<core_parallel>, #tpu.dimension_semantics<subcore_parallel>], iteration_bounds = array<i64: 2, 16>, scalar_prefetch = 0 : i64, scratch_operands = 8 : i64, tpu.core_type = #tpu.core_type<sc_vector_subcore>, window_params = [{transform_indices = #map}, {transform_indices = #map}, {transform_indices = #map1}, {transform_indices = #map1}, {transform_indices = #map1}, {transform_indices = #map1}, {transform_indices = #map}, {transform_indices = #map}]} {
    %mul3A = arith.constant 2 : i32
    %mul3A_0 = arith.muli %arg1, %mul3A : i32
    %add3A = arith.addi %mul3A_0, %arg0 : i32
    %mul3A_1 = arith.constant 625 : i32
    %mul3A_2 = arith.muli %arg1, %mul3A_1 : i32
    "tpu.region"() ({
      %run_scoped3A_477 = tpu.sem_alloc : memref<!tpu.dma_semaphore, #tpu.memory_space<semaphore_mem>>
      %dma_start3A_478 = arith.constant 0 : i32
      %dma_start3A_479 = tpu.memref_slice %arg11[%mul3A_2, %dma_start3A_478] : memref<10000x8xf32, #tpu.memory_space<vmem_shared>> -> memref<625x8xf32, #tpu.memory_space<vmem_shared>>
      tpu.enqueue_dma source(%arg6 : memref<625x8xf32, #tpu.memory_space<hbm>>) target(%dma_start3A_479 : memref<625x8xf32, #tpu.memory_space<vmem_shared>>) target_semaphore(%run_scoped3A_477 : memref<!tpu.dma_semaphore, #tpu.memory_space<semaphore_mem>>)
      %dma_wait3A_480 = arith.constant 0 : i32
      %dma_wait3A_481 = tpu.memref_slice %arg11[%mul3A_2, %dma_wait3A_480] : memref<10000x8xf32, #tpu.memory_space<vmem_shared>> -> memref<625x8xf32, #tpu.memory_space<vmem_shared>>
      tpu.wait_dma2 semaphore(%run_scoped3A_477 : memref<!tpu.dma_semaphore, #tpu.memory_space<semaphore_mem>>) src(%arg6 : memref<625x8xf32, #tpu.memory_space<hbm>>) dst(%dma_wait3A_481 : memref<625x8xf32, #tpu.memory_space<vmem_shared>>)
      tpu.yield
    }) : () -> ()
    "tpu.region"() ({
      %run_scoped3A_477 = tpu.sem_alloc : memref<!tpu.dma_semaphore, #tpu.memory_space<semaphore_mem>>
      tpu.enqueue_dma source(%arg7 : memref<125x8xf32, #tpu.memory_space<hbm>>) target(%arg15 : memref<125x8xf32, #tpu.memory_space<vmem>>) target_semaphore(%run_scoped3A_477 : memref<!tpu.dma_semaphore, #tpu.memory_space<semaphore_mem>>)
      tpu.wait_dma2 semaphore(%run_scoped3A_477 : memref<!tpu.dma_semaphore, #tpu.memory_space<semaphore_mem>>) src(%arg7 : memref<125x8xf32, #tpu.memory_space<hbm>>) dst(%arg15 : memref<125x8xf32, #tpu.memory_space<vmem>>)
      tpu.yield
    }) : () -> ()
    %run_scoped3A = arith.constant 0 : i32
    "tpu.region"() ({
      %run_scoped3A_477 = tpu.sem_alloc : memref<!tpu.dma_semaphore, #tpu.memory_space<semaphore_mem>>
      %dma_start3A_478 = arith.constant 0 : i32
      %dma_start3A_479 = arith.constant 0 : i32
      %dma_start3A_480 = tpu.memref_slice %arg14[%run_scoped3A, %dma_start3A_478, %dma_start3A_479] : memref<2x125x128xf32, #tpu.memory_space<vmem>> -> memref<1x125x128xf32, #tpu.memory_space<vmem>>
      %dma_start3A_481 = tpu.memref_squeeze %dma_start3A_480 : memref<1x125x128xf32, #tpu.memory_space<vmem>> -> memref<125x128xf32, #tpu.memory_space<vmem>>
      %dma_start3A_482 = arith.constant 0 : i32
      %dma_start3A_483 = arith.constant 0 : i32
      %dma_start3A_484 = tpu.memref_slice %arg14[%run_scoped3A, %dma_start3A_482, %dma_start3A_483] : memref<2x125x128xf32, #tpu.memory_space<vmem>> -> memref<1x125x128xf32, #tpu.memory_space<vmem>>
      %dma_start3A_485 = tpu.memref_squeeze %dma_start3A_484 : memref<1x125x128xf32, #tpu.memory_space<vmem>> -> memref<125x128xf32, #tpu.memory_space<vmem>>
      tpu.enqueue_dma source(%arg5 : memref<125x128xf32, #tpu.memory_space<hbm>>) target(%dma_start3A_485 : memref<125x128xf32, #tpu.memory_space<vmem>>) target_semaphore(%run_scoped3A_477 : memref<!tpu.dma_semaphore, #tpu.memory_space<semaphore_mem>>)
      %dma_wait3A_486 = arith.constant 0 : i32
      %dma_wait3A_487 = arith.constant 0 : i32
      %dma_wait3A_488 = tpu.memref_slice %arg14[%run_scoped3A, %dma_wait3A_486, %dma_wait3A_487] : memref<2x125x128xf32, #tpu.memory_space<vmem>> -> memref<1x125x128xf32, #tpu.memory_space<vmem>>
      %dma_wait3A_489 = tpu.memref_squeeze %dma_wait3A_488 : memref<1x125x128xf32, #tpu.memory_space<vmem>> -> memref<125x128xf32, #tpu.memory_space<vmem>>
      %dma_wait3A_490 = arith.constant 0 : i32
      %dma_wait3A_491 = arith.constant 0 : i32
      %dma_wait3A_492 = tpu.memref_slice %arg14[%run_scoped3A, %dma_wait3A_490, %dma_wait3A_491] : memref<2x125x128xf32, #tpu.memory_space<vmem>> -> memref<1x125x128xf32, #tpu.memory_space<vmem>>
      %dma_wait3A_493 = tpu.memref_squeeze %dma_wait3A_492 : memref<1x125x128xf32, #tpu.memory_space<vmem>> -> memref<125x128xf32, #tpu.memory_space<vmem>>
      tpu.wait_dma2 semaphore(%run_scoped3A_477 : memref<!tpu.dma_semaphore, #tpu.memory_space<semaphore_mem>>) src(%arg5 : memref<125x128xf32, #tpu.memory_space<hbm>>) dst(%dma_wait3A_493 : memref<125x128xf32, #tpu.memory_space<vmem>>)
      tpu.yield
    }) : () -> ()
    %add3A_3 = arith.constant 0 : i32
    %add3A_4 = arith.addi %mul3A_2, %add3A_3 : i32
    %run_scoped3A_5 = arith.constant 0 : i32
    "tpu.region"() ({
      %run_scoped3A_477 = tpu.sem_alloc : memref<!tpu.dma_semaphore, #tpu.memory_space<semaphore_mem>>
      %dma_start3A_478 = arith.constant 0 : i32
      %dma_start3A_479 = arith.constant 0 : i32
      %dma_start3A_480 = tpu.memref_slice %arg14[%run_scoped3A_5, %dma_start3A_478, %dma_start3A_479] : memref<2x125x128xf32, #tpu.memory_space<vmem>> -> memref<1x125x128xf32, #tpu.memory_space<vmem>>
      %dma_start3A_481 = tpu.memref_squeeze %dma_start3A_480 : memref<1x125x128xf32, #tpu.memory_space<vmem>> -> memref<125x128xf32, #tpu.memory_space<vmem>>
      %dma_start3A_482 = arith.constant 0 : i32
      %dma_start3A_483 = tpu.memref_slice %arg10[%add3A_4, %dma_start3A_482] : memref<10000x128xf32, #tpu.memory_space<vmem_shared>> -> memref<125x128xf32, #tpu.memory_space<vmem_shared>>
      %dma_start3A_484 = arith.constant 0 : i32
      %dma_start3A_485 = tpu.memref_slice %arg10[%add3A_4, %dma_start3A_484] : memref<10000x128xf32, #tpu.memory_space<vmem_shared>> -> memref<125x128xf32, #tpu.memory_space<vmem_shared>>
      %dma_start3A_486 = arith.constant 0 : i32
      %dma_start3A_487 = arith.constant 0 : i32
      %dma_start3A_488 = tpu.memref_slice %arg14[%run_scoped3A_5, %dma_start3A_486, %dma_start3A_487] : memref<2x125x128xf32, #tpu.memory_space<vmem>> -> memref<1x125x128xf32, #tpu.memory_space<vmem>>
      %dma_start3A_489 = tpu.memref_squeeze %dma_start3A_488 : memref<1x125x128xf32, #tpu.memory_space<vmem>> -> memref<125x128xf32, #tpu.memory_space<vmem>>
      tpu.enqueue_dma source(%dma_start3A_489 : memref<125x128xf32, #tpu.memory_space<vmem>>) target(%dma_start3A_485 : memref<125x128xf32, #tpu.memory_space<vmem_shared>>) target_semaphore(%run_scoped3A_477 : memref<!tpu.dma_semaphore, #tpu.memory_space<semaphore_mem>>)
      %dma_wait3A_490 = arith.constant 0 : i32
      %dma_wait3A_491 = arith.constant 0 : i32
      %dma_wait3A_492 = tpu.memref_slice %arg14[%run_scoped3A_5, %dma_wait3A_490, %dma_wait3A_491] : memref<2x125x128xf32, #tpu.memory_space<vmem>> -> memref<1x125x128xf32, #tpu.memory_space<vmem>>
      %dma_wait3A_493 = tpu.memref_squeeze %dma_wait3A_492 : memref<1x125x128xf32, #tpu.memory_space<vmem>> -> memref<125x128xf32, #tpu.memory_space<vmem>>
      %dma_wait3A_494 = arith.constant 0 : i32
      %dma_wait3A_495 = tpu.memref_slice %arg10[%add3A_4, %dma_wait3A_494] : memref<10000x128xf32, #tpu.memory_space<vmem_shared>> -> memref<125x128xf32, #tpu.memory_space<vmem_shared>>
      %dma_wait3A_496 = arith.constant 0 : i32
      %dma_wait3A_497 = tpu.memref_slice %arg10[%add3A_4, %dma_wait3A_496] : memref<10000x128xf32, #tpu.memory_space<vmem_shared>> -> memref<125x128xf32, #tpu.memory_space<vmem_shared>>
      %dma_wait3A_498 = arith.constant 0 : i32
      %dma_wait3A_499 = arith.constant 0 : i32
      %dma_wait3A_500 = tpu.memref_slice %arg14[%run_scoped3A_5, %dma_wait3A_498, %dma_wait3A_499] : memref<2x125x128xf32, #tpu.memory_space<vmem>> -> memref<1x125x128xf32, #tpu.memory_space<vmem>>
      %dma_wait3A_501 = tpu.memref_squeeze %dma_wait3A_500 : memref<1x125x128xf32, #tpu.memory_space<vmem>> -> memref<125x128xf32, #tpu.memory_space<vmem>>
      tpu.wait_dma2 semaphore(%run_scoped3A_477 : memref<!tpu.dma_semaphore, #tpu.memory_space<semaphore_mem>>) src(%dma_wait3A_501 : memref<125x128xf32, #tpu.memory_space<vmem>>) dst(%dma_wait3A_497 : memref<125x128xf32, #tpu.memory_space<vmem_shared>>)
      tpu.yield
    }) : () -> ()
    %add3A_6 = arith.constant 125 : i32
    %add3A_7 = arith.addi %mul3A_2, %add3A_6 : i32
    %run_scoped3A_8 = arith.constant 0 : i32
    "tpu.region"() ({
      %run_scoped3A_477 = tpu.sem_alloc : memref<!tpu.dma_semaphore, #tpu.memory_space<semaphore_mem>>
      %dma_start3A_478 = arith.constant 0 : i32
      %dma_start3A_479 = arith.constant 0 : i32
      %dma_start3A_480 = tpu.memref_slice %arg14[%run_scoped3A_8, %dma_start3A_478, %dma_start3A_479] : memref<2x125x128xf32, #tpu.memory_space<vmem>> -> memref<1x125x128xf32, #tpu.memory_space<vmem>>
      %dma_start3A_481 = tpu.memref_squeeze %dma_start3A_480 : memref<1x125x128xf32, #tpu.memory_space<vmem>> -> memref<125x128xf32, #tpu.memory_space<vmem>>
      %dma_start3A_482 = arith.constant 0 : i32
      %dma_start3A_483 = tpu.memref_slice %arg10[%add3A_7, %dma_start3A_482] : memref<10000x128xf32, #tpu.memory_space<vmem_shared>> -> memref<125x128xf32, #tpu.memory_space<vmem_shared>>
      %dma_start3A_484 = arith.constant 0 : i32
      %dma_start3A_485 = tpu.memref_slice %arg10[%add3A_7, %dma_start3A_484] : memref<10000x128xf32, #tpu.memory_space<vmem_shared>> -> memref<125x128xf32, #tpu.memory_space<vmem_shared>>
      %dma_start3A_486 = arith.constant 0 : i32
      %dma_start3A_487 = arith.constant 0 : i32
      %dma_start3A_488 = tpu.memref_slice %arg14[%run_scoped3A_8, %dma_start3A_486, %dma_start3A_487] : memref<2x125x128xf32, #tpu.memory_space<vmem>> -> memref<1x125x128xf32, #tpu.memory_space<vmem>>
      %dma_start3A_489 = tpu.memref_squeeze %dma_start3A_488 : memref<1x125x128xf32, #tpu.memory_space<vmem>> -> memref<125x128xf32, #tpu.memory_space<vmem>>
      tpu.enqueue_dma source(%dma_start3A_489 : memref<125x128xf32, #tpu.memory_space<vmem>>) target(%dma_start3A_485 : memref<125x128xf32, #tpu.memory_space<vmem_shared>>) target_semaphore(%run_scoped3A_477 : memref<!tpu.dma_semaphore, #tpu.memory_space<semaphore_mem>>)
      %dma_wait3A_490 = arith.constant 0 : i32
      %dma_wait3A_491 = arith.constant 0 : i32
      %dma_wait3A_492 = tpu.memref_slice %arg14[%run_scoped3A_8, %dma_wait3A_490, %dma_wait3A_491] : memref<2x125x128xf32, #tpu.memory_space<vmem>> -> memref<1x125x128xf32, #tpu.memory_space<vmem>>
      %dma_wait3A_493 = tpu.memref_squeeze %dma_wait3A_492 : memref<1x125x128xf32, #tpu.memory_space<vmem>> -> memref<125x128xf32, #tpu.memory_space<vmem>>
      %dma_wait3A_494 = arith.constant 0 : i32
      %dma_wait3A_495 = tpu.memref_slice %arg10[%add3A_7, %dma_wait3A_494] : memref<10000x128xf32, #tpu.memory_space<vmem_shared>> -> memref<125x128xf32, #tpu.memory_space<vmem_shared>>
      %dma_wait3A_496 = arith.constant 0 : i32
      %dma_wait3A_497 = tpu.memref_slice %arg10[%add3A_7, %dma_wait3A_496] : memref<10000x128xf32, #tpu.memory_space<vmem_shared>> -> memref<125x128xf32, #tpu.memory_space<vmem_shared>>
      %dma_wait3A_498 = arith.constant 0 : i32
      %dma_wait3A_499 = arith.constant 0 : i32
      %dma_wait3A_500 = tpu.memref_slice %arg14[%run_scoped3A_8, %dma_wait3A_498, %dma_wait3A_499] : memref<2x125x128xf32, #tpu.memory_space<vmem>> -> memref<1x125x128xf32, #tpu.memory_space<vmem>>
      %dma_wait3A_501 = tpu.memref_squeeze %dma_wait3A_500 : memref<1x125x128xf32, #tpu.memory_space<vmem>> -> memref<125x128xf32, #tpu.memory_space<vmem>>
      tpu.wait_dma2 semaphore(%run_scoped3A_477 : memref<!tpu.dma_semaphore, #tpu.memory_space<semaphore_mem>>) src(%dma_wait3A_501 : memref<125x128xf32, #tpu.memory_space<vmem>>) dst(%dma_wait3A_497 : memref<125x128xf32, #tpu.memory_space<vmem_shared>>)
      tpu.yield
    }) : () -> ()
    %add3A_9 = arith.constant 250 : i32
    %add3A_10 = arith.addi %mul3A_2, %add3A_9 : i32
    %run_scoped3A_11 = arith.constant 0 : i32
    "tpu.region"() ({
      %run_scoped3A_477 = tpu.sem_alloc : memref<!tpu.dma_semaphore, #tpu.memory_space<semaphore_mem>>
      %dma_start3A_478 = arith.constant 0 : i32
      %dma_start3A_479 = arith.constant 0 : i32
      %dma_start3A_480 = tpu.memref_slice %arg14[%run_scoped3A_11, %dma_start3A_478, %dma_start3A_479] : memref<2x125x128xf32, #tpu.memory_space<vmem>> -> memref<1x125x128xf32, #tpu.memory_space<vmem>>
      %dma_start3A_481 = tpu.memref_squeeze %dma_start3A_480 : memref<1x125x128xf32, #tpu.memory_space<vmem>> -> memref<125x128xf32, #tpu.memory_space<vmem>>
      %dma_start3A_482 = arith.constant 0 : i32
      %dma_start3A_483 = tpu.memref_slice %arg10[%add3A_10, %dma_start3A_482] : memref<10000x128xf32, #tpu.memory_space<vmem_shared>> -> memref<125x128xf32, #tpu.memory_space<vmem_shared>>
      %dma_start3A_484 = arith.constant 0 : i32
      %dma_start3A_485 = tpu.memref_slice %arg10[%add3A_10, %dma_start3A_484] : memref<10000x128xf32, #tpu.memory_space<vmem_shared>> -> memref<125x128xf32, #tpu.memory_space<vmem_shared>>
      %dma_start3A_486 = arith.constant 0 : i32
      %dma_start3A_487 = arith.constant 0 : i32
      %dma_start3A_488 = tpu.memref_slice %arg14[%run_scoped3A_11, %dma_start3A_486, %dma_start3A_487] : memref<2x125x128xf32, #tpu.memory_space<vmem>> -> memref<1x125x128xf32, #tpu.memory_space<vmem>>
      %dma_start3A_489 = tpu.memref_squeeze %dma_start3A_488 : memref<1x125x128xf32, #tpu.memory_space<vmem>> -> memref<125x128xf32, #tpu.memory_space<vmem>>
      tpu.enqueue_dma source(%dma_start3A_489 : memref<125x128xf32, #tpu.memory_space<vmem>>) target(%dma_start3A_485 : memref<125x128xf32, #tpu.memory_space<vmem_shared>>) target_semaphore(%run_scoped3A_477 : memref<!tpu.dma_semaphore, #tpu.memory_space<semaphore_mem>>)
      %dma_wait3A_490 = arith.constant 0 : i32
      %dma_wait3A_491 = arith.constant 0 : i32
      %dma_wait3A_492 = tpu.memref_slice %arg14[%run_scoped3A_11, %dma_wait3A_490, %dma_wait3A_491] : memref<2x125x128xf32, #tpu.memory_space<vmem>> -> memref<1x125x128xf32, #tpu.memory_space<vmem>>
      %dma_wait3A_493 = tpu.memref_squeeze %dma_wait3A_492 : memref<1x125x128xf32, #tpu.memory_space<vmem>> -> memref<125x128xf32, #tpu.memory_space<vmem>>
      %dma_wait3A_494 = arith.constant 0 : i32
      %dma_wait3A_495 = tpu.memref_slice %arg10[%add3A_10, %dma_wait3A_494] : memref<10000x128xf32, #tpu.memory_space<vmem_shared>> -> memref<125x128xf32, #tpu.memory_space<vmem_shared>>
      %dma_wait3A_496 = arith.constant 0 : i32
      %dma_wait3A_497 = tpu.memref_slice %arg10[%add3A_10, %dma_wait3A_496] : memref<10000x128xf32, #tpu.memory_space<vmem_shared>> -> memref<125x128xf32, #tpu.memory_space<vmem_shared>>
      %dma_wait3A_498 = arith.constant 0 : i32
      %dma_wait3A_499 = arith.constant 0 : i32
      %dma_wait3A_500 = tpu.memref_slice %arg14[%run_scoped3A_11, %dma_wait3A_498, %dma_wait3A_499] : memref<2x125x128xf32, #tpu.memory_space<vmem>> -> memref<1x125x128xf32, #tpu.memory_space<vmem>>
      %dma_wait3A_501 = tpu.memref_squeeze %dma_wait3A_500 : memref<1x125x128xf32, #tpu.memory_space<vmem>> -> memref<125x128xf32, #tpu.memory_space<vmem>>
      tpu.wait_dma2 semaphore(%run_scoped3A_477 : memref<!tpu.dma_semaphore, #tpu.memory_space<semaphore_mem>>) src(%dma_wait3A_501 : memref<125x128xf32, #tpu.memory_space<vmem>>) dst(%dma_wait3A_497 : memref<125x128xf32, #tpu.memory_space<vmem_shared>>)
      tpu.yield
    }) : () -> ()
    %add3A_12 = arith.constant 375 : i32
    %add3A_13 = arith.addi %mul3A_2, %add3A_12 : i32
    %run_scoped3A_14 = arith.constant 0 : i32
    "tpu.region"() ({
      %run_scoped3A_477 = tpu.sem_alloc : memref<!tpu.dma_semaphore, #tpu.memory_space<semaphore_mem>>
      %dma_start3A_478 = arith.constant 0 : i32
      %dma_start3A_479 = arith.constant 0 : i32
      %dma_start3A_480 = tpu.memref_slice %arg14[%run_scoped3A_14, %dma_start3A_478, %dma_start3A_479] : memref<2x125x128xf32, #tpu.memory_space<vmem>> -> memref<1x125x128xf32, #tpu.memory_space<vmem>>
      %dma_start3A_481 = tpu.memref_squeeze %dma_start3A_480 : memref<1x125x128xf32, #tpu.memory_space<vmem>> -> memref<125x128xf32, #tpu.memory_space<vmem>>
      %dma_start3A_482 = arith.constant 0 : i32
      %dma_start3A_483 = tpu.memref_slice %arg10[%add3A_13, %dma_start3A_482] : memref<10000x128xf32, #tpu.memory_space<vmem_shared>> -> memref<125x128xf32, #tpu.memory_space<vmem_shared>>
      %dma_start3A_484 = arith.constant 0 : i32
      %dma_start3A_485 = tpu.memref_slice %arg10[%add3A_13, %dma_start3A_484] : memref<10000x128xf32, #tpu.memory_space<vmem_shared>> -> memref<125x128xf32, #tpu.memory_space<vmem_shared>>
      %dma_start3A_486 = arith.constant 0 : i32
      %dma_start3A_487 = arith.constant 0 : i32
      %dma_start3A_488 = tpu.memref_slice %arg14[%run_scoped3A_14, %dma_start3A_486, %dma_start3A_487] : memref<2x125x128xf32, #tpu.memory_space<vmem>> -> memref<1x125x128xf32, #tpu.memory_space<vmem>>
      %dma_start3A_489 = tpu.memref_squeeze %dma_start3A_488 : memref<1x125x128xf32, #tpu.memory_space<vmem>> -> memref<125x128xf32, #tpu.memory_space<vmem>>
      tpu.enqueue_dma source(%dma_start3A_489 : memref<125x128xf32, #tpu.memory_space<vmem>>) target(%dma_start3A_485 : memref<125x128xf32, #tpu.memory_space<vmem_shared>>) target_semaphore(%run_scoped3A_477 : memref<!tpu.dma_semaphore, #tpu.memory_space<semaphore_mem>>)
      %dma_wait3A_490 = arith.constant 0 : i32
      %dma_wait3A_491 = arith.constant 0 : i32
      %dma_wait3A_492 = tpu.memref_slice %arg14[%run_scoped3A_14, %dma_wait3A_490, %dma_wait3A_491] : memref<2x125x128xf32, #tpu.memory_space<vmem>> -> memref<1x125x128xf32, #tpu.memory_space<vmem>>
      %dma_wait3A_493 = tpu.memref_squeeze %dma_wait3A_492 : memref<1x125x128xf32, #tpu.memory_space<vmem>> -> memref<125x128xf32, #tpu.memory_space<vmem>>
      %dma_wait3A_494 = arith.constant 0 : i32
      %dma_wait3A_495 = tpu.memref_slice %arg10[%add3A_13, %dma_wait3A_494] : memref<10000x128xf32, #tpu.memory_space<vmem_shared>> -> memref<125x128xf32, #tpu.memory_space<vmem_shared>>
      %dma_wait3A_496 = arith.constant 0 : i32
      %dma_wait3A_497 = tpu.memref_slice %arg10[%add3A_13, %dma_wait3A_496] : memref<10000x128xf32, #tpu.memory_space<vmem_shared>> -> memref<125x128xf32, #tpu.memory_space<vmem_shared>>
      %dma_wait3A_498 = arith.constant 0 : i32
      %dma_wait3A_499 = arith.constant 0 : i32
      %dma_wait3A_500 = tpu.memref_slice %arg14[%run_scoped3A_14, %dma_wait3A_498, %dma_wait3A_499] : memref<2x125x128xf32, #tpu.memory_space<vmem>> -> memref<1x125x128xf32, #tpu.memory_space<vmem>>
      %dma_wait3A_501 = tpu.memref_squeeze %dma_wait3A_500 : memref<1x125x128xf32, #tpu.memory_space<vmem>> -> memref<125x128xf32, #tpu.memory_space<vmem>>
      tpu.wait_dma2 semaphore(%run_scoped3A_477 : memref<!tpu.dma_semaphore, #tpu.memory_space<semaphore_mem>>) src(%dma_wait3A_501 : memref<125x128xf32, #tpu.memory_space<vmem>>) dst(%dma_wait3A_497 : memref<125x128xf32, #tpu.memory_space<vmem_shared>>)
      tpu.yield
    }) : () -> ()
    %add3A_15 = arith.constant 500 : i32
    %add3A_16 = arith.addi %mul3A_2, %add3A_15 : i32
    %run_scoped3A_17 = arith.constant 0 : i32
    "tpu.region"() ({
      %run_scoped3A_477 = tpu.sem_alloc : memref<!tpu.dma_semaphore, #tpu.memory_space<semaphore_mem>>
      %dma_start3A_478 = arith.constant 0 : i32
      %dma_start3A_479 = arith.constant 0 : i32
      %dma_start3A_480 = tpu.memref_slice %arg14[%run_scoped3A_17, %dma_start3A_478, %dma_start3A_479] : memref<2x125x128xf32, #tpu.memory_space<vmem>> -> memref<1x125x128xf32, #tpu.memory_space<vmem>>
      %dma_start3A_481 = tpu.memref_squeeze %dma_start3A_480 : memref<1x125x128xf32, #tpu.memory_space<vmem>> -> memref<125x128xf32, #tpu.memory_space<vmem>>
      %dma_start3A_482 = arith.constant 0 : i32
      %dma_start3A_483 = tpu.memref_slice %arg10[%add3A_16, %dma_start3A_482] : memref<10000x128xf32, #tpu.memory_space<vmem_shared>> -> memref<125x128xf32, #tpu.memory_space<vmem_shared>>
      %dma_start3A_484 = arith.constant 0 : i32
      %dma_start3A_485 = tpu.memref_slice %arg10[%add3A_16, %dma_start3A_484] : memref<10000x128xf32, #tpu.memory_space<vmem_shared>> -> memref<125x128xf32, #tpu.memory_space<vmem_shared>>
      %dma_start3A_486 = arith.constant 0 : i32
      %dma_start3A_487 = arith.constant 0 : i32
      %dma_start3A_488 = tpu.memref_slice %arg14[%run_scoped3A_17, %dma_start3A_486, %dma_start3A_487] : memref<2x125x128xf32, #tpu.memory_space<vmem>> -> memref<1x125x128xf32, #tpu.memory_space<vmem>>
      %dma_start3A_489 = tpu.memref_squeeze %dma_start3A_488 : memref<1x125x128xf32, #tpu.memory_space<vmem>> -> memref<125x128xf32, #tpu.memory_space<vmem>>
      tpu.enqueue_dma source(%dma_start3A_489 : memref<125x128xf32, #tpu.memory_space<vmem>>) target(%dma_start3A_485 : memref<125x128xf32, #tpu.memory_space<vmem_shared>>) target_semaphore(%run_scoped3A_477 : memref<!tpu.dma_semaphore, #tpu.memory_space<semaphore_mem>>)
      %dma_wait3A_490 = arith.constant 0 : i32
      %dma_wait3A_491 = arith.constant 0 : i32
      %dma_wait3A_492 = tpu.memref_slice %arg14[%run_scoped3A_17, %dma_wait3A_490, %dma_wait3A_491] : memref<2x125x128xf32, #tpu.memory_space<vmem>> -> memref<1x125x128xf32, #tpu.memory_space<vmem>>
      %dma_wait3A_493 = tpu.memref_squeeze %dma_wait3A_492 : memref<1x125x128xf32, #tpu.memory_space<vmem>> -> memref<125x128xf32, #tpu.memory_space<vmem>>
      %dma_wait3A_494 = arith.constant 0 : i32
      %dma_wait3A_495 = tpu.memref_slice %arg10[%add3A_16, %dma_wait3A_494] : memref<10000x128xf32, #tpu.memory_space<vmem_shared>> -> memref<125x128xf32, #tpu.memory_space<vmem_shared>>
      %dma_wait3A_496 = arith.constant 0 : i32
      %dma_wait3A_497 = tpu.memref_slice %arg10[%add3A_16, %dma_wait3A_496] : memref<10000x128xf32, #tpu.memory_space<vmem_shared>> -> memref<125x128xf32, #tpu.memory_space<vmem_shared>>
      %dma_wait3A_498 = arith.constant 0 : i32
      %dma_wait3A_499 = arith.constant 0 : i32
      %dma_wait3A_500 = tpu.memref_slice %arg14[%run_scoped3A_17, %dma_wait3A_498, %dma_wait3A_499] : memref<2x125x128xf32, #tpu.memory_space<vmem>> -> memref<1x125x128xf32, #tpu.memory_space<vmem>>
      %dma_wait3A_501 = tpu.memref_squeeze %dma_wait3A_500 : memref<1x125x128xf32, #tpu.memory_space<vmem>> -> memref<125x128xf32, #tpu.memory_space<vmem>>
      tpu.wait_dma2 semaphore(%run_scoped3A_477 : memref<!tpu.dma_semaphore, #tpu.memory_space<semaphore_mem>>) src(%dma_wait3A_501 : memref<125x128xf32, #tpu.memory_space<vmem>>) dst(%dma_wait3A_497 : memref<125x128xf32, #tpu.memory_space<vmem_shared>>)
      tpu.yield
    }) : () -> ()
    %run_scoped3A_18 = arith.constant 0 : i32
    "tpu.region"() ({
      %run_scoped3A_477 = tpu.sem_alloc : memref<!tpu.dma_semaphore, #tpu.memory_space<semaphore_mem>>
      %dma_start3A_478 = arith.constant 0 : i32
      %dma_start3A_479 = arith.constant 0 : i32
      %dma_start3A_480 = tpu.memref_slice %arg12[%run_scoped3A_18, %dma_start3A_478, %dma_start3A_479] : memref<2x16x125xi32, #tpu.memory_space<vmem>> -> memref<1x16x125xi32, #tpu.memory_space<vmem>>
      %dma_start3A_481 = tpu.memref_squeeze %dma_start3A_480 : memref<1x16x125xi32, #tpu.memory_space<vmem>> -> memref<16x125xi32, #tpu.memory_space<vmem>>
      %dma_start3A_482 = arith.constant 0 : i32
      %dma_start3A_483 = arith.constant 0 : i32
      %dma_start3A_484 = tpu.memref_slice %arg2[%add3A, %dma_start3A_482, %dma_start3A_483] : memref<32x80x125xi32, #tpu.memory_space<hbm>> -> memref<1x16x125xi32, #tpu.memory_space<hbm>>
      %dma_start3A_485 = tpu.memref_squeeze %dma_start3A_484 : memref<1x16x125xi32, #tpu.memory_space<hbm>> -> memref<16x125xi32, #tpu.memory_space<hbm>>
      %dma_start3A_486 = arith.constant 0 : i32
      %dma_start3A_487 = arith.constant 0 : i32
      %dma_start3A_488 = tpu.memref_slice %arg12[%run_scoped3A_18, %dma_start3A_486, %dma_start3A_487] : memref<2x16x125xi32, #tpu.memory_space<vmem>> -> memref<1x16x125xi32, #tpu.memory_space<vmem>>
      %dma_start3A_489 = tpu.memref_squeeze %dma_start3A_488 : memref<1x16x125xi32, #tpu.memory_space<vmem>> -> memref<16x125xi32, #tpu.memory_space<vmem>>
      %dma_start3A_490 = arith.constant 0 : i32
      %dma_start3A_491 = arith.constant 0 : i32
      %dma_start3A_492 = tpu.memref_slice %arg2[%add3A, %dma_start3A_490, %dma_start3A_491] : memref<32x80x125xi32, #tpu.memory_space<hbm>> -> memref<1x16x125xi32, #tpu.memory_space<hbm>>
      %dma_start3A_493 = tpu.memref_squeeze %dma_start3A_492 : memref<1x16x125xi32, #tpu.memory_space<hbm>> -> memref<16x125xi32, #tpu.memory_space<hbm>>
      tpu.enqueue_dma source(%dma_start3A_493 : memref<16x125xi32, #tpu.memory_space<hbm>>) target(%dma_start3A_489 : memref<16x125xi32, #tpu.memory_space<vmem>>) target_semaphore(%run_scoped3A_477 : memref<!tpu.dma_semaphore, #tpu.memory_space<semaphore_mem>>)
      %dma_wait3A_494 = arith.constant 0 : i32
      %dma_wait3A_495 = arith.constant 0 : i32
      %dma_wait3A_496 = tpu.memref_slice %arg12[%run_scoped3A_18, %dma_wait3A_494, %dma_wait3A_495] : memref<2x16x125xi32, #tpu.memory_space<vmem>> -> memref<1x16x125xi32, #tpu.memory_space<vmem>>
      %dma_wait3A_497 = tpu.memref_squeeze %dma_wait3A_496 : memref<1x16x125xi32, #tpu.memory_space<vmem>> -> memref<16x125xi32, #tpu.memory_space<vmem>>
      %dma_wait3A_498 = arith.constant 0 : i32
      %dma_wait3A_499 = arith.constant 0 : i32
      %dma_wait3A_500 = tpu.memref_slice %arg2[%add3A, %dma_wait3A_498, %dma_wait3A_499] : memref<32x80x125xi32, #tpu.memory_space<hbm>> -> memref<1x16x125xi32, #tpu.memory_space<hbm>>
      %dma_wait3A_501 = tpu.memref_squeeze %dma_wait3A_500 : memref<1x16x125xi32, #tpu.memory_space<hbm>> -> memref<16x125xi32, #tpu.memory_space<hbm>>
      %dma_wait3A_502 = arith.constant 0 : i32
      %dma_wait3A_503 = arith.constant 0 : i32
      %dma_wait3A_504 = tpu.memref_slice %arg12[%run_scoped3A_18, %dma_wait3A_502, %dma_wait3A_503] : memref<2x16x125xi32, #tpu.memory_space<vmem>> -> memref<1x16x125xi32, #tpu.memory_space<vmem>>
      %dma_wait3A_505 = tpu.memref_squeeze %dma_wait3A_504 : memref<1x16x125xi32, #tpu.memory_space<vmem>> -> memref<16x125xi32, #tpu.memory_space<vmem>>
      %dma_wait3A_506 = arith.constant 0 : i32
      %dma_wait3A_507 = arith.constant 0 : i32
      %dma_wait3A_508 = tpu.memref_slice %arg2[%add3A, %dma_wait3A_506, %dma_wait3A_507] : memref<32x80x125xi32, #tpu.memory_space<hbm>> -> memref<1x16x125xi32, #tpu.memory_space<hbm>>
      %dma_wait3A_509 = tpu.memref_squeeze %dma_wait3A_508 : memref<1x16x125xi32, #tpu.memory_space<hbm>> -> memref<16x125xi32, #tpu.memory_space<hbm>>
      tpu.wait_dma2 semaphore(%run_scoped3A_477 : memref<!tpu.dma_semaphore, #tpu.memory_space<semaphore_mem>>) src(%dma_wait3A_509 : memref<16x125xi32, #tpu.memory_space<hbm>>) dst(%dma_wait3A_505 : memref<16x125xi32, #tpu.memory_space<vmem>>)
      tpu.yield
    }) : () -> ()
    %run_scoped3A_19 = arith.constant 0 : i32
    "tpu.region"() ({
      %run_scoped3A_477 = tpu.sem_alloc : memref<!tpu.dma_semaphore, #tpu.memory_space<semaphore_mem>>
      %dma_start3A_478 = arith.constant 0 : i32
      %dma_start3A_479 = arith.constant 0 : i32
      %dma_start3A_480 = tpu.memref_slice %arg13[%run_scoped3A_19, %dma_start3A_478, %dma_start3A_479] : memref<2x16x125xi32, #tpu.memory_space<vmem>> -> memref<1x16x125xi32, #tpu.memory_space<vmem>>
      %dma_start3A_481 = tpu.memref_squeeze %dma_start3A_480 : memref<1x16x125xi32, #tpu.memory_space<vmem>> -> memref<16x125xi32, #tpu.memory_space<vmem>>
      %dma_start3A_482 = arith.constant 0 : i32
      %dma_start3A_483 = arith.constant 0 : i32
      %dma_start3A_484 = tpu.memref_slice %arg3[%add3A, %dma_start3A_482, %dma_start3A_483] : memref<32x80x125xi32, #tpu.memory_space<hbm>> -> memref<1x16x125xi32, #tpu.memory_space<hbm>>
      %dma_start3A_485 = tpu.memref_squeeze %dma_start3A_484 : memref<1x16x125xi32, #tpu.memory_space<hbm>> -> memref<16x125xi32, #tpu.memory_space<hbm>>
      %dma_start3A_486 = arith.constant 0 : i32
      %dma_start3A_487 = arith.constant 0 : i32
      %dma_start3A_488 = tpu.memref_slice %arg13[%run_scoped3A_19, %dma_start3A_486, %dma_start3A_487] : memref<2x16x125xi32, #tpu.memory_space<vmem>> -> memref<1x16x125xi32, #tpu.memory_space<vmem>>
      %dma_start3A_489 = tpu.memref_squeeze %dma_start3A_488 : memref<1x16x125xi32, #tpu.memory_space<vmem>> -> memref<16x125xi32, #tpu.memory_space<vmem>>
      %dma_start3A_490 = arith.constant 0 : i32
      %dma_start3A_491 = arith.constant 0 : i32
      %dma_start3A_492 = tpu.memref_slice %arg3[%add3A, %dma_start3A_490, %dma_start3A_491] : memref<32x80x125xi32, #tpu.memory_space<hbm>> -> memref<1x16x125xi32, #tpu.memory_space<hbm>>
      %dma_start3A_493 = tpu.memref_squeeze %dma_start3A_492 : memref<1x16x125xi32, #tpu.memory_space<hbm>> -> memref<16x125xi32, #tpu.memory_space<hbm>>
      tpu.enqueue_dma source(%dma_start3A_493 : memref<16x125xi32, #tpu.memory_space<hbm>>) target(%dma_start3A_489 : memref<16x125xi32, #tpu.memory_space<vmem>>) target_semaphore(%run_scoped3A_477 : memref<!tpu.dma_semaphore, #tpu.memory_space<semaphore_mem>>)
      %dma_wait3A_494 = arith.constant 0 : i32
      %dma_wait3A_495 = arith.constant 0 : i32
      %dma_wait3A_496 = tpu.memref_slice %arg13[%run_scoped3A_19, %dma_wait3A_494, %dma_wait3A_495] : memref<2x16x125xi32, #tpu.memory_space<vmem>> -> memref<1x16x125xi32, #tpu.memory_space<vmem>>
      %dma_wait3A_497 = tpu.memref_squeeze %dma_wait3A_496 : memref<1x16x125xi32, #tpu.memory_space<vmem>> -> memref<16x125xi32, #tpu.memory_space<vmem>>
      %dma_wait3A_498 = arith.constant 0 : i32
      %dma_wait3A_499 = arith.constant 0 : i32
      %dma_wait3A_500 = tpu.memref_slice %arg3[%add3A, %dma_wait3A_498, %dma_wait3A_499] : memref<32x80x125xi32, #tpu.memory_space<hbm>> -> memref<1x16x125xi32, #tpu.memory_space<hbm>>
      %dma_wait3A_501 = tpu.memref_squeeze %dma_wait3A_500 : memref<1x16x125xi32, #tpu.memory_space<hbm>> -> memref<16x125xi32, #tpu.memory_space<hbm>>
      %dma_wait3A_502 = arith.constant 0 : i32
      %dma_wait3A_503 = arith.constant 0 : i32
      %dma_wait3A_504 = tpu.memref_slice %arg13[%run_scoped3A_19, %dma_wait3A_502, %dma_wait3A_503] : memref<2x16x125xi32, #tpu.memory_space<vmem>> -> memref<1x16x125xi32, #tpu.memory_space<vmem>>
      %dma_wait3A_505 = tpu.memref_squeeze %dma_wait3A_504 : memref<1x16x125xi32, #tpu.memory_space<vmem>> -> memref<16x125xi32, #tpu.memory_space<vmem>>
      %dma_wait3A_506 = arith.constant 0 : i32
      %dma_wait3A_507 = arith.constant 0 : i32
      %dma_wait3A_508 = tpu.memref_slice %arg3[%add3A, %dma_wait3A_506, %dma_wait3A_507] : memref<32x80x125xi32, #tpu.memory_space<hbm>> -> memref<1x16x125xi32, #tpu.memory_space<hbm>>
      %dma_wait3A_509 = tpu.memref_squeeze %dma_wait3A_508 : memref<1x16x125xi32, #tpu.memory_space<hbm>> -> memref<16x125xi32, #tpu.memory_space<hbm>>
      tpu.wait_dma2 semaphore(%run_scoped3A_477 : memref<!tpu.dma_semaphore, #tpu.memory_space<semaphore_mem>>) src(%dma_wait3A_509 : memref<16x125xi32, #tpu.memory_space<hbm>>) dst(%dma_wait3A_505 : memref<16x125xi32, #tpu.memory_space<vmem>>)
      tpu.yield
    }) : () -> ()
    %dma_start3A = arith.constant 0 : i32
    %dma_start3A_20 = arith.constant 0 : i32
    %dma_start3A_21 = arith.constant 0 : i32
    %dma_start3A_22 = arith.constant 0 : i32
    %dma_start3A_23 = arith.constant 0 : i32
    %dma_start3A_24 = tpu.memref_slice %arg14[%dma_start3A_21, %dma_start3A_22, %dma_start3A_23] : memref<2x125x128xf32, #tpu.memory_space<vmem>> -> memref<1x125x128xf32, #tpu.memory_space<vmem>>
    %dma_start3A_25 = tpu.memref_squeeze %dma_start3A_24 : memref<1x125x128xf32, #tpu.memory_space<vmem>> -> memref<125x128xf32, #tpu.memory_space<vmem>>
    %dma_start3A_26 = arith.constant 0 : i32
    %dma_start3A_27 = tpu.memref_slice %arg12[%dma_start3A, %dma_start3A_20, %dma_start3A_26] : memref<2x16x125xi32, #tpu.memory_space<vmem>> -> memref<1x1x125xi32, #tpu.memory_space<vmem>>
    %dma_start3A_28 = tpu.memref_squeeze %dma_start3A_27 : memref<1x1x125xi32, #tpu.memory_space<vmem>> -> memref<125xi32, #tpu.memory_space<vmem>>
    %dma_start3A_29 = arith.constant 0 : i32
    %dma_start3A_30 = arith.constant 0 : i32
    %dma_start3A_31 = tpu.memref_slice %arg4[%dma_start3A_29, %dma_start3A_30] : memref<10000x128xf32, #tpu.memory_space<hbm>> -> memref<10000x128xf32, #tpu.memory_space<hbm>>
    tpu.enqueue_indirect_dma source(%dma_start3A_31 : memref<10000x128xf32, #tpu.memory_space<hbm>>) target(%dma_start3A_25 : memref<125x128xf32, #tpu.memory_space<vmem>>) offsets(%dma_start3A_28 : memref<125xi32, #tpu.memory_space<vmem>>) semaphore(%arg16 : memref<!tpu.dma_semaphore, #tpu.memory_space<semaphore_mem>>)
    %dma_start3A_32 = arith.constant 0 : i32
    %dma_start3A_33 = arith.constant 1 : i32
    %dma_start3A_34 = arith.constant 1 : i32
    %dma_start3A_35 = arith.constant 0 : i32
    %dma_start3A_36 = arith.constant 0 : i32
    %dma_start3A_37 = tpu.memref_slice %arg14[%dma_start3A_34, %dma_start3A_35, %dma_start3A_36] : memref<2x125x128xf32, #tpu.memory_space<vmem>> -> memref<1x125x128xf32, #tpu.memory_space<vmem>>
    %dma_start3A_38 = tpu.memref_squeeze %dma_start3A_37 : memref<1x125x128xf32, #tpu.memory_space<vmem>> -> memref<125x128xf32, #tpu.memory_space<vmem>>
    %dma_start3A_39 = arith.constant 0 : i32
    %dma_start3A_40 = tpu.memref_slice %arg12[%dma_start3A_32, %dma_start3A_33, %dma_start3A_39] : memref<2x16x125xi32, #tpu.memory_space<vmem>> -> memref<1x1x125xi32, #tpu.memory_space<vmem>>
    %dma_start3A_41 = tpu.memref_squeeze %dma_start3A_40 : memref<1x1x125xi32, #tpu.memory_space<vmem>> -> memref<125xi32, #tpu.memory_space<vmem>>
    %dma_start3A_42 = arith.constant 0 : i32
    %dma_start3A_43 = arith.constant 0 : i32
    %dma_start3A_44 = tpu.memref_slice %arg4[%dma_start3A_42, %dma_start3A_43] : memref<10000x128xf32, #tpu.memory_space<hbm>> -> memref<10000x128xf32, #tpu.memory_space<hbm>>
    tpu.enqueue_indirect_dma source(%dma_start3A_44 : memref<10000x128xf32, #tpu.memory_space<hbm>>) target(%dma_start3A_38 : memref<125x128xf32, #tpu.memory_space<vmem>>) offsets(%dma_start3A_41 : memref<125xi32, #tpu.memory_space<vmem>>) semaphore(%arg17 : memref<!tpu.dma_semaphore, #tpu.memory_space<semaphore_mem>>)
    %barrier3A = arith.constant 0 : index
    tpu.barrier barrier_id(%barrier3A)
    %scan3A = arith.constant 0 : i32
    %scan3A_45 = arith.constant 0 : i32
    %scan3A_46 = arith.constant 4 : i32
    %scan3A_47 = arith.addi %scan3A_45, %scan3A_46 : i32
    %scan3A_48 = arith.constant 1 : i32
    %scan3A_49 = scf.for %scan3A_477 = %scan3A_45 to %scan3A_47 step %scan3A_48 iter_args(%scan3A_478 = %scan3A) -> (i32)  : i32 {
      %rem3A_479 = arith.constant 2 : i32
      %rem3A_480 = arith.remsi %scan3A_477, %rem3A_479 : i32
      %add3A_481 = arith.constant 1 : i32
      %add3A_482 = arith.addi %scan3A_477, %add3A_481 : i32
      %mul3A_483 = arith.constant 16 : i32
      %mul3A_484 = arith.muli %add3A_482, %mul3A_483 : i32
      %sub3A = arith.constant 1 : i32
      %sub3A_485 = arith.subi %sub3A, %rem3A_480 : i32
      "tpu.region"() ({
        %run_scoped3A_945 = tpu.sem_alloc : memref<!tpu.dma_semaphore, #tpu.memory_space<semaphore_mem>>
        %dma_start3A_946 = arith.constant 0 : i32
        %dma_start3A_947 = arith.constant 0 : i32
        %dma_start3A_948 = tpu.memref_slice %arg12[%sub3A_485, %dma_start3A_946, %dma_start3A_947] : memref<2x16x125xi32, #tpu.memory_space<vmem>> -> memref<1x16x125xi32, #tpu.memory_space<vmem>>
        %dma_start3A_949 = tpu.memref_squeeze %dma_start3A_948 : memref<1x16x125xi32, #tpu.memory_space<vmem>> -> memref<16x125xi32, #tpu.memory_space<vmem>>
        %dma_start3A_950 = arith.constant 0 : i32
        %dma_start3A_951 = tpu.memref_slice %arg2[%add3A, %mul3A_484, %dma_start3A_950] : memref<32x80x125xi32, #tpu.memory_space<hbm>> -> memref<1x16x125xi32, #tpu.memory_space<hbm>>
        %dma_start3A_952 = tpu.memref_squeeze %dma_start3A_951 : memref<1x16x125xi32, #tpu.memory_space<hbm>> -> memref<16x125xi32, #tpu.memory_space<hbm>>
        %dma_start3A_953 = arith.constant 0 : i32
        %dma_start3A_954 = arith.constant 0 : i32
        %dma_start3A_955 = tpu.memref_slice %arg12[%sub3A_485, %dma_start3A_953, %dma_start3A_954] : memref<2x16x125xi32, #tpu.memory_space<vmem>> -> memref<1x16x125xi32, #tpu.memory_space<vmem>>
        %dma_start3A_956 = tpu.memref_squeeze %dma_start3A_955 : memref<1x16x125xi32, #tpu.memory_space<vmem>> -> memref<16x125xi32, #tpu.memory_space<vmem>>
        %dma_start3A_957 = arith.constant 0 : i32
        %dma_start3A_958 = tpu.memref_slice %arg2[%add3A, %mul3A_484, %dma_start3A_957] : memref<32x80x125xi32, #tpu.memory_space<hbm>> -> memref<1x16x125xi32, #tpu.memory_space<hbm>>
        %dma_start3A_959 = tpu.memref_squeeze %dma_start3A_958 : memref<1x16x125xi32, #tpu.memory_space<hbm>> -> memref<16x125xi32, #tpu.memory_space<hbm>>
        tpu.enqueue_dma source(%dma_start3A_959 : memref<16x125xi32, #tpu.memory_space<hbm>>) target(%dma_start3A_956 : memref<16x125xi32, #tpu.memory_space<vmem>>) target_semaphore(%run_scoped3A_945 : memref<!tpu.dma_semaphore, #tpu.memory_space<semaphore_mem>>)
        %dma_wait3A_960 = arith.constant 0 : i32
        %dma_wait3A_961 = arith.constant 0 : i32
        %dma_wait3A_962 = tpu.memref_slice %arg12[%sub3A_485, %dma_wait3A_960, %dma_wait3A_961] : memref<2x16x125xi32, #tpu.memory_space<vmem>> -> memref<1x16x125xi32, #tpu.memory_space<vmem>>
        %dma_wait3A_963 = tpu.memref_squeeze %dma_wait3A_962 : memref<1x16x125xi32, #tpu.memory_space<vmem>> -> memref<16x125xi32, #tpu.memory_space<vmem>>
        %dma_wait3A_964 = arith.constant 0 : i32
        %dma_wait3A_965 = tpu.memref_slice %arg2[%add3A, %mul3A_484, %dma_wait3A_964] : memref<32x80x125xi32, #tpu.memory_space<hbm>> -> memref<1x16x125xi32, #tpu.memory_space<hbm>>
        %dma_wait3A_966 = tpu.memref_squeeze %dma_wait3A_965 : memref<1x16x125xi32, #tpu.memory_space<hbm>> -> memref<16x125xi32, #tpu.memory_space<hbm>>
        %dma_wait3A_967 = arith.constant 0 : i32
        %dma_wait3A_968 = arith.constant 0 : i32
        %dma_wait3A_969 = tpu.memref_slice %arg12[%sub3A_485, %dma_wait3A_967, %dma_wait3A_968] : memref<2x16x125xi32, #tpu.memory_space<vmem>> -> memref<1x16x125xi32, #tpu.memory_space<vmem>>
        %dma_wait3A_970 = tpu.memref_squeeze %dma_wait3A_969 : memref<1x16x125xi32, #tpu.memory_space<vmem>> -> memref<16x125xi32, #tpu.memory_space<vmem>>
        %dma_wait3A_971 = arith.constant 0 : i32
        %dma_wait3A_972 = tpu.memref_slice %arg2[%add3A, %mul3A_484, %dma_wait3A_971] : memref<32x80x125xi32, #tpu.memory_space<hbm>> -> memref<1x16x125xi32, #tpu.memory_space<hbm>>
        %dma_wait3A_973 = tpu.memref_squeeze %dma_wait3A_972 : memref<1x16x125xi32, #tpu.memory_space<hbm>> -> memref<16x125xi32, #tpu.memory_space<hbm>>
        tpu.wait_dma2 semaphore(%run_scoped3A_945 : memref<!tpu.dma_semaphore, #tpu.memory_space<semaphore_mem>>) src(%dma_wait3A_973 : memref<16x125xi32, #tpu.memory_space<hbm>>) dst(%dma_wait3A_970 : memref<16x125xi32, #tpu.memory_space<vmem>>)
        tpu.yield
      }) : () -> ()
      %add3A_486 = arith.constant 1 : i32
      %add3A_487 = arith.addi %scan3A_477, %add3A_486 : i32
      %mul3A_488 = arith.constant 16 : i32
      %mul3A_489 = arith.muli %add3A_487, %mul3A_488 : i32
      %sub3A_490 = arith.constant 1 : i32
      %sub3A_491 = arith.subi %sub3A_490, %rem3A_480 : i32
      "tpu.region"() ({
        %run_scoped3A_945 = tpu.sem_alloc : memref<!tpu.dma_semaphore, #tpu.memory_space<semaphore_mem>>
        %dma_start3A_946 = arith.constant 0 : i32
        %dma_start3A_947 = arith.constant 0 : i32
        %dma_start3A_948 = tpu.memref_slice %arg13[%sub3A_491, %dma_start3A_946, %dma_start3A_947] : memref<2x16x125xi32, #tpu.memory_space<vmem>> -> memref<1x16x125xi32, #tpu.memory_space<vmem>>
        %dma_start3A_949 = tpu.memref_squeeze %dma_start3A_948 : memref<1x16x125xi32, #tpu.memory_space<vmem>> -> memref<16x125xi32, #tpu.memory_space<vmem>>
        %dma_start3A_950 = arith.constant 0 : i32
        %dma_start3A_951 = tpu.memref_slice %arg3[%add3A, %mul3A_489, %dma_start3A_950] : memref<32x80x125xi32, #tpu.memory_space<hbm>> -> memref<1x16x125xi32, #tpu.memory_space<hbm>>
        %dma_start3A_952 = tpu.memref_squeeze %dma_start3A_951 : memref<1x16x125xi32, #tpu.memory_space<hbm>> -> memref<16x125xi32, #tpu.memory_space<hbm>>
        %dma_start3A_953 = arith.constant 0 : i32
        %dma_start3A_954 = arith.constant 0 : i32
        %dma_start3A_955 = tpu.memref_slice %arg13[%sub3A_491, %dma_start3A_953, %dma_start3A_954] : memref<2x16x125xi32, #tpu.memory_space<vmem>> -> memref<1x16x125xi32, #tpu.memory_space<vmem>>
        %dma_start3A_956 = tpu.memref_squeeze %dma_start3A_955 : memref<1x16x125xi32, #tpu.memory_space<vmem>> -> memref<16x125xi32, #tpu.memory_space<vmem>>
        %dma_start3A_957 = arith.constant 0 : i32
        %dma_start3A_958 = tpu.memref_slice %arg3[%add3A, %mul3A_489, %dma_start3A_957] : memref<32x80x125xi32, #tpu.memory_space<hbm>> -> memref<1x16x125xi32, #tpu.memory_space<hbm>>
        %dma_start3A_959 = tpu.memref_squeeze %dma_start3A_958 : memref<1x16x125xi32, #tpu.memory_space<hbm>> -> memref<16x125xi32, #tpu.memory_space<hbm>>
        tpu.enqueue_dma source(%dma_start3A_959 : memref<16x125xi32, #tpu.memory_space<hbm>>) target(%dma_start3A_956 : memref<16x125xi32, #tpu.memory_space<vmem>>) target_semaphore(%run_scoped3A_945 : memref<!tpu.dma_semaphore, #tpu.memory_space<semaphore_mem>>)
        %dma_wait3A_960 = arith.constant 0 : i32
        %dma_wait3A_961 = arith.constant 0 : i32
        %dma_wait3A_962 = tpu.memref_slice %arg13[%sub3A_491, %dma_wait3A_960, %dma_wait3A_961] : memref<2x16x125xi32, #tpu.memory_space<vmem>> -> memref<1x16x125xi32, #tpu.memory_space<vmem>>
        %dma_wait3A_963 = tpu.memref_squeeze %dma_wait3A_962 : memref<1x16x125xi32, #tpu.memory_space<vmem>> -> memref<16x125xi32, #tpu.memory_space<vmem>>
        %dma_wait3A_964 = arith.constant 0 : i32
        %dma_wait3A_965 = tpu.memref_slice %arg3[%add3A, %mul3A_489, %dma_wait3A_964] : memref<32x80x125xi32, #tpu.memory_space<hbm>> -> memref<1x16x125xi32, #tpu.memory_space<hbm>>
        %dma_wait3A_966 = tpu.memref_squeeze %dma_wait3A_965 : memref<1x16x125xi32, #tpu.memory_space<hbm>> -> memref<16x125xi32, #tpu.memory_space<hbm>>
        %dma_wait3A_967 = arith.constant 0 : i32
        %dma_wait3A_968 = arith.constant 0 : i32
        %dma_wait3A_969 = tpu.memref_slice %arg13[%sub3A_491, %dma_wait3A_967, %dma_wait3A_968] : memref<2x16x125xi32, #tpu.memory_space<vmem>> -> memref<1x16x125xi32, #tpu.memory_space<vmem>>
        %dma_wait3A_970 = tpu.memref_squeeze %dma_wait3A_969 : memref<1x16x125xi32, #tpu.memory_space<vmem>> -> memref<16x125xi32, #tpu.memory_space<vmem>>
        %dma_wait3A_971 = arith.constant 0 : i32
        %dma_wait3A_972 = tpu.memref_slice %arg3[%add3A, %mul3A_489, %dma_wait3A_971] : memref<32x80x125xi32, #tpu.memory_space<hbm>> -> memref<1x16x125xi32, #tpu.memory_space<hbm>>
        %dma_wait3A_973 = tpu.memref_squeeze %dma_wait3A_972 : memref<1x16x125xi32, #tpu.memory_space<hbm>> -> memref<16x125xi32, #tpu.memory_space<hbm>>
        tpu.wait_dma2 semaphore(%run_scoped3A_945 : memref<!tpu.dma_semaphore, #tpu.memory_space<semaphore_mem>>) src(%dma_wait3A_973 : memref<16x125xi32, #tpu.memory_space<hbm>>) dst(%dma_wait3A_970 : memref<16x125xi32, #tpu.memory_space<vmem>>)
        tpu.yield
      }) : () -> ()
      %dma_wait3A_492 = arith.constant 0 : i32
      %dma_wait3A_493 = arith.constant 0 : i32
      %dma_wait3A_494 = arith.constant 0 : i32
      %dma_wait3A_495 = arith.constant 0 : i32
      %dma_wait3A_496 = arith.constant 0 : i32
      %dma_wait3A_497 = tpu.memref_slice %arg14[%dma_wait3A_494, %dma_wait3A_495, %dma_wait3A_496] : memref<2x125x128xf32, #tpu.memory_space<vmem>> -> memref<1x125x128xf32, #tpu.memory_space<vmem>>
      %dma_wait3A_498 = tpu.memref_squeeze %dma_wait3A_497 : memref<1x125x128xf32, #tpu.memory_space<vmem>> -> memref<125x128xf32, #tpu.memory_space<vmem>>
      %dma_wait3A_499 = arith.constant 0 : i32
      %dma_wait3A_500 = tpu.memref_slice %arg12[%dma_wait3A_492, %dma_wait3A_493, %dma_wait3A_499] : memref<2x16x125xi32, #tpu.memory_space<vmem>> -> memref<1x1x125xi32, #tpu.memory_space<vmem>>
      %dma_wait3A_501 = tpu.memref_squeeze %dma_wait3A_500 : memref<1x1x125xi32, #tpu.memory_space<vmem>> -> memref<125xi32, #tpu.memory_space<vmem>>
      %dma_wait3A_502 = arith.constant 0 : i32
      %dma_wait3A_503 = arith.constant 0 : i32
      %dma_wait3A_504 = tpu.memref_slice %arg4[%dma_wait3A_502, %dma_wait3A_503] : memref<10000x128xf32, #tpu.memory_space<hbm>> -> memref<10000x128xf32, #tpu.memory_space<hbm>>
      tpu.wait_indirect_dma semaphore(%arg16 : memref<!tpu.dma_semaphore, #tpu.memory_space<semaphore_mem>>) src(%dma_wait3A_504 : memref<10000x128xf32, #tpu.memory_space<hbm>>) dst(%dma_wait3A_498 : memref<125x128xf32, #tpu.memory_space<vmem>>)
      %run_scoped3A_505 = arith.constant 0 : i32
      %run_scoped3A_506 = arith.constant 0 : i32
      "tpu.region"() ({
        %run_scoped3A_945 = tpu.sem_alloc : memref<!tpu.dma_semaphore, #tpu.memory_space<semaphore_mem>>
        %dma_start3A_946 = arith.constant 0 : i32
        %dma_start3A_947 = arith.constant 0 : i32
        %dma_start3A_948 = tpu.memref_slice %arg14[%run_scoped3A_505, %dma_start3A_946, %dma_start3A_947] : memref<2x125x128xf32, #tpu.memory_space<vmem>> -> memref<1x125x128xf32, #tpu.memory_space<vmem>>
        %dma_start3A_949 = tpu.memref_squeeze %dma_start3A_948 : memref<1x125x128xf32, #tpu.memory_space<vmem>> -> memref<125x128xf32, #tpu.memory_space<vmem>>
        %dma_start3A_950 = arith.constant 0 : i32
        %dma_start3A_951 = tpu.memref_slice %arg13[%rem3A_480, %run_scoped3A_506, %dma_start3A_950] : memref<2x16x125xi32, #tpu.memory_space<vmem>> -> memref<1x1x125xi32, #tpu.memory_space<vmem>>
        %dma_start3A_952 = tpu.memref_squeeze %dma_start3A_951 : memref<1x1x125xi32, #tpu.memory_space<vmem>> -> memref<125xi32, #tpu.memory_space<vmem>>
        %dma_start3A_953 = arith.constant 0 : i32
        %dma_start3A_954 = arith.constant 0 : i32
        %dma_start3A_955 = tpu.memref_slice %arg10[%dma_start3A_953, %dma_start3A_954] : memref<10000x128xf32, #tpu.memory_space<vmem_shared>> -> memref<10000x128xf32, #tpu.memory_space<vmem_shared>>
        tpu.enqueue_indirect_dma source(%dma_start3A_949 : memref<125x128xf32, #tpu.memory_space<vmem>>) target(%dma_start3A_955 : memref<10000x128xf32, #tpu.memory_space<vmem_shared>>) offsets(%dma_start3A_952 : memref<125xi32, #tpu.memory_space<vmem>>) semaphore(%run_scoped3A_945 : memref<!tpu.dma_semaphore, #tpu.memory_space<semaphore_mem>>) {add = true}
        %dma_wait3A_956 = arith.constant 0 : i32
        %dma_wait3A_957 = arith.constant 0 : i32
        %dma_wait3A_958 = tpu.memref_slice %arg14[%run_scoped3A_505, %dma_wait3A_956, %dma_wait3A_957] : memref<2x125x128xf32, #tpu.memory_space<vmem>> -> memref<1x125x128xf32, #tpu.memory_space<vmem>>
        %dma_wait3A_959 = tpu.memref_squeeze %dma_wait3A_958 : memref<1x125x128xf32, #tpu.memory_space<vmem>> -> memref<125x128xf32, #tpu.memory_space<vmem>>
        %dma_wait3A_960 = arith.constant 0 : i32
        %dma_wait3A_961 = tpu.memref_slice %arg13[%rem3A_480, %run_scoped3A_506, %dma_wait3A_960] : memref<2x16x125xi32, #tpu.memory_space<vmem>> -> memref<1x1x125xi32, #tpu.memory_space<vmem>>
        %dma_wait3A_962 = tpu.memref_squeeze %dma_wait3A_961 : memref<1x1x125xi32, #tpu.memory_space<vmem>> -> memref<125xi32, #tpu.memory_space<vmem>>
        %dma_wait3A_963 = arith.constant 0 : i32
        %dma_wait3A_964 = arith.constant 0 : i32
        %dma_wait3A_965 = tpu.memref_slice %arg10[%dma_wait3A_963, %dma_wait3A_964] : memref<10000x128xf32, #tpu.memory_space<vmem_shared>> -> memref<10000x128xf32, #tpu.memory_space<vmem_shared>>
        tpu.wait_indirect_dma semaphore(%run_scoped3A_945 : memref<!tpu.dma_semaphore, #tpu.memory_space<semaphore_mem>>) src(%dma_wait3A_959 : memref<125x128xf32, #tpu.memory_space<vmem>>) dst(%dma_wait3A_965 : memref<10000x128xf32, #tpu.memory_space<vmem_shared>>)
        tpu.yield
      }) : () -> ()
      %run_scoped3A_507 = arith.constant 0 : i32
      "tpu.region"() ({
        %run_scoped3A_945 = tpu.sem_alloc : memref<!tpu.dma_semaphore, #tpu.memory_space<semaphore_mem>>
        %dma_start3A_946 = arith.constant 0 : i32
        %dma_start3A_947 = tpu.memref_slice %arg13[%rem3A_480, %run_scoped3A_507, %dma_start3A_946] : memref<2x16x125xi32, #tpu.memory_space<vmem>> -> memref<1x1x125xi32, #tpu.memory_space<vmem>>
        %dma_start3A_948 = tpu.memref_squeeze %dma_start3A_947 : memref<1x1x125xi32, #tpu.memory_space<vmem>> -> memref<125xi32, #tpu.memory_space<vmem>>
        %dma_start3A_949 = arith.constant 0 : i32
        %dma_start3A_950 = arith.constant 0 : i32
        %dma_start3A_951 = tpu.memref_slice %arg11[%dma_start3A_949, %dma_start3A_950] : memref<10000x8xf32, #tpu.memory_space<vmem_shared>> -> memref<10000x8xf32, #tpu.memory_space<vmem_shared>>
        tpu.enqueue_indirect_dma source(%arg15 : memref<125x8xf32, #tpu.memory_space<vmem>>) target(%dma_start3A_951 : memref<10000x8xf32, #tpu.memory_space<vmem_shared>>) offsets(%dma_start3A_948 : memref<125xi32, #tpu.memory_space<vmem>>) semaphore(%run_scoped3A_945 : memref<!tpu.dma_semaphore, #tpu.memory_space<semaphore_mem>>) {add = true}
        %dma_wait3A_952 = arith.constant 0 : i32
        %dma_wait3A_953 = tpu.memref_slice %arg13[%rem3A_480, %run_scoped3A_507, %dma_wait3A_952] : memref<2x16x125xi32, #tpu.memory_space<vmem>> -> memref<1x1x125xi32, #tpu.memory_space<vmem>>
        %dma_wait3A_954 = tpu.memref_squeeze %dma_wait3A_953 : memref<1x1x125xi32, #tpu.memory_space<vmem>> -> memref<125xi32, #tpu.memory_space<vmem>>
        %dma_wait3A_955 = arith.constant 0 : i32
        %dma_wait3A_956 = arith.constant 0 : i32
        %dma_wait3A_957 = tpu.memref_slice %arg11[%dma_wait3A_955, %dma_wait3A_956] : memref<10000x8xf32, #tpu.memory_space<vmem_shared>> -> memref<10000x8xf32, #tpu.memory_space<vmem_shared>>
        tpu.wait_indirect_dma semaphore(%run_scoped3A_945 : memref<!tpu.dma_semaphore, #tpu.memory_space<semaphore_mem>>) src(%arg15 : memref<125x8xf32, #tpu.memory_space<vmem>>) dst(%dma_wait3A_957 : memref<10000x8xf32, #tpu.memory_space<vmem_shared>>)
        tpu.yield
      }) : () -> ()
      %dma_start3A_508 = arith.constant 2 : i32
      %dma_start3A_509 = arith.constant 0 : i32
      %dma_start3A_510 = arith.constant 0 : i32
      %dma_start3A_511 = arith.constant 0 : i32
      %dma_start3A_512 = tpu.memref_slice %arg14[%dma_start3A_509, %dma_start3A_510, %dma_start3A_511] : memref<2x125x128xf32, #tpu.memory_space<vmem>> -> memref<1x125x128xf32, #tpu.memory_space<vmem>>
      %dma_start3A_513 = tpu.memref_squeeze %dma_start3A_512 : memref<1x125x128xf32, #tpu.memory_space<vmem>> -> memref<125x128xf32, #tpu.memory_space<vmem>>
      %dma_start3A_514 = arith.constant 0 : i32
      %dma_start3A_515 = tpu.memref_slice %arg12[%rem3A_480, %dma_start3A_508, %dma_start3A_514] : memref<2x16x125xi32, #tpu.memory_space<vmem>> -> memref<1x1x125xi32, #tpu.memory_space<vmem>>
      %dma_start3A_516 = tpu.memref_squeeze %dma_start3A_515 : memref<1x1x125xi32, #tpu.memory_space<vmem>> -> memref<125xi32, #tpu.memory_space<vmem>>
      %dma_start3A_517 = arith.constant 0 : i32
      %dma_start3A_518 = arith.constant 0 : i32
      %dma_start3A_519 = tpu.memref_slice %arg4[%dma_start3A_517, %dma_start3A_518] : memref<10000x128xf32, #tpu.memory_space<hbm>> -> memref<10000x128xf32, #tpu.memory_space<hbm>>
      tpu.enqueue_indirect_dma source(%dma_start3A_519 : memref<10000x128xf32, #tpu.memory_space<hbm>>) target(%dma_start3A_513 : memref<125x128xf32, #tpu.memory_space<vmem>>) offsets(%dma_start3A_516 : memref<125xi32, #tpu.memory_space<vmem>>) semaphore(%arg16 : memref<!tpu.dma_semaphore, #tpu.memory_space<semaphore_mem>>)
      %dma_wait3A_520 = arith.constant 0 : i32
      %dma_wait3A_521 = arith.constant 0 : i32
      %dma_wait3A_522 = arith.constant 1 : i32
      %dma_wait3A_523 = arith.constant 0 : i32
      %dma_wait3A_524 = arith.constant 0 : i32
      %dma_wait3A_525 = tpu.memref_slice %arg14[%dma_wait3A_522, %dma_wait3A_523, %dma_wait3A_524] : memref<2x125x128xf32, #tpu.memory_space<vmem>> -> memref<1x125x128xf32, #tpu.memory_space<vmem>>
      %dma_wait3A_526 = tpu.memref_squeeze %dma_wait3A_525 : memref<1x125x128xf32, #tpu.memory_space<vmem>> -> memref<125x128xf32, #tpu.memory_space<vmem>>
      %dma_wait3A_527 = arith.constant 0 : i32
      %dma_wait3A_528 = tpu.memref_slice %arg12[%dma_wait3A_520, %dma_wait3A_521, %dma_wait3A_527] : memref<2x16x125xi32, #tpu.memory_space<vmem>> -> memref<1x1x125xi32, #tpu.memory_space<vmem>>
      %dma_wait3A_529 = tpu.memref_squeeze %dma_wait3A_528 : memref<1x1x125xi32, #tpu.memory_space<vmem>> -> memref<125xi32, #tpu.memory_space<vmem>>
      %dma_wait3A_530 = arith.constant 0 : i32
      %dma_wait3A_531 = arith.constant 0 : i32
      %dma_wait3A_532 = tpu.memref_slice %arg4[%dma_wait3A_530, %dma_wait3A_531] : memref<10000x128xf32, #tpu.memory_space<hbm>> -> memref<10000x128xf32, #tpu.memory_space<hbm>>
      tpu.wait_indirect_dma semaphore(%arg17 : memref<!tpu.dma_semaphore, #tpu.memory_space<semaphore_mem>>) src(%dma_wait3A_532 : memref<10000x128xf32, #tpu.memory_space<hbm>>) dst(%dma_wait3A_526 : memref<125x128xf32, #tpu.memory_space<vmem>>)
      %run_scoped3A_533 = arith.constant 1 : i32
      %run_scoped3A_534 = arith.constant 1 : i32
      "tpu.region"() ({
        %run_scoped3A_945 = tpu.sem_alloc : memref<!tpu.dma_semaphore, #tpu.memory_space<semaphore_mem>>
        %dma_start3A_946 = arith.constant 0 : i32
        %dma_start3A_947 = arith.constant 0 : i32
        %dma_start3A_948 = tpu.memref_slice %arg14[%run_scoped3A_533, %dma_start3A_946, %dma_start3A_947] : memref<2x125x128xf32, #tpu.memory_space<vmem>> -> memref<1x125x128xf32, #tpu.memory_space<vmem>>
        %dma_start3A_949 = tpu.memref_squeeze %dma_start3A_948 : memref<1x125x128xf32, #tpu.memory_space<vmem>> -> memref<125x128xf32, #tpu.memory_space<vmem>>
        %dma_start3A_950 = arith.constant 0 : i32
        %dma_start3A_951 = tpu.memref_slice %arg13[%rem3A_480, %run_scoped3A_534, %dma_start3A_950] : memref<2x16x125xi32, #tpu.memory_space<vmem>> -> memref<1x1x125xi32, #tpu.memory_space<vmem>>
        %dma_start3A_952 = tpu.memref_squeeze %dma_start3A_951 : memref<1x1x125xi32, #tpu.memory_space<vmem>> -> memref<125xi32, #tpu.memory_space<vmem>>
        %dma_start3A_953 = arith.constant 0 : i32
        %dma_start3A_954 = arith.constant 0 : i32
        %dma_start3A_955 = tpu.memref_slice %arg10[%dma_start3A_953, %dma_start3A_954] : memref<10000x128xf32, #tpu.memory_space<vmem_shared>> -> memref<10000x128xf32, #tpu.memory_space<vmem_shared>>
        tpu.enqueue_indirect_dma source(%dma_start3A_949 : memref<125x128xf32, #tpu.memory_space<vmem>>) target(%dma_start3A_955 : memref<10000x128xf32, #tpu.memory_space<vmem_shared>>) offsets(%dma_start3A_952 : memref<125xi32, #tpu.memory_space<vmem>>) semaphore(%run_scoped3A_945 : memref<!tpu.dma_semaphore, #tpu.memory_space<semaphore_mem>>) {add = true}
        %dma_wait3A_956 = arith.constant 0 : i32
        %dma_wait3A_957 = arith.constant 0 : i32
        %dma_wait3A_958 = tpu.memref_slice %arg14[%run_scoped3A_533, %dma_wait3A_956, %dma_wait3A_957] : memref<2x125x128xf32, #tpu.memory_space<vmem>> -> memref<1x125x128xf32, #tpu.memory_space<vmem>>
        %dma_wait3A_959 = tpu.memref_squeeze %dma_wait3A_958 : memref<1x125x128xf32, #tpu.memory_space<vmem>> -> memref<125x128xf32, #tpu.memory_space<vmem>>
        %dma_wait3A_960 = arith.constant 0 : i32
        %dma_wait3A_961 = tpu.memref_slice %arg13[%rem3A_480, %run_scoped3A_534, %dma_wait3A_960] : memref<2x16x125xi32, #tpu.memory_space<vmem>> -> memref<1x1x125xi32, #tpu.memory_space<vmem>>
        %dma_wait3A_962 = tpu.memref_squeeze %dma_wait3A_961 : memref<1x1x125xi32, #tpu.memory_space<vmem>> -> memref<125xi32, #tpu.memory_space<vmem>>
        %dma_wait3A_963 = arith.constant 0 : i32
        %dma_wait3A_964 = arith.constant 0 : i32
        %dma_wait3A_965 = tpu.memref_slice %arg10[%dma_wait3A_963, %dma_wait3A_964] : memref<10000x128xf32, #tpu.memory_space<vmem_shared>> -> memref<10000x128xf32, #tpu.memory_space<vmem_shared>>
        tpu.wait_indirect_dma semaphore(%run_scoped3A_945 : memref<!tpu.dma_semaphore, #tpu.memory_space<semaphore_mem>>) src(%dma_wait3A_959 : memref<125x128xf32, #tpu.memory_space<vmem>>) dst(%dma_wait3A_965 : memref<10000x128xf32, #tpu.memory_space<vmem_shared>>)
        tpu.yield
      }) : () -> ()
      %run_scoped3A_535 = arith.constant 1 : i32
      "tpu.region"() ({
        %run_scoped3A_945 = tpu.sem_alloc : memref<!tpu.dma_semaphore, #tpu.memory_space<semaphore_mem>>
        %dma_start3A_946 = arith.constant 0 : i32
        %dma_start3A_947 = tpu.memref_slice %arg13[%rem3A_480, %run_scoped3A_535, %dma_start3A_946] : memref<2x16x125xi32, #tpu.memory_space<vmem>> -> memref<1x1x125xi32, #tpu.memory_space<vmem>>
        %dma_start3A_948 = tpu.memref_squeeze %dma_start3A_947 : memref<1x1x125xi32, #tpu.memory_space<vmem>> -> memref<125xi32, #tpu.memory_space<vmem>>
        %dma_start3A_949 = arith.constant 0 : i32
        %dma_start3A_950 = arith.constant 0 : i32
        %dma_start3A_951 = tpu.memref_slice %arg11[%dma_start3A_949, %dma_start3A_950] : memref<10000x8xf32, #tpu.memory_space<vmem_shared>> -> memref<10000x8xf32, #tpu.memory_space<vmem_shared>>
        tpu.enqueue_indirect_dma source(%arg15 : memref<125x8xf32, #tpu.memory_space<vmem>>) target(%dma_start3A_951 : memref<10000x8xf32, #tpu.memory_space<vmem_shared>>) offsets(%dma_start3A_948 : memref<125xi32, #tpu.memory_space<vmem>>) semaphore(%run_scoped3A_945 : memref<!tpu.dma_semaphore, #tpu.memory_space<semaphore_mem>>) {add = true}
        %dma_wait3A_952 = arith.constant 0 : i32
        %dma_wait3A_953 = tpu.memref_slice %arg13[%rem3A_480, %run_scoped3A_535, %dma_wait3A_952] : memref<2x16x125xi32, #tpu.memory_space<vmem>> -> memref<1x1x125xi32, #tpu.memory_space<vmem>>
        %dma_wait3A_954 = tpu.memref_squeeze %dma_wait3A_953 : memref<1x1x125xi32, #tpu.memory_space<vmem>> -> memref<125xi32, #tpu.memory_space<vmem>>
        %dma_wait3A_955 = arith.constant 0 : i32
        %dma_wait3A_956 = arith.constant 0 : i32
        %dma_wait3A_957 = tpu.memref_slice %arg11[%dma_wait3A_955, %dma_wait3A_956] : memref<10000x8xf32, #tpu.memory_space<vmem_shared>> -> memref<10000x8xf32, #tpu.memory_space<vmem_shared>>
        tpu.wait_indirect_dma semaphore(%run_scoped3A_945 : memref<!tpu.dma_semaphore, #tpu.memory_space<semaphore_mem>>) src(%arg15 : memref<125x8xf32, #tpu.memory_space<vmem>>) dst(%dma_wait3A_957 : memref<10000x8xf32, #tpu.memory_space<vmem_shared>>)
        tpu.yield
      }) : () -> ()
      %dma_start3A_536 = arith.constant 3 : i32
      %dma_start3A_537 = arith.constant 1 : i32
      %dma_start3A_538 = arith.constant 0 : i32
      %dma_start3A_539 = arith.constant 0 : i32
      %dma_start3A_540 = tpu.memref_slice %arg14[%dma_start3A_537, %dma_start3A_538, %dma_start3A_539] : memref<2x125x128xf32, #tpu.memory_space<vmem>> -> memref<1x125x128xf32, #tpu.memory_space<vmem>>
      %dma_start3A_541 = tpu.memref_squeeze %dma_start3A_540 : memref<1x125x128xf32, #tpu.memory_space<vmem>> -> memref<125x128xf32, #tpu.memory_space<vmem>>
      %dma_start3A_542 = arith.constant 0 : i32
      %dma_start3A_543 = tpu.memref_slice %arg12[%rem3A_480, %dma_start3A_536, %dma_start3A_542] : memref<2x16x125xi32, #tpu.memory_space<vmem>> -> memref<1x1x125xi32, #tpu.memory_space<vmem>>
      %dma_start3A_544 = tpu.memref_squeeze %dma_start3A_543 : memref<1x1x125xi32, #tpu.memory_space<vmem>> -> memref<125xi32, #tpu.memory_space<vmem>>
      %dma_start3A_545 = arith.constant 0 : i32
      %dma_start3A_546 = arith.constant 0 : i32
      %dma_start3A_547 = tpu.memref_slice %arg4[%dma_start3A_545, %dma_start3A_546] : memref<10000x128xf32, #tpu.memory_space<hbm>> -> memref<10000x128xf32, #tpu.memory_space<hbm>>
      tpu.enqueue_indirect_dma source(%dma_start3A_547 : memref<10000x128xf32, #tpu.memory_space<hbm>>) target(%dma_start3A_541 : memref<125x128xf32, #tpu.memory_space<vmem>>) offsets(%dma_start3A_544 : memref<125xi32, #tpu.memory_space<vmem>>) semaphore(%arg17 : memref<!tpu.dma_semaphore, #tpu.memory_space<semaphore_mem>>)
      %dma_wait3A_548 = arith.constant 0 : i32
      %dma_wait3A_549 = arith.constant 0 : i32
      %dma_wait3A_550 = arith.constant 0 : i32
      %dma_wait3A_551 = arith.constant 0 : i32
      %dma_wait3A_552 = arith.constant 0 : i32
      %dma_wait3A_553 = tpu.memref_slice %arg14[%dma_wait3A_550, %dma_wait3A_551, %dma_wait3A_552] : memref<2x125x128xf32, #tpu.memory_space<vmem>> -> memref<1x125x128xf32, #tpu.memory_space<vmem>>
      %dma_wait3A_554 = tpu.memref_squeeze %dma_wait3A_553 : memref<1x125x128xf32, #tpu.memory_space<vmem>> -> memref<125x128xf32, #tpu.memory_space<vmem>>
      %dma_wait3A_555 = arith.constant 0 : i32
      %dma_wait3A_556 = tpu.memref_slice %arg12[%dma_wait3A_548, %dma_wait3A_549, %dma_wait3A_555] : memref<2x16x125xi32, #tpu.memory_space<vmem>> -> memref<1x1x125xi32, #tpu.memory_space<vmem>>
      %dma_wait3A_557 = tpu.memref_squeeze %dma_wait3A_556 : memref<1x1x125xi32, #tpu.memory_space<vmem>> -> memref<125xi32, #tpu.memory_space<vmem>>
      %dma_wait3A_558 = arith.constant 0 : i32
      %dma_wait3A_559 = arith.constant 0 : i32
      %dma_wait3A_560 = tpu.memref_slice %arg4[%dma_wait3A_558, %dma_wait3A_559] : memref<10000x128xf32, #tpu.memory_space<hbm>> -> memref<10000x128xf32, #tpu.memory_space<hbm>>
      tpu.wait_indirect_dma semaphore(%arg16 : memref<!tpu.dma_semaphore, #tpu.memory_space<semaphore_mem>>) src(%dma_wait3A_560 : memref<10000x128xf32, #tpu.memory_space<hbm>>) dst(%dma_wait3A_554 : memref<125x128xf32, #tpu.memory_space<vmem>>)
      %run_scoped3A_561 = arith.constant 0 : i32
      %run_scoped3A_562 = arith.constant 2 : i32
      "tpu.region"() ({
        %run_scoped3A_945 = tpu.sem_alloc : memref<!tpu.dma_semaphore, #tpu.memory_space<semaphore_mem>>
        %dma_start3A_946 = arith.constant 0 : i32
        %dma_start3A_947 = arith.constant 0 : i32
        %dma_start3A_948 = tpu.memref_slice %arg14[%run_scoped3A_561, %dma_start3A_946, %dma_start3A_947] : memref<2x125x128xf32, #tpu.memory_space<vmem>> -> memref<1x125x128xf32, #tpu.memory_space<vmem>>
        %dma_start3A_949 = tpu.memref_squeeze %dma_start3A_948 : memref<1x125x128xf32, #tpu.memory_space<vmem>> -> memref<125x128xf32, #tpu.memory_space<vmem>>
        %dma_start3A_950 = arith.constant 0 : i32
        %dma_start3A_951 = tpu.memref_slice %arg13[%rem3A_480, %run_scoped3A_562, %dma_start3A_950] : memref<2x16x125xi32, #tpu.memory_space<vmem>> -> memref<1x1x125xi32, #tpu.memory_space<vmem>>
        %dma_start3A_952 = tpu.memref_squeeze %dma_start3A_951 : memref<1x1x125xi32, #tpu.memory_space<vmem>> -> memref<125xi32, #tpu.memory_space<vmem>>
        %dma_start3A_953 = arith.constant 0 : i32
        %dma_start3A_954 = arith.constant 0 : i32
        %dma_start3A_955 = tpu.memref_slice %arg10[%dma_start3A_953, %dma_start3A_954] : memref<10000x128xf32, #tpu.memory_space<vmem_shared>> -> memref<10000x128xf32, #tpu.memory_space<vmem_shared>>
        tpu.enqueue_indirect_dma source(%dma_start3A_949 : memref<125x128xf32, #tpu.memory_space<vmem>>) target(%dma_start3A_955 : memref<10000x128xf32, #tpu.memory_space<vmem_shared>>) offsets(%dma_start3A_952 : memref<125xi32, #tpu.memory_space<vmem>>) semaphore(%run_scoped3A_945 : memref<!tpu.dma_semaphore, #tpu.memory_space<semaphore_mem>>) {add = true}
        %dma_wait3A_956 = arith.constant 0 : i32
        %dma_wait3A_957 = arith.constant 0 : i32
        %dma_wait3A_958 = tpu.memref_slice %arg14[%run_scoped3A_561, %dma_wait3A_956, %dma_wait3A_957] : memref<2x125x128xf32, #tpu.memory_space<vmem>> -> memref<1x125x128xf32, #tpu.memory_space<vmem>>
        %dma_wait3A_959 = tpu.memref_squeeze %dma_wait3A_958 : memref<1x125x128xf32, #tpu.memory_space<vmem>> -> memref<125x128xf32, #tpu.memory_space<vmem>>
        %dma_wait3A_960 = arith.constant 0 : i32
        %dma_wait3A_961 = tpu.memref_slice %arg13[%rem3A_480, %run_scoped3A_562, %dma_wait3A_960] : memref<2x16x125xi32, #tpu.memory_space<vmem>> -> memref<1x1x125xi32, #tpu.memory_space<vmem>>
        %dma_wait3A_962 = tpu.memref_squeeze %dma_wait3A_961 : memref<1x1x125xi32, #tpu.memory_space<vmem>> -> memref<125xi32, #tpu.memory_space<vmem>>
        %dma_wait3A_963 = arith.constant 0 : i32
        %dma_wait3A_964 = arith.constant 0 : i32
        %dma_wait3A_965 = tpu.memref_slice %arg10[%dma_wait3A_963, %dma_wait3A_964] : memref<10000x128xf32, #tpu.memory_space<vmem_shared>> -> memref<10000x128xf32, #tpu.memory_space<vmem_shared>>
        tpu.wait_indirect_dma semaphore(%run_scoped3A_945 : memref<!tpu.dma_semaphore, #tpu.memory_space<semaphore_mem>>) src(%dma_wait3A_959 : memref<125x128xf32, #tpu.memory_space<vmem>>) dst(%dma_wait3A_965 : memref<10000x128xf32, #tpu.memory_space<vmem_shared>>)
        tpu.yield
      }) : () -> ()
      %run_scoped3A_563 = arith.constant 2 : i32
      "tpu.region"() ({
        %run_scoped3A_945 = tpu.sem_alloc : memref<!tpu.dma_semaphore, #tpu.memory_space<semaphore_mem>>
        %dma_start3A_946 = arith.constant 0 : i32
        %dma_start3A_947 = tpu.memref_slice %arg13[%rem3A_480, %run_scoped3A_563, %dma_start3A_946] : memref<2x16x125xi32, #tpu.memory_space<vmem>> -> memref<1x1x125xi32, #tpu.memory_space<vmem>>
        %dma_start3A_948 = tpu.memref_squeeze %dma_start3A_947 : memref<1x1x125xi32, #tpu.memory_space<vmem>> -> memref<125xi32, #tpu.memory_space<vmem>>
        %dma_start3A_949 = arith.constant 0 : i32
        %dma_start3A_950 = arith.constant 0 : i32
        %dma_start3A_951 = tpu.memref_slice %arg11[%dma_start3A_949, %dma_start3A_950] : memref<10000x8xf32, #tpu.memory_space<vmem_shared>> -> memref<10000x8xf32, #tpu.memory_space<vmem_shared>>
        tpu.enqueue_indirect_dma source(%arg15 : memref<125x8xf32, #tpu.memory_space<vmem>>) target(%dma_start3A_951 : memref<10000x8xf32, #tpu.memory_space<vmem_shared>>) offsets(%dma_start3A_948 : memref<125xi32, #tpu.memory_space<vmem>>) semaphore(%run_scoped3A_945 : memref<!tpu.dma_semaphore, #tpu.memory_space<semaphore_mem>>) {add = true}
        %dma_wait3A_952 = arith.constant 0 : i32
        %dma_wait3A_953 = tpu.memref_slice %arg13[%rem3A_480, %run_scoped3A_563, %dma_wait3A_952] : memref<2x16x125xi32, #tpu.memory_space<vmem>> -> memref<1x1x125xi32, #tpu.memory_space<vmem>>
        %dma_wait3A_954 = tpu.memref_squeeze %dma_wait3A_953 : memref<1x1x125xi32, #tpu.memory_space<vmem>> -> memref<125xi32, #tpu.memory_space<vmem>>
        %dma_wait3A_955 = arith.constant 0 : i32
        %dma_wait3A_956 = arith.constant 0 : i32
        %dma_wait3A_957 = tpu.memref_slice %arg11[%dma_wait3A_955, %dma_wait3A_956] : memref<10000x8xf32, #tpu.memory_space<vmem_shared>> -> memref<10000x8xf32, #tpu.memory_space<vmem_shared>>
        tpu.wait_indirect_dma semaphore(%run_scoped3A_945 : memref<!tpu.dma_semaphore, #tpu.memory_space<semaphore_mem>>) src(%arg15 : memref<125x8xf32, #tpu.memory_space<vmem>>) dst(%dma_wait3A_957 : memref<10000x8xf32, #tpu.memory_space<vmem_shared>>)
        tpu.yield
      }) : () -> ()
      %dma_start3A_564 = arith.constant 4 : i32
      %dma_start3A_565 = arith.constant 0 : i32
      %dma_start3A_566 = arith.constant 0 : i32
      %dma_start3A_567 = arith.constant 0 : i32
      %dma_start3A_568 = tpu.memref_slice %arg14[%dma_start3A_565, %dma_start3A_566, %dma_start3A_567] : memref<2x125x128xf32, #tpu.memory_space<vmem>> -> memref<1x125x128xf32, #tpu.memory_space<vmem>>
      %dma_start3A_569 = tpu.memref_squeeze %dma_start3A_568 : memref<1x125x128xf32, #tpu.memory_space<vmem>> -> memref<125x128xf32, #tpu.memory_space<vmem>>
      %dma_start3A_570 = arith.constant 0 : i32
      %dma_start3A_571 = tpu.memref_slice %arg12[%rem3A_480, %dma_start3A_564, %dma_start3A_570] : memref<2x16x125xi32, #tpu.memory_space<vmem>> -> memref<1x1x125xi32, #tpu.memory_space<vmem>>
      %dma_start3A_572 = tpu.memref_squeeze %dma_start3A_571 : memref<1x1x125xi32, #tpu.memory_space<vmem>> -> memref<125xi32, #tpu.memory_space<vmem>>
      %dma_start3A_573 = arith.constant 0 : i32
      %dma_start3A_574 = arith.constant 0 : i32
      %dma_start3A_575 = tpu.memref_slice %arg4[%dma_start3A_573, %dma_start3A_574] : memref<10000x128xf32, #tpu.memory_space<hbm>> -> memref<10000x128xf32, #tpu.memory_space<hbm>>
      tpu.enqueue_indirect_dma source(%dma_start3A_575 : memref<10000x128xf32, #tpu.memory_space<hbm>>) target(%dma_start3A_569 : memref<125x128xf32, #tpu.memory_space<vmem>>) offsets(%dma_start3A_572 : memref<125xi32, #tpu.memory_space<vmem>>) semaphore(%arg16 : memref<!tpu.dma_semaphore, #tpu.memory_space<semaphore_mem>>)
      %dma_wait3A_576 = arith.constant 0 : i32
      %dma_wait3A_577 = arith.constant 0 : i32
      %dma_wait3A_578 = arith.constant 1 : i32
      %dma_wait3A_579 = arith.constant 0 : i32
      %dma_wait3A_580 = arith.constant 0 : i32
      %dma_wait3A_581 = tpu.memref_slice %arg14[%dma_wait3A_578, %dma_wait3A_579, %dma_wait3A_580] : memref<2x125x128xf32, #tpu.memory_space<vmem>> -> memref<1x125x128xf32, #tpu.memory_space<vmem>>
      %dma_wait3A_582 = tpu.memref_squeeze %dma_wait3A_581 : memref<1x125x128xf32, #tpu.memory_space<vmem>> -> memref<125x128xf32, #tpu.memory_space<vmem>>
      %dma_wait3A_583 = arith.constant 0 : i32
      %dma_wait3A_584 = tpu.memref_slice %arg12[%dma_wait3A_576, %dma_wait3A_577, %dma_wait3A_583] : memref<2x16x125xi32, #tpu.memory_space<vmem>> -> memref<1x1x125xi32, #tpu.memory_space<vmem>>
      %dma_wait3A_585 = tpu.memref_squeeze %dma_wait3A_584 : memref<1x1x125xi32, #tpu.memory_space<vmem>> -> memref<125xi32, #tpu.memory_space<vmem>>
      %dma_wait3A_586 = arith.constant 0 : i32
      %dma_wait3A_587 = arith.constant 0 : i32
      %dma_wait3A_588 = tpu.memref_slice %arg4[%dma_wait3A_586, %dma_wait3A_587] : memref<10000x128xf32, #tpu.memory_space<hbm>> -> memref<10000x128xf32, #tpu.memory_space<hbm>>
      tpu.wait_indirect_dma semaphore(%arg17 : memref<!tpu.dma_semaphore, #tpu.memory_space<semaphore_mem>>) src(%dma_wait3A_588 : memref<10000x128xf32, #tpu.memory_space<hbm>>) dst(%dma_wait3A_582 : memref<125x128xf32, #tpu.memory_space<vmem>>)
      %run_scoped3A_589 = arith.constant 1 : i32
      %run_scoped3A_590 = arith.constant 3 : i32
      "tpu.region"() ({
        %run_scoped3A_945 = tpu.sem_alloc : memref<!tpu.dma_semaphore, #tpu.memory_space<semaphore_mem>>
        %dma_start3A_946 = arith.constant 0 : i32
        %dma_start3A_947 = arith.constant 0 : i32
        %dma_start3A_948 = tpu.memref_slice %arg14[%run_scoped3A_589, %dma_start3A_946, %dma_start3A_947] : memref<2x125x128xf32, #tpu.memory_space<vmem>> -> memref<1x125x128xf32, #tpu.memory_space<vmem>>
        %dma_start3A_949 = tpu.memref_squeeze %dma_start3A_948 : memref<1x125x128xf32, #tpu.memory_space<vmem>> -> memref<125x128xf32, #tpu.memory_space<vmem>>
        %dma_start3A_950 = arith.constant 0 : i32
        %dma_start3A_951 = tpu.memref_slice %arg13[%rem3A_480, %run_scoped3A_590, %dma_start3A_950] : memref<2x16x125xi32, #tpu.memory_space<vmem>> -> memref<1x1x125xi32, #tpu.memory_space<vmem>>
        %dma_start3A_952 = tpu.memref_squeeze %dma_start3A_951 : memref<1x1x125xi32, #tpu.memory_space<vmem>> -> memref<125xi32, #tpu.memory_space<vmem>>
        %dma_start3A_953 = arith.constant 0 : i32
        %dma_start3A_954 = arith.constant 0 : i32
        %dma_start3A_955 = tpu.memref_slice %arg10[%dma_start3A_953, %dma_start3A_954] : memref<10000x128xf32, #tpu.memory_space<vmem_shared>> -> memref<10000x128xf32, #tpu.memory_space<vmem_shared>>
        tpu.enqueue_indirect_dma source(%dma_start3A_949 : memref<125x128xf32, #tpu.memory_space<vmem>>) target(%dma_start3A_955 : memref<10000x128xf32, #tpu.memory_space<vmem_shared>>) offsets(%dma_start3A_952 : memref<125xi32, #tpu.memory_space<vmem>>) semaphore(%run_scoped3A_945 : memref<!tpu.dma_semaphore, #tpu.memory_space<semaphore_mem>>) {add = true}
        %dma_wait3A_956 = arith.constant 0 : i32
        %dma_wait3A_957 = arith.constant 0 : i32
        %dma_wait3A_958 = tpu.memref_slice %arg14[%run_scoped3A_589, %dma_wait3A_956, %dma_wait3A_957] : memref<2x125x128xf32, #tpu.memory_space<vmem>> -> memref<1x125x128xf32, #tpu.memory_space<vmem>>
        %dma_wait3A_959 = tpu.memref_squeeze %dma_wait3A_958 : memref<1x125x128xf32, #tpu.memory_space<vmem>> -> memref<125x128xf32, #tpu.memory_space<vmem>>
        %dma_wait3A_960 = arith.constant 0 : i32
        %dma_wait3A_961 = tpu.memref_slice %arg13[%rem3A_480, %run_scoped3A_590, %dma_wait3A_960] : memref<2x16x125xi32, #tpu.memory_space<vmem>> -> memref<1x1x125xi32, #tpu.memory_space<vmem>>
        %dma_wait3A_962 = tpu.memref_squeeze %dma_wait3A_961 : memref<1x1x125xi32, #tpu.memory_space<vmem>> -> memref<125xi32, #tpu.memory_space<vmem>>
        %dma_wait3A_963 = arith.constant 0 : i32
        %dma_wait3A_964 = arith.constant 0 : i32
        %dma_wait3A_965 = tpu.memref_slice %arg10[%dma_wait3A_963, %dma_wait3A_964] : memref<10000x128xf32, #tpu.memory_space<vmem_shared>> -> memref<10000x128xf32, #tpu.memory_space<vmem_shared>>
        tpu.wait_indirect_dma semaphore(%run_scoped3A_945 : memref<!tpu.dma_semaphore, #tpu.memory_space<semaphore_mem>>) src(%dma_wait3A_959 : memref<125x128xf32, #tpu.memory_space<vmem>>) dst(%dma_wait3A_965 : memref<10000x128xf32, #tpu.memory_space<vmem_shared>>)
        tpu.yield
      }) : () -> ()
      %run_scoped3A_591 = arith.constant 3 : i32
      "tpu.region"() ({
        %run_scoped3A_945 = tpu.sem_alloc : memref<!tpu.dma_semaphore, #tpu.memory_space<semaphore_mem>>
        %dma_start3A_946 = arith.constant 0 : i32
        %dma_start3A_947 = tpu.memref_slice %arg13[%rem3A_480, %run_scoped3A_591, %dma_start3A_946] : memref<2x16x125xi32, #tpu.memory_space<vmem>> -> memref<1x1x125xi32, #tpu.memory_space<vmem>>
        %dma_start3A_948 = tpu.memref_squeeze %dma_start3A_947 : memref<1x1x125xi32, #tpu.memory_space<vmem>> -> memref<125xi32, #tpu.memory_space<vmem>>
        %dma_start3A_949 = arith.constant 0 : i32
        %dma_start3A_950 = arith.constant 0 : i32
        %dma_start3A_951 = tpu.memref_slice %arg11[%dma_start3A_949, %dma_start3A_950] : memref<10000x8xf32, #tpu.memory_space<vmem_shared>> -> memref<10000x8xf32, #tpu.memory_space<vmem_shared>>
        tpu.enqueue_indirect_dma source(%arg15 : memref<125x8xf32, #tpu.memory_space<vmem>>) target(%dma_start3A_951 : memref<10000x8xf32, #tpu.memory_space<vmem_shared>>) offsets(%dma_start3A_948 : memref<125xi32, #tpu.memory_space<vmem>>) semaphore(%run_scoped3A_945 : memref<!tpu.dma_semaphore, #tpu.memory_space<semaphore_mem>>) {add = true}
        %dma_wait3A_952 = arith.constant 0 : i32
        %dma_wait3A_953 = tpu.memref_slice %arg13[%rem3A_480, %run_scoped3A_591, %dma_wait3A_952] : memref<2x16x125xi32, #tpu.memory_space<vmem>> -> memref<1x1x125xi32, #tpu.memory_space<vmem>>
        %dma_wait3A_954 = tpu.memref_squeeze %dma_wait3A_953 : memref<1x1x125xi32, #tpu.memory_space<vmem>> -> memref<125xi32, #tpu.memory_space<vmem>>
        %dma_wait3A_955 = arith.constant 0 : i32
        %dma_wait3A_956 = arith.constant 0 : i32
        %dma_wait3A_957 = tpu.memref_slice %arg11[%dma_wait3A_955, %dma_wait3A_956] : memref<10000x8xf32, #tpu.memory_space<vmem_shared>> -> memref<10000x8xf32, #tpu.memory_space<vmem_shared>>
        tpu.wait_indirect_dma semaphore(%run_scoped3A_945 : memref<!tpu.dma_semaphore, #tpu.memory_space<semaphore_mem>>) src(%arg15 : memref<125x8xf32, #tpu.memory_space<vmem>>) dst(%dma_wait3A_957 : memref<10000x8xf32, #tpu.memory_space<vmem_shared>>)
        tpu.yield
      }) : () -> ()
      %dma_start3A_592 = arith.constant 5 : i32
      %dma_start3A_593 = arith.constant 1 : i32
      %dma_start3A_594 = arith.constant 0 : i32
      %dma_start3A_595 = arith.constant 0 : i32
      %dma_start3A_596 = tpu.memref_slice %arg14[%dma_start3A_593, %dma_start3A_594, %dma_start3A_595] : memref<2x125x128xf32, #tpu.memory_space<vmem>> -> memref<1x125x128xf32, #tpu.memory_space<vmem>>
      %dma_start3A_597 = tpu.memref_squeeze %dma_start3A_596 : memref<1x125x128xf32, #tpu.memory_space<vmem>> -> memref<125x128xf32, #tpu.memory_space<vmem>>
      %dma_start3A_598 = arith.constant 0 : i32
      %dma_start3A_599 = tpu.memref_slice %arg12[%rem3A_480, %dma_start3A_592, %dma_start3A_598] : memref<2x16x125xi32, #tpu.memory_space<vmem>> -> memref<1x1x125xi32, #tpu.memory_space<vmem>>
      %dma_start3A_600 = tpu.memref_squeeze %dma_start3A_599 : memref<1x1x125xi32, #tpu.memory_space<vmem>> -> memref<125xi32, #tpu.memory_space<vmem>>
      %dma_start3A_601 = arith.constant 0 : i32
      %dma_start3A_602 = arith.constant 0 : i32
      %dma_start3A_603 = tpu.memref_slice %arg4[%dma_start3A_601, %dma_start3A_602] : memref<10000x128xf32, #tpu.memory_space<hbm>> -> memref<10000x128xf32, #tpu.memory_space<hbm>>
      tpu.enqueue_indirect_dma source(%dma_start3A_603 : memref<10000x128xf32, #tpu.memory_space<hbm>>) target(%dma_start3A_597 : memref<125x128xf32, #tpu.memory_space<vmem>>) offsets(%dma_start3A_600 : memref<125xi32, #tpu.memory_space<vmem>>) semaphore(%arg17 : memref<!tpu.dma_semaphore, #tpu.memory_space<semaphore_mem>>)
      %dma_wait3A_604 = arith.constant 0 : i32
      %dma_wait3A_605 = arith.constant 0 : i32
      %dma_wait3A_606 = arith.constant 0 : i32
      %dma_wait3A_607 = arith.constant 0 : i32
      %dma_wait3A_608 = arith.constant 0 : i32
      %dma_wait3A_609 = tpu.memref_slice %arg14[%dma_wait3A_606, %dma_wait3A_607, %dma_wait3A_608] : memref<2x125x128xf32, #tpu.memory_space<vmem>> -> memref<1x125x128xf32, #tpu.memory_space<vmem>>
      %dma_wait3A_610 = tpu.memref_squeeze %dma_wait3A_609 : memref<1x125x128xf32, #tpu.memory_space<vmem>> -> memref<125x128xf32, #tpu.memory_space<vmem>>
      %dma_wait3A_611 = arith.constant 0 : i32
      %dma_wait3A_612 = tpu.memref_slice %arg12[%dma_wait3A_604, %dma_wait3A_605, %dma_wait3A_611] : memref<2x16x125xi32, #tpu.memory_space<vmem>> -> memref<1x1x125xi32, #tpu.memory_space<vmem>>
      %dma_wait3A_613 = tpu.memref_squeeze %dma_wait3A_612 : memref<1x1x125xi32, #tpu.memory_space<vmem>> -> memref<125xi32, #tpu.memory_space<vmem>>
      %dma_wait3A_614 = arith.constant 0 : i32
      %dma_wait3A_615 = arith.constant 0 : i32
      %dma_wait3A_616 = tpu.memref_slice %arg4[%dma_wait3A_614, %dma_wait3A_615] : memref<10000x128xf32, #tpu.memory_space<hbm>> -> memref<10000x128xf32, #tpu.memory_space<hbm>>
      tpu.wait_indirect_dma semaphore(%arg16 : memref<!tpu.dma_semaphore, #tpu.memory_space<semaphore_mem>>) src(%dma_wait3A_616 : memref<10000x128xf32, #tpu.memory_space<hbm>>) dst(%dma_wait3A_610 : memref<125x128xf32, #tpu.memory_space<vmem>>)
      %run_scoped3A_617 = arith.constant 0 : i32
      %run_scoped3A_618 = arith.constant 4 : i32
      "tpu.region"() ({
        %run_scoped3A_945 = tpu.sem_alloc : memref<!tpu.dma_semaphore, #tpu.memory_space<semaphore_mem>>
        %dma_start3A_946 = arith.constant 0 : i32
        %dma_start3A_947 = arith.constant 0 : i32
        %dma_start3A_948 = tpu.memref_slice %arg14[%run_scoped3A_617, %dma_start3A_946, %dma_start3A_947] : memref<2x125x128xf32, #tpu.memory_space<vmem>> -> memref<1x125x128xf32, #tpu.memory_space<vmem>>
        %dma_start3A_949 = tpu.memref_squeeze %dma_start3A_948 : memref<1x125x128xf32, #tpu.memory_space<vmem>> -> memref<125x128xf32, #tpu.memory_space<vmem>>
        %dma_start3A_950 = arith.constant 0 : i32
        %dma_start3A_951 = tpu.memref_slice %arg13[%rem3A_480, %run_scoped3A_618, %dma_start3A_950] : memref<2x16x125xi32, #tpu.memory_space<vmem>> -> memref<1x1x125xi32, #tpu.memory_space<vmem>>
        %dma_start3A_952 = tpu.memref_squeeze %dma_start3A_951 : memref<1x1x125xi32, #tpu.memory_space<vmem>> -> memref<125xi32, #tpu.memory_space<vmem>>
        %dma_start3A_953 = arith.constant 0 : i32
        %dma_start3A_954 = arith.constant 0 : i32
        %dma_start3A_955 = tpu.memref_slice %arg10[%dma_start3A_953, %dma_start3A_954] : memref<10000x128xf32, #tpu.memory_space<vmem_shared>> -> memref<10000x128xf32, #tpu.memory_space<vmem_shared>>
        tpu.enqueue_indirect_dma source(%dma_start3A_949 : memref<125x128xf32, #tpu.memory_space<vmem>>) target(%dma_start3A_955 : memref<10000x128xf32, #tpu.memory_space<vmem_shared>>) offsets(%dma_start3A_952 : memref<125xi32, #tpu.memory_space<vmem>>) semaphore(%run_scoped3A_945 : memref<!tpu.dma_semaphore, #tpu.memory_space<semaphore_mem>>) {add = true}
        %dma_wait3A_956 = arith.constant 0 : i32
        %dma_wait3A_957 = arith.constant 0 : i32
        %dma_wait3A_958 = tpu.memref_slice %arg14[%run_scoped3A_617, %dma_wait3A_956, %dma_wait3A_957] : memref<2x125x128xf32, #tpu.memory_space<vmem>> -> memref<1x125x128xf32, #tpu.memory_space<vmem>>
        %dma_wait3A_959 = tpu.memref_squeeze %dma_wait3A_958 : memref<1x125x128xf32, #tpu.memory_space<vmem>> -> memref<125x128xf32, #tpu.memory_space<vmem>>
        %dma_wait3A_960 = arith.constant 0 : i32
        %dma_wait3A_961 = tpu.memref_slice %arg13[%rem3A_480, %run_scoped3A_618, %dma_wait3A_960] : memref<2x16x125xi32, #tpu.memory_space<vmem>> -> memref<1x1x125xi32, #tpu.memory_space<vmem>>
        %dma_wait3A_962 = tpu.memref_squeeze %dma_wait3A_961 : memref<1x1x125xi32, #tpu.memory_space<vmem>> -> memref<125xi32, #tpu.memory_space<vmem>>
        %dma_wait3A_963 = arith.constant 0 : i32
        %dma_wait3A_964 = arith.constant 0 : i32
        %dma_wait3A_965 = tpu.memref_slice %arg10[%dma_wait3A_963, %dma_wait3A_964] : memref<10000x128xf32, #tpu.memory_space<vmem_shared>> -> memref<10000x128xf32, #tpu.memory_space<vmem_shared>>
        tpu.wait_indirect_dma semaphore(%run_scoped3A_945 : memref<!tpu.dma_semaphore, #tpu.memory_space<semaphore_mem>>) src(%dma_wait3A_959 : memref<125x128xf32, #tpu.memory_space<vmem>>) dst(%dma_wait3A_965 : memref<10000x128xf32, #tpu.memory_space<vmem_shared>>)
        tpu.yield
      }) : () -> ()
      %run_scoped3A_619 = arith.constant 4 : i32
      "tpu.region"() ({
        %run_scoped3A_945 = tpu.sem_alloc : memref<!tpu.dma_semaphore, #tpu.memory_space<semaphore_mem>>
        %dma_start3A_946 = arith.constant 0 : i32
        %dma_start3A_947 = tpu.memref_slice %arg13[%rem3A_480, %run_scoped3A_619, %dma_start3A_946] : memref<2x16x125xi32, #tpu.memory_space<vmem>> -> memref<1x1x125xi32, #tpu.memory_space<vmem>>
        %dma_start3A_948 = tpu.memref_squeeze %dma_start3A_947 : memref<1x1x125xi32, #tpu.memory_space<vmem>> -> memref<125xi32, #tpu.memory_space<vmem>>
        %dma_start3A_949 = arith.constant 0 : i32
        %dma_start3A_950 = arith.constant 0 : i32
        %dma_start3A_951 = tpu.memref_slice %arg11[%dma_start3A_949, %dma_start3A_950] : memref<10000x8xf32, #tpu.memory_space<vmem_shared>> -> memref<10000x8xf32, #tpu.memory_space<vmem_shared>>
        tpu.enqueue_indirect_dma source(%arg15 : memref<125x8xf32, #tpu.memory_space<vmem>>) target(%dma_start3A_951 : memref<10000x8xf32, #tpu.memory_space<vmem_shared>>) offsets(%dma_start3A_948 : memref<125xi32, #tpu.memory_space<vmem>>) semaphore(%run_scoped3A_945 : memref<!tpu.dma_semaphore, #tpu.memory_space<semaphore_mem>>) {add = true}
        %dma_wait3A_952 = arith.constant 0 : i32
        %dma_wait3A_953 = tpu.memref_slice %arg13[%rem3A_480, %run_scoped3A_619, %dma_wait3A_952] : memref<2x16x125xi32, #tpu.memory_space<vmem>> -> memref<1x1x125xi32, #tpu.memory_space<vmem>>
        %dma_wait3A_954 = tpu.memref_squeeze %dma_wait3A_953 : memref<1x1x125xi32, #tpu.memory_space<vmem>> -> memref<125xi32, #tpu.memory_space<vmem>>
        %dma_wait3A_955 = arith.constant 0 : i32
        %dma_wait3A_956 = arith.constant 0 : i32
        %dma_wait3A_957 = tpu.memref_slice %arg11[%dma_wait3A_955, %dma_wait3A_956] : memref<10000x8xf32, #tpu.memory_space<vmem_shared>> -> memref<10000x8xf32, #tpu.memory_space<vmem_shared>>
        tpu.wait_indirect_dma semaphore(%run_scoped3A_945 : memref<!tpu.dma_semaphore, #tpu.memory_space<semaphore_mem>>) src(%arg15 : memref<125x8xf32, #tpu.memory_space<vmem>>) dst(%dma_wait3A_957 : memref<10000x8xf32, #tpu.memory_space<vmem_shared>>)
        tpu.yield
      }) : () -> ()
      %dma_start3A_620 = arith.constant 6 : i32
      %dma_start3A_621 = arith.constant 0 : i32
      %dma_start3A_622 = arith.constant 0 : i32
      %dma_start3A_623 = arith.constant 0 : i32
      %dma_start3A_624 = tpu.memref_slice %arg14[%dma_start3A_621, %dma_start3A_622, %dma_start3A_623] : memref<2x125x128xf32, #tpu.memory_space<vmem>> -> memref<1x125x128xf32, #tpu.memory_space<vmem>>
      %dma_start3A_625 = tpu.memref_squeeze %dma_start3A_624 : memref<1x125x128xf32, #tpu.memory_space<vmem>> -> memref<125x128xf32, #tpu.memory_space<vmem>>
      %dma_start3A_626 = arith.constant 0 : i32
      %dma_start3A_627 = tpu.memref_slice %arg12[%rem3A_480, %dma_start3A_620, %dma_start3A_626] : memref<2x16x125xi32, #tpu.memory_space<vmem>> -> memref<1x1x125xi32, #tpu.memory_space<vmem>>
      %dma_start3A_628 = tpu.memref_squeeze %dma_start3A_627 : memref<1x1x125xi32, #tpu.memory_space<vmem>> -> memref<125xi32, #tpu.memory_space<vmem>>
      %dma_start3A_629 = arith.constant 0 : i32
      %dma_start3A_630 = arith.constant 0 : i32
      %dma_start3A_631 = tpu.memref_slice %arg4[%dma_start3A_629, %dma_start3A_630] : memref<10000x128xf32, #tpu.memory_space<hbm>> -> memref<10000x128xf32, #tpu.memory_space<hbm>>
      tpu.enqueue_indirect_dma source(%dma_start3A_631 : memref<10000x128xf32, #tpu.memory_space<hbm>>) target(%dma_start3A_625 : memref<125x128xf32, #tpu.memory_space<vmem>>) offsets(%dma_start3A_628 : memref<125xi32, #tpu.memory_space<vmem>>) semaphore(%arg16 : memref<!tpu.dma_semaphore, #tpu.memory_space<semaphore_mem>>)
      %dma_wait3A_632 = arith.constant 0 : i32
      %dma_wait3A_633 = arith.constant 0 : i32
      %dma_wait3A_634 = arith.constant 1 : i32
      %dma_wait3A_635 = arith.constant 0 : i32
      %dma_wait3A_636 = arith.constant 0 : i32
      %dma_wait3A_637 = tpu.memref_slice %arg14[%dma_wait3A_634, %dma_wait3A_635, %dma_wait3A_636] : memref<2x125x128xf32, #tpu.memory_space<vmem>> -> memref<1x125x128xf32, #tpu.memory_space<vmem>>
      %dma_wait3A_638 = tpu.memref_squeeze %dma_wait3A_637 : memref<1x125x128xf32, #tpu.memory_space<vmem>> -> memref<125x128xf32, #tpu.memory_space<vmem>>
      %dma_wait3A_639 = arith.constant 0 : i32
      %dma_wait3A_640 = tpu.memref_slice %arg12[%dma_wait3A_632, %dma_wait3A_633, %dma_wait3A_639] : memref<2x16x125xi32, #tpu.memory_space<vmem>> -> memref<1x1x125xi32, #tpu.memory_space<vmem>>
      %dma_wait3A_641 = tpu.memref_squeeze %dma_wait3A_640 : memref<1x1x125xi32, #tpu.memory_space<vmem>> -> memref<125xi32, #tpu.memory_space<vmem>>
      %dma_wait3A_642 = arith.constant 0 : i32
      %dma_wait3A_643 = arith.constant 0 : i32
      %dma_wait3A_644 = tpu.memref_slice %arg4[%dma_wait3A_642, %dma_wait3A_643] : memref<10000x128xf32, #tpu.memory_space<hbm>> -> memref<10000x128xf32, #tpu.memory_space<hbm>>
      tpu.wait_indirect_dma semaphore(%arg17 : memref<!tpu.dma_semaphore, #tpu.memory_space<semaphore_mem>>) src(%dma_wait3A_644 : memref<10000x128xf32, #tpu.memory_space<hbm>>) dst(%dma_wait3A_638 : memref<125x128xf32, #tpu.memory_space<vmem>>)
      %run_scoped3A_645 = arith.constant 1 : i32
      %run_scoped3A_646 = arith.constant 5 : i32
      "tpu.region"() ({
        %run_scoped3A_945 = tpu.sem_alloc : memref<!tpu.dma_semaphore, #tpu.memory_space<semaphore_mem>>
        %dma_start3A_946 = arith.constant 0 : i32
        %dma_start3A_947 = arith.constant 0 : i32
        %dma_start3A_948 = tpu.memref_slice %arg14[%run_scoped3A_645, %dma_start3A_946, %dma_start3A_947] : memref<2x125x128xf32, #tpu.memory_space<vmem>> -> memref<1x125x128xf32, #tpu.memory_space<vmem>>
        %dma_start3A_949 = tpu.memref_squeeze %dma_start3A_948 : memref<1x125x128xf32, #tpu.memory_space<vmem>> -> memref<125x128xf32, #tpu.memory_space<vmem>>
        %dma_start3A_950 = arith.constant 0 : i32
        %dma_start3A_951 = tpu.memref_slice %arg13[%rem3A_480, %run_scoped3A_646, %dma_start3A_950] : memref<2x16x125xi32, #tpu.memory_space<vmem>> -> memref<1x1x125xi32, #tpu.memory_space<vmem>>
        %dma_start3A_952 = tpu.memref_squeeze %dma_start3A_951 : memref<1x1x125xi32, #tpu.memory_space<vmem>> -> memref<125xi32, #tpu.memory_space<vmem>>
        %dma_start3A_953 = arith.constant 0 : i32
        %dma_start3A_954 = arith.constant 0 : i32
        %dma_start3A_955 = tpu.memref_slice %arg10[%dma_start3A_953, %dma_start3A_954] : memref<10000x128xf32, #tpu.memory_space<vmem_shared>> -> memref<10000x128xf32, #tpu.memory_space<vmem_shared>>
        tpu.enqueue_indirect_dma source(%dma_start3A_949 : memref<125x128xf32, #tpu.memory_space<vmem>>) target(%dma_start3A_955 : memref<10000x128xf32, #tpu.memory_space<vmem_shared>>) offsets(%dma_start3A_952 : memref<125xi32, #tpu.memory_space<vmem>>) semaphore(%run_scoped3A_945 : memref<!tpu.dma_semaphore, #tpu.memory_space<semaphore_mem>>) {add = true}
        %dma_wait3A_956 = arith.constant 0 : i32
        %dma_wait3A_957 = arith.constant 0 : i32
        %dma_wait3A_958 = tpu.memref_slice %arg14[%run_scoped3A_645, %dma_wait3A_956, %dma_wait3A_957] : memref<2x125x128xf32, #tpu.memory_space<vmem>> -> memref<1x125x128xf32, #tpu.memory_space<vmem>>
        %dma_wait3A_959 = tpu.memref_squeeze %dma_wait3A_958 : memref<1x125x128xf32, #tpu.memory_space<vmem>> -> memref<125x128xf32, #tpu.memory_space<vmem>>
        %dma_wait3A_960 = arith.constant 0 : i32
        %dma_wait3A_961 = tpu.memref_slice %arg13[%rem3A_480, %run_scoped3A_646, %dma_wait3A_960] : memref<2x16x125xi32, #tpu.memory_space<vmem>> -> memref<1x1x125xi32, #tpu.memory_space<vmem>>
        %dma_wait3A_962 = tpu.memref_squeeze %dma_wait3A_961 : memref<1x1x125xi32, #tpu.memory_space<vmem>> -> memref<125xi32, #tpu.memory_space<vmem>>
        %dma_wait3A_963 = arith.constant 0 : i32
        %dma_wait3A_964 = arith.constant 0 : i32
        %dma_wait3A_965 = tpu.memref_slice %arg10[%dma_wait3A_963, %dma_wait3A_964] : memref<10000x128xf32, #tpu.memory_space<vmem_shared>> -> memref<10000x128xf32, #tpu.memory_space<vmem_shared>>
        tpu.wait_indirect_dma semaphore(%run_scoped3A_945 : memref<!tpu.dma_semaphore, #tpu.memory_space<semaphore_mem>>) src(%dma_wait3A_959 : memref<125x128xf32, #tpu.memory_space<vmem>>) dst(%dma_wait3A_965 : memref<10000x128xf32, #tpu.memory_space<vmem_shared>>)
        tpu.yield
      }) : () -> ()
      %run_scoped3A_647 = arith.constant 5 : i32
      "tpu.region"() ({
        %run_scoped3A_945 = tpu.sem_alloc : memref<!tpu.dma_semaphore, #tpu.memory_space<semaphore_mem>>
        %dma_start3A_946 = arith.constant 0 : i32
        %dma_start3A_947 = tpu.memref_slice %arg13[%rem3A_480, %run_scoped3A_647, %dma_start3A_946] : memref<2x16x125xi32, #tpu.memory_space<vmem>> -> memref<1x1x125xi32, #tpu.memory_space<vmem>>
        %dma_start3A_948 = tpu.memref_squeeze %dma_start3A_947 : memref<1x1x125xi32, #tpu.memory_space<vmem>> -> memref<125xi32, #tpu.memory_space<vmem>>
        %dma_start3A_949 = arith.constant 0 : i32
        %dma_start3A_950 = arith.constant 0 : i32
        %dma_start3A_951 = tpu.memref_slice %arg11[%dma_start3A_949, %dma_start3A_950] : memref<10000x8xf32, #tpu.memory_space<vmem_shared>> -> memref<10000x8xf32, #tpu.memory_space<vmem_shared>>
        tpu.enqueue_indirect_dma source(%arg15 : memref<125x8xf32, #tpu.memory_space<vmem>>) target(%dma_start3A_951 : memref<10000x8xf32, #tpu.memory_space<vmem_shared>>) offsets(%dma_start3A_948 : memref<125xi32, #tpu.memory_space<vmem>>) semaphore(%run_scoped3A_945 : memref<!tpu.dma_semaphore, #tpu.memory_space<semaphore_mem>>) {add = true}
        %dma_wait3A_952 = arith.constant 0 : i32
        %dma_wait3A_953 = tpu.memref_slice %arg13[%rem3A_480, %run_scoped3A_647, %dma_wait3A_952] : memref<2x16x125xi32, #tpu.memory_space<vmem>> -> memref<1x1x125xi32, #tpu.memory_space<vmem>>
        %dma_wait3A_954 = tpu.memref_squeeze %dma_wait3A_953 : memref<1x1x125xi32, #tpu.memory_space<vmem>> -> memref<125xi32, #tpu.memory_space<vmem>>
        %dma_wait3A_955 = arith.constant 0 : i32
        %dma_wait3A_956 = arith.constant 0 : i32
        %dma_wait3A_957 = tpu.memref_slice %arg11[%dma_wait3A_955, %dma_wait3A_956] : memref<10000x8xf32, #tpu.memory_space<vmem_shared>> -> memref<10000x8xf32, #tpu.memory_space<vmem_shared>>
        tpu.wait_indirect_dma semaphore(%run_scoped3A_945 : memref<!tpu.dma_semaphore, #tpu.memory_space<semaphore_mem>>) src(%arg15 : memref<125x8xf32, #tpu.memory_space<vmem>>) dst(%dma_wait3A_957 : memref<10000x8xf32, #tpu.memory_space<vmem_shared>>)
        tpu.yield
      }) : () -> ()
      %dma_start3A_648 = arith.constant 7 : i32
      %dma_start3A_649 = arith.constant 1 : i32
      %dma_start3A_650 = arith.constant 0 : i32
      %dma_start3A_651 = arith.constant 0 : i32
      %dma_start3A_652 = tpu.memref_slice %arg14[%dma_start3A_649, %dma_start3A_650, %dma_start3A_651] : memref<2x125x128xf32, #tpu.memory_space<vmem>> -> memref<1x125x128xf32, #tpu.memory_space<vmem>>
      %dma_start3A_653 = tpu.memref_squeeze %dma_start3A_652 : memref<1x125x128xf32, #tpu.memory_space<vmem>> -> memref<125x128xf32, #tpu.memory_space<vmem>>
      %dma_start3A_654 = arith.constant 0 : i32
      %dma_start3A_655 = tpu.memref_slice %arg12[%rem3A_480, %dma_start3A_648, %dma_start3A_654] : memref<2x16x125xi32, #tpu.memory_space<vmem>> -> memref<1x1x125xi32, #tpu.memory_space<vmem>>
      %dma_start3A_656 = tpu.memref_squeeze %dma_start3A_655 : memref<1x1x125xi32, #tpu.memory_space<vmem>> -> memref<125xi32, #tpu.memory_space<vmem>>
      %dma_start3A_657 = arith.constant 0 : i32
      %dma_start3A_658 = arith.constant 0 : i32
      %dma_start3A_659 = tpu.memref_slice %arg4[%dma_start3A_657, %dma_start3A_658] : memref<10000x128xf32, #tpu.memory_space<hbm>> -> memref<10000x128xf32, #tpu.memory_space<hbm>>
      tpu.enqueue_indirect_dma source(%dma_start3A_659 : memref<10000x128xf32, #tpu.memory_space<hbm>>) target(%dma_start3A_653 : memref<125x128xf32, #tpu.memory_space<vmem>>) offsets(%dma_start3A_656 : memref<125xi32, #tpu.memory_space<vmem>>) semaphore(%arg17 : memref<!tpu.dma_semaphore, #tpu.memory_space<semaphore_mem>>)
      %dma_wait3A_660 = arith.constant 0 : i32
      %dma_wait3A_661 = arith.constant 0 : i32
      %dma_wait3A_662 = arith.constant 0 : i32
      %dma_wait3A_663 = arith.constant 0 : i32
      %dma_wait3A_664 = arith.constant 0 : i32
      %dma_wait3A_665 = tpu.memref_slice %arg14[%dma_wait3A_662, %dma_wait3A_663, %dma_wait3A_664] : memref<2x125x128xf32, #tpu.memory_space<vmem>> -> memref<1x125x128xf32, #tpu.memory_space<vmem>>
      %dma_wait3A_666 = tpu.memref_squeeze %dma_wait3A_665 : memref<1x125x128xf32, #tpu.memory_space<vmem>> -> memref<125x128xf32, #tpu.memory_space<vmem>>
      %dma_wait3A_667 = arith.constant 0 : i32
      %dma_wait3A_668 = tpu.memref_slice %arg12[%dma_wait3A_660, %dma_wait3A_661, %dma_wait3A_667] : memref<2x16x125xi32, #tpu.memory_space<vmem>> -> memref<1x1x125xi32, #tpu.memory_space<vmem>>
      %dma_wait3A_669 = tpu.memref_squeeze %dma_wait3A_668 : memref<1x1x125xi32, #tpu.memory_space<vmem>> -> memref<125xi32, #tpu.memory_space<vmem>>
      %dma_wait3A_670 = arith.constant 0 : i32
      %dma_wait3A_671 = arith.constant 0 : i32
      %dma_wait3A_672 = tpu.memref_slice %arg4[%dma_wait3A_670, %dma_wait3A_671] : memref<10000x128xf32, #tpu.memory_space<hbm>> -> memref<10000x128xf32, #tpu.memory_space<hbm>>
      tpu.wait_indirect_dma semaphore(%arg16 : memref<!tpu.dma_semaphore, #tpu.memory_space<semaphore_mem>>) src(%dma_wait3A_672 : memref<10000x128xf32, #tpu.memory_space<hbm>>) dst(%dma_wait3A_666 : memref<125x128xf32, #tpu.memory_space<vmem>>)
      %run_scoped3A_673 = arith.constant 0 : i32
      %run_scoped3A_674 = arith.constant 6 : i32
      "tpu.region"() ({
        %run_scoped3A_945 = tpu.sem_alloc : memref<!tpu.dma_semaphore, #tpu.memory_space<semaphore_mem>>
        %dma_start3A_946 = arith.constant 0 : i32
        %dma_start3A_947 = arith.constant 0 : i32
        %dma_start3A_948 = tpu.memref_slice %arg14[%run_scoped3A_673, %dma_start3A_946, %dma_start3A_947] : memref<2x125x128xf32, #tpu.memory_space<vmem>> -> memref<1x125x128xf32, #tpu.memory_space<vmem>>
        %dma_start3A_949 = tpu.memref_squeeze %dma_start3A_948 : memref<1x125x128xf32, #tpu.memory_space<vmem>> -> memref<125x128xf32, #tpu.memory_space<vmem>>
        %dma_start3A_950 = arith.constant 0 : i32
        %dma_start3A_951 = tpu.memref_slice %arg13[%rem3A_480, %run_scoped3A_674, %dma_start3A_950] : memref<2x16x125xi32, #tpu.memory_space<vmem>> -> memref<1x1x125xi32, #tpu.memory_space<vmem>>
        %dma_start3A_952 = tpu.memref_squeeze %dma_start3A_951 : memref<1x1x125xi32, #tpu.memory_space<vmem>> -> memref<125xi32, #tpu.memory_space<vmem>>
        %dma_start3A_953 = arith.constant 0 : i32
        %dma_start3A_954 = arith.constant 0 : i32
        %dma_start3A_955 = tpu.memref_slice %arg10[%dma_start3A_953, %dma_start3A_954] : memref<10000x128xf32, #tpu.memory_space<vmem_shared>> -> memref<10000x128xf32, #tpu.memory_space<vmem_shared>>
        tpu.enqueue_indirect_dma source(%dma_start3A_949 : memref<125x128xf32, #tpu.memory_space<vmem>>) target(%dma_start3A_955 : memref<10000x128xf32, #tpu.memory_space<vmem_shared>>) offsets(%dma_start3A_952 : memref<125xi32, #tpu.memory_space<vmem>>) semaphore(%run_scoped3A_945 : memref<!tpu.dma_semaphore, #tpu.memory_space<semaphore_mem>>) {add = true}
        %dma_wait3A_956 = arith.constant 0 : i32
        %dma_wait3A_957 = arith.constant 0 : i32
        %dma_wait3A_958 = tpu.memref_slice %arg14[%run_scoped3A_673, %dma_wait3A_956, %dma_wait3A_957] : memref<2x125x128xf32, #tpu.memory_space<vmem>> -> memref<1x125x128xf32, #tpu.memory_space<vmem>>
        %dma_wait3A_959 = tpu.memref_squeeze %dma_wait3A_958 : memref<1x125x128xf32, #tpu.memory_space<vmem>> -> memref<125x128xf32, #tpu.memory_space<vmem>>
        %dma_wait3A_960 = arith.constant 0 : i32
        %dma_wait3A_961 = tpu.memref_slice %arg13[%rem3A_480, %run_scoped3A_674, %dma_wait3A_960] : memref<2x16x125xi32, #tpu.memory_space<vmem>> -> memref<1x1x125xi32, #tpu.memory_space<vmem>>
        %dma_wait3A_962 = tpu.memref_squeeze %dma_wait3A_961 : memref<1x1x125xi32, #tpu.memory_space<vmem>> -> memref<125xi32, #tpu.memory_space<vmem>>
        %dma_wait3A_963 = arith.constant 0 : i32
        %dma_wait3A_964 = arith.constant 0 : i32
        %dma_wait3A_965 = tpu.memref_slice %arg10[%dma_wait3A_963, %dma_wait3A_964] : memref<10000x128xf32, #tpu.memory_space<vmem_shared>> -> memref<10000x128xf32, #tpu.memory_space<vmem_shared>>
        tpu.wait_indirect_dma semaphore(%run_scoped3A_945 : memref<!tpu.dma_semaphore, #tpu.memory_space<semaphore_mem>>) src(%dma_wait3A_959 : memref<125x128xf32, #tpu.memory_space<vmem>>) dst(%dma_wait3A_965 : memref<10000x128xf32, #tpu.memory_space<vmem_shared>>)
        tpu.yield
      }) : () -> ()
      %run_scoped3A_675 = arith.constant 6 : i32
      "tpu.region"() ({
        %run_scoped3A_945 = tpu.sem_alloc : memref<!tpu.dma_semaphore, #tpu.memory_space<semaphore_mem>>
        %dma_start3A_946 = arith.constant 0 : i32
        %dma_start3A_947 = tpu.memref_slice %arg13[%rem3A_480, %run_scoped3A_675, %dma_start3A_946] : memref<2x16x125xi32, #tpu.memory_space<vmem>> -> memref<1x1x125xi32, #tpu.memory_space<vmem>>
        %dma_start3A_948 = tpu.memref_squeeze %dma_start3A_947 : memref<1x1x125xi32, #tpu.memory_space<vmem>> -> memref<125xi32, #tpu.memory_space<vmem>>
        %dma_start3A_949 = arith.constant 0 : i32
        %dma_start3A_950 = arith.constant 0 : i32
        %dma_start3A_951 = tpu.memref_slice %arg11[%dma_start3A_949, %dma_start3A_950] : memref<10000x8xf32, #tpu.memory_space<vmem_shared>> -> memref<10000x8xf32, #tpu.memory_space<vmem_shared>>
        tpu.enqueue_indirect_dma source(%arg15 : memref<125x8xf32, #tpu.memory_space<vmem>>) target(%dma_start3A_951 : memref<10000x8xf32, #tpu.memory_space<vmem_shared>>) offsets(%dma_start3A_948 : memref<125xi32, #tpu.memory_space<vmem>>) semaphore(%run_scoped3A_945 : memref<!tpu.dma_semaphore, #tpu.memory_space<semaphore_mem>>) {add = true}
        %dma_wait3A_952 = arith.constant 0 : i32
        %dma_wait3A_953 = tpu.memref_slice %arg13[%rem3A_480, %run_scoped3A_675, %dma_wait3A_952] : memref<2x16x125xi32, #tpu.memory_space<vmem>> -> memref<1x1x125xi32, #tpu.memory_space<vmem>>
        %dma_wait3A_954 = tpu.memref_squeeze %dma_wait3A_953 : memref<1x1x125xi32, #tpu.memory_space<vmem>> -> memref<125xi32, #tpu.memory_space<vmem>>
        %dma_wait3A_955 = arith.constant 0 : i32
        %dma_wait3A_956 = arith.constant 0 : i32
        %dma_wait3A_957 = tpu.memref_slice %arg11[%dma_wait3A_955, %dma_wait3A_956] : memref<10000x8xf32, #tpu.memory_space<vmem_shared>> -> memref<10000x8xf32, #tpu.memory_space<vmem_shared>>
        tpu.wait_indirect_dma semaphore(%run_scoped3A_945 : memref<!tpu.dma_semaphore, #tpu.memory_space<semaphore_mem>>) src(%arg15 : memref<125x8xf32, #tpu.memory_space<vmem>>) dst(%dma_wait3A_957 : memref<10000x8xf32, #tpu.memory_space<vmem_shared>>)
        tpu.yield
      }) : () -> ()
      %dma_start3A_676 = arith.constant 8 : i32
      %dma_start3A_677 = arith.constant 0 : i32
      %dma_start3A_678 = arith.constant 0 : i32
      %dma_start3A_679 = arith.constant 0 : i32
      %dma_start3A_680 = tpu.memref_slice %arg14[%dma_start3A_677, %dma_start3A_678, %dma_start3A_679] : memref<2x125x128xf32, #tpu.memory_space<vmem>> -> memref<1x125x128xf32, #tpu.memory_space<vmem>>
      %dma_start3A_681 = tpu.memref_squeeze %dma_start3A_680 : memref<1x125x128xf32, #tpu.memory_space<vmem>> -> memref<125x128xf32, #tpu.memory_space<vmem>>
      %dma_start3A_682 = arith.constant 0 : i32
      %dma_start3A_683 = tpu.memref_slice %arg12[%rem3A_480, %dma_start3A_676, %dma_start3A_682] : memref<2x16x125xi32, #tpu.memory_space<vmem>> -> memref<1x1x125xi32, #tpu.memory_space<vmem>>
      %dma_start3A_684 = tpu.memref_squeeze %dma_start3A_683 : memref<1x1x125xi32, #tpu.memory_space<vmem>> -> memref<125xi32, #tpu.memory_space<vmem>>
      %dma_start3A_685 = arith.constant 0 : i32
      %dma_start3A_686 = arith.constant 0 : i32
      %dma_start3A_687 = tpu.memref_slice %arg4[%dma_start3A_685, %dma_start3A_686] : memref<10000x128xf32, #tpu.memory_space<hbm>> -> memref<10000x128xf32, #tpu.memory_space<hbm>>
      tpu.enqueue_indirect_dma source(%dma_start3A_687 : memref<10000x128xf32, #tpu.memory_space<hbm>>) target(%dma_start3A_681 : memref<125x128xf32, #tpu.memory_space<vmem>>) offsets(%dma_start3A_684 : memref<125xi32, #tpu.memory_space<vmem>>) semaphore(%arg16 : memref<!tpu.dma_semaphore, #tpu.memory_space<semaphore_mem>>)
      %dma_wait3A_688 = arith.constant 0 : i32
      %dma_wait3A_689 = arith.constant 0 : i32
      %dma_wait3A_690 = arith.constant 1 : i32
      %dma_wait3A_691 = arith.constant 0 : i32
      %dma_wait3A_692 = arith.constant 0 : i32
      %dma_wait3A_693 = tpu.memref_slice %arg14[%dma_wait3A_690, %dma_wait3A_691, %dma_wait3A_692] : memref<2x125x128xf32, #tpu.memory_space<vmem>> -> memref<1x125x128xf32, #tpu.memory_space<vmem>>
      %dma_wait3A_694 = tpu.memref_squeeze %dma_wait3A_693 : memref<1x125x128xf32, #tpu.memory_space<vmem>> -> memref<125x128xf32, #tpu.memory_space<vmem>>
      %dma_wait3A_695 = arith.constant 0 : i32
      %dma_wait3A_696 = tpu.memref_slice %arg12[%dma_wait3A_688, %dma_wait3A_689, %dma_wait3A_695] : memref<2x16x125xi32, #tpu.memory_space<vmem>> -> memref<1x1x125xi32, #tpu.memory_space<vmem>>
      %dma_wait3A_697 = tpu.memref_squeeze %dma_wait3A_696 : memref<1x1x125xi32, #tpu.memory_space<vmem>> -> memref<125xi32, #tpu.memory_space<vmem>>
      %dma_wait3A_698 = arith.constant 0 : i32
      %dma_wait3A_699 = arith.constant 0 : i32
      %dma_wait3A_700 = tpu.memref_slice %arg4[%dma_wait3A_698, %dma_wait3A_699] : memref<10000x128xf32, #tpu.memory_space<hbm>> -> memref<10000x128xf32, #tpu.memory_space<hbm>>
      tpu.wait_indirect_dma semaphore(%arg17 : memref<!tpu.dma_semaphore, #tpu.memory_space<semaphore_mem>>) src(%dma_wait3A_700 : memref<10000x128xf32, #tpu.memory_space<hbm>>) dst(%dma_wait3A_694 : memref<125x128xf32, #tpu.memory_space<vmem>>)
      %run_scoped3A_701 = arith.constant 1 : i32
      %run_scoped3A_702 = arith.constant 7 : i32
      "tpu.region"() ({
        %run_scoped3A_945 = tpu.sem_alloc : memref<!tpu.dma_semaphore, #tpu.memory_space<semaphore_mem>>
        %dma_start3A_946 = arith.constant 0 : i32
        %dma_start3A_947 = arith.constant 0 : i32
        %dma_start3A_948 = tpu.memref_slice %arg14[%run_scoped3A_701, %dma_start3A_946, %dma_start3A_947] : memref<2x125x128xf32, #tpu.memory_space<vmem>> -> memref<1x125x128xf32, #tpu.memory_space<vmem>>
        %dma_start3A_949 = tpu.memref_squeeze %dma_start3A_948 : memref<1x125x128xf32, #tpu.memory_space<vmem>> -> memref<125x128xf32, #tpu.memory_space<vmem>>
        %dma_start3A_950 = arith.constant 0 : i32
        %dma_start3A_951 = tpu.memref_slice %arg13[%rem3A_480, %run_scoped3A_702, %dma_start3A_950] : memref<2x16x125xi32, #tpu.memory_space<vmem>> -> memref<1x1x125xi32, #tpu.memory_space<vmem>>
        %dma_start3A_952 = tpu.memref_squeeze %dma_start3A_951 : memref<1x1x125xi32, #tpu.memory_space<vmem>> -> memref<125xi32, #tpu.memory_space<vmem>>
        %dma_start3A_953 = arith.constant 0 : i32
        %dma_start3A_954 = arith.constant 0 : i32
        %dma_start3A_955 = tpu.memref_slice %arg10[%dma_start3A_953, %dma_start3A_954] : memref<10000x128xf32, #tpu.memory_space<vmem_shared>> -> memref<10000x128xf32, #tpu.memory_space<vmem_shared>>
        tpu.enqueue_indirect_dma source(%dma_start3A_949 : memref<125x128xf32, #tpu.memory_space<vmem>>) target(%dma_start3A_955 : memref<10000x128xf32, #tpu.memory_space<vmem_shared>>) offsets(%dma_start3A_952 : memref<125xi32, #tpu.memory_space<vmem>>) semaphore(%run_scoped3A_945 : memref<!tpu.dma_semaphore, #tpu.memory_space<semaphore_mem>>) {add = true}
        %dma_wait3A_956 = arith.constant 0 : i32
        %dma_wait3A_957 = arith.constant 0 : i32
        %dma_wait3A_958 = tpu.memref_slice %arg14[%run_scoped3A_701, %dma_wait3A_956, %dma_wait3A_957] : memref<2x125x128xf32, #tpu.memory_space<vmem>> -> memref<1x125x128xf32, #tpu.memory_space<vmem>>
        %dma_wait3A_959 = tpu.memref_squeeze %dma_wait3A_958 : memref<1x125x128xf32, #tpu.memory_space<vmem>> -> memref<125x128xf32, #tpu.memory_space<vmem>>
        %dma_wait3A_960 = arith.constant 0 : i32
        %dma_wait3A_961 = tpu.memref_slice %arg13[%rem3A_480, %run_scoped3A_702, %dma_wait3A_960] : memref<2x16x125xi32, #tpu.memory_space<vmem>> -> memref<1x1x125xi32, #tpu.memory_space<vmem>>
        %dma_wait3A_962 = tpu.memref_squeeze %dma_wait3A_961 : memref<1x1x125xi32, #tpu.memory_space<vmem>> -> memref<125xi32, #tpu.memory_space<vmem>>
        %dma_wait3A_963 = arith.constant 0 : i32
        %dma_wait3A_964 = arith.constant 0 : i32
        %dma_wait3A_965 = tpu.memref_slice %arg10[%dma_wait3A_963, %dma_wait3A_964] : memref<10000x128xf32, #tpu.memory_space<vmem_shared>> -> memref<10000x128xf32, #tpu.memory_space<vmem_shared>>
        tpu.wait_indirect_dma semaphore(%run_scoped3A_945 : memref<!tpu.dma_semaphore, #tpu.memory_space<semaphore_mem>>) src(%dma_wait3A_959 : memref<125x128xf32, #tpu.memory_space<vmem>>) dst(%dma_wait3A_965 : memref<10000x128xf32, #tpu.memory_space<vmem_shared>>)
        tpu.yield
      }) : () -> ()
      %run_scoped3A_703 = arith.constant 7 : i32
      "tpu.region"() ({
        %run_scoped3A_945 = tpu.sem_alloc : memref<!tpu.dma_semaphore, #tpu.memory_space<semaphore_mem>>
        %dma_start3A_946 = arith.constant 0 : i32
        %dma_start3A_947 = tpu.memref_slice %arg13[%rem3A_480, %run_scoped3A_703, %dma_start3A_946] : memref<2x16x125xi32, #tpu.memory_space<vmem>> -> memref<1x1x125xi32, #tpu.memory_space<vmem>>
        %dma_start3A_948 = tpu.memref_squeeze %dma_start3A_947 : memref<1x1x125xi32, #tpu.memory_space<vmem>> -> memref<125xi32, #tpu.memory_space<vmem>>
        %dma_start3A_949 = arith.constant 0 : i32
        %dma_start3A_950 = arith.constant 0 : i32
        %dma_start3A_951 = tpu.memref_slice %arg11[%dma_start3A_949, %dma_start3A_950] : memref<10000x8xf32, #tpu.memory_space<vmem_shared>> -> memref<10000x8xf32, #tpu.memory_space<vmem_shared>>
        tpu.enqueue_indirect_dma source(%arg15 : memref<125x8xf32, #tpu.memory_space<vmem>>) target(%dma_start3A_951 : memref<10000x8xf32, #tpu.memory_space<vmem_shared>>) offsets(%dma_start3A_948 : memref<125xi32, #tpu.memory_space<vmem>>) semaphore(%run_scoped3A_945 : memref<!tpu.dma_semaphore, #tpu.memory_space<semaphore_mem>>) {add = true}
        %dma_wait3A_952 = arith.constant 0 : i32
        %dma_wait3A_953 = tpu.memref_slice %arg13[%rem3A_480, %run_scoped3A_703, %dma_wait3A_952] : memref<2x16x125xi32, #tpu.memory_space<vmem>> -> memref<1x1x125xi32, #tpu.memory_space<vmem>>
        %dma_wait3A_954 = tpu.memref_squeeze %dma_wait3A_953 : memref<1x1x125xi32, #tpu.memory_space<vmem>> -> memref<125xi32, #tpu.memory_space<vmem>>
        %dma_wait3A_955 = arith.constant 0 : i32
        %dma_wait3A_956 = arith.constant 0 : i32
        %dma_wait3A_957 = tpu.memref_slice %arg11[%dma_wait3A_955, %dma_wait3A_956] : memref<10000x8xf32, #tpu.memory_space<vmem_shared>> -> memref<10000x8xf32, #tpu.memory_space<vmem_shared>>
        tpu.wait_indirect_dma semaphore(%run_scoped3A_945 : memref<!tpu.dma_semaphore, #tpu.memory_space<semaphore_mem>>) src(%arg15 : memref<125x8xf32, #tpu.memory_space<vmem>>) dst(%dma_wait3A_957 : memref<10000x8xf32, #tpu.memory_space<vmem_shared>>)
        tpu.yield
      }) : () -> ()
      %dma_start3A_704 = arith.constant 9 : i32
      %dma_start3A_705 = arith.constant 1 : i32
      %dma_start3A_706 = arith.constant 0 : i32
      %dma_start3A_707 = arith.constant 0 : i32
      %dma_start3A_708 = tpu.memref_slice %arg14[%dma_start3A_705, %dma_start3A_706, %dma_start3A_707] : memref<2x125x128xf32, #tpu.memory_space<vmem>> -> memref<1x125x128xf32, #tpu.memory_space<vmem>>
      %dma_start3A_709 = tpu.memref_squeeze %dma_start3A_708 : memref<1x125x128xf32, #tpu.memory_space<vmem>> -> memref<125x128xf32, #tpu.memory_space<vmem>>
      %dma_start3A_710 = arith.constant 0 : i32
      %dma_start3A_711 = tpu.memref_slice %arg12[%rem3A_480, %dma_start3A_704, %dma_start3A_710] : memref<2x16x125xi32, #tpu.memory_space<vmem>> -> memref<1x1x125xi32, #tpu.memory_space<vmem>>
      %dma_start3A_712 = tpu.memref_squeeze %dma_start3A_711 : memref<1x1x125xi32, #tpu.memory_space<vmem>> -> memref<125xi32, #tpu.memory_space<vmem>>
      %dma_start3A_713 = arith.constant 0 : i32
      %dma_start3A_714 = arith.constant 0 : i32
      %dma_start3A_715 = tpu.memref_slice %arg4[%dma_start3A_713, %dma_start3A_714] : memref<10000x128xf32, #tpu.memory_space<hbm>> -> memref<10000x128xf32, #tpu.memory_space<hbm>>
      tpu.enqueue_indirect_dma source(%dma_start3A_715 : memref<10000x128xf32, #tpu.memory_space<hbm>>) target(%dma_start3A_709 : memref<125x128xf32, #tpu.memory_space<vmem>>) offsets(%dma_start3A_712 : memref<125xi32, #tpu.memory_space<vmem>>) semaphore(%arg17 : memref<!tpu.dma_semaphore, #tpu.memory_space<semaphore_mem>>)
      %dma_wait3A_716 = arith.constant 0 : i32
      %dma_wait3A_717 = arith.constant 0 : i32
      %dma_wait3A_718 = arith.constant 0 : i32
      %dma_wait3A_719 = arith.constant 0 : i32
      %dma_wait3A_720 = arith.constant 0 : i32
      %dma_wait3A_721 = tpu.memref_slice %arg14[%dma_wait3A_718, %dma_wait3A_719, %dma_wait3A_720] : memref<2x125x128xf32, #tpu.memory_space<vmem>> -> memref<1x125x128xf32, #tpu.memory_space<vmem>>
      %dma_wait3A_722 = tpu.memref_squeeze %dma_wait3A_721 : memref<1x125x128xf32, #tpu.memory_space<vmem>> -> memref<125x128xf32, #tpu.memory_space<vmem>>
      %dma_wait3A_723 = arith.constant 0 : i32
      %dma_wait3A_724 = tpu.memref_slice %arg12[%dma_wait3A_716, %dma_wait3A_717, %dma_wait3A_723] : memref<2x16x125xi32, #tpu.memory_space<vmem>> -> memref<1x1x125xi32, #tpu.memory_space<vmem>>
      %dma_wait3A_725 = tpu.memref_squeeze %dma_wait3A_724 : memref<1x1x125xi32, #tpu.memory_space<vmem>> -> memref<125xi32, #tpu.memory_space<vmem>>
      %dma_wait3A_726 = arith.constant 0 : i32
      %dma_wait3A_727 = arith.constant 0 : i32
      %dma_wait3A_728 = tpu.memref_slice %arg4[%dma_wait3A_726, %dma_wait3A_727] : memref<10000x128xf32, #tpu.memory_space<hbm>> -> memref<10000x128xf32, #tpu.memory_space<hbm>>
      tpu.wait_indirect_dma semaphore(%arg16 : memref<!tpu.dma_semaphore, #tpu.memory_space<semaphore_mem>>) src(%dma_wait3A_728 : memref<10000x128xf32, #tpu.memory_space<hbm>>) dst(%dma_wait3A_722 : memref<125x128xf32, #tpu.memory_space<vmem>>)
      %run_scoped3A_729 = arith.constant 0 : i32
      %run_scoped3A_730 = arith.constant 8 : i32
      "tpu.region"() ({
        %run_scoped3A_945 = tpu.sem_alloc : memref<!tpu.dma_semaphore, #tpu.memory_space<semaphore_mem>>
        %dma_start3A_946 = arith.constant 0 : i32
        %dma_start3A_947 = arith.constant 0 : i32
        %dma_start3A_948 = tpu.memref_slice %arg14[%run_scoped3A_729, %dma_start3A_946, %dma_start3A_947] : memref<2x125x128xf32, #tpu.memory_space<vmem>> -> memref<1x125x128xf32, #tpu.memory_space<vmem>>
        %dma_start3A_949 = tpu.memref_squeeze %dma_start3A_948 : memref<1x125x128xf32, #tpu.memory_space<vmem>> -> memref<125x128xf32, #tpu.memory_space<vmem>>
        %dma_start3A_950 = arith.constant 0 : i32
        %dma_start3A_951 = tpu.memref_slice %arg13[%rem3A_480, %run_scoped3A_730, %dma_start3A_950] : memref<2x16x125xi32, #tpu.memory_space<vmem>> -> memref<1x1x125xi32, #tpu.memory_space<vmem>>
        %dma_start3A_952 = tpu.memref_squeeze %dma_start3A_951 : memref<1x1x125xi32, #tpu.memory_space<vmem>> -> memref<125xi32, #tpu.memory_space<vmem>>
        %dma_start3A_953 = arith.constant 0 : i32
        %dma_start3A_954 = arith.constant 0 : i32
        %dma_start3A_955 = tpu.memref_slice %arg10[%dma_start3A_953, %dma_start3A_954] : memref<10000x128xf32, #tpu.memory_space<vmem_shared>> -> memref<10000x128xf32, #tpu.memory_space<vmem_shared>>
        tpu.enqueue_indirect_dma source(%dma_start3A_949 : memref<125x128xf32, #tpu.memory_space<vmem>>) target(%dma_start3A_955 : memref<10000x128xf32, #tpu.memory_space<vmem_shared>>) offsets(%dma_start3A_952 : memref<125xi32, #tpu.memory_space<vmem>>) semaphore(%run_scoped3A_945 : memref<!tpu.dma_semaphore, #tpu.memory_space<semaphore_mem>>) {add = true}
        %dma_wait3A_956 = arith.constant 0 : i32
        %dma_wait3A_957 = arith.constant 0 : i32
        %dma_wait3A_958 = tpu.memref_slice %arg14[%run_scoped3A_729, %dma_wait3A_956, %dma_wait3A_957] : memref<2x125x128xf32, #tpu.memory_space<vmem>> -> memref<1x125x128xf32, #tpu.memory_space<vmem>>
        %dma_wait3A_959 = tpu.memref_squeeze %dma_wait3A_958 : memref<1x125x128xf32, #tpu.memory_space<vmem>> -> memref<125x128xf32, #tpu.memory_space<vmem>>
        %dma_wait3A_960 = arith.constant 0 : i32
        %dma_wait3A_961 = tpu.memref_slice %arg13[%rem3A_480, %run_scoped3A_730, %dma_wait3A_960] : memref<2x16x125xi32, #tpu.memory_space<vmem>> -> memref<1x1x125xi32, #tpu.memory_space<vmem>>
        %dma_wait3A_962 = tpu.memref_squeeze %dma_wait3A_961 : memref<1x1x125xi32, #tpu.memory_space<vmem>> -> memref<125xi32, #tpu.memory_space<vmem>>
        %dma_wait3A_963 = arith.constant 0 : i32
        %dma_wait3A_964 = arith.constant 0 : i32
        %dma_wait3A_965 = tpu.memref_slice %arg10[%dma_wait3A_963, %dma_wait3A_964] : memref<10000x128xf32, #tpu.memory_space<vmem_shared>> -> memref<10000x128xf32, #tpu.memory_space<vmem_shared>>
        tpu.wait_indirect_dma semaphore(%run_scoped3A_945 : memref<!tpu.dma_semaphore, #tpu.memory_space<semaphore_mem>>) src(%dma_wait3A_959 : memref<125x128xf32, #tpu.memory_space<vmem>>) dst(%dma_wait3A_965 : memref<10000x128xf32, #tpu.memory_space<vmem_shared>>)
        tpu.yield
      }) : () -> ()
      %run_scoped3A_731 = arith.constant 8 : i32
      "tpu.region"() ({
        %run_scoped3A_945 = tpu.sem_alloc : memref<!tpu.dma_semaphore, #tpu.memory_space<semaphore_mem>>
        %dma_start3A_946 = arith.constant 0 : i32
        %dma_start3A_947 = tpu.memref_slice %arg13[%rem3A_480, %run_scoped3A_731, %dma_start3A_946] : memref<2x16x125xi32, #tpu.memory_space<vmem>> -> memref<1x1x125xi32, #tpu.memory_space<vmem>>
        %dma_start3A_948 = tpu.memref_squeeze %dma_start3A_947 : memref<1x1x125xi32, #tpu.memory_space<vmem>> -> memref<125xi32, #tpu.memory_space<vmem>>
        %dma_start3A_949 = arith.constant 0 : i32
        %dma_start3A_950 = arith.constant 0 : i32
        %dma_start3A_951 = tpu.memref_slice %arg11[%dma_start3A_949, %dma_start3A_950] : memref<10000x8xf32, #tpu.memory_space<vmem_shared>> -> memref<10000x8xf32, #tpu.memory_space<vmem_shared>>
        tpu.enqueue_indirect_dma source(%arg15 : memref<125x8xf32, #tpu.memory_space<vmem>>) target(%dma_start3A_951 : memref<10000x8xf32, #tpu.memory_space<vmem_shared>>) offsets(%dma_start3A_948 : memref<125xi32, #tpu.memory_space<vmem>>) semaphore(%run_scoped3A_945 : memref<!tpu.dma_semaphore, #tpu.memory_space<semaphore_mem>>) {add = true}
        %dma_wait3A_952 = arith.constant 0 : i32
        %dma_wait3A_953 = tpu.memref_slice %arg13[%rem3A_480, %run_scoped3A_731, %dma_wait3A_952] : memref<2x16x125xi32, #tpu.memory_space<vmem>> -> memref<1x1x125xi32, #tpu.memory_space<vmem>>
        %dma_wait3A_954 = tpu.memref_squeeze %dma_wait3A_953 : memref<1x1x125xi32, #tpu.memory_space<vmem>> -> memref<125xi32, #tpu.memory_space<vmem>>
        %dma_wait3A_955 = arith.constant 0 : i32
        %dma_wait3A_956 = arith.constant 0 : i32
        %dma_wait3A_957 = tpu.memref_slice %arg11[%dma_wait3A_955, %dma_wait3A_956] : memref<10000x8xf32, #tpu.memory_space<vmem_shared>> -> memref<10000x8xf32, #tpu.memory_space<vmem_shared>>
        tpu.wait_indirect_dma semaphore(%run_scoped3A_945 : memref<!tpu.dma_semaphore, #tpu.memory_space<semaphore_mem>>) src(%arg15 : memref<125x8xf32, #tpu.memory_space<vmem>>) dst(%dma_wait3A_957 : memref<10000x8xf32, #tpu.memory_space<vmem_shared>>)
        tpu.yield
      }) : () -> ()
      %dma_start3A_732 = arith.constant 10 : i32
      %dma_start3A_733 = arith.constant 0 : i32
      %dma_start3A_734 = arith.constant 0 : i32
      %dma_start3A_735 = arith.constant 0 : i32
      %dma_start3A_736 = tpu.memref_slice %arg14[%dma_start3A_733, %dma_start3A_734, %dma_start3A_735] : memref<2x125x128xf32, #tpu.memory_space<vmem>> -> memref<1x125x128xf32, #tpu.memory_space<vmem>>
      %dma_start3A_737 = tpu.memref_squeeze %dma_start3A_736 : memref<1x125x128xf32, #tpu.memory_space<vmem>> -> memref<125x128xf32, #tpu.memory_space<vmem>>
      %dma_start3A_738 = arith.constant 0 : i32
      %dma_start3A_739 = tpu.memref_slice %arg12[%rem3A_480, %dma_start3A_732, %dma_start3A_738] : memref<2x16x125xi32, #tpu.memory_space<vmem>> -> memref<1x1x125xi32, #tpu.memory_space<vmem>>
      %dma_start3A_740 = tpu.memref_squeeze %dma_start3A_739 : memref<1x1x125xi32, #tpu.memory_space<vmem>> -> memref<125xi32, #tpu.memory_space<vmem>>
      %dma_start3A_741 = arith.constant 0 : i32
      %dma_start3A_742 = arith.constant 0 : i32
      %dma_start3A_743 = tpu.memref_slice %arg4[%dma_start3A_741, %dma_start3A_742] : memref<10000x128xf32, #tpu.memory_space<hbm>> -> memref<10000x128xf32, #tpu.memory_space<hbm>>
      tpu.enqueue_indirect_dma source(%dma_start3A_743 : memref<10000x128xf32, #tpu.memory_space<hbm>>) target(%dma_start3A_737 : memref<125x128xf32, #tpu.memory_space<vmem>>) offsets(%dma_start3A_740 : memref<125xi32, #tpu.memory_space<vmem>>) semaphore(%arg16 : memref<!tpu.dma_semaphore, #tpu.memory_space<semaphore_mem>>)
      %dma_wait3A_744 = arith.constant 0 : i32
      %dma_wait3A_745 = arith.constant 0 : i32
      %dma_wait3A_746 = arith.constant 1 : i32
      %dma_wait3A_747 = arith.constant 0 : i32
      %dma_wait3A_748 = arith.constant 0 : i32
      %dma_wait3A_749 = tpu.memref_slice %arg14[%dma_wait3A_746, %dma_wait3A_747, %dma_wait3A_748] : memref<2x125x128xf32, #tpu.memory_space<vmem>> -> memref<1x125x128xf32, #tpu.memory_space<vmem>>
      %dma_wait3A_750 = tpu.memref_squeeze %dma_wait3A_749 : memref<1x125x128xf32, #tpu.memory_space<vmem>> -> memref<125x128xf32, #tpu.memory_space<vmem>>
      %dma_wait3A_751 = arith.constant 0 : i32
      %dma_wait3A_752 = tpu.memref_slice %arg12[%dma_wait3A_744, %dma_wait3A_745, %dma_wait3A_751] : memref<2x16x125xi32, #tpu.memory_space<vmem>> -> memref<1x1x125xi32, #tpu.memory_space<vmem>>
      %dma_wait3A_753 = tpu.memref_squeeze %dma_wait3A_752 : memref<1x1x125xi32, #tpu.memory_space<vmem>> -> memref<125xi32, #tpu.memory_space<vmem>>
      %dma_wait3A_754 = arith.constant 0 : i32
      %dma_wait3A_755 = arith.constant 0 : i32
      %dma_wait3A_756 = tpu.memref_slice %arg4[%dma_wait3A_754, %dma_wait3A_755] : memref<10000x128xf32, #tpu.memory_space<hbm>> -> memref<10000x128xf32, #tpu.memory_space<hbm>>
      tpu.wait_indirect_dma semaphore(%arg17 : memref<!tpu.dma_semaphore, #tpu.memory_space<semaphore_mem>>) src(%dma_wait3A_756 : memref<10000x128xf32, #tpu.memory_space<hbm>>) dst(%dma_wait3A_750 : memref<125x128xf32, #tpu.memory_space<vmem>>)
      %run_scoped3A_757 = arith.constant 1 : i32
      %run_scoped3A_758 = arith.constant 9 : i32
      "tpu.region"() ({
        %run_scoped3A_945 = tpu.sem_alloc : memref<!tpu.dma_semaphore, #tpu.memory_space<semaphore_mem>>
        %dma_start3A_946 = arith.constant 0 : i32
        %dma_start3A_947 = arith.constant 0 : i32
        %dma_start3A_948 = tpu.memref_slice %arg14[%run_scoped3A_757, %dma_start3A_946, %dma_start3A_947] : memref<2x125x128xf32, #tpu.memory_space<vmem>> -> memref<1x125x128xf32, #tpu.memory_space<vmem>>
        %dma_start3A_949 = tpu.memref_squeeze %dma_start3A_948 : memref<1x125x128xf32, #tpu.memory_space<vmem>> -> memref<125x128xf32, #tpu.memory_space<vmem>>
        %dma_start3A_950 = arith.constant 0 : i32
        %dma_start3A_951 = tpu.memref_slice %arg13[%rem3A_480, %run_scoped3A_758, %dma_start3A_950] : memref<2x16x125xi32, #tpu.memory_space<vmem>> -> memref<1x1x125xi32, #tpu.memory_space<vmem>>
        %dma_start3A_952 = tpu.memref_squeeze %dma_start3A_951 : memref<1x1x125xi32, #tpu.memory_space<vmem>> -> memref<125xi32, #tpu.memory_space<vmem>>
        %dma_start3A_953 = arith.constant 0 : i32
        %dma_start3A_954 = arith.constant 0 : i32
        %dma_start3A_955 = tpu.memref_slice %arg10[%dma_start3A_953, %dma_start3A_954] : memref<10000x128xf32, #tpu.memory_space<vmem_shared>> -> memref<10000x128xf32, #tpu.memory_space<vmem_shared>>
        tpu.enqueue_indirect_dma source(%dma_start3A_949 : memref<125x128xf32, #tpu.memory_space<vmem>>) target(%dma_start3A_955 : memref<10000x128xf32, #tpu.memory_space<vmem_shared>>) offsets(%dma_start3A_952 : memref<125xi32, #tpu.memory_space<vmem>>) semaphore(%run_scoped3A_945 : memref<!tpu.dma_semaphore, #tpu.memory_space<semaphore_mem>>) {add = true}
        %dma_wait3A_956 = arith.constant 0 : i32
        %dma_wait3A_957 = arith.constant 0 : i32
        %dma_wait3A_958 = tpu.memref_slice %arg14[%run_scoped3A_757, %dma_wait3A_956, %dma_wait3A_957] : memref<2x125x128xf32, #tpu.memory_space<vmem>> -> memref<1x125x128xf32, #tpu.memory_space<vmem>>
        %dma_wait3A_959 = tpu.memref_squeeze %dma_wait3A_958 : memref<1x125x128xf32, #tpu.memory_space<vmem>> -> memref<125x128xf32, #tpu.memory_space<vmem>>
        %dma_wait3A_960 = arith.constant 0 : i32
        %dma_wait3A_961 = tpu.memref_slice %arg13[%rem3A_480, %run_scoped3A_758, %dma_wait3A_960] : memref<2x16x125xi32, #tpu.memory_space<vmem>> -> memref<1x1x125xi32, #tpu.memory_space<vmem>>
        %dma_wait3A_962 = tpu.memref_squeeze %dma_wait3A_961 : memref<1x1x125xi32, #tpu.memory_space<vmem>> -> memref<125xi32, #tpu.memory_space<vmem>>
        %dma_wait3A_963 = arith.constant 0 : i32
        %dma_wait3A_964 = arith.constant 0 : i32
        %dma_wait3A_965 = tpu.memref_slice %arg10[%dma_wait3A_963, %dma_wait3A_964] : memref<10000x128xf32, #tpu.memory_space<vmem_shared>> -> memref<10000x128xf32, #tpu.memory_space<vmem_shared>>
        tpu.wait_indirect_dma semaphore(%run_scoped3A_945 : memref<!tpu.dma_semaphore, #tpu.memory_space<semaphore_mem>>) src(%dma_wait3A_959 : memref<125x128xf32, #tpu.memory_space<vmem>>) dst(%dma_wait3A_965 : memref<10000x128xf32, #tpu.memory_space<vmem_shared>>)
        tpu.yield
      }) : () -> ()
      %run_scoped3A_759 = arith.constant 9 : i32
      "tpu.region"() ({
        %run_scoped3A_945 = tpu.sem_alloc : memref<!tpu.dma_semaphore, #tpu.memory_space<semaphore_mem>>
        %dma_start3A_946 = arith.constant 0 : i32
        %dma_start3A_947 = tpu.memref_slice %arg13[%rem3A_480, %run_scoped3A_759, %dma_start3A_946] : memref<2x16x125xi32, #tpu.memory_space<vmem>> -> memref<1x1x125xi32, #tpu.memory_space<vmem>>
        %dma_start3A_948 = tpu.memref_squeeze %dma_start3A_947 : memref<1x1x125xi32, #tpu.memory_space<vmem>> -> memref<125xi32, #tpu.memory_space<vmem>>
        %dma_start3A_949 = arith.constant 0 : i32
        %dma_start3A_950 = arith.constant 0 : i32
        %dma_start3A_951 = tpu.memref_slice %arg11[%dma_start3A_949, %dma_start3A_950] : memref<10000x8xf32, #tpu.memory_space<vmem_shared>> -> memref<10000x8xf32, #tpu.memory_space<vmem_shared>>
        tpu.enqueue_indirect_dma source(%arg15 : memref<125x8xf32, #tpu.memory_space<vmem>>) target(%dma_start3A_951 : memref<10000x8xf32, #tpu.memory_space<vmem_shared>>) offsets(%dma_start3A_948 : memref<125xi32, #tpu.memory_space<vmem>>) semaphore(%run_scoped3A_945 : memref<!tpu.dma_semaphore, #tpu.memory_space<semaphore_mem>>) {add = true}
        %dma_wait3A_952 = arith.constant 0 : i32
        %dma_wait3A_953 = tpu.memref_slice %arg13[%rem3A_480, %run_scoped3A_759, %dma_wait3A_952] : memref<2x16x125xi32, #tpu.memory_space<vmem>> -> memref<1x1x125xi32, #tpu.memory_space<vmem>>
        %dma_wait3A_954 = tpu.memref_squeeze %dma_wait3A_953 : memref<1x1x125xi32, #tpu.memory_space<vmem>> -> memref<125xi32, #tpu.memory_space<vmem>>
        %dma_wait3A_955 = arith.constant 0 : i32
        %dma_wait3A_956 = arith.constant 0 : i32
        %dma_wait3A_957 = tpu.memref_slice %arg11[%dma_wait3A_955, %dma_wait3A_956] : memref<10000x8xf32, #tpu.memory_space<vmem_shared>> -> memref<10000x8xf32, #tpu.memory_space<vmem_shared>>
        tpu.wait_indirect_dma semaphore(%run_scoped3A_945 : memref<!tpu.dma_semaphore, #tpu.memory_space<semaphore_mem>>) src(%arg15 : memref<125x8xf32, #tpu.memory_space<vmem>>) dst(%dma_wait3A_957 : memref<10000x8xf32, #tpu.memory_space<vmem_shared>>)
        tpu.yield
      }) : () -> ()
      %dma_start3A_760 = arith.constant 11 : i32
      %dma_start3A_761 = arith.constant 1 : i32
      %dma_start3A_762 = arith.constant 0 : i32
      %dma_start3A_763 = arith.constant 0 : i32
      %dma_start3A_764 = tpu.memref_slice %arg14[%dma_start3A_761, %dma_start3A_762, %dma_start3A_763] : memref<2x125x128xf32, #tpu.memory_space<vmem>> -> memref<1x125x128xf32, #tpu.memory_space<vmem>>
      %dma_start3A_765 = tpu.memref_squeeze %dma_start3A_764 : memref<1x125x128xf32, #tpu.memory_space<vmem>> -> memref<125x128xf32, #tpu.memory_space<vmem>>
      %dma_start3A_766 = arith.constant 0 : i32
      %dma_start3A_767 = tpu.memref_slice %arg12[%rem3A_480, %dma_start3A_760, %dma_start3A_766] : memref<2x16x125xi32, #tpu.memory_space<vmem>> -> memref<1x1x125xi32, #tpu.memory_space<vmem>>
      %dma_start3A_768 = tpu.memref_squeeze %dma_start3A_767 : memref<1x1x125xi32, #tpu.memory_space<vmem>> -> memref<125xi32, #tpu.memory_space<vmem>>
      %dma_start3A_769 = arith.constant 0 : i32
      %dma_start3A_770 = arith.constant 0 : i32
      %dma_start3A_771 = tpu.memref_slice %arg4[%dma_start3A_769, %dma_start3A_770] : memref<10000x128xf32, #tpu.memory_space<hbm>> -> memref<10000x128xf32, #tpu.memory_space<hbm>>
      tpu.enqueue_indirect_dma source(%dma_start3A_771 : memref<10000x128xf32, #tpu.memory_space<hbm>>) target(%dma_start3A_765 : memref<125x128xf32, #tpu.memory_space<vmem>>) offsets(%dma_start3A_768 : memref<125xi32, #tpu.memory_space<vmem>>) semaphore(%arg17 : memref<!tpu.dma_semaphore, #tpu.memory_space<semaphore_mem>>)
      %dma_wait3A_772 = arith.constant 0 : i32
      %dma_wait3A_773 = arith.constant 0 : i32
      %dma_wait3A_774 = arith.constant 0 : i32
      %dma_wait3A_775 = arith.constant 0 : i32
      %dma_wait3A_776 = arith.constant 0 : i32
      %dma_wait3A_777 = tpu.memref_slice %arg14[%dma_wait3A_774, %dma_wait3A_775, %dma_wait3A_776] : memref<2x125x128xf32, #tpu.memory_space<vmem>> -> memref<1x125x128xf32, #tpu.memory_space<vmem>>
      %dma_wait3A_778 = tpu.memref_squeeze %dma_wait3A_777 : memref<1x125x128xf32, #tpu.memory_space<vmem>> -> memref<125x128xf32, #tpu.memory_space<vmem>>
      %dma_wait3A_779 = arith.constant 0 : i32
      %dma_wait3A_780 = tpu.memref_slice %arg12[%dma_wait3A_772, %dma_wait3A_773, %dma_wait3A_779] : memref<2x16x125xi32, #tpu.memory_space<vmem>> -> memref<1x1x125xi32, #tpu.memory_space<vmem>>
      %dma_wait3A_781 = tpu.memref_squeeze %dma_wait3A_780 : memref<1x1x125xi32, #tpu.memory_space<vmem>> -> memref<125xi32, #tpu.memory_space<vmem>>
      %dma_wait3A_782 = arith.constant 0 : i32
      %dma_wait3A_783 = arith.constant 0 : i32
      %dma_wait3A_784 = tpu.memref_slice %arg4[%dma_wait3A_782, %dma_wait3A_783] : memref<10000x128xf32, #tpu.memory_space<hbm>> -> memref<10000x128xf32, #tpu.memory_space<hbm>>
      tpu.wait_indirect_dma semaphore(%arg16 : memref<!tpu.dma_semaphore, #tpu.memory_space<semaphore_mem>>) src(%dma_wait3A_784 : memref<10000x128xf32, #tpu.memory_space<hbm>>) dst(%dma_wait3A_778 : memref<125x128xf32, #tpu.memory_space<vmem>>)
      %run_scoped3A_785 = arith.constant 0 : i32
      %run_scoped3A_786 = arith.constant 10 : i32
      "tpu.region"() ({
        %run_scoped3A_945 = tpu.sem_alloc : memref<!tpu.dma_semaphore, #tpu.memory_space<semaphore_mem>>
        %dma_start3A_946 = arith.constant 0 : i32
        %dma_start3A_947 = arith.constant 0 : i32
        %dma_start3A_948 = tpu.memref_slice %arg14[%run_scoped3A_785, %dma_start3A_946, %dma_start3A_947] : memref<2x125x128xf32, #tpu.memory_space<vmem>> -> memref<1x125x128xf32, #tpu.memory_space<vmem>>
        %dma_start3A_949 = tpu.memref_squeeze %dma_start3A_948 : memref<1x125x128xf32, #tpu.memory_space<vmem>> -> memref<125x128xf32, #tpu.memory_space<vmem>>
        %dma_start3A_950 = arith.constant 0 : i32
        %dma_start3A_951 = tpu.memref_slice %arg13[%rem3A_480, %run_scoped3A_786, %dma_start3A_950] : memref<2x16x125xi32, #tpu.memory_space<vmem>> -> memref<1x1x125xi32, #tpu.memory_space<vmem>>
        %dma_start3A_952 = tpu.memref_squeeze %dma_start3A_951 : memref<1x1x125xi32, #tpu.memory_space<vmem>> -> memref<125xi32, #tpu.memory_space<vmem>>
        %dma_start3A_953 = arith.constant 0 : i32
        %dma_start3A_954 = arith.constant 0 : i32
        %dma_start3A_955 = tpu.memref_slice %arg10[%dma_start3A_953, %dma_start3A_954] : memref<10000x128xf32, #tpu.memory_space<vmem_shared>> -> memref<10000x128xf32, #tpu.memory_space<vmem_shared>>
        tpu.enqueue_indirect_dma source(%dma_start3A_949 : memref<125x128xf32, #tpu.memory_space<vmem>>) target(%dma_start3A_955 : memref<10000x128xf32, #tpu.memory_space<vmem_shared>>) offsets(%dma_start3A_952 : memref<125xi32, #tpu.memory_space<vmem>>) semaphore(%run_scoped3A_945 : memref<!tpu.dma_semaphore, #tpu.memory_space<semaphore_mem>>) {add = true}
        %dma_wait3A_956 = arith.constant 0 : i32
        %dma_wait3A_957 = arith.constant 0 : i32
        %dma_wait3A_958 = tpu.memref_slice %arg14[%run_scoped3A_785, %dma_wait3A_956, %dma_wait3A_957] : memref<2x125x128xf32, #tpu.memory_space<vmem>> -> memref<1x125x128xf32, #tpu.memory_space<vmem>>
        %dma_wait3A_959 = tpu.memref_squeeze %dma_wait3A_958 : memref<1x125x128xf32, #tpu.memory_space<vmem>> -> memref<125x128xf32, #tpu.memory_space<vmem>>
        %dma_wait3A_960 = arith.constant 0 : i32
        %dma_wait3A_961 = tpu.memref_slice %arg13[%rem3A_480, %run_scoped3A_786, %dma_wait3A_960] : memref<2x16x125xi32, #tpu.memory_space<vmem>> -> memref<1x1x125xi32, #tpu.memory_space<vmem>>
        %dma_wait3A_962 = tpu.memref_squeeze %dma_wait3A_961 : memref<1x1x125xi32, #tpu.memory_space<vmem>> -> memref<125xi32, #tpu.memory_space<vmem>>
        %dma_wait3A_963 = arith.constant 0 : i32
        %dma_wait3A_964 = arith.constant 0 : i32
        %dma_wait3A_965 = tpu.memref_slice %arg10[%dma_wait3A_963, %dma_wait3A_964] : memref<10000x128xf32, #tpu.memory_space<vmem_shared>> -> memref<10000x128xf32, #tpu.memory_space<vmem_shared>>
        tpu.wait_indirect_dma semaphore(%run_scoped3A_945 : memref<!tpu.dma_semaphore, #tpu.memory_space<semaphore_mem>>) src(%dma_wait3A_959 : memref<125x128xf32, #tpu.memory_space<vmem>>) dst(%dma_wait3A_965 : memref<10000x128xf32, #tpu.memory_space<vmem_shared>>)
        tpu.yield
      }) : () -> ()
      %run_scoped3A_787 = arith.constant 10 : i32
      "tpu.region"() ({
        %run_scoped3A_945 = tpu.sem_alloc : memref<!tpu.dma_semaphore, #tpu.memory_space<semaphore_mem>>
        %dma_start3A_946 = arith.constant 0 : i32
        %dma_start3A_947 = tpu.memref_slice %arg13[%rem3A_480, %run_scoped3A_787, %dma_start3A_946] : memref<2x16x125xi32, #tpu.memory_space<vmem>> -> memref<1x1x125xi32, #tpu.memory_space<vmem>>
        %dma_start3A_948 = tpu.memref_squeeze %dma_start3A_947 : memref<1x1x125xi32, #tpu.memory_space<vmem>> -> memref<125xi32, #tpu.memory_space<vmem>>
        %dma_start3A_949 = arith.constant 0 : i32
        %dma_start3A_950 = arith.constant 0 : i32
        %dma_start3A_951 = tpu.memref_slice %arg11[%dma_start3A_949, %dma_start3A_950] : memref<10000x8xf32, #tpu.memory_space<vmem_shared>> -> memref<10000x8xf32, #tpu.memory_space<vmem_shared>>
        tpu.enqueue_indirect_dma source(%arg15 : memref<125x8xf32, #tpu.memory_space<vmem>>) target(%dma_start3A_951 : memref<10000x8xf32, #tpu.memory_space<vmem_shared>>) offsets(%dma_start3A_948 : memref<125xi32, #tpu.memory_space<vmem>>) semaphore(%run_scoped3A_945 : memref<!tpu.dma_semaphore, #tpu.memory_space<semaphore_mem>>) {add = true}
        %dma_wait3A_952 = arith.constant 0 : i32
        %dma_wait3A_953 = tpu.memref_slice %arg13[%rem3A_480, %run_scoped3A_787, %dma_wait3A_952] : memref<2x16x125xi32, #tpu.memory_space<vmem>> -> memref<1x1x125xi32, #tpu.memory_space<vmem>>
        %dma_wait3A_954 = tpu.memref_squeeze %dma_wait3A_953 : memref<1x1x125xi32, #tpu.memory_space<vmem>> -> memref<125xi32, #tpu.memory_space<vmem>>
        %dma_wait3A_955 = arith.constant 0 : i32
        %dma_wait3A_956 = arith.constant 0 : i32
        %dma_wait3A_957 = tpu.memref_slice %arg11[%dma_wait3A_955, %dma_wait3A_956] : memref<10000x8xf32, #tpu.memory_space<vmem_shared>> -> memref<10000x8xf32, #tpu.memory_space<vmem_shared>>
        tpu.wait_indirect_dma semaphore(%run_scoped3A_945 : memref<!tpu.dma_semaphore, #tpu.memory_space<semaphore_mem>>) src(%arg15 : memref<125x8xf32, #tpu.memory_space<vmem>>) dst(%dma_wait3A_957 : memref<10000x8xf32, #tpu.memory_space<vmem_shared>>)
        tpu.yield
      }) : () -> ()
      %dma_start3A_788 = arith.constant 12 : i32
      %dma_start3A_789 = arith.constant 0 : i32
      %dma_start3A_790 = arith.constant 0 : i32
      %dma_start3A_791 = arith.constant 0 : i32
      %dma_start3A_792 = tpu.memref_slice %arg14[%dma_start3A_789, %dma_start3A_790, %dma_start3A_791] : memref<2x125x128xf32, #tpu.memory_space<vmem>> -> memref<1x125x128xf32, #tpu.memory_space<vmem>>
      %dma_start3A_793 = tpu.memref_squeeze %dma_start3A_792 : memref<1x125x128xf32, #tpu.memory_space<vmem>> -> memref<125x128xf32, #tpu.memory_space<vmem>>
      %dma_start3A_794 = arith.constant 0 : i32
      %dma_start3A_795 = tpu.memref_slice %arg12[%rem3A_480, %dma_start3A_788, %dma_start3A_794] : memref<2x16x125xi32, #tpu.memory_space<vmem>> -> memref<1x1x125xi32, #tpu.memory_space<vmem>>
      %dma_start3A_796 = tpu.memref_squeeze %dma_start3A_795 : memref<1x1x125xi32, #tpu.memory_space<vmem>> -> memref<125xi32, #tpu.memory_space<vmem>>
      %dma_start3A_797 = arith.constant 0 : i32
      %dma_start3A_798 = arith.constant 0 : i32
      %dma_start3A_799 = tpu.memref_slice %arg4[%dma_start3A_797, %dma_start3A_798] : memref<10000x128xf32, #tpu.memory_space<hbm>> -> memref<10000x128xf32, #tpu.memory_space<hbm>>
      tpu.enqueue_indirect_dma source(%dma_start3A_799 : memref<10000x128xf32, #tpu.memory_space<hbm>>) target(%dma_start3A_793 : memref<125x128xf32, #tpu.memory_space<vmem>>) offsets(%dma_start3A_796 : memref<125xi32, #tpu.memory_space<vmem>>) semaphore(%arg16 : memref<!tpu.dma_semaphore, #tpu.memory_space<semaphore_mem>>)
      %dma_wait3A_800 = arith.constant 0 : i32
      %dma_wait3A_801 = arith.constant 0 : i32
      %dma_wait3A_802 = arith.constant 1 : i32
      %dma_wait3A_803 = arith.constant 0 : i32
      %dma_wait3A_804 = arith.constant 0 : i32
      %dma_wait3A_805 = tpu.memref_slice %arg14[%dma_wait3A_802, %dma_wait3A_803, %dma_wait3A_804] : memref<2x125x128xf32, #tpu.memory_space<vmem>> -> memref<1x125x128xf32, #tpu.memory_space<vmem>>
      %dma_wait3A_806 = tpu.memref_squeeze %dma_wait3A_805 : memref<1x125x128xf32, #tpu.memory_space<vmem>> -> memref<125x128xf32, #tpu.memory_space<vmem>>
      %dma_wait3A_807 = arith.constant 0 : i32
      %dma_wait3A_808 = tpu.memref_slice %arg12[%dma_wait3A_800, %dma_wait3A_801, %dma_wait3A_807] : memref<2x16x125xi32, #tpu.memory_space<vmem>> -> memref<1x1x125xi32, #tpu.memory_space<vmem>>
      %dma_wait3A_809 = tpu.memref_squeeze %dma_wait3A_808 : memref<1x1x125xi32, #tpu.memory_space<vmem>> -> memref<125xi32, #tpu.memory_space<vmem>>
      %dma_wait3A_810 = arith.constant 0 : i32
      %dma_wait3A_811 = arith.constant 0 : i32
      %dma_wait3A_812 = tpu.memref_slice %arg4[%dma_wait3A_810, %dma_wait3A_811] : memref<10000x128xf32, #tpu.memory_space<hbm>> -> memref<10000x128xf32, #tpu.memory_space<hbm>>
      tpu.wait_indirect_dma semaphore(%arg17 : memref<!tpu.dma_semaphore, #tpu.memory_space<semaphore_mem>>) src(%dma_wait3A_812 : memref<10000x128xf32, #tpu.memory_space<hbm>>) dst(%dma_wait3A_806 : memref<125x128xf32, #tpu.memory_space<vmem>>)
      %run_scoped3A_813 = arith.constant 1 : i32
      %run_scoped3A_814 = arith.constant 11 : i32
      "tpu.region"() ({
        %run_scoped3A_945 = tpu.sem_alloc : memref<!tpu.dma_semaphore, #tpu.memory_space<semaphore_mem>>
        %dma_start3A_946 = arith.constant 0 : i32
        %dma_start3A_947 = arith.constant 0 : i32
        %dma_start3A_948 = tpu.memref_slice %arg14[%run_scoped3A_813, %dma_start3A_946, %dma_start3A_947] : memref<2x125x128xf32, #tpu.memory_space<vmem>> -> memref<1x125x128xf32, #tpu.memory_space<vmem>>
        %dma_start3A_949 = tpu.memref_squeeze %dma_start3A_948 : memref<1x125x128xf32, #tpu.memory_space<vmem>> -> memref<125x128xf32, #tpu.memory_space<vmem>>
        %dma_start3A_950 = arith.constant 0 : i32
        %dma_start3A_951 = tpu.memref_slice %arg13[%rem3A_480, %run_scoped3A_814, %dma_start3A_950] : memref<2x16x125xi32, #tpu.memory_space<vmem>> -> memref<1x1x125xi32, #tpu.memory_space<vmem>>
        %dma_start3A_952 = tpu.memref_squeeze %dma_start3A_951 : memref<1x1x125xi32, #tpu.memory_space<vmem>> -> memref<125xi32, #tpu.memory_space<vmem>>
        %dma_start3A_953 = arith.constant 0 : i32
        %dma_start3A_954 = arith.constant 0 : i32
        %dma_start3A_955 = tpu.memref_slice %arg10[%dma_start3A_953, %dma_start3A_954] : memref<10000x128xf32, #tpu.memory_space<vmem_shared>> -> memref<10000x128xf32, #tpu.memory_space<vmem_shared>>
        tpu.enqueue_indirect_dma source(%dma_start3A_949 : memref<125x128xf32, #tpu.memory_space<vmem>>) target(%dma_start3A_955 : memref<10000x128xf32, #tpu.memory_space<vmem_shared>>) offsets(%dma_start3A_952 : memref<125xi32, #tpu.memory_space<vmem>>) semaphore(%run_scoped3A_945 : memref<!tpu.dma_semaphore, #tpu.memory_space<semaphore_mem>>) {add = true}
        %dma_wait3A_956 = arith.constant 0 : i32
        %dma_wait3A_957 = arith.constant 0 : i32
        %dma_wait3A_958 = tpu.memref_slice %arg14[%run_scoped3A_813, %dma_wait3A_956, %dma_wait3A_957] : memref<2x125x128xf32, #tpu.memory_space<vmem>> -> memref<1x125x128xf32, #tpu.memory_space<vmem>>
        %dma_wait3A_959 = tpu.memref_squeeze %dma_wait3A_958 : memref<1x125x128xf32, #tpu.memory_space<vmem>> -> memref<125x128xf32, #tpu.memory_space<vmem>>
        %dma_wait3A_960 = arith.constant 0 : i32
        %dma_wait3A_961 = tpu.memref_slice %arg13[%rem3A_480, %run_scoped3A_814, %dma_wait3A_960] : memref<2x16x125xi32, #tpu.memory_space<vmem>> -> memref<1x1x125xi32, #tpu.memory_space<vmem>>
        %dma_wait3A_962 = tpu.memref_squeeze %dma_wait3A_961 : memref<1x1x125xi32, #tpu.memory_space<vmem>> -> memref<125xi32, #tpu.memory_space<vmem>>
        %dma_wait3A_963 = arith.constant 0 : i32
        %dma_wait3A_964 = arith.constant 0 : i32
        %dma_wait3A_965 = tpu.memref_slice %arg10[%dma_wait3A_963, %dma_wait3A_964] : memref<10000x128xf32, #tpu.memory_space<vmem_shared>> -> memref<10000x128xf32, #tpu.memory_space<vmem_shared>>
        tpu.wait_indirect_dma semaphore(%run_scoped3A_945 : memref<!tpu.dma_semaphore, #tpu.memory_space<semaphore_mem>>) src(%dma_wait3A_959 : memref<125x128xf32, #tpu.memory_space<vmem>>) dst(%dma_wait3A_965 : memref<10000x128xf32, #tpu.memory_space<vmem_shared>>)
        tpu.yield
      }) : () -> ()
      %run_scoped3A_815 = arith.constant 11 : i32
      "tpu.region"() ({
        %run_scoped3A_945 = tpu.sem_alloc : memref<!tpu.dma_semaphore, #tpu.memory_space<semaphore_mem>>
        %dma_start3A_946 = arith.constant 0 : i32
        %dma_start3A_947 = tpu.memref_slice %arg13[%rem3A_480, %run_scoped3A_815, %dma_start3A_946] : memref<2x16x125xi32, #tpu.memory_space<vmem>> -> memref<1x1x125xi32, #tpu.memory_space<vmem>>
        %dma_start3A_948 = tpu.memref_squeeze %dma_start3A_947 : memref<1x1x125xi32, #tpu.memory_space<vmem>> -> memref<125xi32, #tpu.memory_space<vmem>>
        %dma_start3A_949 = arith.constant 0 : i32
        %dma_start3A_950 = arith.constant 0 : i32
        %dma_start3A_951 = tpu.memref_slice %arg11[%dma_start3A_949, %dma_start3A_950] : memref<10000x8xf32, #tpu.memory_space<vmem_shared>> -> memref<10000x8xf32, #tpu.memory_space<vmem_shared>>
        tpu.enqueue_indirect_dma source(%arg15 : memref<125x8xf32, #tpu.memory_space<vmem>>) target(%dma_start3A_951 : memref<10000x8xf32, #tpu.memory_space<vmem_shared>>) offsets(%dma_start3A_948 : memref<125xi32, #tpu.memory_space<vmem>>) semaphore(%run_scoped3A_945 : memref<!tpu.dma_semaphore, #tpu.memory_space<semaphore_mem>>) {add = true}
        %dma_wait3A_952 = arith.constant 0 : i32
        %dma_wait3A_953 = tpu.memref_slice %arg13[%rem3A_480, %run_scoped3A_815, %dma_wait3A_952] : memref<2x16x125xi32, #tpu.memory_space<vmem>> -> memref<1x1x125xi32, #tpu.memory_space<vmem>>
        %dma_wait3A_954 = tpu.memref_squeeze %dma_wait3A_953 : memref<1x1x125xi32, #tpu.memory_space<vmem>> -> memref<125xi32, #tpu.memory_space<vmem>>
        %dma_wait3A_955 = arith.constant 0 : i32
        %dma_wait3A_956 = arith.constant 0 : i32
        %dma_wait3A_957 = tpu.memref_slice %arg11[%dma_wait3A_955, %dma_wait3A_956] : memref<10000x8xf32, #tpu.memory_space<vmem_shared>> -> memref<10000x8xf32, #tpu.memory_space<vmem_shared>>
        tpu.wait_indirect_dma semaphore(%run_scoped3A_945 : memref<!tpu.dma_semaphore, #tpu.memory_space<semaphore_mem>>) src(%arg15 : memref<125x8xf32, #tpu.memory_space<vmem>>) dst(%dma_wait3A_957 : memref<10000x8xf32, #tpu.memory_space<vmem_shared>>)
        tpu.yield
      }) : () -> ()
      %dma_start3A_816 = arith.constant 13 : i32
      %dma_start3A_817 = arith.constant 1 : i32
      %dma_start3A_818 = arith.constant 0 : i32
      %dma_start3A_819 = arith.constant 0 : i32
      %dma_start3A_820 = tpu.memref_slice %arg14[%dma_start3A_817, %dma_start3A_818, %dma_start3A_819] : memref<2x125x128xf32, #tpu.memory_space<vmem>> -> memref<1x125x128xf32, #tpu.memory_space<vmem>>
      %dma_start3A_821 = tpu.memref_squeeze %dma_start3A_820 : memref<1x125x128xf32, #tpu.memory_space<vmem>> -> memref<125x128xf32, #tpu.memory_space<vmem>>
      %dma_start3A_822 = arith.constant 0 : i32
      %dma_start3A_823 = tpu.memref_slice %arg12[%rem3A_480, %dma_start3A_816, %dma_start3A_822] : memref<2x16x125xi32, #tpu.memory_space<vmem>> -> memref<1x1x125xi32, #tpu.memory_space<vmem>>
      %dma_start3A_824 = tpu.memref_squeeze %dma_start3A_823 : memref<1x1x125xi32, #tpu.memory_space<vmem>> -> memref<125xi32, #tpu.memory_space<vmem>>
      %dma_start3A_825 = arith.constant 0 : i32
      %dma_start3A_826 = arith.constant 0 : i32
      %dma_start3A_827 = tpu.memref_slice %arg4[%dma_start3A_825, %dma_start3A_826] : memref<10000x128xf32, #tpu.memory_space<hbm>> -> memref<10000x128xf32, #tpu.memory_space<hbm>>
      tpu.enqueue_indirect_dma source(%dma_start3A_827 : memref<10000x128xf32, #tpu.memory_space<hbm>>) target(%dma_start3A_821 : memref<125x128xf32, #tpu.memory_space<vmem>>) offsets(%dma_start3A_824 : memref<125xi32, #tpu.memory_space<vmem>>) semaphore(%arg17 : memref<!tpu.dma_semaphore, #tpu.memory_space<semaphore_mem>>)
      %dma_wait3A_828 = arith.constant 0 : i32
      %dma_wait3A_829 = arith.constant 0 : i32
      %dma_wait3A_830 = arith.constant 0 : i32
      %dma_wait3A_831 = arith.constant 0 : i32
      %dma_wait3A_832 = arith.constant 0 : i32
      %dma_wait3A_833 = tpu.memref_slice %arg14[%dma_wait3A_830, %dma_wait3A_831, %dma_wait3A_832] : memref<2x125x128xf32, #tpu.memory_space<vmem>> -> memref<1x125x128xf32, #tpu.memory_space<vmem>>
      %dma_wait3A_834 = tpu.memref_squeeze %dma_wait3A_833 : memref<1x125x128xf32, #tpu.memory_space<vmem>> -> memref<125x128xf32, #tpu.memory_space<vmem>>
      %dma_wait3A_835 = arith.constant 0 : i32
      %dma_wait3A_836 = tpu.memref_slice %arg12[%dma_wait3A_828, %dma_wait3A_829, %dma_wait3A_835] : memref<2x16x125xi32, #tpu.memory_space<vmem>> -> memref<1x1x125xi32, #tpu.memory_space<vmem>>
      %dma_wait3A_837 = tpu.memref_squeeze %dma_wait3A_836 : memref<1x1x125xi32, #tpu.memory_space<vmem>> -> memref<125xi32, #tpu.memory_space<vmem>>
      %dma_wait3A_838 = arith.constant 0 : i32
      %dma_wait3A_839 = arith.constant 0 : i32
      %dma_wait3A_840 = tpu.memref_slice %arg4[%dma_wait3A_838, %dma_wait3A_839] : memref<10000x128xf32, #tpu.memory_space<hbm>> -> memref<10000x128xf32, #tpu.memory_space<hbm>>
      tpu.wait_indirect_dma semaphore(%arg16 : memref<!tpu.dma_semaphore, #tpu.memory_space<semaphore_mem>>) src(%dma_wait3A_840 : memref<10000x128xf32, #tpu.memory_space<hbm>>) dst(%dma_wait3A_834 : memref<125x128xf32, #tpu.memory_space<vmem>>)
      %run_scoped3A_841 = arith.constant 0 : i32
      %run_scoped3A_842 = arith.constant 12 : i32
      "tpu.region"() ({
        %run_scoped3A_945 = tpu.sem_alloc : memref<!tpu.dma_semaphore, #tpu.memory_space<semaphore_mem>>
        %dma_start3A_946 = arith.constant 0 : i32
        %dma_start3A_947 = arith.constant 0 : i32
        %dma_start3A_948 = tpu.memref_slice %arg14[%run_scoped3A_841, %dma_start3A_946, %dma_start3A_947] : memref<2x125x128xf32, #tpu.memory_space<vmem>> -> memref<1x125x128xf32, #tpu.memory_space<vmem>>
        %dma_start3A_949 = tpu.memref_squeeze %dma_start3A_948 : memref<1x125x128xf32, #tpu.memory_space<vmem>> -> memref<125x128xf32, #tpu.memory_space<vmem>>
        %dma_start3A_950 = arith.constant 0 : i32
        %dma_start3A_951 = tpu.memref_slice %arg13[%rem3A_480, %run_scoped3A_842, %dma_start3A_950] : memref<2x16x125xi32, #tpu.memory_space<vmem>> -> memref<1x1x125xi32, #tpu.memory_space<vmem>>
        %dma_start3A_952 = tpu.memref_squeeze %dma_start3A_951 : memref<1x1x125xi32, #tpu.memory_space<vmem>> -> memref<125xi32, #tpu.memory_space<vmem>>
        %dma_start3A_953 = arith.constant 0 : i32
        %dma_start3A_954 = arith.constant 0 : i32
        %dma_start3A_955 = tpu.memref_slice %arg10[%dma_start3A_953, %dma_start3A_954] : memref<10000x128xf32, #tpu.memory_space<vmem_shared>> -> memref<10000x128xf32, #tpu.memory_space<vmem_shared>>
        tpu.enqueue_indirect_dma source(%dma_start3A_949 : memref<125x128xf32, #tpu.memory_space<vmem>>) target(%dma_start3A_955 : memref<10000x128xf32, #tpu.memory_space<vmem_shared>>) offsets(%dma_start3A_952 : memref<125xi32, #tpu.memory_space<vmem>>) semaphore(%run_scoped3A_945 : memref<!tpu.dma_semaphore, #tpu.memory_space<semaphore_mem>>) {add = true}
        %dma_wait3A_956 = arith.constant 0 : i32
        %dma_wait3A_957 = arith.constant 0 : i32
        %dma_wait3A_958 = tpu.memref_slice %arg14[%run_scoped3A_841, %dma_wait3A_956, %dma_wait3A_957] : memref<2x125x128xf32, #tpu.memory_space<vmem>> -> memref<1x125x128xf32, #tpu.memory_space<vmem>>
        %dma_wait3A_959 = tpu.memref_squeeze %dma_wait3A_958 : memref<1x125x128xf32, #tpu.memory_space<vmem>> -> memref<125x128xf32, #tpu.memory_space<vmem>>
        %dma_wait3A_960 = arith.constant 0 : i32
        %dma_wait3A_961 = tpu.memref_slice %arg13[%rem3A_480, %run_scoped3A_842, %dma_wait3A_960] : memref<2x16x125xi32, #tpu.memory_space<vmem>> -> memref<1x1x125xi32, #tpu.memory_space<vmem>>
        %dma_wait3A_962 = tpu.memref_squeeze %dma_wait3A_961 : memref<1x1x125xi32, #tpu.memory_space<vmem>> -> memref<125xi32, #tpu.memory_space<vmem>>
        %dma_wait3A_963 = arith.constant 0 : i32
        %dma_wait3A_964 = arith.constant 0 : i32
        %dma_wait3A_965 = tpu.memref_slice %arg10[%dma_wait3A_963, %dma_wait3A_964] : memref<10000x128xf32, #tpu.memory_space<vmem_shared>> -> memref<10000x128xf32, #tpu.memory_space<vmem_shared>>
        tpu.wait_indirect_dma semaphore(%run_scoped3A_945 : memref<!tpu.dma_semaphore, #tpu.memory_space<semaphore_mem>>) src(%dma_wait3A_959 : memref<125x128xf32, #tpu.memory_space<vmem>>) dst(%dma_wait3A_965 : memref<10000x128xf32, #tpu.memory_space<vmem_shared>>)
        tpu.yield
      }) : () -> ()
      %run_scoped3A_843 = arith.constant 12 : i32
      "tpu.region"() ({
        %run_scoped3A_945 = tpu.sem_alloc : memref<!tpu.dma_semaphore, #tpu.memory_space<semaphore_mem>>
        %dma_start3A_946 = arith.constant 0 : i32
        %dma_start3A_947 = tpu.memref_slice %arg13[%rem3A_480, %run_scoped3A_843, %dma_start3A_946] : memref<2x16x125xi32, #tpu.memory_space<vmem>> -> memref<1x1x125xi32, #tpu.memory_space<vmem>>
        %dma_start3A_948 = tpu.memref_squeeze %dma_start3A_947 : memref<1x1x125xi32, #tpu.memory_space<vmem>> -> memref<125xi32, #tpu.memory_space<vmem>>
        %dma_start3A_949 = arith.constant 0 : i32
        %dma_start3A_950 = arith.constant 0 : i32
        %dma_start3A_951 = tpu.memref_slice %arg11[%dma_start3A_949, %dma_start3A_950] : memref<10000x8xf32, #tpu.memory_space<vmem_shared>> -> memref<10000x8xf32, #tpu.memory_space<vmem_shared>>
        tpu.enqueue_indirect_dma source(%arg15 : memref<125x8xf32, #tpu.memory_space<vmem>>) target(%dma_start3A_951 : memref<10000x8xf32, #tpu.memory_space<vmem_shared>>) offsets(%dma_start3A_948 : memref<125xi32, #tpu.memory_space<vmem>>) semaphore(%run_scoped3A_945 : memref<!tpu.dma_semaphore, #tpu.memory_space<semaphore_mem>>) {add = true}
        %dma_wait3A_952 = arith.constant 0 : i32
        %dma_wait3A_953 = tpu.memref_slice %arg13[%rem3A_480, %run_scoped3A_843, %dma_wait3A_952] : memref<2x16x125xi32, #tpu.memory_space<vmem>> -> memref<1x1x125xi32, #tpu.memory_space<vmem>>
        %dma_wait3A_954 = tpu.memref_squeeze %dma_wait3A_953 : memref<1x1x125xi32, #tpu.memory_space<vmem>> -> memref<125xi32, #tpu.memory_space<vmem>>
        %dma_wait3A_955 = arith.constant 0 : i32
        %dma_wait3A_956 = arith.constant 0 : i32
        %dma_wait3A_957 = tpu.memref_slice %arg11[%dma_wait3A_955, %dma_wait3A_956] : memref<10000x8xf32, #tpu.memory_space<vmem_shared>> -> memref<10000x8xf32, #tpu.memory_space<vmem_shared>>
        tpu.wait_indirect_dma semaphore(%run_scoped3A_945 : memref<!tpu.dma_semaphore, #tpu.memory_space<semaphore_mem>>) src(%arg15 : memref<125x8xf32, #tpu.memory_space<vmem>>) dst(%dma_wait3A_957 : memref<10000x8xf32, #tpu.memory_space<vmem_shared>>)
        tpu.yield
      }) : () -> ()
      %dma_start3A_844 = arith.constant 14 : i32
      %dma_start3A_845 = arith.constant 0 : i32
      %dma_start3A_846 = arith.constant 0 : i32
      %dma_start3A_847 = arith.constant 0 : i32
      %dma_start3A_848 = tpu.memref_slice %arg14[%dma_start3A_845, %dma_start3A_846, %dma_start3A_847] : memref<2x125x128xf32, #tpu.memory_space<vmem>> -> memref<1x125x128xf32, #tpu.memory_space<vmem>>
      %dma_start3A_849 = tpu.memref_squeeze %dma_start3A_848 : memref<1x125x128xf32, #tpu.memory_space<vmem>> -> memref<125x128xf32, #tpu.memory_space<vmem>>
      %dma_start3A_850 = arith.constant 0 : i32
      %dma_start3A_851 = tpu.memref_slice %arg12[%rem3A_480, %dma_start3A_844, %dma_start3A_850] : memref<2x16x125xi32, #tpu.memory_space<vmem>> -> memref<1x1x125xi32, #tpu.memory_space<vmem>>
      %dma_start3A_852 = tpu.memref_squeeze %dma_start3A_851 : memref<1x1x125xi32, #tpu.memory_space<vmem>> -> memref<125xi32, #tpu.memory_space<vmem>>
      %dma_start3A_853 = arith.constant 0 : i32
      %dma_start3A_854 = arith.constant 0 : i32
      %dma_start3A_855 = tpu.memref_slice %arg4[%dma_start3A_853, %dma_start3A_854] : memref<10000x128xf32, #tpu.memory_space<hbm>> -> memref<10000x128xf32, #tpu.memory_space<hbm>>
      tpu.enqueue_indirect_dma source(%dma_start3A_855 : memref<10000x128xf32, #tpu.memory_space<hbm>>) target(%dma_start3A_849 : memref<125x128xf32, #tpu.memory_space<vmem>>) offsets(%dma_start3A_852 : memref<125xi32, #tpu.memory_space<vmem>>) semaphore(%arg16 : memref<!tpu.dma_semaphore, #tpu.memory_space<semaphore_mem>>)
      %dma_wait3A_856 = arith.constant 0 : i32
      %dma_wait3A_857 = arith.constant 0 : i32
      %dma_wait3A_858 = arith.constant 1 : i32
      %dma_wait3A_859 = arith.constant 0 : i32
      %dma_wait3A_860 = arith.constant 0 : i32
      %dma_wait3A_861 = tpu.memref_slice %arg14[%dma_wait3A_858, %dma_wait3A_859, %dma_wait3A_860] : memref<2x125x128xf32, #tpu.memory_space<vmem>> -> memref<1x125x128xf32, #tpu.memory_space<vmem>>
      %dma_wait3A_862 = tpu.memref_squeeze %dma_wait3A_861 : memref<1x125x128xf32, #tpu.memory_space<vmem>> -> memref<125x128xf32, #tpu.memory_space<vmem>>
      %dma_wait3A_863 = arith.constant 0 : i32
      %dma_wait3A_864 = tpu.memref_slice %arg12[%dma_wait3A_856, %dma_wait3A_857, %dma_wait3A_863] : memref<2x16x125xi32, #tpu.memory_space<vmem>> -> memref<1x1x125xi32, #tpu.memory_space<vmem>>
      %dma_wait3A_865 = tpu.memref_squeeze %dma_wait3A_864 : memref<1x1x125xi32, #tpu.memory_space<vmem>> -> memref<125xi32, #tpu.memory_space<vmem>>
      %dma_wait3A_866 = arith.constant 0 : i32
      %dma_wait3A_867 = arith.constant 0 : i32
      %dma_wait3A_868 = tpu.memref_slice %arg4[%dma_wait3A_866, %dma_wait3A_867] : memref<10000x128xf32, #tpu.memory_space<hbm>> -> memref<10000x128xf32, #tpu.memory_space<hbm>>
      tpu.wait_indirect_dma semaphore(%arg17 : memref<!tpu.dma_semaphore, #tpu.memory_space<semaphore_mem>>) src(%dma_wait3A_868 : memref<10000x128xf32, #tpu.memory_space<hbm>>) dst(%dma_wait3A_862 : memref<125x128xf32, #tpu.memory_space<vmem>>)
      %run_scoped3A_869 = arith.constant 1 : i32
      %run_scoped3A_870 = arith.constant 13 : i32
      "tpu.region"() ({
        %run_scoped3A_945 = tpu.sem_alloc : memref<!tpu.dma_semaphore, #tpu.memory_space<semaphore_mem>>
        %dma_start3A_946 = arith.constant 0 : i32
        %dma_start3A_947 = arith.constant 0 : i32
        %dma_start3A_948 = tpu.memref_slice %arg14[%run_scoped3A_869, %dma_start3A_946, %dma_start3A_947] : memref<2x125x128xf32, #tpu.memory_space<vmem>> -> memref<1x125x128xf32, #tpu.memory_space<vmem>>
        %dma_start3A_949 = tpu.memref_squeeze %dma_start3A_948 : memref<1x125x128xf32, #tpu.memory_space<vmem>> -> memref<125x128xf32, #tpu.memory_space<vmem>>
        %dma_start3A_950 = arith.constant 0 : i32
        %dma_start3A_951 = tpu.memref_slice %arg13[%rem3A_480, %run_scoped3A_870, %dma_start3A_950] : memref<2x16x125xi32, #tpu.memory_space<vmem>> -> memref<1x1x125xi32, #tpu.memory_space<vmem>>
        %dma_start3A_952 = tpu.memref_squeeze %dma_start3A_951 : memref<1x1x125xi32, #tpu.memory_space<vmem>> -> memref<125xi32, #tpu.memory_space<vmem>>
        %dma_start3A_953 = arith.constant 0 : i32
        %dma_start3A_954 = arith.constant 0 : i32
        %dma_start3A_955 = tpu.memref_slice %arg10[%dma_start3A_953, %dma_start3A_954] : memref<10000x128xf32, #tpu.memory_space<vmem_shared>> -> memref<10000x128xf32, #tpu.memory_space<vmem_shared>>
        tpu.enqueue_indirect_dma source(%dma_start3A_949 : memref<125x128xf32, #tpu.memory_space<vmem>>) target(%dma_start3A_955 : memref<10000x128xf32, #tpu.memory_space<vmem_shared>>) offsets(%dma_start3A_952 : memref<125xi32, #tpu.memory_space<vmem>>) semaphore(%run_scoped3A_945 : memref<!tpu.dma_semaphore, #tpu.memory_space<semaphore_mem>>) {add = true}
        %dma_wait3A_956 = arith.constant 0 : i32
        %dma_wait3A_957 = arith.constant 0 : i32
        %dma_wait3A_958 = tpu.memref_slice %arg14[%run_scoped3A_869, %dma_wait3A_956, %dma_wait3A_957] : memref<2x125x128xf32, #tpu.memory_space<vmem>> -> memref<1x125x128xf32, #tpu.memory_space<vmem>>
        %dma_wait3A_959 = tpu.memref_squeeze %dma_wait3A_958 : memref<1x125x128xf32, #tpu.memory_space<vmem>> -> memref<125x128xf32, #tpu.memory_space<vmem>>
        %dma_wait3A_960 = arith.constant 0 : i32
        %dma_wait3A_961 = tpu.memref_slice %arg13[%rem3A_480, %run_scoped3A_870, %dma_wait3A_960] : memref<2x16x125xi32, #tpu.memory_space<vmem>> -> memref<1x1x125xi32, #tpu.memory_space<vmem>>
        %dma_wait3A_962 = tpu.memref_squeeze %dma_wait3A_961 : memref<1x1x125xi32, #tpu.memory_space<vmem>> -> memref<125xi32, #tpu.memory_space<vmem>>
        %dma_wait3A_963 = arith.constant 0 : i32
        %dma_wait3A_964 = arith.constant 0 : i32
        %dma_wait3A_965 = tpu.memref_slice %arg10[%dma_wait3A_963, %dma_wait3A_964] : memref<10000x128xf32, #tpu.memory_space<vmem_shared>> -> memref<10000x128xf32, #tpu.memory_space<vmem_shared>>
        tpu.wait_indirect_dma semaphore(%run_scoped3A_945 : memref<!tpu.dma_semaphore, #tpu.memory_space<semaphore_mem>>) src(%dma_wait3A_959 : memref<125x128xf32, #tpu.memory_space<vmem>>) dst(%dma_wait3A_965 : memref<10000x128xf32, #tpu.memory_space<vmem_shared>>)
        tpu.yield
      }) : () -> ()
      %run_scoped3A_871 = arith.constant 13 : i32
      "tpu.region"() ({
        %run_scoped3A_945 = tpu.sem_alloc : memref<!tpu.dma_semaphore, #tpu.memory_space<semaphore_mem>>
        %dma_start3A_946 = arith.constant 0 : i32
        %dma_start3A_947 = tpu.memref_slice %arg13[%rem3A_480, %run_scoped3A_871, %dma_start3A_946] : memref<2x16x125xi32, #tpu.memory_space<vmem>> -> memref<1x1x125xi32, #tpu.memory_space<vmem>>
        %dma_start3A_948 = tpu.memref_squeeze %dma_start3A_947 : memref<1x1x125xi32, #tpu.memory_space<vmem>> -> memref<125xi32, #tpu.memory_space<vmem>>
        %dma_start3A_949 = arith.constant 0 : i32
        %dma_start3A_950 = arith.constant 0 : i32
        %dma_start3A_951 = tpu.memref_slice %arg11[%dma_start3A_949, %dma_start3A_950] : memref<10000x8xf32, #tpu.memory_space<vmem_shared>> -> memref<10000x8xf32, #tpu.memory_space<vmem_shared>>
        tpu.enqueue_indirect_dma source(%arg15 : memref<125x8xf32, #tpu.memory_space<vmem>>) target(%dma_start3A_951 : memref<10000x8xf32, #tpu.memory_space<vmem_shared>>) offsets(%dma_start3A_948 : memref<125xi32, #tpu.memory_space<vmem>>) semaphore(%run_scoped3A_945 : memref<!tpu.dma_semaphore, #tpu.memory_space<semaphore_mem>>) {add = true}
        %dma_wait3A_952 = arith.constant 0 : i32
        %dma_wait3A_953 = tpu.memref_slice %arg13[%rem3A_480, %run_scoped3A_871, %dma_wait3A_952] : memref<2x16x125xi32, #tpu.memory_space<vmem>> -> memref<1x1x125xi32, #tpu.memory_space<vmem>>
        %dma_wait3A_954 = tpu.memref_squeeze %dma_wait3A_953 : memref<1x1x125xi32, #tpu.memory_space<vmem>> -> memref<125xi32, #tpu.memory_space<vmem>>
        %dma_wait3A_955 = arith.constant 0 : i32
        %dma_wait3A_956 = arith.constant 0 : i32
        %dma_wait3A_957 = tpu.memref_slice %arg11[%dma_wait3A_955, %dma_wait3A_956] : memref<10000x8xf32, #tpu.memory_space<vmem_shared>> -> memref<10000x8xf32, #tpu.memory_space<vmem_shared>>
        tpu.wait_indirect_dma semaphore(%run_scoped3A_945 : memref<!tpu.dma_semaphore, #tpu.memory_space<semaphore_mem>>) src(%arg15 : memref<125x8xf32, #tpu.memory_space<vmem>>) dst(%dma_wait3A_957 : memref<10000x8xf32, #tpu.memory_space<vmem_shared>>)
        tpu.yield
      }) : () -> ()
      %dma_start3A_872 = arith.constant 15 : i32
      %dma_start3A_873 = arith.constant 1 : i32
      %dma_start3A_874 = arith.constant 0 : i32
      %dma_start3A_875 = arith.constant 0 : i32
      %dma_start3A_876 = tpu.memref_slice %arg14[%dma_start3A_873, %dma_start3A_874, %dma_start3A_875] : memref<2x125x128xf32, #tpu.memory_space<vmem>> -> memref<1x125x128xf32, #tpu.memory_space<vmem>>
      %dma_start3A_877 = tpu.memref_squeeze %dma_start3A_876 : memref<1x125x128xf32, #tpu.memory_space<vmem>> -> memref<125x128xf32, #tpu.memory_space<vmem>>
      %dma_start3A_878 = arith.constant 0 : i32
      %dma_start3A_879 = tpu.memref_slice %arg12[%rem3A_480, %dma_start3A_872, %dma_start3A_878] : memref<2x16x125xi32, #tpu.memory_space<vmem>> -> memref<1x1x125xi32, #tpu.memory_space<vmem>>
      %dma_start3A_880 = tpu.memref_squeeze %dma_start3A_879 : memref<1x1x125xi32, #tpu.memory_space<vmem>> -> memref<125xi32, #tpu.memory_space<vmem>>
      %dma_start3A_881 = arith.constant 0 : i32
      %dma_start3A_882 = arith.constant 0 : i32
      %dma_start3A_883 = tpu.memref_slice %arg4[%dma_start3A_881, %dma_start3A_882] : memref<10000x128xf32, #tpu.memory_space<hbm>> -> memref<10000x128xf32, #tpu.memory_space<hbm>>
      tpu.enqueue_indirect_dma source(%dma_start3A_883 : memref<10000x128xf32, #tpu.memory_space<hbm>>) target(%dma_start3A_877 : memref<125x128xf32, #tpu.memory_space<vmem>>) offsets(%dma_start3A_880 : memref<125xi32, #tpu.memory_space<vmem>>) semaphore(%arg17 : memref<!tpu.dma_semaphore, #tpu.memory_space<semaphore_mem>>)
      %dma_wait3A_884 = arith.constant 0 : i32
      %dma_wait3A_885 = arith.constant 0 : i32
      %dma_wait3A_886 = arith.constant 0 : i32
      %dma_wait3A_887 = arith.constant 0 : i32
      %dma_wait3A_888 = arith.constant 0 : i32
      %dma_wait3A_889 = tpu.memref_slice %arg14[%dma_wait3A_886, %dma_wait3A_887, %dma_wait3A_888] : memref<2x125x128xf32, #tpu.memory_space<vmem>> -> memref<1x125x128xf32, #tpu.memory_space<vmem>>
      %dma_wait3A_890 = tpu.memref_squeeze %dma_wait3A_889 : memref<1x125x128xf32, #tpu.memory_space<vmem>> -> memref<125x128xf32, #tpu.memory_space<vmem>>
      %dma_wait3A_891 = arith.constant 0 : i32
      %dma_wait3A_892 = tpu.memref_slice %arg12[%dma_wait3A_884, %dma_wait3A_885, %dma_wait3A_891] : memref<2x16x125xi32, #tpu.memory_space<vmem>> -> memref<1x1x125xi32, #tpu.memory_space<vmem>>
      %dma_wait3A_893 = tpu.memref_squeeze %dma_wait3A_892 : memref<1x1x125xi32, #tpu.memory_space<vmem>> -> memref<125xi32, #tpu.memory_space<vmem>>
      %dma_wait3A_894 = arith.constant 0 : i32
      %dma_wait3A_895 = arith.constant 0 : i32
      %dma_wait3A_896 = tpu.memref_slice %arg4[%dma_wait3A_894, %dma_wait3A_895] : memref<10000x128xf32, #tpu.memory_space<hbm>> -> memref<10000x128xf32, #tpu.memory_space<hbm>>
      tpu.wait_indirect_dma semaphore(%arg16 : memref<!tpu.dma_semaphore, #tpu.memory_space<semaphore_mem>>) src(%dma_wait3A_896 : memref<10000x128xf32, #tpu.memory_space<hbm>>) dst(%dma_wait3A_890 : memref<125x128xf32, #tpu.memory_space<vmem>>)
      %run_scoped3A_897 = arith.constant 0 : i32
      %run_scoped3A_898 = arith.constant 14 : i32
      "tpu.region"() ({
        %run_scoped3A_945 = tpu.sem_alloc : memref<!tpu.dma_semaphore, #tpu.memory_space<semaphore_mem>>
        %dma_start3A_946 = arith.constant 0 : i32
        %dma_start3A_947 = arith.constant 0 : i32
        %dma_start3A_948 = tpu.memref_slice %arg14[%run_scoped3A_897, %dma_start3A_946, %dma_start3A_947] : memref<2x125x128xf32, #tpu.memory_space<vmem>> -> memref<1x125x128xf32, #tpu.memory_space<vmem>>
        %dma_start3A_949 = tpu.memref_squeeze %dma_start3A_948 : memref<1x125x128xf32, #tpu.memory_space<vmem>> -> memref<125x128xf32, #tpu.memory_space<vmem>>
        %dma_start3A_950 = arith.constant 0 : i32
        %dma_start3A_951 = tpu.memref_slice %arg13[%rem3A_480, %run_scoped3A_898, %dma_start3A_950] : memref<2x16x125xi32, #tpu.memory_space<vmem>> -> memref<1x1x125xi32, #tpu.memory_space<vmem>>
        %dma_start3A_952 = tpu.memref_squeeze %dma_start3A_951 : memref<1x1x125xi32, #tpu.memory_space<vmem>> -> memref<125xi32, #tpu.memory_space<vmem>>
        %dma_start3A_953 = arith.constant 0 : i32
        %dma_start3A_954 = arith.constant 0 : i32
        %dma_start3A_955 = tpu.memref_slice %arg10[%dma_start3A_953, %dma_start3A_954] : memref<10000x128xf32, #tpu.memory_space<vmem_shared>> -> memref<10000x128xf32, #tpu.memory_space<vmem_shared>>
        tpu.enqueue_indirect_dma source(%dma_start3A_949 : memref<125x128xf32, #tpu.memory_space<vmem>>) target(%dma_start3A_955 : memref<10000x128xf32, #tpu.memory_space<vmem_shared>>) offsets(%dma_start3A_952 : memref<125xi32, #tpu.memory_space<vmem>>) semaphore(%run_scoped3A_945 : memref<!tpu.dma_semaphore, #tpu.memory_space<semaphore_mem>>) {add = true}
        %dma_wait3A_956 = arith.constant 0 : i32
        %dma_wait3A_957 = arith.constant 0 : i32
        %dma_wait3A_958 = tpu.memref_slice %arg14[%run_scoped3A_897, %dma_wait3A_956, %dma_wait3A_957] : memref<2x125x128xf32, #tpu.memory_space<vmem>> -> memref<1x125x128xf32, #tpu.memory_space<vmem>>
        %dma_wait3A_959 = tpu.memref_squeeze %dma_wait3A_958 : memref<1x125x128xf32, #tpu.memory_space<vmem>> -> memref<125x128xf32, #tpu.memory_space<vmem>>
        %dma_wait3A_960 = arith.constant 0 : i32
        %dma_wait3A_961 = tpu.memref_slice %arg13[%rem3A_480, %run_scoped3A_898, %dma_wait3A_960] : memref<2x16x125xi32, #tpu.memory_space<vmem>> -> memref<1x1x125xi32, #tpu.memory_space<vmem>>
        %dma_wait3A_962 = tpu.memref_squeeze %dma_wait3A_961 : memref<1x1x125xi32, #tpu.memory_space<vmem>> -> memref<125xi32, #tpu.memory_space<vmem>>
        %dma_wait3A_963 = arith.constant 0 : i32
        %dma_wait3A_964 = arith.constant 0 : i32
        %dma_wait3A_965 = tpu.memref_slice %arg10[%dma_wait3A_963, %dma_wait3A_964] : memref<10000x128xf32, #tpu.memory_space<vmem_shared>> -> memref<10000x128xf32, #tpu.memory_space<vmem_shared>>
        tpu.wait_indirect_dma semaphore(%run_scoped3A_945 : memref<!tpu.dma_semaphore, #tpu.memory_space<semaphore_mem>>) src(%dma_wait3A_959 : memref<125x128xf32, #tpu.memory_space<vmem>>) dst(%dma_wait3A_965 : memref<10000x128xf32, #tpu.memory_space<vmem_shared>>)
        tpu.yield
      }) : () -> ()
      %run_scoped3A_899 = arith.constant 14 : i32
      "tpu.region"() ({
        %run_scoped3A_945 = tpu.sem_alloc : memref<!tpu.dma_semaphore, #tpu.memory_space<semaphore_mem>>
        %dma_start3A_946 = arith.constant 0 : i32
        %dma_start3A_947 = tpu.memref_slice %arg13[%rem3A_480, %run_scoped3A_899, %dma_start3A_946] : memref<2x16x125xi32, #tpu.memory_space<vmem>> -> memref<1x1x125xi32, #tpu.memory_space<vmem>>
        %dma_start3A_948 = tpu.memref_squeeze %dma_start3A_947 : memref<1x1x125xi32, #tpu.memory_space<vmem>> -> memref<125xi32, #tpu.memory_space<vmem>>
        %dma_start3A_949 = arith.constant 0 : i32
        %dma_start3A_950 = arith.constant 0 : i32
        %dma_start3A_951 = tpu.memref_slice %arg11[%dma_start3A_949, %dma_start3A_950] : memref<10000x8xf32, #tpu.memory_space<vmem_shared>> -> memref<10000x8xf32, #tpu.memory_space<vmem_shared>>
        tpu.enqueue_indirect_dma source(%arg15 : memref<125x8xf32, #tpu.memory_space<vmem>>) target(%dma_start3A_951 : memref<10000x8xf32, #tpu.memory_space<vmem_shared>>) offsets(%dma_start3A_948 : memref<125xi32, #tpu.memory_space<vmem>>) semaphore(%run_scoped3A_945 : memref<!tpu.dma_semaphore, #tpu.memory_space<semaphore_mem>>) {add = true}
        %dma_wait3A_952 = arith.constant 0 : i32
        %dma_wait3A_953 = tpu.memref_slice %arg13[%rem3A_480, %run_scoped3A_899, %dma_wait3A_952] : memref<2x16x125xi32, #tpu.memory_space<vmem>> -> memref<1x1x125xi32, #tpu.memory_space<vmem>>
        %dma_wait3A_954 = tpu.memref_squeeze %dma_wait3A_953 : memref<1x1x125xi32, #tpu.memory_space<vmem>> -> memref<125xi32, #tpu.memory_space<vmem>>
        %dma_wait3A_955 = arith.constant 0 : i32
        %dma_wait3A_956 = arith.constant 0 : i32
        %dma_wait3A_957 = tpu.memref_slice %arg11[%dma_wait3A_955, %dma_wait3A_956] : memref<10000x8xf32, #tpu.memory_space<vmem_shared>> -> memref<10000x8xf32, #tpu.memory_space<vmem_shared>>
        tpu.wait_indirect_dma semaphore(%run_scoped3A_945 : memref<!tpu.dma_semaphore, #tpu.memory_space<semaphore_mem>>) src(%arg15 : memref<125x8xf32, #tpu.memory_space<vmem>>) dst(%dma_wait3A_957 : memref<10000x8xf32, #tpu.memory_space<vmem_shared>>)
        tpu.yield
      }) : () -> ()
      %sub3A_900 = arith.constant 1 : i32
      %sub3A_901 = arith.subi %sub3A_900, %rem3A_480 : i32
      %dma_start3A_902 = arith.constant 0 : i32
      %dma_start3A_903 = arith.constant 0 : i32
      %dma_start3A_904 = arith.constant 0 : i32
      %dma_start3A_905 = arith.constant 0 : i32
      %dma_start3A_906 = tpu.memref_slice %arg14[%dma_start3A_903, %dma_start3A_904, %dma_start3A_905] : memref<2x125x128xf32, #tpu.memory_space<vmem>> -> memref<1x125x128xf32, #tpu.memory_space<vmem>>
      %dma_start3A_907 = tpu.memref_squeeze %dma_start3A_906 : memref<1x125x128xf32, #tpu.memory_space<vmem>> -> memref<125x128xf32, #tpu.memory_space<vmem>>
      %dma_start3A_908 = arith.constant 0 : i32
      %dma_start3A_909 = tpu.memref_slice %arg12[%sub3A_901, %dma_start3A_902, %dma_start3A_908] : memref<2x16x125xi32, #tpu.memory_space<vmem>> -> memref<1x1x125xi32, #tpu.memory_space<vmem>>
      %dma_start3A_910 = tpu.memref_squeeze %dma_start3A_909 : memref<1x1x125xi32, #tpu.memory_space<vmem>> -> memref<125xi32, #tpu.memory_space<vmem>>
      %dma_start3A_911 = arith.constant 0 : i32
      %dma_start3A_912 = arith.constant 0 : i32
      %dma_start3A_913 = tpu.memref_slice %arg4[%dma_start3A_911, %dma_start3A_912] : memref<10000x128xf32, #tpu.memory_space<hbm>> -> memref<10000x128xf32, #tpu.memory_space<hbm>>
      tpu.enqueue_indirect_dma source(%dma_start3A_913 : memref<10000x128xf32, #tpu.memory_space<hbm>>) target(%dma_start3A_907 : memref<125x128xf32, #tpu.memory_space<vmem>>) offsets(%dma_start3A_910 : memref<125xi32, #tpu.memory_space<vmem>>) semaphore(%arg16 : memref<!tpu.dma_semaphore, #tpu.memory_space<semaphore_mem>>)
      %dma_wait3A_914 = arith.constant 0 : i32
      %dma_wait3A_915 = arith.constant 0 : i32
      %dma_wait3A_916 = arith.constant 1 : i32
      %dma_wait3A_917 = arith.constant 0 : i32
      %dma_wait3A_918 = arith.constant 0 : i32
      %dma_wait3A_919 = tpu.memref_slice %arg14[%dma_wait3A_916, %dma_wait3A_917, %dma_wait3A_918] : memref<2x125x128xf32, #tpu.memory_space<vmem>> -> memref<1x125x128xf32, #tpu.memory_space<vmem>>
      %dma_wait3A_920 = tpu.memref_squeeze %dma_wait3A_919 : memref<1x125x128xf32, #tpu.memory_space<vmem>> -> memref<125x128xf32, #tpu.memory_space<vmem>>
      %dma_wait3A_921 = arith.constant 0 : i32
      %dma_wait3A_922 = tpu.memref_slice %arg12[%dma_wait3A_914, %dma_wait3A_915, %dma_wait3A_921] : memref<2x16x125xi32, #tpu.memory_space<vmem>> -> memref<1x1x125xi32, #tpu.memory_space<vmem>>
      %dma_wait3A_923 = tpu.memref_squeeze %dma_wait3A_922 : memref<1x1x125xi32, #tpu.memory_space<vmem>> -> memref<125xi32, #tpu.memory_space<vmem>>
      %dma_wait3A_924 = arith.constant 0 : i32
      %dma_wait3A_925 = arith.constant 0 : i32
      %dma_wait3A_926 = tpu.memref_slice %arg4[%dma_wait3A_924, %dma_wait3A_925] : memref<10000x128xf32, #tpu.memory_space<hbm>> -> memref<10000x128xf32, #tpu.memory_space<hbm>>
      tpu.wait_indirect_dma semaphore(%arg17 : memref<!tpu.dma_semaphore, #tpu.memory_space<semaphore_mem>>) src(%dma_wait3A_926 : memref<10000x128xf32, #tpu.memory_space<hbm>>) dst(%dma_wait3A_920 : memref<125x128xf32, #tpu.memory_space<vmem>>)
      %run_scoped3A_927 = arith.constant 1 : i32
      %run_scoped3A_928 = arith.constant 15 : i32
      "tpu.region"() ({
        %run_scoped3A_945 = tpu.sem_alloc : memref<!tpu.dma_semaphore, #tpu.memory_space<semaphore_mem>>
        %dma_start3A_946 = arith.constant 0 : i32
        %dma_start3A_947 = arith.constant 0 : i32
        %dma_start3A_948 = tpu.memref_slice %arg14[%run_scoped3A_927, %dma_start3A_946, %dma_start3A_947] : memref<2x125x128xf32, #tpu.memory_space<vmem>> -> memref<1x125x128xf32, #tpu.memory_space<vmem>>
        %dma_start3A_949 = tpu.memref_squeeze %dma_start3A_948 : memref<1x125x128xf32, #tpu.memory_space<vmem>> -> memref<125x128xf32, #tpu.memory_space<vmem>>
        %dma_start3A_950 = arith.constant 0 : i32
        %dma_start3A_951 = tpu.memref_slice %arg13[%rem3A_480, %run_scoped3A_928, %dma_start3A_950] : memref<2x16x125xi32, #tpu.memory_space<vmem>> -> memref<1x1x125xi32, #tpu.memory_space<vmem>>
        %dma_start3A_952 = tpu.memref_squeeze %dma_start3A_951 : memref<1x1x125xi32, #tpu.memory_space<vmem>> -> memref<125xi32, #tpu.memory_space<vmem>>
        %dma_start3A_953 = arith.constant 0 : i32
        %dma_start3A_954 = arith.constant 0 : i32
        %dma_start3A_955 = tpu.memref_slice %arg10[%dma_start3A_953, %dma_start3A_954] : memref<10000x128xf32, #tpu.memory_space<vmem_shared>> -> memref<10000x128xf32, #tpu.memory_space<vmem_shared>>
        tpu.enqueue_indirect_dma source(%dma_start3A_949 : memref<125x128xf32, #tpu.memory_space<vmem>>) target(%dma_start3A_955 : memref<10000x128xf32, #tpu.memory_space<vmem_shared>>) offsets(%dma_start3A_952 : memref<125xi32, #tpu.memory_space<vmem>>) semaphore(%run_scoped3A_945 : memref<!tpu.dma_semaphore, #tpu.memory_space<semaphore_mem>>) {add = true}
        %dma_wait3A_956 = arith.constant 0 : i32
        %dma_wait3A_957 = arith.constant 0 : i32
        %dma_wait3A_958 = tpu.memref_slice %arg14[%run_scoped3A_927, %dma_wait3A_956, %dma_wait3A_957] : memref<2x125x128xf32, #tpu.memory_space<vmem>> -> memref<1x125x128xf32, #tpu.memory_space<vmem>>
        %dma_wait3A_959 = tpu.memref_squeeze %dma_wait3A_958 : memref<1x125x128xf32, #tpu.memory_space<vmem>> -> memref<125x128xf32, #tpu.memory_space<vmem>>
        %dma_wait3A_960 = arith.constant 0 : i32
        %dma_wait3A_961 = tpu.memref_slice %arg13[%rem3A_480, %run_scoped3A_928, %dma_wait3A_960] : memref<2x16x125xi32, #tpu.memory_space<vmem>> -> memref<1x1x125xi32, #tpu.memory_space<vmem>>
        %dma_wait3A_962 = tpu.memref_squeeze %dma_wait3A_961 : memref<1x1x125xi32, #tpu.memory_space<vmem>> -> memref<125xi32, #tpu.memory_space<vmem>>
        %dma_wait3A_963 = arith.constant 0 : i32
        %dma_wait3A_964 = arith.constant 0 : i32
        %dma_wait3A_965 = tpu.memref_slice %arg10[%dma_wait3A_963, %dma_wait3A_964] : memref<10000x128xf32, #tpu.memory_space<vmem_shared>> -> memref<10000x128xf32, #tpu.memory_space<vmem_shared>>
        tpu.wait_indirect_dma semaphore(%run_scoped3A_945 : memref<!tpu.dma_semaphore, #tpu.memory_space<semaphore_mem>>) src(%dma_wait3A_959 : memref<125x128xf32, #tpu.memory_space<vmem>>) dst(%dma_wait3A_965 : memref<10000x128xf32, #tpu.memory_space<vmem_shared>>)
        tpu.yield
      }) : () -> ()
      %run_scoped3A_929 = arith.constant 15 : i32
      "tpu.region"() ({
        %run_scoped3A_945 = tpu.sem_alloc : memref<!tpu.dma_semaphore, #tpu.memory_space<semaphore_mem>>
        %dma_start3A_946 = arith.constant 0 : i32
        %dma_start3A_947 = tpu.memref_slice %arg13[%rem3A_480, %run_scoped3A_929, %dma_start3A_946] : memref<2x16x125xi32, #tpu.memory_space<vmem>> -> memref<1x1x125xi32, #tpu.memory_space<vmem>>
        %dma_start3A_948 = tpu.memref_squeeze %dma_start3A_947 : memref<1x1x125xi32, #tpu.memory_space<vmem>> -> memref<125xi32, #tpu.memory_space<vmem>>
        %dma_start3A_949 = arith.constant 0 : i32
        %dma_start3A_950 = arith.constant 0 : i32
        %dma_start3A_951 = tpu.memref_slice %arg11[%dma_start3A_949, %dma_start3A_950] : memref<10000x8xf32, #tpu.memory_space<vmem_shared>> -> memref<10000x8xf32, #tpu.memory_space<vmem_shared>>
        tpu.enqueue_indirect_dma source(%arg15 : memref<125x8xf32, #tpu.memory_space<vmem>>) target(%dma_start3A_951 : memref<10000x8xf32, #tpu.memory_space<vmem_shared>>) offsets(%dma_start3A_948 : memref<125xi32, #tpu.memory_space<vmem>>) semaphore(%run_scoped3A_945 : memref<!tpu.dma_semaphore, #tpu.memory_space<semaphore_mem>>) {add = true}
        %dma_wait3A_952 = arith.constant 0 : i32
        %dma_wait3A_953 = tpu.memref_slice %arg13[%rem3A_480, %run_scoped3A_929, %dma_wait3A_952] : memref<2x16x125xi32, #tpu.memory_space<vmem>> -> memref<1x1x125xi32, #tpu.memory_space<vmem>>
        %dma_wait3A_954 = tpu.memref_squeeze %dma_wait3A_953 : memref<1x1x125xi32, #tpu.memory_space<vmem>> -> memref<125xi32, #tpu.memory_space<vmem>>
        %dma_wait3A_955 = arith.constant 0 : i32
        %dma_wait3A_956 = arith.constant 0 : i32
        %dma_wait3A_957 = tpu.memref_slice %arg11[%dma_wait3A_955, %dma_wait3A_956] : memref<10000x8xf32, #tpu.memory_space<vmem_shared>> -> memref<10000x8xf32, #tpu.memory_space<vmem_shared>>
        tpu.wait_indirect_dma semaphore(%run_scoped3A_945 : memref<!tpu.dma_semaphore, #tpu.memory_space<semaphore_mem>>) src(%arg15 : memref<125x8xf32, #tpu.memory_space<vmem>>) dst(%dma_wait3A_957 : memref<10000x8xf32, #tpu.memory_space<vmem_shared>>)
        tpu.yield
      }) : () -> ()
      %sub3A_930 = arith.constant 1 : i32
      %sub3A_931 = arith.subi %sub3A_930, %rem3A_480 : i32
      %dma_start3A_932 = arith.constant 1 : i32
      %dma_start3A_933 = arith.constant 1 : i32
      %dma_start3A_934 = arith.constant 0 : i32
      %dma_start3A_935 = arith.constant 0 : i32
      %dma_start3A_936 = tpu.memref_slice %arg14[%dma_start3A_933, %dma_start3A_934, %dma_start3A_935] : memref<2x125x128xf32, #tpu.memory_space<vmem>> -> memref<1x125x128xf32, #tpu.memory_space<vmem>>
      %dma_start3A_937 = tpu.memref_squeeze %dma_start3A_936 : memref<1x125x128xf32, #tpu.memory_space<vmem>> -> memref<125x128xf32, #tpu.memory_space<vmem>>
      %dma_start3A_938 = arith.constant 0 : i32
      %dma_start3A_939 = tpu.memref_slice %arg12[%sub3A_931, %dma_start3A_932, %dma_start3A_938] : memref<2x16x125xi32, #tpu.memory_space<vmem>> -> memref<1x1x125xi32, #tpu.memory_space<vmem>>
      %dma_start3A_940 = tpu.memref_squeeze %dma_start3A_939 : memref<1x1x125xi32, #tpu.memory_space<vmem>> -> memref<125xi32, #tpu.memory_space<vmem>>
      %dma_start3A_941 = arith.constant 0 : i32
      %dma_start3A_942 = arith.constant 0 : i32
      %dma_start3A_943 = tpu.memref_slice %arg4[%dma_start3A_941, %dma_start3A_942] : memref<10000x128xf32, #tpu.memory_space<hbm>> -> memref<10000x128xf32, #tpu.memory_space<hbm>>
      tpu.enqueue_indirect_dma source(%dma_start3A_943 : memref<10000x128xf32, #tpu.memory_space<hbm>>) target(%dma_start3A_937 : memref<125x128xf32, #tpu.memory_space<vmem>>) offsets(%dma_start3A_940 : memref<125xi32, #tpu.memory_space<vmem>>) semaphore(%arg17 : memref<!tpu.dma_semaphore, #tpu.memory_space<semaphore_mem>>)
      %scan3A_944 = arith.constant 0 : i32
      scf.yield %scan3A_944 : i32
    }
    %scan3A_50 = arith.constant 4 : i32
    %rem3A = arith.constant 4 : i32
    %rem3A_51 = arith.constant 2 : i32
    %rem3A_52 = arith.remsi %rem3A, %rem3A_51 : i32
    %dma_wait3A = arith.constant 0 : i32
    %dma_wait3A_53 = arith.constant 0 : i32
    %dma_wait3A_54 = arith.constant 0 : i32
    %dma_wait3A_55 = arith.constant 0 : i32
    %dma_wait3A_56 = arith.constant 0 : i32
    %dma_wait3A_57 = tpu.memref_slice %arg14[%dma_wait3A_54, %dma_wait3A_55, %dma_wait3A_56] : memref<2x125x128xf32, #tpu.memory_space<vmem>> -> memref<1x125x128xf32, #tpu.memory_space<vmem>>
    %dma_wait3A_58 = tpu.memref_squeeze %dma_wait3A_57 : memref<1x125x128xf32, #tpu.memory_space<vmem>> -> memref<125x128xf32, #tpu.memory_space<vmem>>
    %dma_wait3A_59 = arith.constant 0 : i32
    %dma_wait3A_60 = tpu.memref_slice %arg12[%dma_wait3A, %dma_wait3A_53, %dma_wait3A_59] : memref<2x16x125xi32, #tpu.memory_space<vmem>> -> memref<1x1x125xi32, #tpu.memory_space<vmem>>
    %dma_wait3A_61 = tpu.memref_squeeze %dma_wait3A_60 : memref<1x1x125xi32, #tpu.memory_space<vmem>> -> memref<125xi32, #tpu.memory_space<vmem>>
    %dma_wait3A_62 = arith.constant 0 : i32
    %dma_wait3A_63 = arith.constant 0 : i32
    %dma_wait3A_64 = tpu.memref_slice %arg4[%dma_wait3A_62, %dma_wait3A_63] : memref<10000x128xf32, #tpu.memory_space<hbm>> -> memref<10000x128xf32, #tpu.memory_space<hbm>>
    tpu.wait_indirect_dma semaphore(%arg16 : memref<!tpu.dma_semaphore, #tpu.memory_space<semaphore_mem>>) src(%dma_wait3A_64 : memref<10000x128xf32, #tpu.memory_space<hbm>>) dst(%dma_wait3A_58 : memref<125x128xf32, #tpu.memory_space<vmem>>)
    %run_scoped3A_65 = arith.constant 0 : i32
    %run_scoped3A_66 = arith.constant 0 : i32
    "tpu.region"() ({
      %run_scoped3A_477 = tpu.sem_alloc : memref<!tpu.dma_semaphore, #tpu.memory_space<semaphore_mem>>
      %dma_start3A_478 = arith.constant 0 : i32
      %dma_start3A_479 = arith.constant 0 : i32
      %dma_start3A_480 = tpu.memref_slice %arg14[%run_scoped3A_65, %dma_start3A_478, %dma_start3A_479] : memref<2x125x128xf32, #tpu.memory_space<vmem>> -> memref<1x125x128xf32, #tpu.memory_space<vmem>>
      %dma_start3A_481 = tpu.memref_squeeze %dma_start3A_480 : memref<1x125x128xf32, #tpu.memory_space<vmem>> -> memref<125x128xf32, #tpu.memory_space<vmem>>
      %dma_start3A_482 = arith.constant 0 : i32
      %dma_start3A_483 = tpu.memref_slice %arg13[%rem3A_52, %run_scoped3A_66, %dma_start3A_482] : memref<2x16x125xi32, #tpu.memory_space<vmem>> -> memref<1x1x125xi32, #tpu.memory_space<vmem>>
      %dma_start3A_484 = tpu.memref_squeeze %dma_start3A_483 : memref<1x1x125xi32, #tpu.memory_space<vmem>> -> memref<125xi32, #tpu.memory_space<vmem>>
      %dma_start3A_485 = arith.constant 0 : i32
      %dma_start3A_486 = arith.constant 0 : i32
      %dma_start3A_487 = tpu.memref_slice %arg10[%dma_start3A_485, %dma_start3A_486] : memref<10000x128xf32, #tpu.memory_space<vmem_shared>> -> memref<10000x128xf32, #tpu.memory_space<vmem_shared>>
      tpu.enqueue_indirect_dma source(%dma_start3A_481 : memref<125x128xf32, #tpu.memory_space<vmem>>) target(%dma_start3A_487 : memref<10000x128xf32, #tpu.memory_space<vmem_shared>>) offsets(%dma_start3A_484 : memref<125xi32, #tpu.memory_space<vmem>>) semaphore(%run_scoped3A_477 : memref<!tpu.dma_semaphore, #tpu.memory_space<semaphore_mem>>) {add = true}
      %dma_wait3A_488 = arith.constant 0 : i32
      %dma_wait3A_489 = arith.constant 0 : i32
      %dma_wait3A_490 = tpu.memref_slice %arg14[%run_scoped3A_65, %dma_wait3A_488, %dma_wait3A_489] : memref<2x125x128xf32, #tpu.memory_space<vmem>> -> memref<1x125x128xf32, #tpu.memory_space<vmem>>
      %dma_wait3A_491 = tpu.memref_squeeze %dma_wait3A_490 : memref<1x125x128xf32, #tpu.memory_space<vmem>> -> memref<125x128xf32, #tpu.memory_space<vmem>>
      %dma_wait3A_492 = arith.constant 0 : i32
      %dma_wait3A_493 = tpu.memref_slice %arg13[%rem3A_52, %run_scoped3A_66, %dma_wait3A_492] : memref<2x16x125xi32, #tpu.memory_space<vmem>> -> memref<1x1x125xi32, #tpu.memory_space<vmem>>
      %dma_wait3A_494 = tpu.memref_squeeze %dma_wait3A_493 : memref<1x1x125xi32, #tpu.memory_space<vmem>> -> memref<125xi32, #tpu.memory_space<vmem>>
      %dma_wait3A_495 = arith.constant 0 : i32
      %dma_wait3A_496 = arith.constant 0 : i32
      %dma_wait3A_497 = tpu.memref_slice %arg10[%dma_wait3A_495, %dma_wait3A_496] : memref<10000x128xf32, #tpu.memory_space<vmem_shared>> -> memref<10000x128xf32, #tpu.memory_space<vmem_shared>>
      tpu.wait_indirect_dma semaphore(%run_scoped3A_477 : memref<!tpu.dma_semaphore, #tpu.memory_space<semaphore_mem>>) src(%dma_wait3A_491 : memref<125x128xf32, #tpu.memory_space<vmem>>) dst(%dma_wait3A_497 : memref<10000x128xf32, #tpu.memory_space<vmem_shared>>)
      tpu.yield
    }) : () -> ()
    %run_scoped3A_67 = arith.constant 0 : i32
    "tpu.region"() ({
      %run_scoped3A_477 = tpu.sem_alloc : memref<!tpu.dma_semaphore, #tpu.memory_space<semaphore_mem>>
      %dma_start3A_478 = arith.constant 0 : i32
      %dma_start3A_479 = tpu.memref_slice %arg13[%rem3A_52, %run_scoped3A_67, %dma_start3A_478] : memref<2x16x125xi32, #tpu.memory_space<vmem>> -> memref<1x1x125xi32, #tpu.memory_space<vmem>>
      %dma_start3A_480 = tpu.memref_squeeze %dma_start3A_479 : memref<1x1x125xi32, #tpu.memory_space<vmem>> -> memref<125xi32, #tpu.memory_space<vmem>>
      %dma_start3A_481 = arith.constant 0 : i32
      %dma_start3A_482 = arith.constant 0 : i32
      %dma_start3A_483 = tpu.memref_slice %arg11[%dma_start3A_481, %dma_start3A_482] : memref<10000x8xf32, #tpu.memory_space<vmem_shared>> -> memref<10000x8xf32, #tpu.memory_space<vmem_shared>>
      tpu.enqueue_indirect_dma source(%arg15 : memref<125x8xf32, #tpu.memory_space<vmem>>) target(%dma_start3A_483 : memref<10000x8xf32, #tpu.memory_space<vmem_shared>>) offsets(%dma_start3A_480 : memref<125xi32, #tpu.memory_space<vmem>>) semaphore(%run_scoped3A_477 : memref<!tpu.dma_semaphore, #tpu.memory_space<semaphore_mem>>) {add = true}
      %dma_wait3A_484 = arith.constant 0 : i32
      %dma_wait3A_485 = tpu.memref_slice %arg13[%rem3A_52, %run_scoped3A_67, %dma_wait3A_484] : memref<2x16x125xi32, #tpu.memory_space<vmem>> -> memref<1x1x125xi32, #tpu.memory_space<vmem>>
      %dma_wait3A_486 = tpu.memref_squeeze %dma_wait3A_485 : memref<1x1x125xi32, #tpu.memory_space<vmem>> -> memref<125xi32, #tpu.memory_space<vmem>>
      %dma_wait3A_487 = arith.constant 0 : i32
      %dma_wait3A_488 = arith.constant 0 : i32
      %dma_wait3A_489 = tpu.memref_slice %arg11[%dma_wait3A_487, %dma_wait3A_488] : memref<10000x8xf32, #tpu.memory_space<vmem_shared>> -> memref<10000x8xf32, #tpu.memory_space<vmem_shared>>
      tpu.wait_indirect_dma semaphore(%run_scoped3A_477 : memref<!tpu.dma_semaphore, #tpu.memory_space<semaphore_mem>>) src(%arg15 : memref<125x8xf32, #tpu.memory_space<vmem>>) dst(%dma_wait3A_489 : memref<10000x8xf32, #tpu.memory_space<vmem_shared>>)
      tpu.yield
    }) : () -> ()
    %dma_start3A_68 = arith.constant 2 : i32
    %dma_start3A_69 = arith.constant 0 : i32
    %dma_start3A_70 = arith.constant 0 : i32
    %dma_start3A_71 = arith.constant 0 : i32
    %dma_start3A_72 = tpu.memref_slice %arg14[%dma_start3A_69, %dma_start3A_70, %dma_start3A_71] : memref<2x125x128xf32, #tpu.memory_space<vmem>> -> memref<1x125x128xf32, #tpu.memory_space<vmem>>
    %dma_start3A_73 = tpu.memref_squeeze %dma_start3A_72 : memref<1x125x128xf32, #tpu.memory_space<vmem>> -> memref<125x128xf32, #tpu.memory_space<vmem>>
    %dma_start3A_74 = arith.constant 0 : i32
    %dma_start3A_75 = tpu.memref_slice %arg12[%rem3A_52, %dma_start3A_68, %dma_start3A_74] : memref<2x16x125xi32, #tpu.memory_space<vmem>> -> memref<1x1x125xi32, #tpu.memory_space<vmem>>
    %dma_start3A_76 = tpu.memref_squeeze %dma_start3A_75 : memref<1x1x125xi32, #tpu.memory_space<vmem>> -> memref<125xi32, #tpu.memory_space<vmem>>
    %dma_start3A_77 = arith.constant 0 : i32
    %dma_start3A_78 = arith.constant 0 : i32
    %dma_start3A_79 = tpu.memref_slice %arg4[%dma_start3A_77, %dma_start3A_78] : memref<10000x128xf32, #tpu.memory_space<hbm>> -> memref<10000x128xf32, #tpu.memory_space<hbm>>
    tpu.enqueue_indirect_dma source(%dma_start3A_79 : memref<10000x128xf32, #tpu.memory_space<hbm>>) target(%dma_start3A_73 : memref<125x128xf32, #tpu.memory_space<vmem>>) offsets(%dma_start3A_76 : memref<125xi32, #tpu.memory_space<vmem>>) semaphore(%arg16 : memref<!tpu.dma_semaphore, #tpu.memory_space<semaphore_mem>>)
    %dma_wait3A_80 = arith.constant 0 : i32
    %dma_wait3A_81 = arith.constant 0 : i32
    %dma_wait3A_82 = arith.constant 1 : i32
    %dma_wait3A_83 = arith.constant 0 : i32
    %dma_wait3A_84 = arith.constant 0 : i32
    %dma_wait3A_85 = tpu.memref_slice %arg14[%dma_wait3A_82, %dma_wait3A_83, %dma_wait3A_84] : memref<2x125x128xf32, #tpu.memory_space<vmem>> -> memref<1x125x128xf32, #tpu.memory_space<vmem>>
    %dma_wait3A_86 = tpu.memref_squeeze %dma_wait3A_85 : memref<1x125x128xf32, #tpu.memory_space<vmem>> -> memref<125x128xf32, #tpu.memory_space<vmem>>
    %dma_wait3A_87 = arith.constant 0 : i32
    %dma_wait3A_88 = tpu.memref_slice %arg12[%dma_wait3A_80, %dma_wait3A_81, %dma_wait3A_87] : memref<2x16x125xi32, #tpu.memory_space<vmem>> -> memref<1x1x125xi32, #tpu.memory_space<vmem>>
    %dma_wait3A_89 = tpu.memref_squeeze %dma_wait3A_88 : memref<1x1x125xi32, #tpu.memory_space<vmem>> -> memref<125xi32, #tpu.memory_space<vmem>>
    %dma_wait3A_90 = arith.constant 0 : i32
    %dma_wait3A_91 = arith.constant 0 : i32
    %dma_wait3A_92 = tpu.memref_slice %arg4[%dma_wait3A_90, %dma_wait3A_91] : memref<10000x128xf32, #tpu.memory_space<hbm>> -> memref<10000x128xf32, #tpu.memory_space<hbm>>
    tpu.wait_indirect_dma semaphore(%arg17 : memref<!tpu.dma_semaphore, #tpu.memory_space<semaphore_mem>>) src(%dma_wait3A_92 : memref<10000x128xf32, #tpu.memory_space<hbm>>) dst(%dma_wait3A_86 : memref<125x128xf32, #tpu.memory_space<vmem>>)
    %run_scoped3A_93 = arith.constant 1 : i32
    %run_scoped3A_94 = arith.constant 1 : i32
    "tpu.region"() ({
      %run_scoped3A_477 = tpu.sem_alloc : memref<!tpu.dma_semaphore, #tpu.memory_space<semaphore_mem>>
      %dma_start3A_478 = arith.constant 0 : i32
      %dma_start3A_479 = arith.constant 0 : i32
      %dma_start3A_480 = tpu.memref_slice %arg14[%run_scoped3A_93, %dma_start3A_478, %dma_start3A_479] : memref<2x125x128xf32, #tpu.memory_space<vmem>> -> memref<1x125x128xf32, #tpu.memory_space<vmem>>
      %dma_start3A_481 = tpu.memref_squeeze %dma_start3A_480 : memref<1x125x128xf32, #tpu.memory_space<vmem>> -> memref<125x128xf32, #tpu.memory_space<vmem>>
      %dma_start3A_482 = arith.constant 0 : i32
      %dma_start3A_483 = tpu.memref_slice %arg13[%rem3A_52, %run_scoped3A_94, %dma_start3A_482] : memref<2x16x125xi32, #tpu.memory_space<vmem>> -> memref<1x1x125xi32, #tpu.memory_space<vmem>>
      %dma_start3A_484 = tpu.memref_squeeze %dma_start3A_483 : memref<1x1x125xi32, #tpu.memory_space<vmem>> -> memref<125xi32, #tpu.memory_space<vmem>>
      %dma_start3A_485 = arith.constant 0 : i32
      %dma_start3A_486 = arith.constant 0 : i32
      %dma_start3A_487 = tpu.memref_slice %arg10[%dma_start3A_485, %dma_start3A_486] : memref<10000x128xf32, #tpu.memory_space<vmem_shared>> -> memref<10000x128xf32, #tpu.memory_space<vmem_shared>>
      tpu.enqueue_indirect_dma source(%dma_start3A_481 : memref<125x128xf32, #tpu.memory_space<vmem>>) target(%dma_start3A_487 : memref<10000x128xf32, #tpu.memory_space<vmem_shared>>) offsets(%dma_start3A_484 : memref<125xi32, #tpu.memory_space<vmem>>) semaphore(%run_scoped3A_477 : memref<!tpu.dma_semaphore, #tpu.memory_space<semaphore_mem>>) {add = true}
      %dma_wait3A_488 = arith.constant 0 : i32
      %dma_wait3A_489 = arith.constant 0 : i32
      %dma_wait3A_490 = tpu.memref_slice %arg14[%run_scoped3A_93, %dma_wait3A_488, %dma_wait3A_489] : memref<2x125x128xf32, #tpu.memory_space<vmem>> -> memref<1x125x128xf32, #tpu.memory_space<vmem>>
      %dma_wait3A_491 = tpu.memref_squeeze %dma_wait3A_490 : memref<1x125x128xf32, #tpu.memory_space<vmem>> -> memref<125x128xf32, #tpu.memory_space<vmem>>
      %dma_wait3A_492 = arith.constant 0 : i32
      %dma_wait3A_493 = tpu.memref_slice %arg13[%rem3A_52, %run_scoped3A_94, %dma_wait3A_492] : memref<2x16x125xi32, #tpu.memory_space<vmem>> -> memref<1x1x125xi32, #tpu.memory_space<vmem>>
      %dma_wait3A_494 = tpu.memref_squeeze %dma_wait3A_493 : memref<1x1x125xi32, #tpu.memory_space<vmem>> -> memref<125xi32, #tpu.memory_space<vmem>>
      %dma_wait3A_495 = arith.constant 0 : i32
      %dma_wait3A_496 = arith.constant 0 : i32
      %dma_wait3A_497 = tpu.memref_slice %arg10[%dma_wait3A_495, %dma_wait3A_496] : memref<10000x128xf32, #tpu.memory_space<vmem_shared>> -> memref<10000x128xf32, #tpu.memory_space<vmem_shared>>
      tpu.wait_indirect_dma semaphore(%run_scoped3A_477 : memref<!tpu.dma_semaphore, #tpu.memory_space<semaphore_mem>>) src(%dma_wait3A_491 : memref<125x128xf32, #tpu.memory_space<vmem>>) dst(%dma_wait3A_497 : memref<10000x128xf32, #tpu.memory_space<vmem_shared>>)
      tpu.yield
    }) : () -> ()
    %run_scoped3A_95 = arith.constant 1 : i32
    "tpu.region"() ({
      %run_scoped3A_477 = tpu.sem_alloc : memref<!tpu.dma_semaphore, #tpu.memory_space<semaphore_mem>>
      %dma_start3A_478 = arith.constant 0 : i32
      %dma_start3A_479 = tpu.memref_slice %arg13[%rem3A_52, %run_scoped3A_95, %dma_start3A_478] : memref<2x16x125xi32, #tpu.memory_space<vmem>> -> memref<1x1x125xi32, #tpu.memory_space<vmem>>
      %dma_start3A_480 = tpu.memref_squeeze %dma_start3A_479 : memref<1x1x125xi32, #tpu.memory_space<vmem>> -> memref<125xi32, #tpu.memory_space<vmem>>
      %dma_start3A_481 = arith.constant 0 : i32
      %dma_start3A_482 = arith.constant 0 : i32
      %dma_start3A_483 = tpu.memref_slice %arg11[%dma_start3A_481, %dma_start3A_482] : memref<10000x8xf32, #tpu.memory_space<vmem_shared>> -> memref<10000x8xf32, #tpu.memory_space<vmem_shared>>
      tpu.enqueue_indirect_dma source(%arg15 : memref<125x8xf32, #tpu.memory_space<vmem>>) target(%dma_start3A_483 : memref<10000x8xf32, #tpu.memory_space<vmem_shared>>) offsets(%dma_start3A_480 : memref<125xi32, #tpu.memory_space<vmem>>) semaphore(%run_scoped3A_477 : memref<!tpu.dma_semaphore, #tpu.memory_space<semaphore_mem>>) {add = true}
      %dma_wait3A_484 = arith.constant 0 : i32
      %dma_wait3A_485 = tpu.memref_slice %arg13[%rem3A_52, %run_scoped3A_95, %dma_wait3A_484] : memref<2x16x125xi32, #tpu.memory_space<vmem>> -> memref<1x1x125xi32, #tpu.memory_space<vmem>>
      %dma_wait3A_486 = tpu.memref_squeeze %dma_wait3A_485 : memref<1x1x125xi32, #tpu.memory_space<vmem>> -> memref<125xi32, #tpu.memory_space<vmem>>
      %dma_wait3A_487 = arith.constant 0 : i32
      %dma_wait3A_488 = arith.constant 0 : i32
      %dma_wait3A_489 = tpu.memref_slice %arg11[%dma_wait3A_487, %dma_wait3A_488] : memref<10000x8xf32, #tpu.memory_space<vmem_shared>> -> memref<10000x8xf32, #tpu.memory_space<vmem_shared>>
      tpu.wait_indirect_dma semaphore(%run_scoped3A_477 : memref<!tpu.dma_semaphore, #tpu.memory_space<semaphore_mem>>) src(%arg15 : memref<125x8xf32, #tpu.memory_space<vmem>>) dst(%dma_wait3A_489 : memref<10000x8xf32, #tpu.memory_space<vmem_shared>>)
      tpu.yield
    }) : () -> ()
    %dma_start3A_96 = arith.constant 3 : i32
    %dma_start3A_97 = arith.constant 1 : i32
    %dma_start3A_98 = arith.constant 0 : i32
    %dma_start3A_99 = arith.constant 0 : i32
    %dma_start3A_100 = tpu.memref_slice %arg14[%dma_start3A_97, %dma_start3A_98, %dma_start3A_99] : memref<2x125x128xf32, #tpu.memory_space<vmem>> -> memref<1x125x128xf32, #tpu.memory_space<vmem>>
    %dma_start3A_101 = tpu.memref_squeeze %dma_start3A_100 : memref<1x125x128xf32, #tpu.memory_space<vmem>> -> memref<125x128xf32, #tpu.memory_space<vmem>>
    %dma_start3A_102 = arith.constant 0 : i32
    %dma_start3A_103 = tpu.memref_slice %arg12[%rem3A_52, %dma_start3A_96, %dma_start3A_102] : memref<2x16x125xi32, #tpu.memory_space<vmem>> -> memref<1x1x125xi32, #tpu.memory_space<vmem>>
    %dma_start3A_104 = tpu.memref_squeeze %dma_start3A_103 : memref<1x1x125xi32, #tpu.memory_space<vmem>> -> memref<125xi32, #tpu.memory_space<vmem>>
    %dma_start3A_105 = arith.constant 0 : i32
    %dma_start3A_106 = arith.constant 0 : i32
    %dma_start3A_107 = tpu.memref_slice %arg4[%dma_start3A_105, %dma_start3A_106] : memref<10000x128xf32, #tpu.memory_space<hbm>> -> memref<10000x128xf32, #tpu.memory_space<hbm>>
    tpu.enqueue_indirect_dma source(%dma_start3A_107 : memref<10000x128xf32, #tpu.memory_space<hbm>>) target(%dma_start3A_101 : memref<125x128xf32, #tpu.memory_space<vmem>>) offsets(%dma_start3A_104 : memref<125xi32, #tpu.memory_space<vmem>>) semaphore(%arg17 : memref<!tpu.dma_semaphore, #tpu.memory_space<semaphore_mem>>)
    %dma_wait3A_108 = arith.constant 0 : i32
    %dma_wait3A_109 = arith.constant 0 : i32
    %dma_wait3A_110 = arith.constant 0 : i32
    %dma_wait3A_111 = arith.constant 0 : i32
    %dma_wait3A_112 = arith.constant 0 : i32
    %dma_wait3A_113 = tpu.memref_slice %arg14[%dma_wait3A_110, %dma_wait3A_111, %dma_wait3A_112] : memref<2x125x128xf32, #tpu.memory_space<vmem>> -> memref<1x125x128xf32, #tpu.memory_space<vmem>>
    %dma_wait3A_114 = tpu.memref_squeeze %dma_wait3A_113 : memref<1x125x128xf32, #tpu.memory_space<vmem>> -> memref<125x128xf32, #tpu.memory_space<vmem>>
    %dma_wait3A_115 = arith.constant 0 : i32
    %dma_wait3A_116 = tpu.memref_slice %arg12[%dma_wait3A_108, %dma_wait3A_109, %dma_wait3A_115] : memref<2x16x125xi32, #tpu.memory_space<vmem>> -> memref<1x1x125xi32, #tpu.memory_space<vmem>>
    %dma_wait3A_117 = tpu.memref_squeeze %dma_wait3A_116 : memref<1x1x125xi32, #tpu.memory_space<vmem>> -> memref<125xi32, #tpu.memory_space<vmem>>
    %dma_wait3A_118 = arith.constant 0 : i32
    %dma_wait3A_119 = arith.constant 0 : i32
    %dma_wait3A_120 = tpu.memref_slice %arg4[%dma_wait3A_118, %dma_wait3A_119] : memref<10000x128xf32, #tpu.memory_space<hbm>> -> memref<10000x128xf32, #tpu.memory_space<hbm>>
    tpu.wait_indirect_dma semaphore(%arg16 : memref<!tpu.dma_semaphore, #tpu.memory_space<semaphore_mem>>) src(%dma_wait3A_120 : memref<10000x128xf32, #tpu.memory_space<hbm>>) dst(%dma_wait3A_114 : memref<125x128xf32, #tpu.memory_space<vmem>>)
    %run_scoped3A_121 = arith.constant 0 : i32
    %run_scoped3A_122 = arith.constant 2 : i32
    "tpu.region"() ({
      %run_scoped3A_477 = tpu.sem_alloc : memref<!tpu.dma_semaphore, #tpu.memory_space<semaphore_mem>>
      %dma_start3A_478 = arith.constant 0 : i32
      %dma_start3A_479 = arith.constant 0 : i32
      %dma_start3A_480 = tpu.memref_slice %arg14[%run_scoped3A_121, %dma_start3A_478, %dma_start3A_479] : memref<2x125x128xf32, #tpu.memory_space<vmem>> -> memref<1x125x128xf32, #tpu.memory_space<vmem>>
      %dma_start3A_481 = tpu.memref_squeeze %dma_start3A_480 : memref<1x125x128xf32, #tpu.memory_space<vmem>> -> memref<125x128xf32, #tpu.memory_space<vmem>>
      %dma_start3A_482 = arith.constant 0 : i32
      %dma_start3A_483 = tpu.memref_slice %arg13[%rem3A_52, %run_scoped3A_122, %dma_start3A_482] : memref<2x16x125xi32, #tpu.memory_space<vmem>> -> memref<1x1x125xi32, #tpu.memory_space<vmem>>
      %dma_start3A_484 = tpu.memref_squeeze %dma_start3A_483 : memref<1x1x125xi32, #tpu.memory_space<vmem>> -> memref<125xi32, #tpu.memory_space<vmem>>
      %dma_start3A_485 = arith.constant 0 : i32
      %dma_start3A_486 = arith.constant 0 : i32
      %dma_start3A_487 = tpu.memref_slice %arg10[%dma_start3A_485, %dma_start3A_486] : memref<10000x128xf32, #tpu.memory_space<vmem_shared>> -> memref<10000x128xf32, #tpu.memory_space<vmem_shared>>
      tpu.enqueue_indirect_dma source(%dma_start3A_481 : memref<125x128xf32, #tpu.memory_space<vmem>>) target(%dma_start3A_487 : memref<10000x128xf32, #tpu.memory_space<vmem_shared>>) offsets(%dma_start3A_484 : memref<125xi32, #tpu.memory_space<vmem>>) semaphore(%run_scoped3A_477 : memref<!tpu.dma_semaphore, #tpu.memory_space<semaphore_mem>>) {add = true}
      %dma_wait3A_488 = arith.constant 0 : i32
      %dma_wait3A_489 = arith.constant 0 : i32
      %dma_wait3A_490 = tpu.memref_slice %arg14[%run_scoped3A_121, %dma_wait3A_488, %dma_wait3A_489] : memref<2x125x128xf32, #tpu.memory_space<vmem>> -> memref<1x125x128xf32, #tpu.memory_space<vmem>>
      %dma_wait3A_491 = tpu.memref_squeeze %dma_wait3A_490 : memref<1x125x128xf32, #tpu.memory_space<vmem>> -> memref<125x128xf32, #tpu.memory_space<vmem>>
      %dma_wait3A_492 = arith.constant 0 : i32
      %dma_wait3A_493 = tpu.memref_slice %arg13[%rem3A_52, %run_scoped3A_122, %dma_wait3A_492] : memref<2x16x125xi32, #tpu.memory_space<vmem>> -> memref<1x1x125xi32, #tpu.memory_space<vmem>>
      %dma_wait3A_494 = tpu.memref_squeeze %dma_wait3A_493 : memref<1x1x125xi32, #tpu.memory_space<vmem>> -> memref<125xi32, #tpu.memory_space<vmem>>
      %dma_wait3A_495 = arith.constant 0 : i32
      %dma_wait3A_496 = arith.constant 0 : i32
      %dma_wait3A_497 = tpu.memref_slice %arg10[%dma_wait3A_495, %dma_wait3A_496] : memref<10000x128xf32, #tpu.memory_space<vmem_shared>> -> memref<10000x128xf32, #tpu.memory_space<vmem_shared>>
      tpu.wait_indirect_dma semaphore(%run_scoped3A_477 : memref<!tpu.dma_semaphore, #tpu.memory_space<semaphore_mem>>) src(%dma_wait3A_491 : memref<125x128xf32, #tpu.memory_space<vmem>>) dst(%dma_wait3A_497 : memref<10000x128xf32, #tpu.memory_space<vmem_shared>>)
      tpu.yield
    }) : () -> ()
    %run_scoped3A_123 = arith.constant 2 : i32
    "tpu.region"() ({
      %run_scoped3A_477 = tpu.sem_alloc : memref<!tpu.dma_semaphore, #tpu.memory_space<semaphore_mem>>
      %dma_start3A_478 = arith.constant 0 : i32
      %dma_start3A_479 = tpu.memref_slice %arg13[%rem3A_52, %run_scoped3A_123, %dma_start3A_478] : memref<2x16x125xi32, #tpu.memory_space<vmem>> -> memref<1x1x125xi32, #tpu.memory_space<vmem>>
      %dma_start3A_480 = tpu.memref_squeeze %dma_start3A_479 : memref<1x1x125xi32, #tpu.memory_space<vmem>> -> memref<125xi32, #tpu.memory_space<vmem>>
      %dma_start3A_481 = arith.constant 0 : i32
      %dma_start3A_482 = arith.constant 0 : i32
      %dma_start3A_483 = tpu.memref_slice %arg11[%dma_start3A_481, %dma_start3A_482] : memref<10000x8xf32, #tpu.memory_space<vmem_shared>> -> memref<10000x8xf32, #tpu.memory_space<vmem_shared>>
      tpu.enqueue_indirect_dma source(%arg15 : memref<125x8xf32, #tpu.memory_space<vmem>>) target(%dma_start3A_483 : memref<10000x8xf32, #tpu.memory_space<vmem_shared>>) offsets(%dma_start3A_480 : memref<125xi32, #tpu.memory_space<vmem>>) semaphore(%run_scoped3A_477 : memref<!tpu.dma_semaphore, #tpu.memory_space<semaphore_mem>>) {add = true}
      %dma_wait3A_484 = arith.constant 0 : i32
      %dma_wait3A_485 = tpu.memref_slice %arg13[%rem3A_52, %run_scoped3A_123, %dma_wait3A_484] : memref<2x16x125xi32, #tpu.memory_space<vmem>> -> memref<1x1x125xi32, #tpu.memory_space<vmem>>
      %dma_wait3A_486 = tpu.memref_squeeze %dma_wait3A_485 : memref<1x1x125xi32, #tpu.memory_space<vmem>> -> memref<125xi32, #tpu.memory_space<vmem>>
      %dma_wait3A_487 = arith.constant 0 : i32
      %dma_wait3A_488 = arith.constant 0 : i32
      %dma_wait3A_489 = tpu.memref_slice %arg11[%dma_wait3A_487, %dma_wait3A_488] : memref<10000x8xf32, #tpu.memory_space<vmem_shared>> -> memref<10000x8xf32, #tpu.memory_space<vmem_shared>>
      tpu.wait_indirect_dma semaphore(%run_scoped3A_477 : memref<!tpu.dma_semaphore, #tpu.memory_space<semaphore_mem>>) src(%arg15 : memref<125x8xf32, #tpu.memory_space<vmem>>) dst(%dma_wait3A_489 : memref<10000x8xf32, #tpu.memory_space<vmem_shared>>)
      tpu.yield
    }) : () -> ()
    %dma_start3A_124 = arith.constant 4 : i32
    %dma_start3A_125 = arith.constant 0 : i32
    %dma_start3A_126 = arith.constant 0 : i32
    %dma_start3A_127 = arith.constant 0 : i32
    %dma_start3A_128 = tpu.memref_slice %arg14[%dma_start3A_125, %dma_start3A_126, %dma_start3A_127] : memref<2x125x128xf32, #tpu.memory_space<vmem>> -> memref<1x125x128xf32, #tpu.memory_space<vmem>>
    %dma_start3A_129 = tpu.memref_squeeze %dma_start3A_128 : memref<1x125x128xf32, #tpu.memory_space<vmem>> -> memref<125x128xf32, #tpu.memory_space<vmem>>
    %dma_start3A_130 = arith.constant 0 : i32
    %dma_start3A_131 = tpu.memref_slice %arg12[%rem3A_52, %dma_start3A_124, %dma_start3A_130] : memref<2x16x125xi32, #tpu.memory_space<vmem>> -> memref<1x1x125xi32, #tpu.memory_space<vmem>>
    %dma_start3A_132 = tpu.memref_squeeze %dma_start3A_131 : memref<1x1x125xi32, #tpu.memory_space<vmem>> -> memref<125xi32, #tpu.memory_space<vmem>>
    %dma_start3A_133 = arith.constant 0 : i32
    %dma_start3A_134 = arith.constant 0 : i32
    %dma_start3A_135 = tpu.memref_slice %arg4[%dma_start3A_133, %dma_start3A_134] : memref<10000x128xf32, #tpu.memory_space<hbm>> -> memref<10000x128xf32, #tpu.memory_space<hbm>>
    tpu.enqueue_indirect_dma source(%dma_start3A_135 : memref<10000x128xf32, #tpu.memory_space<hbm>>) target(%dma_start3A_129 : memref<125x128xf32, #tpu.memory_space<vmem>>) offsets(%dma_start3A_132 : memref<125xi32, #tpu.memory_space<vmem>>) semaphore(%arg16 : memref<!tpu.dma_semaphore, #tpu.memory_space<semaphore_mem>>)
    %dma_wait3A_136 = arith.constant 0 : i32
    %dma_wait3A_137 = arith.constant 0 : i32
    %dma_wait3A_138 = arith.constant 1 : i32
    %dma_wait3A_139 = arith.constant 0 : i32
    %dma_wait3A_140 = arith.constant 0 : i32
    %dma_wait3A_141 = tpu.memref_slice %arg14[%dma_wait3A_138, %dma_wait3A_139, %dma_wait3A_140] : memref<2x125x128xf32, #tpu.memory_space<vmem>> -> memref<1x125x128xf32, #tpu.memory_space<vmem>>
    %dma_wait3A_142 = tpu.memref_squeeze %dma_wait3A_141 : memref<1x125x128xf32, #tpu.memory_space<vmem>> -> memref<125x128xf32, #tpu.memory_space<vmem>>
    %dma_wait3A_143 = arith.constant 0 : i32
    %dma_wait3A_144 = tpu.memref_slice %arg12[%dma_wait3A_136, %dma_wait3A_137, %dma_wait3A_143] : memref<2x16x125xi32, #tpu.memory_space<vmem>> -> memref<1x1x125xi32, #tpu.memory_space<vmem>>
    %dma_wait3A_145 = tpu.memref_squeeze %dma_wait3A_144 : memref<1x1x125xi32, #tpu.memory_space<vmem>> -> memref<125xi32, #tpu.memory_space<vmem>>
    %dma_wait3A_146 = arith.constant 0 : i32
    %dma_wait3A_147 = arith.constant 0 : i32
    %dma_wait3A_148 = tpu.memref_slice %arg4[%dma_wait3A_146, %dma_wait3A_147] : memref<10000x128xf32, #tpu.memory_space<hbm>> -> memref<10000x128xf32, #tpu.memory_space<hbm>>
    tpu.wait_indirect_dma semaphore(%arg17 : memref<!tpu.dma_semaphore, #tpu.memory_space<semaphore_mem>>) src(%dma_wait3A_148 : memref<10000x128xf32, #tpu.memory_space<hbm>>) dst(%dma_wait3A_142 : memref<125x128xf32, #tpu.memory_space<vmem>>)
    %run_scoped3A_149 = arith.constant 1 : i32
    %run_scoped3A_150 = arith.constant 3 : i32
    "tpu.region"() ({
      %run_scoped3A_477 = tpu.sem_alloc : memref<!tpu.dma_semaphore, #tpu.memory_space<semaphore_mem>>
      %dma_start3A_478 = arith.constant 0 : i32
      %dma_start3A_479 = arith.constant 0 : i32
      %dma_start3A_480 = tpu.memref_slice %arg14[%run_scoped3A_149, %dma_start3A_478, %dma_start3A_479] : memref<2x125x128xf32, #tpu.memory_space<vmem>> -> memref<1x125x128xf32, #tpu.memory_space<vmem>>
      %dma_start3A_481 = tpu.memref_squeeze %dma_start3A_480 : memref<1x125x128xf32, #tpu.memory_space<vmem>> -> memref<125x128xf32, #tpu.memory_space<vmem>>
      %dma_start3A_482 = arith.constant 0 : i32
      %dma_start3A_483 = tpu.memref_slice %arg13[%rem3A_52, %run_scoped3A_150, %dma_start3A_482] : memref<2x16x125xi32, #tpu.memory_space<vmem>> -> memref<1x1x125xi32, #tpu.memory_space<vmem>>
      %dma_start3A_484 = tpu.memref_squeeze %dma_start3A_483 : memref<1x1x125xi32, #tpu.memory_space<vmem>> -> memref<125xi32, #tpu.memory_space<vmem>>
      %dma_start3A_485 = arith.constant 0 : i32
      %dma_start3A_486 = arith.constant 0 : i32
      %dma_start3A_487 = tpu.memref_slice %arg10[%dma_start3A_485, %dma_start3A_486] : memref<10000x128xf32, #tpu.memory_space<vmem_shared>> -> memref<10000x128xf32, #tpu.memory_space<vmem_shared>>
      tpu.enqueue_indirect_dma source(%dma_start3A_481 : memref<125x128xf32, #tpu.memory_space<vmem>>) target(%dma_start3A_487 : memref<10000x128xf32, #tpu.memory_space<vmem_shared>>) offsets(%dma_start3A_484 : memref<125xi32, #tpu.memory_space<vmem>>) semaphore(%run_scoped3A_477 : memref<!tpu.dma_semaphore, #tpu.memory_space<semaphore_mem>>) {add = true}
      %dma_wait3A_488 = arith.constant 0 : i32
      %dma_wait3A_489 = arith.constant 0 : i32
      %dma_wait3A_490 = tpu.memref_slice %arg14[%run_scoped3A_149, %dma_wait3A_488, %dma_wait3A_489] : memref<2x125x128xf32, #tpu.memory_space<vmem>> -> memref<1x125x128xf32, #tpu.memory_space<vmem>>
      %dma_wait3A_491 = tpu.memref_squeeze %dma_wait3A_490 : memref<1x125x128xf32, #tpu.memory_space<vmem>> -> memref<125x128xf32, #tpu.memory_space<vmem>>
      %dma_wait3A_492 = arith.constant 0 : i32
      %dma_wait3A_493 = tpu.memref_slice %arg13[%rem3A_52, %run_scoped3A_150, %dma_wait3A_492] : memref<2x16x125xi32, #tpu.memory_space<vmem>> -> memref<1x1x125xi32, #tpu.memory_space<vmem>>
      %dma_wait3A_494 = tpu.memref_squeeze %dma_wait3A_493 : memref<1x1x125xi32, #tpu.memory_space<vmem>> -> memref<125xi32, #tpu.memory_space<vmem>>
      %dma_wait3A_495 = arith.constant 0 : i32
      %dma_wait3A_496 = arith.constant 0 : i32
      %dma_wait3A_497 = tpu.memref_slice %arg10[%dma_wait3A_495, %dma_wait3A_496] : memref<10000x128xf32, #tpu.memory_space<vmem_shared>> -> memref<10000x128xf32, #tpu.memory_space<vmem_shared>>
      tpu.wait_indirect_dma semaphore(%run_scoped3A_477 : memref<!tpu.dma_semaphore, #tpu.memory_space<semaphore_mem>>) src(%dma_wait3A_491 : memref<125x128xf32, #tpu.memory_space<vmem>>) dst(%dma_wait3A_497 : memref<10000x128xf32, #tpu.memory_space<vmem_shared>>)
      tpu.yield
    }) : () -> ()
    %run_scoped3A_151 = arith.constant 3 : i32
    "tpu.region"() ({
      %run_scoped3A_477 = tpu.sem_alloc : memref<!tpu.dma_semaphore, #tpu.memory_space<semaphore_mem>>
      %dma_start3A_478 = arith.constant 0 : i32
      %dma_start3A_479 = tpu.memref_slice %arg13[%rem3A_52, %run_scoped3A_151, %dma_start3A_478] : memref<2x16x125xi32, #tpu.memory_space<vmem>> -> memref<1x1x125xi32, #tpu.memory_space<vmem>>
      %dma_start3A_480 = tpu.memref_squeeze %dma_start3A_479 : memref<1x1x125xi32, #tpu.memory_space<vmem>> -> memref<125xi32, #tpu.memory_space<vmem>>
      %dma_start3A_481 = arith.constant 0 : i32
      %dma_start3A_482 = arith.constant 0 : i32
      %dma_start3A_483 = tpu.memref_slice %arg11[%dma_start3A_481, %dma_start3A_482] : memref<10000x8xf32, #tpu.memory_space<vmem_shared>> -> memref<10000x8xf32, #tpu.memory_space<vmem_shared>>
      tpu.enqueue_indirect_dma source(%arg15 : memref<125x8xf32, #tpu.memory_space<vmem>>) target(%dma_start3A_483 : memref<10000x8xf32, #tpu.memory_space<vmem_shared>>) offsets(%dma_start3A_480 : memref<125xi32, #tpu.memory_space<vmem>>) semaphore(%run_scoped3A_477 : memref<!tpu.dma_semaphore, #tpu.memory_space<semaphore_mem>>) {add = true}
      %dma_wait3A_484 = arith.constant 0 : i32
      %dma_wait3A_485 = tpu.memref_slice %arg13[%rem3A_52, %run_scoped3A_151, %dma_wait3A_484] : memref<2x16x125xi32, #tpu.memory_space<vmem>> -> memref<1x1x125xi32, #tpu.memory_space<vmem>>
      %dma_wait3A_486 = tpu.memref_squeeze %dma_wait3A_485 : memref<1x1x125xi32, #tpu.memory_space<vmem>> -> memref<125xi32, #tpu.memory_space<vmem>>
      %dma_wait3A_487 = arith.constant 0 : i32
      %dma_wait3A_488 = arith.constant 0 : i32
      %dma_wait3A_489 = tpu.memref_slice %arg11[%dma_wait3A_487, %dma_wait3A_488] : memref<10000x8xf32, #tpu.memory_space<vmem_shared>> -> memref<10000x8xf32, #tpu.memory_space<vmem_shared>>
      tpu.wait_indirect_dma semaphore(%run_scoped3A_477 : memref<!tpu.dma_semaphore, #tpu.memory_space<semaphore_mem>>) src(%arg15 : memref<125x8xf32, #tpu.memory_space<vmem>>) dst(%dma_wait3A_489 : memref<10000x8xf32, #tpu.memory_space<vmem_shared>>)
      tpu.yield
    }) : () -> ()
    %dma_start3A_152 = arith.constant 5 : i32
    %dma_start3A_153 = arith.constant 1 : i32
    %dma_start3A_154 = arith.constant 0 : i32
    %dma_start3A_155 = arith.constant 0 : i32
    %dma_start3A_156 = tpu.memref_slice %arg14[%dma_start3A_153, %dma_start3A_154, %dma_start3A_155] : memref<2x125x128xf32, #tpu.memory_space<vmem>> -> memref<1x125x128xf32, #tpu.memory_space<vmem>>
    %dma_start3A_157 = tpu.memref_squeeze %dma_start3A_156 : memref<1x125x128xf32, #tpu.memory_space<vmem>> -> memref<125x128xf32, #tpu.memory_space<vmem>>
    %dma_start3A_158 = arith.constant 0 : i32
    %dma_start3A_159 = tpu.memref_slice %arg12[%rem3A_52, %dma_start3A_152, %dma_start3A_158] : memref<2x16x125xi32, #tpu.memory_space<vmem>> -> memref<1x1x125xi32, #tpu.memory_space<vmem>>
    %dma_start3A_160 = tpu.memref_squeeze %dma_start3A_159 : memref<1x1x125xi32, #tpu.memory_space<vmem>> -> memref<125xi32, #tpu.memory_space<vmem>>
    %dma_start3A_161 = arith.constant 0 : i32
    %dma_start3A_162 = arith.constant 0 : i32
    %dma_start3A_163 = tpu.memref_slice %arg4[%dma_start3A_161, %dma_start3A_162] : memref<10000x128xf32, #tpu.memory_space<hbm>> -> memref<10000x128xf32, #tpu.memory_space<hbm>>
    tpu.enqueue_indirect_dma source(%dma_start3A_163 : memref<10000x128xf32, #tpu.memory_space<hbm>>) target(%dma_start3A_157 : memref<125x128xf32, #tpu.memory_space<vmem>>) offsets(%dma_start3A_160 : memref<125xi32, #tpu.memory_space<vmem>>) semaphore(%arg17 : memref<!tpu.dma_semaphore, #tpu.memory_space<semaphore_mem>>)
    %dma_wait3A_164 = arith.constant 0 : i32
    %dma_wait3A_165 = arith.constant 0 : i32
    %dma_wait3A_166 = arith.constant 0 : i32
    %dma_wait3A_167 = arith.constant 0 : i32
    %dma_wait3A_168 = arith.constant 0 : i32
    %dma_wait3A_169 = tpu.memref_slice %arg14[%dma_wait3A_166, %dma_wait3A_167, %dma_wait3A_168] : memref<2x125x128xf32, #tpu.memory_space<vmem>> -> memref<1x125x128xf32, #tpu.memory_space<vmem>>
    %dma_wait3A_170 = tpu.memref_squeeze %dma_wait3A_169 : memref<1x125x128xf32, #tpu.memory_space<vmem>> -> memref<125x128xf32, #tpu.memory_space<vmem>>
    %dma_wait3A_171 = arith.constant 0 : i32
    %dma_wait3A_172 = tpu.memref_slice %arg12[%dma_wait3A_164, %dma_wait3A_165, %dma_wait3A_171] : memref<2x16x125xi32, #tpu.memory_space<vmem>> -> memref<1x1x125xi32, #tpu.memory_space<vmem>>
    %dma_wait3A_173 = tpu.memref_squeeze %dma_wait3A_172 : memref<1x1x125xi32, #tpu.memory_space<vmem>> -> memref<125xi32, #tpu.memory_space<vmem>>
    %dma_wait3A_174 = arith.constant 0 : i32
    %dma_wait3A_175 = arith.constant 0 : i32
    %dma_wait3A_176 = tpu.memref_slice %arg4[%dma_wait3A_174, %dma_wait3A_175] : memref<10000x128xf32, #tpu.memory_space<hbm>> -> memref<10000x128xf32, #tpu.memory_space<hbm>>
    tpu.wait_indirect_dma semaphore(%arg16 : memref<!tpu.dma_semaphore, #tpu.memory_space<semaphore_mem>>) src(%dma_wait3A_176 : memref<10000x128xf32, #tpu.memory_space<hbm>>) dst(%dma_wait3A_170 : memref<125x128xf32, #tpu.memory_space<vmem>>)
    %run_scoped3A_177 = arith.constant 0 : i32
    %run_scoped3A_178 = arith.constant 4 : i32
    "tpu.region"() ({
      %run_scoped3A_477 = tpu.sem_alloc : memref<!tpu.dma_semaphore, #tpu.memory_space<semaphore_mem>>
      %dma_start3A_478 = arith.constant 0 : i32
      %dma_start3A_479 = arith.constant 0 : i32
      %dma_start3A_480 = tpu.memref_slice %arg14[%run_scoped3A_177, %dma_start3A_478, %dma_start3A_479] : memref<2x125x128xf32, #tpu.memory_space<vmem>> -> memref<1x125x128xf32, #tpu.memory_space<vmem>>
      %dma_start3A_481 = tpu.memref_squeeze %dma_start3A_480 : memref<1x125x128xf32, #tpu.memory_space<vmem>> -> memref<125x128xf32, #tpu.memory_space<vmem>>
      %dma_start3A_482 = arith.constant 0 : i32
      %dma_start3A_483 = tpu.memref_slice %arg13[%rem3A_52, %run_scoped3A_178, %dma_start3A_482] : memref<2x16x125xi32, #tpu.memory_space<vmem>> -> memref<1x1x125xi32, #tpu.memory_space<vmem>>
      %dma_start3A_484 = tpu.memref_squeeze %dma_start3A_483 : memref<1x1x125xi32, #tpu.memory_space<vmem>> -> memref<125xi32, #tpu.memory_space<vmem>>
      %dma_start3A_485 = arith.constant 0 : i32
      %dma_start3A_486 = arith.constant 0 : i32
      %dma_start3A_487 = tpu.memref_slice %arg10[%dma_start3A_485, %dma_start3A_486] : memref<10000x128xf32, #tpu.memory_space<vmem_shared>> -> memref<10000x128xf32, #tpu.memory_space<vmem_shared>>
      tpu.enqueue_indirect_dma source(%dma_start3A_481 : memref<125x128xf32, #tpu.memory_space<vmem>>) target(%dma_start3A_487 : memref<10000x128xf32, #tpu.memory_space<vmem_shared>>) offsets(%dma_start3A_484 : memref<125xi32, #tpu.memory_space<vmem>>) semaphore(%run_scoped3A_477 : memref<!tpu.dma_semaphore, #tpu.memory_space<semaphore_mem>>) {add = true}
      %dma_wait3A_488 = arith.constant 0 : i32
      %dma_wait3A_489 = arith.constant 0 : i32
      %dma_wait3A_490 = tpu.memref_slice %arg14[%run_scoped3A_177, %dma_wait3A_488, %dma_wait3A_489] : memref<2x125x128xf32, #tpu.memory_space<vmem>> -> memref<1x125x128xf32, #tpu.memory_space<vmem>>
      %dma_wait3A_491 = tpu.memref_squeeze %dma_wait3A_490 : memref<1x125x128xf32, #tpu.memory_space<vmem>> -> memref<125x128xf32, #tpu.memory_space<vmem>>
      %dma_wait3A_492 = arith.constant 0 : i32
      %dma_wait3A_493 = tpu.memref_slice %arg13[%rem3A_52, %run_scoped3A_178, %dma_wait3A_492] : memref<2x16x125xi32, #tpu.memory_space<vmem>> -> memref<1x1x125xi32, #tpu.memory_space<vmem>>
      %dma_wait3A_494 = tpu.memref_squeeze %dma_wait3A_493 : memref<1x1x125xi32, #tpu.memory_space<vmem>> -> memref<125xi32, #tpu.memory_space<vmem>>
      %dma_wait3A_495 = arith.constant 0 : i32
      %dma_wait3A_496 = arith.constant 0 : i32
      %dma_wait3A_497 = tpu.memref_slice %arg10[%dma_wait3A_495, %dma_wait3A_496] : memref<10000x128xf32, #tpu.memory_space<vmem_shared>> -> memref<10000x128xf32, #tpu.memory_space<vmem_shared>>
      tpu.wait_indirect_dma semaphore(%run_scoped3A_477 : memref<!tpu.dma_semaphore, #tpu.memory_space<semaphore_mem>>) src(%dma_wait3A_491 : memref<125x128xf32, #tpu.memory_space<vmem>>) dst(%dma_wait3A_497 : memref<10000x128xf32, #tpu.memory_space<vmem_shared>>)
      tpu.yield
    }) : () -> ()
    %run_scoped3A_179 = arith.constant 4 : i32
    "tpu.region"() ({
      %run_scoped3A_477 = tpu.sem_alloc : memref<!tpu.dma_semaphore, #tpu.memory_space<semaphore_mem>>
      %dma_start3A_478 = arith.constant 0 : i32
      %dma_start3A_479 = tpu.memref_slice %arg13[%rem3A_52, %run_scoped3A_179, %dma_start3A_478] : memref<2x16x125xi32, #tpu.memory_space<vmem>> -> memref<1x1x125xi32, #tpu.memory_space<vmem>>
      %dma_start3A_480 = tpu.memref_squeeze %dma_start3A_479 : memref<1x1x125xi32, #tpu.memory_space<vmem>> -> memref<125xi32, #tpu.memory_space<vmem>>
      %dma_start3A_481 = arith.constant 0 : i32
      %dma_start3A_482 = arith.constant 0 : i32
      %dma_start3A_483 = tpu.memref_slice %arg11[%dma_start3A_481, %dma_start3A_482] : memref<10000x8xf32, #tpu.memory_space<vmem_shared>> -> memref<10000x8xf32, #tpu.memory_space<vmem_shared>>
      tpu.enqueue_indirect_dma source(%arg15 : memref<125x8xf32, #tpu.memory_space<vmem>>) target(%dma_start3A_483 : memref<10000x8xf32, #tpu.memory_space<vmem_shared>>) offsets(%dma_start3A_480 : memref<125xi32, #tpu.memory_space<vmem>>) semaphore(%run_scoped3A_477 : memref<!tpu.dma_semaphore, #tpu.memory_space<semaphore_mem>>) {add = true}
      %dma_wait3A_484 = arith.constant 0 : i32
      %dma_wait3A_485 = tpu.memref_slice %arg13[%rem3A_52, %run_scoped3A_179, %dma_wait3A_484] : memref<2x16x125xi32, #tpu.memory_space<vmem>> -> memref<1x1x125xi32, #tpu.memory_space<vmem>>
      %dma_wait3A_486 = tpu.memref_squeeze %dma_wait3A_485 : memref<1x1x125xi32, #tpu.memory_space<vmem>> -> memref<125xi32, #tpu.memory_space<vmem>>
      %dma_wait3A_487 = arith.constant 0 : i32
      %dma_wait3A_488 = arith.constant 0 : i32
      %dma_wait3A_489 = tpu.memref_slice %arg11[%dma_wait3A_487, %dma_wait3A_488] : memref<10000x8xf32, #tpu.memory_space<vmem_shared>> -> memref<10000x8xf32, #tpu.memory_space<vmem_shared>>
      tpu.wait_indirect_dma semaphore(%run_scoped3A_477 : memref<!tpu.dma_semaphore, #tpu.memory_space<semaphore_mem>>) src(%arg15 : memref<125x8xf32, #tpu.memory_space<vmem>>) dst(%dma_wait3A_489 : memref<10000x8xf32, #tpu.memory_space<vmem_shared>>)
      tpu.yield
    }) : () -> ()
    %dma_start3A_180 = arith.constant 6 : i32
    %dma_start3A_181 = arith.constant 0 : i32
    %dma_start3A_182 = arith.constant 0 : i32
    %dma_start3A_183 = arith.constant 0 : i32
    %dma_start3A_184 = tpu.memref_slice %arg14[%dma_start3A_181, %dma_start3A_182, %dma_start3A_183] : memref<2x125x128xf32, #tpu.memory_space<vmem>> -> memref<1x125x128xf32, #tpu.memory_space<vmem>>
    %dma_start3A_185 = tpu.memref_squeeze %dma_start3A_184 : memref<1x125x128xf32, #tpu.memory_space<vmem>> -> memref<125x128xf32, #tpu.memory_space<vmem>>
    %dma_start3A_186 = arith.constant 0 : i32
    %dma_start3A_187 = tpu.memref_slice %arg12[%rem3A_52, %dma_start3A_180, %dma_start3A_186] : memref<2x16x125xi32, #tpu.memory_space<vmem>> -> memref<1x1x125xi32, #tpu.memory_space<vmem>>
    %dma_start3A_188 = tpu.memref_squeeze %dma_start3A_187 : memref<1x1x125xi32, #tpu.memory_space<vmem>> -> memref<125xi32, #tpu.memory_space<vmem>>
    %dma_start3A_189 = arith.constant 0 : i32
    %dma_start3A_190 = arith.constant 0 : i32
    %dma_start3A_191 = tpu.memref_slice %arg4[%dma_start3A_189, %dma_start3A_190] : memref<10000x128xf32, #tpu.memory_space<hbm>> -> memref<10000x128xf32, #tpu.memory_space<hbm>>
    tpu.enqueue_indirect_dma source(%dma_start3A_191 : memref<10000x128xf32, #tpu.memory_space<hbm>>) target(%dma_start3A_185 : memref<125x128xf32, #tpu.memory_space<vmem>>) offsets(%dma_start3A_188 : memref<125xi32, #tpu.memory_space<vmem>>) semaphore(%arg16 : memref<!tpu.dma_semaphore, #tpu.memory_space<semaphore_mem>>)
    %dma_wait3A_192 = arith.constant 0 : i32
    %dma_wait3A_193 = arith.constant 0 : i32
    %dma_wait3A_194 = arith.constant 1 : i32
    %dma_wait3A_195 = arith.constant 0 : i32
    %dma_wait3A_196 = arith.constant 0 : i32
    %dma_wait3A_197 = tpu.memref_slice %arg14[%dma_wait3A_194, %dma_wait3A_195, %dma_wait3A_196] : memref<2x125x128xf32, #tpu.memory_space<vmem>> -> memref<1x125x128xf32, #tpu.memory_space<vmem>>
    %dma_wait3A_198 = tpu.memref_squeeze %dma_wait3A_197 : memref<1x125x128xf32, #tpu.memory_space<vmem>> -> memref<125x128xf32, #tpu.memory_space<vmem>>
    %dma_wait3A_199 = arith.constant 0 : i32
    %dma_wait3A_200 = tpu.memref_slice %arg12[%dma_wait3A_192, %dma_wait3A_193, %dma_wait3A_199] : memref<2x16x125xi32, #tpu.memory_space<vmem>> -> memref<1x1x125xi32, #tpu.memory_space<vmem>>
    %dma_wait3A_201 = tpu.memref_squeeze %dma_wait3A_200 : memref<1x1x125xi32, #tpu.memory_space<vmem>> -> memref<125xi32, #tpu.memory_space<vmem>>
    %dma_wait3A_202 = arith.constant 0 : i32
    %dma_wait3A_203 = arith.constant 0 : i32
    %dma_wait3A_204 = tpu.memref_slice %arg4[%dma_wait3A_202, %dma_wait3A_203] : memref<10000x128xf32, #tpu.memory_space<hbm>> -> memref<10000x128xf32, #tpu.memory_space<hbm>>
    tpu.wait_indirect_dma semaphore(%arg17 : memref<!tpu.dma_semaphore, #tpu.memory_space<semaphore_mem>>) src(%dma_wait3A_204 : memref<10000x128xf32, #tpu.memory_space<hbm>>) dst(%dma_wait3A_198 : memref<125x128xf32, #tpu.memory_space<vmem>>)
    %run_scoped3A_205 = arith.constant 1 : i32
    %run_scoped3A_206 = arith.constant 5 : i32
    "tpu.region"() ({
      %run_scoped3A_477 = tpu.sem_alloc : memref<!tpu.dma_semaphore, #tpu.memory_space<semaphore_mem>>
      %dma_start3A_478 = arith.constant 0 : i32
      %dma_start3A_479 = arith.constant 0 : i32
      %dma_start3A_480 = tpu.memref_slice %arg14[%run_scoped3A_205, %dma_start3A_478, %dma_start3A_479] : memref<2x125x128xf32, #tpu.memory_space<vmem>> -> memref<1x125x128xf32, #tpu.memory_space<vmem>>
      %dma_start3A_481 = tpu.memref_squeeze %dma_start3A_480 : memref<1x125x128xf32, #tpu.memory_space<vmem>> -> memref<125x128xf32, #tpu.memory_space<vmem>>
      %dma_start3A_482 = arith.constant 0 : i32
      %dma_start3A_483 = tpu.memref_slice %arg13[%rem3A_52, %run_scoped3A_206, %dma_start3A_482] : memref<2x16x125xi32, #tpu.memory_space<vmem>> -> memref<1x1x125xi32, #tpu.memory_space<vmem>>
      %dma_start3A_484 = tpu.memref_squeeze %dma_start3A_483 : memref<1x1x125xi32, #tpu.memory_space<vmem>> -> memref<125xi32, #tpu.memory_space<vmem>>
      %dma_start3A_485 = arith.constant 0 : i32
      %dma_start3A_486 = arith.constant 0 : i32
      %dma_start3A_487 = tpu.memref_slice %arg10[%dma_start3A_485, %dma_start3A_486] : memref<10000x128xf32, #tpu.memory_space<vmem_shared>> -> memref<10000x128xf32, #tpu.memory_space<vmem_shared>>
      tpu.enqueue_indirect_dma source(%dma_start3A_481 : memref<125x128xf32, #tpu.memory_space<vmem>>) target(%dma_start3A_487 : memref<10000x128xf32, #tpu.memory_space<vmem_shared>>) offsets(%dma_start3A_484 : memref<125xi32, #tpu.memory_space<vmem>>) semaphore(%run_scoped3A_477 : memref<!tpu.dma_semaphore, #tpu.memory_space<semaphore_mem>>) {add = true}
      %dma_wait3A_488 = arith.constant 0 : i32
      %dma_wait3A_489 = arith.constant 0 : i32
      %dma_wait3A_490 = tpu.memref_slice %arg14[%run_scoped3A_205, %dma_wait3A_488, %dma_wait3A_489] : memref<2x125x128xf32, #tpu.memory_space<vmem>> -> memref<1x125x128xf32, #tpu.memory_space<vmem>>
      %dma_wait3A_491 = tpu.memref_squeeze %dma_wait3A_490 : memref<1x125x128xf32, #tpu.memory_space<vmem>> -> memref<125x128xf32, #tpu.memory_space<vmem>>
      %dma_wait3A_492 = arith.constant 0 : i32
      %dma_wait3A_493 = tpu.memref_slice %arg13[%rem3A_52, %run_scoped3A_206, %dma_wait3A_492] : memref<2x16x125xi32, #tpu.memory_space<vmem>> -> memref<1x1x125xi32, #tpu.memory_space<vmem>>
      %dma_wait3A_494 = tpu.memref_squeeze %dma_wait3A_493 : memref<1x1x125xi32, #tpu.memory_space<vmem>> -> memref<125xi32, #tpu.memory_space<vmem>>
      %dma_wait3A_495 = arith.constant 0 : i32
      %dma_wait3A_496 = arith.constant 0 : i32
      %dma_wait3A_497 = tpu.memref_slice %arg10[%dma_wait3A_495, %dma_wait3A_496] : memref<10000x128xf32, #tpu.memory_space<vmem_shared>> -> memref<10000x128xf32, #tpu.memory_space<vmem_shared>>
      tpu.wait_indirect_dma semaphore(%run_scoped3A_477 : memref<!tpu.dma_semaphore, #tpu.memory_space<semaphore_mem>>) src(%dma_wait3A_491 : memref<125x128xf32, #tpu.memory_space<vmem>>) dst(%dma_wait3A_497 : memref<10000x128xf32, #tpu.memory_space<vmem_shared>>)
      tpu.yield
    }) : () -> ()
    %run_scoped3A_207 = arith.constant 5 : i32
    "tpu.region"() ({
      %run_scoped3A_477 = tpu.sem_alloc : memref<!tpu.dma_semaphore, #tpu.memory_space<semaphore_mem>>
      %dma_start3A_478 = arith.constant 0 : i32
      %dma_start3A_479 = tpu.memref_slice %arg13[%rem3A_52, %run_scoped3A_207, %dma_start3A_478] : memref<2x16x125xi32, #tpu.memory_space<vmem>> -> memref<1x1x125xi32, #tpu.memory_space<vmem>>
      %dma_start3A_480 = tpu.memref_squeeze %dma_start3A_479 : memref<1x1x125xi32, #tpu.memory_space<vmem>> -> memref<125xi32, #tpu.memory_space<vmem>>
      %dma_start3A_481 = arith.constant 0 : i32
      %dma_start3A_482 = arith.constant 0 : i32
      %dma_start3A_483 = tpu.memref_slice %arg11[%dma_start3A_481, %dma_start3A_482] : memref<10000x8xf32, #tpu.memory_space<vmem_shared>> -> memref<10000x8xf32, #tpu.memory_space<vmem_shared>>
      tpu.enqueue_indirect_dma source(%arg15 : memref<125x8xf32, #tpu.memory_space<vmem>>) target(%dma_start3A_483 : memref<10000x8xf32, #tpu.memory_space<vmem_shared>>) offsets(%dma_start3A_480 : memref<125xi32, #tpu.memory_space<vmem>>) semaphore(%run_scoped3A_477 : memref<!tpu.dma_semaphore, #tpu.memory_space<semaphore_mem>>) {add = true}
      %dma_wait3A_484 = arith.constant 0 : i32
      %dma_wait3A_485 = tpu.memref_slice %arg13[%rem3A_52, %run_scoped3A_207, %dma_wait3A_484] : memref<2x16x125xi32, #tpu.memory_space<vmem>> -> memref<1x1x125xi32, #tpu.memory_space<vmem>>
      %dma_wait3A_486 = tpu.memref_squeeze %dma_wait3A_485 : memref<1x1x125xi32, #tpu.memory_space<vmem>> -> memref<125xi32, #tpu.memory_space<vmem>>
      %dma_wait3A_487 = arith.constant 0 : i32
      %dma_wait3A_488 = arith.constant 0 : i32
      %dma_wait3A_489 = tpu.memref_slice %arg11[%dma_wait3A_487, %dma_wait3A_488] : memref<10000x8xf32, #tpu.memory_space<vmem_shared>> -> memref<10000x8xf32, #tpu.memory_space<vmem_shared>>
      tpu.wait_indirect_dma semaphore(%run_scoped3A_477 : memref<!tpu.dma_semaphore, #tpu.memory_space<semaphore_mem>>) src(%arg15 : memref<125x8xf32, #tpu.memory_space<vmem>>) dst(%dma_wait3A_489 : memref<10000x8xf32, #tpu.memory_space<vmem_shared>>)
      tpu.yield
    }) : () -> ()
    %dma_start3A_208 = arith.constant 7 : i32
    %dma_start3A_209 = arith.constant 1 : i32
    %dma_start3A_210 = arith.constant 0 : i32
    %dma_start3A_211 = arith.constant 0 : i32
    %dma_start3A_212 = tpu.memref_slice %arg14[%dma_start3A_209, %dma_start3A_210, %dma_start3A_211] : memref<2x125x128xf32, #tpu.memory_space<vmem>> -> memref<1x125x128xf32, #tpu.memory_space<vmem>>
    %dma_start3A_213 = tpu.memref_squeeze %dma_start3A_212 : memref<1x125x128xf32, #tpu.memory_space<vmem>> -> memref<125x128xf32, #tpu.memory_space<vmem>>
    %dma_start3A_214 = arith.constant 0 : i32
    %dma_start3A_215 = tpu.memref_slice %arg12[%rem3A_52, %dma_start3A_208, %dma_start3A_214] : memref<2x16x125xi32, #tpu.memory_space<vmem>> -> memref<1x1x125xi32, #tpu.memory_space<vmem>>
    %dma_start3A_216 = tpu.memref_squeeze %dma_start3A_215 : memref<1x1x125xi32, #tpu.memory_space<vmem>> -> memref<125xi32, #tpu.memory_space<vmem>>
    %dma_start3A_217 = arith.constant 0 : i32
    %dma_start3A_218 = arith.constant 0 : i32
    %dma_start3A_219 = tpu.memref_slice %arg4[%dma_start3A_217, %dma_start3A_218] : memref<10000x128xf32, #tpu.memory_space<hbm>> -> memref<10000x128xf32, #tpu.memory_space<hbm>>
    tpu.enqueue_indirect_dma source(%dma_start3A_219 : memref<10000x128xf32, #tpu.memory_space<hbm>>) target(%dma_start3A_213 : memref<125x128xf32, #tpu.memory_space<vmem>>) offsets(%dma_start3A_216 : memref<125xi32, #tpu.memory_space<vmem>>) semaphore(%arg17 : memref<!tpu.dma_semaphore, #tpu.memory_space<semaphore_mem>>)
    %dma_wait3A_220 = arith.constant 0 : i32
    %dma_wait3A_221 = arith.constant 0 : i32
    %dma_wait3A_222 = arith.constant 0 : i32
    %dma_wait3A_223 = arith.constant 0 : i32
    %dma_wait3A_224 = arith.constant 0 : i32
    %dma_wait3A_225 = tpu.memref_slice %arg14[%dma_wait3A_222, %dma_wait3A_223, %dma_wait3A_224] : memref<2x125x128xf32, #tpu.memory_space<vmem>> -> memref<1x125x128xf32, #tpu.memory_space<vmem>>
    %dma_wait3A_226 = tpu.memref_squeeze %dma_wait3A_225 : memref<1x125x128xf32, #tpu.memory_space<vmem>> -> memref<125x128xf32, #tpu.memory_space<vmem>>
    %dma_wait3A_227 = arith.constant 0 : i32
    %dma_wait3A_228 = tpu.memref_slice %arg12[%dma_wait3A_220, %dma_wait3A_221, %dma_wait3A_227] : memref<2x16x125xi32, #tpu.memory_space<vmem>> -> memref<1x1x125xi32, #tpu.memory_space<vmem>>
    %dma_wait3A_229 = tpu.memref_squeeze %dma_wait3A_228 : memref<1x1x125xi32, #tpu.memory_space<vmem>> -> memref<125xi32, #tpu.memory_space<vmem>>
    %dma_wait3A_230 = arith.constant 0 : i32
    %dma_wait3A_231 = arith.constant 0 : i32
    %dma_wait3A_232 = tpu.memref_slice %arg4[%dma_wait3A_230, %dma_wait3A_231] : memref<10000x128xf32, #tpu.memory_space<hbm>> -> memref<10000x128xf32, #tpu.memory_space<hbm>>
    tpu.wait_indirect_dma semaphore(%arg16 : memref<!tpu.dma_semaphore, #tpu.memory_space<semaphore_mem>>) src(%dma_wait3A_232 : memref<10000x128xf32, #tpu.memory_space<hbm>>) dst(%dma_wait3A_226 : memref<125x128xf32, #tpu.memory_space<vmem>>)
    %run_scoped3A_233 = arith.constant 0 : i32
    %run_scoped3A_234 = arith.constant 6 : i32
    "tpu.region"() ({
      %run_scoped3A_477 = tpu.sem_alloc : memref<!tpu.dma_semaphore, #tpu.memory_space<semaphore_mem>>
      %dma_start3A_478 = arith.constant 0 : i32
      %dma_start3A_479 = arith.constant 0 : i32
      %dma_start3A_480 = tpu.memref_slice %arg14[%run_scoped3A_233, %dma_start3A_478, %dma_start3A_479] : memref<2x125x128xf32, #tpu.memory_space<vmem>> -> memref<1x125x128xf32, #tpu.memory_space<vmem>>
      %dma_start3A_481 = tpu.memref_squeeze %dma_start3A_480 : memref<1x125x128xf32, #tpu.memory_space<vmem>> -> memref<125x128xf32, #tpu.memory_space<vmem>>
      %dma_start3A_482 = arith.constant 0 : i32
      %dma_start3A_483 = tpu.memref_slice %arg13[%rem3A_52, %run_scoped3A_234, %dma_start3A_482] : memref<2x16x125xi32, #tpu.memory_space<vmem>> -> memref<1x1x125xi32, #tpu.memory_space<vmem>>
      %dma_start3A_484 = tpu.memref_squeeze %dma_start3A_483 : memref<1x1x125xi32, #tpu.memory_space<vmem>> -> memref<125xi32, #tpu.memory_space<vmem>>
      %dma_start3A_485 = arith.constant 0 : i32
      %dma_start3A_486 = arith.constant 0 : i32
      %dma_start3A_487 = tpu.memref_slice %arg10[%dma_start3A_485, %dma_start3A_486] : memref<10000x128xf32, #tpu.memory_space<vmem_shared>> -> memref<10000x128xf32, #tpu.memory_space<vmem_shared>>
      tpu.enqueue_indirect_dma source(%dma_start3A_481 : memref<125x128xf32, #tpu.memory_space<vmem>>) target(%dma_start3A_487 : memref<10000x128xf32, #tpu.memory_space<vmem_shared>>) offsets(%dma_start3A_484 : memref<125xi32, #tpu.memory_space<vmem>>) semaphore(%run_scoped3A_477 : memref<!tpu.dma_semaphore, #tpu.memory_space<semaphore_mem>>) {add = true}
      %dma_wait3A_488 = arith.constant 0 : i32
      %dma_wait3A_489 = arith.constant 0 : i32
      %dma_wait3A_490 = tpu.memref_slice %arg14[%run_scoped3A_233, %dma_wait3A_488, %dma_wait3A_489] : memref<2x125x128xf32, #tpu.memory_space<vmem>> -> memref<1x125x128xf32, #tpu.memory_space<vmem>>
      %dma_wait3A_491 = tpu.memref_squeeze %dma_wait3A_490 : memref<1x125x128xf32, #tpu.memory_space<vmem>> -> memref<125x128xf32, #tpu.memory_space<vmem>>
      %dma_wait3A_492 = arith.constant 0 : i32
      %dma_wait3A_493 = tpu.memref_slice %arg13[%rem3A_52, %run_scoped3A_234, %dma_wait3A_492] : memref<2x16x125xi32, #tpu.memory_space<vmem>> -> memref<1x1x125xi32, #tpu.memory_space<vmem>>
      %dma_wait3A_494 = tpu.memref_squeeze %dma_wait3A_493 : memref<1x1x125xi32, #tpu.memory_space<vmem>> -> memref<125xi32, #tpu.memory_space<vmem>>
      %dma_wait3A_495 = arith.constant 0 : i32
      %dma_wait3A_496 = arith.constant 0 : i32
      %dma_wait3A_497 = tpu.memref_slice %arg10[%dma_wait3A_495, %dma_wait3A_496] : memref<10000x128xf32, #tpu.memory_space<vmem_shared>> -> memref<10000x128xf32, #tpu.memory_space<vmem_shared>>
      tpu.wait_indirect_dma semaphore(%run_scoped3A_477 : memref<!tpu.dma_semaphore, #tpu.memory_space<semaphore_mem>>) src(%dma_wait3A_491 : memref<125x128xf32, #tpu.memory_space<vmem>>) dst(%dma_wait3A_497 : memref<10000x128xf32, #tpu.memory_space<vmem_shared>>)
      tpu.yield
    }) : () -> ()
    %run_scoped3A_235 = arith.constant 6 : i32
    "tpu.region"() ({
      %run_scoped3A_477 = tpu.sem_alloc : memref<!tpu.dma_semaphore, #tpu.memory_space<semaphore_mem>>
      %dma_start3A_478 = arith.constant 0 : i32
      %dma_start3A_479 = tpu.memref_slice %arg13[%rem3A_52, %run_scoped3A_235, %dma_start3A_478] : memref<2x16x125xi32, #tpu.memory_space<vmem>> -> memref<1x1x125xi32, #tpu.memory_space<vmem>>
      %dma_start3A_480 = tpu.memref_squeeze %dma_start3A_479 : memref<1x1x125xi32, #tpu.memory_space<vmem>> -> memref<125xi32, #tpu.memory_space<vmem>>
      %dma_start3A_481 = arith.constant 0 : i32
      %dma_start3A_482 = arith.constant 0 : i32
      %dma_start3A_483 = tpu.memref_slice %arg11[%dma_start3A_481, %dma_start3A_482] : memref<10000x8xf32, #tpu.memory_space<vmem_shared>> -> memref<10000x8xf32, #tpu.memory_space<vmem_shared>>
      tpu.enqueue_indirect_dma source(%arg15 : memref<125x8xf32, #tpu.memory_space<vmem>>) target(%dma_start3A_483 : memref<10000x8xf32, #tpu.memory_space<vmem_shared>>) offsets(%dma_start3A_480 : memref<125xi32, #tpu.memory_space<vmem>>) semaphore(%run_scoped3A_477 : memref<!tpu.dma_semaphore, #tpu.memory_space<semaphore_mem>>) {add = true}
      %dma_wait3A_484 = arith.constant 0 : i32
      %dma_wait3A_485 = tpu.memref_slice %arg13[%rem3A_52, %run_scoped3A_235, %dma_wait3A_484] : memref<2x16x125xi32, #tpu.memory_space<vmem>> -> memref<1x1x125xi32, #tpu.memory_space<vmem>>
      %dma_wait3A_486 = tpu.memref_squeeze %dma_wait3A_485 : memref<1x1x125xi32, #tpu.memory_space<vmem>> -> memref<125xi32, #tpu.memory_space<vmem>>
      %dma_wait3A_487 = arith.constant 0 : i32
      %dma_wait3A_488 = arith.constant 0 : i32
      %dma_wait3A_489 = tpu.memref_slice %arg11[%dma_wait3A_487, %dma_wait3A_488] : memref<10000x8xf32, #tpu.memory_space<vmem_shared>> -> memref<10000x8xf32, #tpu.memory_space<vmem_shared>>
      tpu.wait_indirect_dma semaphore(%run_scoped3A_477 : memref<!tpu.dma_semaphore, #tpu.memory_space<semaphore_mem>>) src(%arg15 : memref<125x8xf32, #tpu.memory_space<vmem>>) dst(%dma_wait3A_489 : memref<10000x8xf32, #tpu.memory_space<vmem_shared>>)
      tpu.yield
    }) : () -> ()
    %dma_start3A_236 = arith.constant 8 : i32
    %dma_start3A_237 = arith.constant 0 : i32
    %dma_start3A_238 = arith.constant 0 : i32
    %dma_start3A_239 = arith.constant 0 : i32
    %dma_start3A_240 = tpu.memref_slice %arg14[%dma_start3A_237, %dma_start3A_238, %dma_start3A_239] : memref<2x125x128xf32, #tpu.memory_space<vmem>> -> memref<1x125x128xf32, #tpu.memory_space<vmem>>
    %dma_start3A_241 = tpu.memref_squeeze %dma_start3A_240 : memref<1x125x128xf32, #tpu.memory_space<vmem>> -> memref<125x128xf32, #tpu.memory_space<vmem>>
    %dma_start3A_242 = arith.constant 0 : i32
    %dma_start3A_243 = tpu.memref_slice %arg12[%rem3A_52, %dma_start3A_236, %dma_start3A_242] : memref<2x16x125xi32, #tpu.memory_space<vmem>> -> memref<1x1x125xi32, #tpu.memory_space<vmem>>
    %dma_start3A_244 = tpu.memref_squeeze %dma_start3A_243 : memref<1x1x125xi32, #tpu.memory_space<vmem>> -> memref<125xi32, #tpu.memory_space<vmem>>
    %dma_start3A_245 = arith.constant 0 : i32
    %dma_start3A_246 = arith.constant 0 : i32
    %dma_start3A_247 = tpu.memref_slice %arg4[%dma_start3A_245, %dma_start3A_246] : memref<10000x128xf32, #tpu.memory_space<hbm>> -> memref<10000x128xf32, #tpu.memory_space<hbm>>
    tpu.enqueue_indirect_dma source(%dma_start3A_247 : memref<10000x128xf32, #tpu.memory_space<hbm>>) target(%dma_start3A_241 : memref<125x128xf32, #tpu.memory_space<vmem>>) offsets(%dma_start3A_244 : memref<125xi32, #tpu.memory_space<vmem>>) semaphore(%arg16 : memref<!tpu.dma_semaphore, #tpu.memory_space<semaphore_mem>>)
    %dma_wait3A_248 = arith.constant 0 : i32
    %dma_wait3A_249 = arith.constant 0 : i32
    %dma_wait3A_250 = arith.constant 1 : i32
    %dma_wait3A_251 = arith.constant 0 : i32
    %dma_wait3A_252 = arith.constant 0 : i32
    %dma_wait3A_253 = tpu.memref_slice %arg14[%dma_wait3A_250, %dma_wait3A_251, %dma_wait3A_252] : memref<2x125x128xf32, #tpu.memory_space<vmem>> -> memref<1x125x128xf32, #tpu.memory_space<vmem>>
    %dma_wait3A_254 = tpu.memref_squeeze %dma_wait3A_253 : memref<1x125x128xf32, #tpu.memory_space<vmem>> -> memref<125x128xf32, #tpu.memory_space<vmem>>
    %dma_wait3A_255 = arith.constant 0 : i32
    %dma_wait3A_256 = tpu.memref_slice %arg12[%dma_wait3A_248, %dma_wait3A_249, %dma_wait3A_255] : memref<2x16x125xi32, #tpu.memory_space<vmem>> -> memref<1x1x125xi32, #tpu.memory_space<vmem>>
    %dma_wait3A_257 = tpu.memref_squeeze %dma_wait3A_256 : memref<1x1x125xi32, #tpu.memory_space<vmem>> -> memref<125xi32, #tpu.memory_space<vmem>>
    %dma_wait3A_258 = arith.constant 0 : i32
    %dma_wait3A_259 = arith.constant 0 : i32
    %dma_wait3A_260 = tpu.memref_slice %arg4[%dma_wait3A_258, %dma_wait3A_259] : memref<10000x128xf32, #tpu.memory_space<hbm>> -> memref<10000x128xf32, #tpu.memory_space<hbm>>
    tpu.wait_indirect_dma semaphore(%arg17 : memref<!tpu.dma_semaphore, #tpu.memory_space<semaphore_mem>>) src(%dma_wait3A_260 : memref<10000x128xf32, #tpu.memory_space<hbm>>) dst(%dma_wait3A_254 : memref<125x128xf32, #tpu.memory_space<vmem>>)
    %run_scoped3A_261 = arith.constant 1 : i32
    %run_scoped3A_262 = arith.constant 7 : i32
    "tpu.region"() ({
      %run_scoped3A_477 = tpu.sem_alloc : memref<!tpu.dma_semaphore, #tpu.memory_space<semaphore_mem>>
      %dma_start3A_478 = arith.constant 0 : i32
      %dma_start3A_479 = arith.constant 0 : i32
      %dma_start3A_480 = tpu.memref_slice %arg14[%run_scoped3A_261, %dma_start3A_478, %dma_start3A_479] : memref<2x125x128xf32, #tpu.memory_space<vmem>> -> memref<1x125x128xf32, #tpu.memory_space<vmem>>
      %dma_start3A_481 = tpu.memref_squeeze %dma_start3A_480 : memref<1x125x128xf32, #tpu.memory_space<vmem>> -> memref<125x128xf32, #tpu.memory_space<vmem>>
      %dma_start3A_482 = arith.constant 0 : i32
      %dma_start3A_483 = tpu.memref_slice %arg13[%rem3A_52, %run_scoped3A_262, %dma_start3A_482] : memref<2x16x125xi32, #tpu.memory_space<vmem>> -> memref<1x1x125xi32, #tpu.memory_space<vmem>>
      %dma_start3A_484 = tpu.memref_squeeze %dma_start3A_483 : memref<1x1x125xi32, #tpu.memory_space<vmem>> -> memref<125xi32, #tpu.memory_space<vmem>>
      %dma_start3A_485 = arith.constant 0 : i32
      %dma_start3A_486 = arith.constant 0 : i32
      %dma_start3A_487 = tpu.memref_slice %arg10[%dma_start3A_485, %dma_start3A_486] : memref<10000x128xf32, #tpu.memory_space<vmem_shared>> -> memref<10000x128xf32, #tpu.memory_space<vmem_shared>>
      tpu.enqueue_indirect_dma source(%dma_start3A_481 : memref<125x128xf32, #tpu.memory_space<vmem>>) target(%dma_start3A_487 : memref<10000x128xf32, #tpu.memory_space<vmem_shared>>) offsets(%dma_start3A_484 : memref<125xi32, #tpu.memory_space<vmem>>) semaphore(%run_scoped3A_477 : memref<!tpu.dma_semaphore, #tpu.memory_space<semaphore_mem>>) {add = true}
      %dma_wait3A_488 = arith.constant 0 : i32
      %dma_wait3A_489 = arith.constant 0 : i32
      %dma_wait3A_490 = tpu.memref_slice %arg14[%run_scoped3A_261, %dma_wait3A_488, %dma_wait3A_489] : memref<2x125x128xf32, #tpu.memory_space<vmem>> -> memref<1x125x128xf32, #tpu.memory_space<vmem>>
      %dma_wait3A_491 = tpu.memref_squeeze %dma_wait3A_490 : memref<1x125x128xf32, #tpu.memory_space<vmem>> -> memref<125x128xf32, #tpu.memory_space<vmem>>
      %dma_wait3A_492 = arith.constant 0 : i32
      %dma_wait3A_493 = tpu.memref_slice %arg13[%rem3A_52, %run_scoped3A_262, %dma_wait3A_492] : memref<2x16x125xi32, #tpu.memory_space<vmem>> -> memref<1x1x125xi32, #tpu.memory_space<vmem>>
      %dma_wait3A_494 = tpu.memref_squeeze %dma_wait3A_493 : memref<1x1x125xi32, #tpu.memory_space<vmem>> -> memref<125xi32, #tpu.memory_space<vmem>>
      %dma_wait3A_495 = arith.constant 0 : i32
      %dma_wait3A_496 = arith.constant 0 : i32
      %dma_wait3A_497 = tpu.memref_slice %arg10[%dma_wait3A_495, %dma_wait3A_496] : memref<10000x128xf32, #tpu.memory_space<vmem_shared>> -> memref<10000x128xf32, #tpu.memory_space<vmem_shared>>
      tpu.wait_indirect_dma semaphore(%run_scoped3A_477 : memref<!tpu.dma_semaphore, #tpu.memory_space<semaphore_mem>>) src(%dma_wait3A_491 : memref<125x128xf32, #tpu.memory_space<vmem>>) dst(%dma_wait3A_497 : memref<10000x128xf32, #tpu.memory_space<vmem_shared>>)
      tpu.yield
    }) : () -> ()
    %run_scoped3A_263 = arith.constant 7 : i32
    "tpu.region"() ({
      %run_scoped3A_477 = tpu.sem_alloc : memref<!tpu.dma_semaphore, #tpu.memory_space<semaphore_mem>>
      %dma_start3A_478 = arith.constant 0 : i32
      %dma_start3A_479 = tpu.memref_slice %arg13[%rem3A_52, %run_scoped3A_263, %dma_start3A_478] : memref<2x16x125xi32, #tpu.memory_space<vmem>> -> memref<1x1x125xi32, #tpu.memory_space<vmem>>
      %dma_start3A_480 = tpu.memref_squeeze %dma_start3A_479 : memref<1x1x125xi32, #tpu.memory_space<vmem>> -> memref<125xi32, #tpu.memory_space<vmem>>
      %dma_start3A_481 = arith.constant 0 : i32
      %dma_start3A_482 = arith.constant 0 : i32
      %dma_start3A_483 = tpu.memref_slice %arg11[%dma_start3A_481, %dma_start3A_482] : memref<10000x8xf32, #tpu.memory_space<vmem_shared>> -> memref<10000x8xf32, #tpu.memory_space<vmem_shared>>
      tpu.enqueue_indirect_dma source(%arg15 : memref<125x8xf32, #tpu.memory_space<vmem>>) target(%dma_start3A_483 : memref<10000x8xf32, #tpu.memory_space<vmem_shared>>) offsets(%dma_start3A_480 : memref<125xi32, #tpu.memory_space<vmem>>) semaphore(%run_scoped3A_477 : memref<!tpu.dma_semaphore, #tpu.memory_space<semaphore_mem>>) {add = true}
      %dma_wait3A_484 = arith.constant 0 : i32
      %dma_wait3A_485 = tpu.memref_slice %arg13[%rem3A_52, %run_scoped3A_263, %dma_wait3A_484] : memref<2x16x125xi32, #tpu.memory_space<vmem>> -> memref<1x1x125xi32, #tpu.memory_space<vmem>>
      %dma_wait3A_486 = tpu.memref_squeeze %dma_wait3A_485 : memref<1x1x125xi32, #tpu.memory_space<vmem>> -> memref<125xi32, #tpu.memory_space<vmem>>
      %dma_wait3A_487 = arith.constant 0 : i32
      %dma_wait3A_488 = arith.constant 0 : i32
      %dma_wait3A_489 = tpu.memref_slice %arg11[%dma_wait3A_487, %dma_wait3A_488] : memref<10000x8xf32, #tpu.memory_space<vmem_shared>> -> memref<10000x8xf32, #tpu.memory_space<vmem_shared>>
      tpu.wait_indirect_dma semaphore(%run_scoped3A_477 : memref<!tpu.dma_semaphore, #tpu.memory_space<semaphore_mem>>) src(%arg15 : memref<125x8xf32, #tpu.memory_space<vmem>>) dst(%dma_wait3A_489 : memref<10000x8xf32, #tpu.memory_space<vmem_shared>>)
      tpu.yield
    }) : () -> ()
    %dma_start3A_264 = arith.constant 9 : i32
    %dma_start3A_265 = arith.constant 1 : i32
    %dma_start3A_266 = arith.constant 0 : i32
    %dma_start3A_267 = arith.constant 0 : i32
    %dma_start3A_268 = tpu.memref_slice %arg14[%dma_start3A_265, %dma_start3A_266, %dma_start3A_267] : memref<2x125x128xf32, #tpu.memory_space<vmem>> -> memref<1x125x128xf32, #tpu.memory_space<vmem>>
    %dma_start3A_269 = tpu.memref_squeeze %dma_start3A_268 : memref<1x125x128xf32, #tpu.memory_space<vmem>> -> memref<125x128xf32, #tpu.memory_space<vmem>>
    %dma_start3A_270 = arith.constant 0 : i32
    %dma_start3A_271 = tpu.memref_slice %arg12[%rem3A_52, %dma_start3A_264, %dma_start3A_270] : memref<2x16x125xi32, #tpu.memory_space<vmem>> -> memref<1x1x125xi32, #tpu.memory_space<vmem>>
    %dma_start3A_272 = tpu.memref_squeeze %dma_start3A_271 : memref<1x1x125xi32, #tpu.memory_space<vmem>> -> memref<125xi32, #tpu.memory_space<vmem>>
    %dma_start3A_273 = arith.constant 0 : i32
    %dma_start3A_274 = arith.constant 0 : i32
    %dma_start3A_275 = tpu.memref_slice %arg4[%dma_start3A_273, %dma_start3A_274] : memref<10000x128xf32, #tpu.memory_space<hbm>> -> memref<10000x128xf32, #tpu.memory_space<hbm>>
    tpu.enqueue_indirect_dma source(%dma_start3A_275 : memref<10000x128xf32, #tpu.memory_space<hbm>>) target(%dma_start3A_269 : memref<125x128xf32, #tpu.memory_space<vmem>>) offsets(%dma_start3A_272 : memref<125xi32, #tpu.memory_space<vmem>>) semaphore(%arg17 : memref<!tpu.dma_semaphore, #tpu.memory_space<semaphore_mem>>)
    %dma_wait3A_276 = arith.constant 0 : i32
    %dma_wait3A_277 = arith.constant 0 : i32
    %dma_wait3A_278 = arith.constant 0 : i32
    %dma_wait3A_279 = arith.constant 0 : i32
    %dma_wait3A_280 = arith.constant 0 : i32
    %dma_wait3A_281 = tpu.memref_slice %arg14[%dma_wait3A_278, %dma_wait3A_279, %dma_wait3A_280] : memref<2x125x128xf32, #tpu.memory_space<vmem>> -> memref<1x125x128xf32, #tpu.memory_space<vmem>>
    %dma_wait3A_282 = tpu.memref_squeeze %dma_wait3A_281 : memref<1x125x128xf32, #tpu.memory_space<vmem>> -> memref<125x128xf32, #tpu.memory_space<vmem>>
    %dma_wait3A_283 = arith.constant 0 : i32
    %dma_wait3A_284 = tpu.memref_slice %arg12[%dma_wait3A_276, %dma_wait3A_277, %dma_wait3A_283] : memref<2x16x125xi32, #tpu.memory_space<vmem>> -> memref<1x1x125xi32, #tpu.memory_space<vmem>>
    %dma_wait3A_285 = tpu.memref_squeeze %dma_wait3A_284 : memref<1x1x125xi32, #tpu.memory_space<vmem>> -> memref<125xi32, #tpu.memory_space<vmem>>
    %dma_wait3A_286 = arith.constant 0 : i32
    %dma_wait3A_287 = arith.constant 0 : i32
    %dma_wait3A_288 = tpu.memref_slice %arg4[%dma_wait3A_286, %dma_wait3A_287] : memref<10000x128xf32, #tpu.memory_space<hbm>> -> memref<10000x128xf32, #tpu.memory_space<hbm>>
    tpu.wait_indirect_dma semaphore(%arg16 : memref<!tpu.dma_semaphore, #tpu.memory_space<semaphore_mem>>) src(%dma_wait3A_288 : memref<10000x128xf32, #tpu.memory_space<hbm>>) dst(%dma_wait3A_282 : memref<125x128xf32, #tpu.memory_space<vmem>>)
    %run_scoped3A_289 = arith.constant 0 : i32
    %run_scoped3A_290 = arith.constant 8 : i32
    "tpu.region"() ({
      %run_scoped3A_477 = tpu.sem_alloc : memref<!tpu.dma_semaphore, #tpu.memory_space<semaphore_mem>>
      %dma_start3A_478 = arith.constant 0 : i32
      %dma_start3A_479 = arith.constant 0 : i32
      %dma_start3A_480 = tpu.memref_slice %arg14[%run_scoped3A_289, %dma_start3A_478, %dma_start3A_479] : memref<2x125x128xf32, #tpu.memory_space<vmem>> -> memref<1x125x128xf32, #tpu.memory_space<vmem>>
      %dma_start3A_481 = tpu.memref_squeeze %dma_start3A_480 : memref<1x125x128xf32, #tpu.memory_space<vmem>> -> memref<125x128xf32, #tpu.memory_space<vmem>>
      %dma_start3A_482 = arith.constant 0 : i32
      %dma_start3A_483 = tpu.memref_slice %arg13[%rem3A_52, %run_scoped3A_290, %dma_start3A_482] : memref<2x16x125xi32, #tpu.memory_space<vmem>> -> memref<1x1x125xi32, #tpu.memory_space<vmem>>
      %dma_start3A_484 = tpu.memref_squeeze %dma_start3A_483 : memref<1x1x125xi32, #tpu.memory_space<vmem>> -> memref<125xi32, #tpu.memory_space<vmem>>
      %dma_start3A_485 = arith.constant 0 : i32
      %dma_start3A_486 = arith.constant 0 : i32
      %dma_start3A_487 = tpu.memref_slice %arg10[%dma_start3A_485, %dma_start3A_486] : memref<10000x128xf32, #tpu.memory_space<vmem_shared>> -> memref<10000x128xf32, #tpu.memory_space<vmem_shared>>
      tpu.enqueue_indirect_dma source(%dma_start3A_481 : memref<125x128xf32, #tpu.memory_space<vmem>>) target(%dma_start3A_487 : memref<10000x128xf32, #tpu.memory_space<vmem_shared>>) offsets(%dma_start3A_484 : memref<125xi32, #tpu.memory_space<vmem>>) semaphore(%run_scoped3A_477 : memref<!tpu.dma_semaphore, #tpu.memory_space<semaphore_mem>>) {add = true}
      %dma_wait3A_488 = arith.constant 0 : i32
      %dma_wait3A_489 = arith.constant 0 : i32
      %dma_wait3A_490 = tpu.memref_slice %arg14[%run_scoped3A_289, %dma_wait3A_488, %dma_wait3A_489] : memref<2x125x128xf32, #tpu.memory_space<vmem>> -> memref<1x125x128xf32, #tpu.memory_space<vmem>>
      %dma_wait3A_491 = tpu.memref_squeeze %dma_wait3A_490 : memref<1x125x128xf32, #tpu.memory_space<vmem>> -> memref<125x128xf32, #tpu.memory_space<vmem>>
      %dma_wait3A_492 = arith.constant 0 : i32
      %dma_wait3A_493 = tpu.memref_slice %arg13[%rem3A_52, %run_scoped3A_290, %dma_wait3A_492] : memref<2x16x125xi32, #tpu.memory_space<vmem>> -> memref<1x1x125xi32, #tpu.memory_space<vmem>>
      %dma_wait3A_494 = tpu.memref_squeeze %dma_wait3A_493 : memref<1x1x125xi32, #tpu.memory_space<vmem>> -> memref<125xi32, #tpu.memory_space<vmem>>
      %dma_wait3A_495 = arith.constant 0 : i32
      %dma_wait3A_496 = arith.constant 0 : i32
      %dma_wait3A_497 = tpu.memref_slice %arg10[%dma_wait3A_495, %dma_wait3A_496] : memref<10000x128xf32, #tpu.memory_space<vmem_shared>> -> memref<10000x128xf32, #tpu.memory_space<vmem_shared>>
      tpu.wait_indirect_dma semaphore(%run_scoped3A_477 : memref<!tpu.dma_semaphore, #tpu.memory_space<semaphore_mem>>) src(%dma_wait3A_491 : memref<125x128xf32, #tpu.memory_space<vmem>>) dst(%dma_wait3A_497 : memref<10000x128xf32, #tpu.memory_space<vmem_shared>>)
      tpu.yield
    }) : () -> ()
    %run_scoped3A_291 = arith.constant 8 : i32
    "tpu.region"() ({
      %run_scoped3A_477 = tpu.sem_alloc : memref<!tpu.dma_semaphore, #tpu.memory_space<semaphore_mem>>
      %dma_start3A_478 = arith.constant 0 : i32
      %dma_start3A_479 = tpu.memref_slice %arg13[%rem3A_52, %run_scoped3A_291, %dma_start3A_478] : memref<2x16x125xi32, #tpu.memory_space<vmem>> -> memref<1x1x125xi32, #tpu.memory_space<vmem>>
      %dma_start3A_480 = tpu.memref_squeeze %dma_start3A_479 : memref<1x1x125xi32, #tpu.memory_space<vmem>> -> memref<125xi32, #tpu.memory_space<vmem>>
      %dma_start3A_481 = arith.constant 0 : i32
      %dma_start3A_482 = arith.constant 0 : i32
      %dma_start3A_483 = tpu.memref_slice %arg11[%dma_start3A_481, %dma_start3A_482] : memref<10000x8xf32, #tpu.memory_space<vmem_shared>> -> memref<10000x8xf32, #tpu.memory_space<vmem_shared>>
      tpu.enqueue_indirect_dma source(%arg15 : memref<125x8xf32, #tpu.memory_space<vmem>>) target(%dma_start3A_483 : memref<10000x8xf32, #tpu.memory_space<vmem_shared>>) offsets(%dma_start3A_480 : memref<125xi32, #tpu.memory_space<vmem>>) semaphore(%run_scoped3A_477 : memref<!tpu.dma_semaphore, #tpu.memory_space<semaphore_mem>>) {add = true}
      %dma_wait3A_484 = arith.constant 0 : i32
      %dma_wait3A_485 = tpu.memref_slice %arg13[%rem3A_52, %run_scoped3A_291, %dma_wait3A_484] : memref<2x16x125xi32, #tpu.memory_space<vmem>> -> memref<1x1x125xi32, #tpu.memory_space<vmem>>
      %dma_wait3A_486 = tpu.memref_squeeze %dma_wait3A_485 : memref<1x1x125xi32, #tpu.memory_space<vmem>> -> memref<125xi32, #tpu.memory_space<vmem>>
      %dma_wait3A_487 = arith.constant 0 : i32
      %dma_wait3A_488 = arith.constant 0 : i32
      %dma_wait3A_489 = tpu.memref_slice %arg11[%dma_wait3A_487, %dma_wait3A_488] : memref<10000x8xf32, #tpu.memory_space<vmem_shared>> -> memref<10000x8xf32, #tpu.memory_space<vmem_shared>>
      tpu.wait_indirect_dma semaphore(%run_scoped3A_477 : memref<!tpu.dma_semaphore, #tpu.memory_space<semaphore_mem>>) src(%arg15 : memref<125x8xf32, #tpu.memory_space<vmem>>) dst(%dma_wait3A_489 : memref<10000x8xf32, #tpu.memory_space<vmem_shared>>)
      tpu.yield
    }) : () -> ()
    %dma_start3A_292 = arith.constant 10 : i32
    %dma_start3A_293 = arith.constant 0 : i32
    %dma_start3A_294 = arith.constant 0 : i32
    %dma_start3A_295 = arith.constant 0 : i32
    %dma_start3A_296 = tpu.memref_slice %arg14[%dma_start3A_293, %dma_start3A_294, %dma_start3A_295] : memref<2x125x128xf32, #tpu.memory_space<vmem>> -> memref<1x125x128xf32, #tpu.memory_space<vmem>>
    %dma_start3A_297 = tpu.memref_squeeze %dma_start3A_296 : memref<1x125x128xf32, #tpu.memory_space<vmem>> -> memref<125x128xf32, #tpu.memory_space<vmem>>
    %dma_start3A_298 = arith.constant 0 : i32
    %dma_start3A_299 = tpu.memref_slice %arg12[%rem3A_52, %dma_start3A_292, %dma_start3A_298] : memref<2x16x125xi32, #tpu.memory_space<vmem>> -> memref<1x1x125xi32, #tpu.memory_space<vmem>>
    %dma_start3A_300 = tpu.memref_squeeze %dma_start3A_299 : memref<1x1x125xi32, #tpu.memory_space<vmem>> -> memref<125xi32, #tpu.memory_space<vmem>>
    %dma_start3A_301 = arith.constant 0 : i32
    %dma_start3A_302 = arith.constant 0 : i32
    %dma_start3A_303 = tpu.memref_slice %arg4[%dma_start3A_301, %dma_start3A_302] : memref<10000x128xf32, #tpu.memory_space<hbm>> -> memref<10000x128xf32, #tpu.memory_space<hbm>>
    tpu.enqueue_indirect_dma source(%dma_start3A_303 : memref<10000x128xf32, #tpu.memory_space<hbm>>) target(%dma_start3A_297 : memref<125x128xf32, #tpu.memory_space<vmem>>) offsets(%dma_start3A_300 : memref<125xi32, #tpu.memory_space<vmem>>) semaphore(%arg16 : memref<!tpu.dma_semaphore, #tpu.memory_space<semaphore_mem>>)
    %dma_wait3A_304 = arith.constant 0 : i32
    %dma_wait3A_305 = arith.constant 0 : i32
    %dma_wait3A_306 = arith.constant 1 : i32
    %dma_wait3A_307 = arith.constant 0 : i32
    %dma_wait3A_308 = arith.constant 0 : i32
    %dma_wait3A_309 = tpu.memref_slice %arg14[%dma_wait3A_306, %dma_wait3A_307, %dma_wait3A_308] : memref<2x125x128xf32, #tpu.memory_space<vmem>> -> memref<1x125x128xf32, #tpu.memory_space<vmem>>
    %dma_wait3A_310 = tpu.memref_squeeze %dma_wait3A_309 : memref<1x125x128xf32, #tpu.memory_space<vmem>> -> memref<125x128xf32, #tpu.memory_space<vmem>>
    %dma_wait3A_311 = arith.constant 0 : i32
    %dma_wait3A_312 = tpu.memref_slice %arg12[%dma_wait3A_304, %dma_wait3A_305, %dma_wait3A_311] : memref<2x16x125xi32, #tpu.memory_space<vmem>> -> memref<1x1x125xi32, #tpu.memory_space<vmem>>
    %dma_wait3A_313 = tpu.memref_squeeze %dma_wait3A_312 : memref<1x1x125xi32, #tpu.memory_space<vmem>> -> memref<125xi32, #tpu.memory_space<vmem>>
    %dma_wait3A_314 = arith.constant 0 : i32
    %dma_wait3A_315 = arith.constant 0 : i32
    %dma_wait3A_316 = tpu.memref_slice %arg4[%dma_wait3A_314, %dma_wait3A_315] : memref<10000x128xf32, #tpu.memory_space<hbm>> -> memref<10000x128xf32, #tpu.memory_space<hbm>>
    tpu.wait_indirect_dma semaphore(%arg17 : memref<!tpu.dma_semaphore, #tpu.memory_space<semaphore_mem>>) src(%dma_wait3A_316 : memref<10000x128xf32, #tpu.memory_space<hbm>>) dst(%dma_wait3A_310 : memref<125x128xf32, #tpu.memory_space<vmem>>)
    %run_scoped3A_317 = arith.constant 1 : i32
    %run_scoped3A_318 = arith.constant 9 : i32
    "tpu.region"() ({
      %run_scoped3A_477 = tpu.sem_alloc : memref<!tpu.dma_semaphore, #tpu.memory_space<semaphore_mem>>
      %dma_start3A_478 = arith.constant 0 : i32
      %dma_start3A_479 = arith.constant 0 : i32
      %dma_start3A_480 = tpu.memref_slice %arg14[%run_scoped3A_317, %dma_start3A_478, %dma_start3A_479] : memref<2x125x128xf32, #tpu.memory_space<vmem>> -> memref<1x125x128xf32, #tpu.memory_space<vmem>>
      %dma_start3A_481 = tpu.memref_squeeze %dma_start3A_480 : memref<1x125x128xf32, #tpu.memory_space<vmem>> -> memref<125x128xf32, #tpu.memory_space<vmem>>
      %dma_start3A_482 = arith.constant 0 : i32
      %dma_start3A_483 = tpu.memref_slice %arg13[%rem3A_52, %run_scoped3A_318, %dma_start3A_482] : memref<2x16x125xi32, #tpu.memory_space<vmem>> -> memref<1x1x125xi32, #tpu.memory_space<vmem>>
      %dma_start3A_484 = tpu.memref_squeeze %dma_start3A_483 : memref<1x1x125xi32, #tpu.memory_space<vmem>> -> memref<125xi32, #tpu.memory_space<vmem>>
      %dma_start3A_485 = arith.constant 0 : i32
      %dma_start3A_486 = arith.constant 0 : i32
      %dma_start3A_487 = tpu.memref_slice %arg10[%dma_start3A_485, %dma_start3A_486] : memref<10000x128xf32, #tpu.memory_space<vmem_shared>> -> memref<10000x128xf32, #tpu.memory_space<vmem_shared>>
      tpu.enqueue_indirect_dma source(%dma_start3A_481 : memref<125x128xf32, #tpu.memory_space<vmem>>) target(%dma_start3A_487 : memref<10000x128xf32, #tpu.memory_space<vmem_shared>>) offsets(%dma_start3A_484 : memref<125xi32, #tpu.memory_space<vmem>>) semaphore(%run_scoped3A_477 : memref<!tpu.dma_semaphore, #tpu.memory_space<semaphore_mem>>) {add = true}
      %dma_wait3A_488 = arith.constant 0 : i32
      %dma_wait3A_489 = arith.constant 0 : i32
      %dma_wait3A_490 = tpu.memref_slice %arg14[%run_scoped3A_317, %dma_wait3A_488, %dma_wait3A_489] : memref<2x125x128xf32, #tpu.memory_space<vmem>> -> memref<1x125x128xf32, #tpu.memory_space<vmem>>
      %dma_wait3A_491 = tpu.memref_squeeze %dma_wait3A_490 : memref<1x125x128xf32, #tpu.memory_space<vmem>> -> memref<125x128xf32, #tpu.memory_space<vmem>>
      %dma_wait3A_492 = arith.constant 0 : i32
      %dma_wait3A_493 = tpu.memref_slice %arg13[%rem3A_52, %run_scoped3A_318, %dma_wait3A_492] : memref<2x16x125xi32, #tpu.memory_space<vmem>> -> memref<1x1x125xi32, #tpu.memory_space<vmem>>
      %dma_wait3A_494 = tpu.memref_squeeze %dma_wait3A_493 : memref<1x1x125xi32, #tpu.memory_space<vmem>> -> memref<125xi32, #tpu.memory_space<vmem>>
      %dma_wait3A_495 = arith.constant 0 : i32
      %dma_wait3A_496 = arith.constant 0 : i32
      %dma_wait3A_497 = tpu.memref_slice %arg10[%dma_wait3A_495, %dma_wait3A_496] : memref<10000x128xf32, #tpu.memory_space<vmem_shared>> -> memref<10000x128xf32, #tpu.memory_space<vmem_shared>>
      tpu.wait_indirect_dma semaphore(%run_scoped3A_477 : memref<!tpu.dma_semaphore, #tpu.memory_space<semaphore_mem>>) src(%dma_wait3A_491 : memref<125x128xf32, #tpu.memory_space<vmem>>) dst(%dma_wait3A_497 : memref<10000x128xf32, #tpu.memory_space<vmem_shared>>)
      tpu.yield
    }) : () -> ()
    %run_scoped3A_319 = arith.constant 9 : i32
    "tpu.region"() ({
      %run_scoped3A_477 = tpu.sem_alloc : memref<!tpu.dma_semaphore, #tpu.memory_space<semaphore_mem>>
      %dma_start3A_478 = arith.constant 0 : i32
      %dma_start3A_479 = tpu.memref_slice %arg13[%rem3A_52, %run_scoped3A_319, %dma_start3A_478] : memref<2x16x125xi32, #tpu.memory_space<vmem>> -> memref<1x1x125xi32, #tpu.memory_space<vmem>>
      %dma_start3A_480 = tpu.memref_squeeze %dma_start3A_479 : memref<1x1x125xi32, #tpu.memory_space<vmem>> -> memref<125xi32, #tpu.memory_space<vmem>>
      %dma_start3A_481 = arith.constant 0 : i32
      %dma_start3A_482 = arith.constant 0 : i32
      %dma_start3A_483 = tpu.memref_slice %arg11[%dma_start3A_481, %dma_start3A_482] : memref<10000x8xf32, #tpu.memory_space<vmem_shared>> -> memref<10000x8xf32, #tpu.memory_space<vmem_shared>>
      tpu.enqueue_indirect_dma source(%arg15 : memref<125x8xf32, #tpu.memory_space<vmem>>) target(%dma_start3A_483 : memref<10000x8xf32, #tpu.memory_space<vmem_shared>>) offsets(%dma_start3A_480 : memref<125xi32, #tpu.memory_space<vmem>>) semaphore(%run_scoped3A_477 : memref<!tpu.dma_semaphore, #tpu.memory_space<semaphore_mem>>) {add = true}
      %dma_wait3A_484 = arith.constant 0 : i32
      %dma_wait3A_485 = tpu.memref_slice %arg13[%rem3A_52, %run_scoped3A_319, %dma_wait3A_484] : memref<2x16x125xi32, #tpu.memory_space<vmem>> -> memref<1x1x125xi32, #tpu.memory_space<vmem>>
      %dma_wait3A_486 = tpu.memref_squeeze %dma_wait3A_485 : memref<1x1x125xi32, #tpu.memory_space<vmem>> -> memref<125xi32, #tpu.memory_space<vmem>>
      %dma_wait3A_487 = arith.constant 0 : i32
      %dma_wait3A_488 = arith.constant 0 : i32
      %dma_wait3A_489 = tpu.memref_slice %arg11[%dma_wait3A_487, %dma_wait3A_488] : memref<10000x8xf32, #tpu.memory_space<vmem_shared>> -> memref<10000x8xf32, #tpu.memory_space<vmem_shared>>
      tpu.wait_indirect_dma semaphore(%run_scoped3A_477 : memref<!tpu.dma_semaphore, #tpu.memory_space<semaphore_mem>>) src(%arg15 : memref<125x8xf32, #tpu.memory_space<vmem>>) dst(%dma_wait3A_489 : memref<10000x8xf32, #tpu.memory_space<vmem_shared>>)
      tpu.yield
    }) : () -> ()
    %dma_start3A_320 = arith.constant 11 : i32
    %dma_start3A_321 = arith.constant 1 : i32
    %dma_start3A_322 = arith.constant 0 : i32
    %dma_start3A_323 = arith.constant 0 : i32
    %dma_start3A_324 = tpu.memref_slice %arg14[%dma_start3A_321, %dma_start3A_322, %dma_start3A_323] : memref<2x125x128xf32, #tpu.memory_space<vmem>> -> memref<1x125x128xf32, #tpu.memory_space<vmem>>
    %dma_start3A_325 = tpu.memref_squeeze %dma_start3A_324 : memref<1x125x128xf32, #tpu.memory_space<vmem>> -> memref<125x128xf32, #tpu.memory_space<vmem>>
    %dma_start3A_326 = arith.constant 0 : i32
    %dma_start3A_327 = tpu.memref_slice %arg12[%rem3A_52, %dma_start3A_320, %dma_start3A_326] : memref<2x16x125xi32, #tpu.memory_space<vmem>> -> memref<1x1x125xi32, #tpu.memory_space<vmem>>
    %dma_start3A_328 = tpu.memref_squeeze %dma_start3A_327 : memref<1x1x125xi32, #tpu.memory_space<vmem>> -> memref<125xi32, #tpu.memory_space<vmem>>
    %dma_start3A_329 = arith.constant 0 : i32
    %dma_start3A_330 = arith.constant 0 : i32
    %dma_start3A_331 = tpu.memref_slice %arg4[%dma_start3A_329, %dma_start3A_330] : memref<10000x128xf32, #tpu.memory_space<hbm>> -> memref<10000x128xf32, #tpu.memory_space<hbm>>
    tpu.enqueue_indirect_dma source(%dma_start3A_331 : memref<10000x128xf32, #tpu.memory_space<hbm>>) target(%dma_start3A_325 : memref<125x128xf32, #tpu.memory_space<vmem>>) offsets(%dma_start3A_328 : memref<125xi32, #tpu.memory_space<vmem>>) semaphore(%arg17 : memref<!tpu.dma_semaphore, #tpu.memory_space<semaphore_mem>>)
    %dma_wait3A_332 = arith.constant 0 : i32
    %dma_wait3A_333 = arith.constant 0 : i32
    %dma_wait3A_334 = arith.constant 0 : i32
    %dma_wait3A_335 = arith.constant 0 : i32
    %dma_wait3A_336 = arith.constant 0 : i32
    %dma_wait3A_337 = tpu.memref_slice %arg14[%dma_wait3A_334, %dma_wait3A_335, %dma_wait3A_336] : memref<2x125x128xf32, #tpu.memory_space<vmem>> -> memref<1x125x128xf32, #tpu.memory_space<vmem>>
    %dma_wait3A_338 = tpu.memref_squeeze %dma_wait3A_337 : memref<1x125x128xf32, #tpu.memory_space<vmem>> -> memref<125x128xf32, #tpu.memory_space<vmem>>
    %dma_wait3A_339 = arith.constant 0 : i32
    %dma_wait3A_340 = tpu.memref_slice %arg12[%dma_wait3A_332, %dma_wait3A_333, %dma_wait3A_339] : memref<2x16x125xi32, #tpu.memory_space<vmem>> -> memref<1x1x125xi32, #tpu.memory_space<vmem>>
    %dma_wait3A_341 = tpu.memref_squeeze %dma_wait3A_340 : memref<1x1x125xi32, #tpu.memory_space<vmem>> -> memref<125xi32, #tpu.memory_space<vmem>>
    %dma_wait3A_342 = arith.constant 0 : i32
    %dma_wait3A_343 = arith.constant 0 : i32
    %dma_wait3A_344 = tpu.memref_slice %arg4[%dma_wait3A_342, %dma_wait3A_343] : memref<10000x128xf32, #tpu.memory_space<hbm>> -> memref<10000x128xf32, #tpu.memory_space<hbm>>
    tpu.wait_indirect_dma semaphore(%arg16 : memref<!tpu.dma_semaphore, #tpu.memory_space<semaphore_mem>>) src(%dma_wait3A_344 : memref<10000x128xf32, #tpu.memory_space<hbm>>) dst(%dma_wait3A_338 : memref<125x128xf32, #tpu.memory_space<vmem>>)
    %run_scoped3A_345 = arith.constant 0 : i32
    %run_scoped3A_346 = arith.constant 10 : i32
    "tpu.region"() ({
      %run_scoped3A_477 = tpu.sem_alloc : memref<!tpu.dma_semaphore, #tpu.memory_space<semaphore_mem>>
      %dma_start3A_478 = arith.constant 0 : i32
      %dma_start3A_479 = arith.constant 0 : i32
      %dma_start3A_480 = tpu.memref_slice %arg14[%run_scoped3A_345, %dma_start3A_478, %dma_start3A_479] : memref<2x125x128xf32, #tpu.memory_space<vmem>> -> memref<1x125x128xf32, #tpu.memory_space<vmem>>
      %dma_start3A_481 = tpu.memref_squeeze %dma_start3A_480 : memref<1x125x128xf32, #tpu.memory_space<vmem>> -> memref<125x128xf32, #tpu.memory_space<vmem>>
      %dma_start3A_482 = arith.constant 0 : i32
      %dma_start3A_483 = tpu.memref_slice %arg13[%rem3A_52, %run_scoped3A_346, %dma_start3A_482] : memref<2x16x125xi32, #tpu.memory_space<vmem>> -> memref<1x1x125xi32, #tpu.memory_space<vmem>>
      %dma_start3A_484 = tpu.memref_squeeze %dma_start3A_483 : memref<1x1x125xi32, #tpu.memory_space<vmem>> -> memref<125xi32, #tpu.memory_space<vmem>>
      %dma_start3A_485 = arith.constant 0 : i32
      %dma_start3A_486 = arith.constant 0 : i32
      %dma_start3A_487 = tpu.memref_slice %arg10[%dma_start3A_485, %dma_start3A_486] : memref<10000x128xf32, #tpu.memory_space<vmem_shared>> -> memref<10000x128xf32, #tpu.memory_space<vmem_shared>>
      tpu.enqueue_indirect_dma source(%dma_start3A_481 : memref<125x128xf32, #tpu.memory_space<vmem>>) target(%dma_start3A_487 : memref<10000x128xf32, #tpu.memory_space<vmem_shared>>) offsets(%dma_start3A_484 : memref<125xi32, #tpu.memory_space<vmem>>) semaphore(%run_scoped3A_477 : memref<!tpu.dma_semaphore, #tpu.memory_space<semaphore_mem>>) {add = true}
      %dma_wait3A_488 = arith.constant 0 : i32
      %dma_wait3A_489 = arith.constant 0 : i32
      %dma_wait3A_490 = tpu.memref_slice %arg14[%run_scoped3A_345, %dma_wait3A_488, %dma_wait3A_489] : memref<2x125x128xf32, #tpu.memory_space<vmem>> -> memref<1x125x128xf32, #tpu.memory_space<vmem>>
      %dma_wait3A_491 = tpu.memref_squeeze %dma_wait3A_490 : memref<1x125x128xf32, #tpu.memory_space<vmem>> -> memref<125x128xf32, #tpu.memory_space<vmem>>
      %dma_wait3A_492 = arith.constant 0 : i32
      %dma_wait3A_493 = tpu.memref_slice %arg13[%rem3A_52, %run_scoped3A_346, %dma_wait3A_492] : memref<2x16x125xi32, #tpu.memory_space<vmem>> -> memref<1x1x125xi32, #tpu.memory_space<vmem>>
      %dma_wait3A_494 = tpu.memref_squeeze %dma_wait3A_493 : memref<1x1x125xi32, #tpu.memory_space<vmem>> -> memref<125xi32, #tpu.memory_space<vmem>>
      %dma_wait3A_495 = arith.constant 0 : i32
      %dma_wait3A_496 = arith.constant 0 : i32
      %dma_wait3A_497 = tpu.memref_slice %arg10[%dma_wait3A_495, %dma_wait3A_496] : memref<10000x128xf32, #tpu.memory_space<vmem_shared>> -> memref<10000x128xf32, #tpu.memory_space<vmem_shared>>
      tpu.wait_indirect_dma semaphore(%run_scoped3A_477 : memref<!tpu.dma_semaphore, #tpu.memory_space<semaphore_mem>>) src(%dma_wait3A_491 : memref<125x128xf32, #tpu.memory_space<vmem>>) dst(%dma_wait3A_497 : memref<10000x128xf32, #tpu.memory_space<vmem_shared>>)
      tpu.yield
    }) : () -> ()
    %run_scoped3A_347 = arith.constant 10 : i32
    "tpu.region"() ({
      %run_scoped3A_477 = tpu.sem_alloc : memref<!tpu.dma_semaphore, #tpu.memory_space<semaphore_mem>>
      %dma_start3A_478 = arith.constant 0 : i32
      %dma_start3A_479 = tpu.memref_slice %arg13[%rem3A_52, %run_scoped3A_347, %dma_start3A_478] : memref<2x16x125xi32, #tpu.memory_space<vmem>> -> memref<1x1x125xi32, #tpu.memory_space<vmem>>
      %dma_start3A_480 = tpu.memref_squeeze %dma_start3A_479 : memref<1x1x125xi32, #tpu.memory_space<vmem>> -> memref<125xi32, #tpu.memory_space<vmem>>
      %dma_start3A_481 = arith.constant 0 : i32
      %dma_start3A_482 = arith.constant 0 : i32
      %dma_start3A_483 = tpu.memref_slice %arg11[%dma_start3A_481, %dma_start3A_482] : memref<10000x8xf32, #tpu.memory_space<vmem_shared>> -> memref<10000x8xf32, #tpu.memory_space<vmem_shared>>
      tpu.enqueue_indirect_dma source(%arg15 : memref<125x8xf32, #tpu.memory_space<vmem>>) target(%dma_start3A_483 : memref<10000x8xf32, #tpu.memory_space<vmem_shared>>) offsets(%dma_start3A_480 : memref<125xi32, #tpu.memory_space<vmem>>) semaphore(%run_scoped3A_477 : memref<!tpu.dma_semaphore, #tpu.memory_space<semaphore_mem>>) {add = true}
      %dma_wait3A_484 = arith.constant 0 : i32
      %dma_wait3A_485 = tpu.memref_slice %arg13[%rem3A_52, %run_scoped3A_347, %dma_wait3A_484] : memref<2x16x125xi32, #tpu.memory_space<vmem>> -> memref<1x1x125xi32, #tpu.memory_space<vmem>>
      %dma_wait3A_486 = tpu.memref_squeeze %dma_wait3A_485 : memref<1x1x125xi32, #tpu.memory_space<vmem>> -> memref<125xi32, #tpu.memory_space<vmem>>
      %dma_wait3A_487 = arith.constant 0 : i32
      %dma_wait3A_488 = arith.constant 0 : i32
      %dma_wait3A_489 = tpu.memref_slice %arg11[%dma_wait3A_487, %dma_wait3A_488] : memref<10000x8xf32, #tpu.memory_space<vmem_shared>> -> memref<10000x8xf32, #tpu.memory_space<vmem_shared>>
      tpu.wait_indirect_dma semaphore(%run_scoped3A_477 : memref<!tpu.dma_semaphore, #tpu.memory_space<semaphore_mem>>) src(%arg15 : memref<125x8xf32, #tpu.memory_space<vmem>>) dst(%dma_wait3A_489 : memref<10000x8xf32, #tpu.memory_space<vmem_shared>>)
      tpu.yield
    }) : () -> ()
    %dma_start3A_348 = arith.constant 12 : i32
    %dma_start3A_349 = arith.constant 0 : i32
    %dma_start3A_350 = arith.constant 0 : i32
    %dma_start3A_351 = arith.constant 0 : i32
    %dma_start3A_352 = tpu.memref_slice %arg14[%dma_start3A_349, %dma_start3A_350, %dma_start3A_351] : memref<2x125x128xf32, #tpu.memory_space<vmem>> -> memref<1x125x128xf32, #tpu.memory_space<vmem>>
    %dma_start3A_353 = tpu.memref_squeeze %dma_start3A_352 : memref<1x125x128xf32, #tpu.memory_space<vmem>> -> memref<125x128xf32, #tpu.memory_space<vmem>>
    %dma_start3A_354 = arith.constant 0 : i32
    %dma_start3A_355 = tpu.memref_slice %arg12[%rem3A_52, %dma_start3A_348, %dma_start3A_354] : memref<2x16x125xi32, #tpu.memory_space<vmem>> -> memref<1x1x125xi32, #tpu.memory_space<vmem>>
    %dma_start3A_356 = tpu.memref_squeeze %dma_start3A_355 : memref<1x1x125xi32, #tpu.memory_space<vmem>> -> memref<125xi32, #tpu.memory_space<vmem>>
    %dma_start3A_357 = arith.constant 0 : i32
    %dma_start3A_358 = arith.constant 0 : i32
    %dma_start3A_359 = tpu.memref_slice %arg4[%dma_start3A_357, %dma_start3A_358] : memref<10000x128xf32, #tpu.memory_space<hbm>> -> memref<10000x128xf32, #tpu.memory_space<hbm>>
    tpu.enqueue_indirect_dma source(%dma_start3A_359 : memref<10000x128xf32, #tpu.memory_space<hbm>>) target(%dma_start3A_353 : memref<125x128xf32, #tpu.memory_space<vmem>>) offsets(%dma_start3A_356 : memref<125xi32, #tpu.memory_space<vmem>>) semaphore(%arg16 : memref<!tpu.dma_semaphore, #tpu.memory_space<semaphore_mem>>)
    %dma_wait3A_360 = arith.constant 0 : i32
    %dma_wait3A_361 = arith.constant 0 : i32
    %dma_wait3A_362 = arith.constant 1 : i32
    %dma_wait3A_363 = arith.constant 0 : i32
    %dma_wait3A_364 = arith.constant 0 : i32
    %dma_wait3A_365 = tpu.memref_slice %arg14[%dma_wait3A_362, %dma_wait3A_363, %dma_wait3A_364] : memref<2x125x128xf32, #tpu.memory_space<vmem>> -> memref<1x125x128xf32, #tpu.memory_space<vmem>>
    %dma_wait3A_366 = tpu.memref_squeeze %dma_wait3A_365 : memref<1x125x128xf32, #tpu.memory_space<vmem>> -> memref<125x128xf32, #tpu.memory_space<vmem>>
    %dma_wait3A_367 = arith.constant 0 : i32
    %dma_wait3A_368 = tpu.memref_slice %arg12[%dma_wait3A_360, %dma_wait3A_361, %dma_wait3A_367] : memref<2x16x125xi32, #tpu.memory_space<vmem>> -> memref<1x1x125xi32, #tpu.memory_space<vmem>>
    %dma_wait3A_369 = tpu.memref_squeeze %dma_wait3A_368 : memref<1x1x125xi32, #tpu.memory_space<vmem>> -> memref<125xi32, #tpu.memory_space<vmem>>
    %dma_wait3A_370 = arith.constant 0 : i32
    %dma_wait3A_371 = arith.constant 0 : i32
    %dma_wait3A_372 = tpu.memref_slice %arg4[%dma_wait3A_370, %dma_wait3A_371] : memref<10000x128xf32, #tpu.memory_space<hbm>> -> memref<10000x128xf32, #tpu.memory_space<hbm>>
    tpu.wait_indirect_dma semaphore(%arg17 : memref<!tpu.dma_semaphore, #tpu.memory_space<semaphore_mem>>) src(%dma_wait3A_372 : memref<10000x128xf32, #tpu.memory_space<hbm>>) dst(%dma_wait3A_366 : memref<125x128xf32, #tpu.memory_space<vmem>>)
    %run_scoped3A_373 = arith.constant 1 : i32
    %run_scoped3A_374 = arith.constant 11 : i32
    "tpu.region"() ({
      %run_scoped3A_477 = tpu.sem_alloc : memref<!tpu.dma_semaphore, #tpu.memory_space<semaphore_mem>>
      %dma_start3A_478 = arith.constant 0 : i32
      %dma_start3A_479 = arith.constant 0 : i32
      %dma_start3A_480 = tpu.memref_slice %arg14[%run_scoped3A_373, %dma_start3A_478, %dma_start3A_479] : memref<2x125x128xf32, #tpu.memory_space<vmem>> -> memref<1x125x128xf32, #tpu.memory_space<vmem>>
      %dma_start3A_481 = tpu.memref_squeeze %dma_start3A_480 : memref<1x125x128xf32, #tpu.memory_space<vmem>> -> memref<125x128xf32, #tpu.memory_space<vmem>>
      %dma_start3A_482 = arith.constant 0 : i32
      %dma_start3A_483 = tpu.memref_slice %arg13[%rem3A_52, %run_scoped3A_374, %dma_start3A_482] : memref<2x16x125xi32, #tpu.memory_space<vmem>> -> memref<1x1x125xi32, #tpu.memory_space<vmem>>
      %dma_start3A_484 = tpu.memref_squeeze %dma_start3A_483 : memref<1x1x125xi32, #tpu.memory_space<vmem>> -> memref<125xi32, #tpu.memory_space<vmem>>
      %dma_start3A_485 = arith.constant 0 : i32
      %dma_start3A_486 = arith.constant 0 : i32
      %dma_start3A_487 = tpu.memref_slice %arg10[%dma_start3A_485, %dma_start3A_486] : memref<10000x128xf32, #tpu.memory_space<vmem_shared>> -> memref<10000x128xf32, #tpu.memory_space<vmem_shared>>
      tpu.enqueue_indirect_dma source(%dma_start3A_481 : memref<125x128xf32, #tpu.memory_space<vmem>>) target(%dma_start3A_487 : memref<10000x128xf32, #tpu.memory_space<vmem_shared>>) offsets(%dma_start3A_484 : memref<125xi32, #tpu.memory_space<vmem>>) semaphore(%run_scoped3A_477 : memref<!tpu.dma_semaphore, #tpu.memory_space<semaphore_mem>>) {add = true}
      %dma_wait3A_488 = arith.constant 0 : i32
      %dma_wait3A_489 = arith.constant 0 : i32
      %dma_wait3A_490 = tpu.memref_slice %arg14[%run_scoped3A_373, %dma_wait3A_488, %dma_wait3A_489] : memref<2x125x128xf32, #tpu.memory_space<vmem>> -> memref<1x125x128xf32, #tpu.memory_space<vmem>>
      %dma_wait3A_491 = tpu.memref_squeeze %dma_wait3A_490 : memref<1x125x128xf32, #tpu.memory_space<vmem>> -> memref<125x128xf32, #tpu.memory_space<vmem>>
      %dma_wait3A_492 = arith.constant 0 : i32
      %dma_wait3A_493 = tpu.memref_slice %arg13[%rem3A_52, %run_scoped3A_374, %dma_wait3A_492] : memref<2x16x125xi32, #tpu.memory_space<vmem>> -> memref<1x1x125xi32, #tpu.memory_space<vmem>>
      %dma_wait3A_494 = tpu.memref_squeeze %dma_wait3A_493 : memref<1x1x125xi32, #tpu.memory_space<vmem>> -> memref<125xi32, #tpu.memory_space<vmem>>
      %dma_wait3A_495 = arith.constant 0 : i32
      %dma_wait3A_496 = arith.constant 0 : i32
      %dma_wait3A_497 = tpu.memref_slice %arg10[%dma_wait3A_495, %dma_wait3A_496] : memref<10000x128xf32, #tpu.memory_space<vmem_shared>> -> memref<10000x128xf32, #tpu.memory_space<vmem_shared>>
      tpu.wait_indirect_dma semaphore(%run_scoped3A_477 : memref<!tpu.dma_semaphore, #tpu.memory_space<semaphore_mem>>) src(%dma_wait3A_491 : memref<125x128xf32, #tpu.memory_space<vmem>>) dst(%dma_wait3A_497 : memref<10000x128xf32, #tpu.memory_space<vmem_shared>>)
      tpu.yield
    }) : () -> ()
    %run_scoped3A_375 = arith.constant 11 : i32
    "tpu.region"() ({
      %run_scoped3A_477 = tpu.sem_alloc : memref<!tpu.dma_semaphore, #tpu.memory_space<semaphore_mem>>
      %dma_start3A_478 = arith.constant 0 : i32
      %dma_start3A_479 = tpu.memref_slice %arg13[%rem3A_52, %run_scoped3A_375, %dma_start3A_478] : memref<2x16x125xi32, #tpu.memory_space<vmem>> -> memref<1x1x125xi32, #tpu.memory_space<vmem>>
      %dma_start3A_480 = tpu.memref_squeeze %dma_start3A_479 : memref<1x1x125xi32, #tpu.memory_space<vmem>> -> memref<125xi32, #tpu.memory_space<vmem>>
      %dma_start3A_481 = arith.constant 0 : i32
      %dma_start3A_482 = arith.constant 0 : i32
      %dma_start3A_483 = tpu.memref_slice %arg11[%dma_start3A_481, %dma_start3A_482] : memref<10000x8xf32, #tpu.memory_space<vmem_shared>> -> memref<10000x8xf32, #tpu.memory_space<vmem_shared>>
      tpu.enqueue_indirect_dma source(%arg15 : memref<125x8xf32, #tpu.memory_space<vmem>>) target(%dma_start3A_483 : memref<10000x8xf32, #tpu.memory_space<vmem_shared>>) offsets(%dma_start3A_480 : memref<125xi32, #tpu.memory_space<vmem>>) semaphore(%run_scoped3A_477 : memref<!tpu.dma_semaphore, #tpu.memory_space<semaphore_mem>>) {add = true}
      %dma_wait3A_484 = arith.constant 0 : i32
      %dma_wait3A_485 = tpu.memref_slice %arg13[%rem3A_52, %run_scoped3A_375, %dma_wait3A_484] : memref<2x16x125xi32, #tpu.memory_space<vmem>> -> memref<1x1x125xi32, #tpu.memory_space<vmem>>
      %dma_wait3A_486 = tpu.memref_squeeze %dma_wait3A_485 : memref<1x1x125xi32, #tpu.memory_space<vmem>> -> memref<125xi32, #tpu.memory_space<vmem>>
      %dma_wait3A_487 = arith.constant 0 : i32
      %dma_wait3A_488 = arith.constant 0 : i32
      %dma_wait3A_489 = tpu.memref_slice %arg11[%dma_wait3A_487, %dma_wait3A_488] : memref<10000x8xf32, #tpu.memory_space<vmem_shared>> -> memref<10000x8xf32, #tpu.memory_space<vmem_shared>>
      tpu.wait_indirect_dma semaphore(%run_scoped3A_477 : memref<!tpu.dma_semaphore, #tpu.memory_space<semaphore_mem>>) src(%arg15 : memref<125x8xf32, #tpu.memory_space<vmem>>) dst(%dma_wait3A_489 : memref<10000x8xf32, #tpu.memory_space<vmem_shared>>)
      tpu.yield
    }) : () -> ()
    %dma_start3A_376 = arith.constant 13 : i32
    %dma_start3A_377 = arith.constant 1 : i32
    %dma_start3A_378 = arith.constant 0 : i32
    %dma_start3A_379 = arith.constant 0 : i32
    %dma_start3A_380 = tpu.memref_slice %arg14[%dma_start3A_377, %dma_start3A_378, %dma_start3A_379] : memref<2x125x128xf32, #tpu.memory_space<vmem>> -> memref<1x125x128xf32, #tpu.memory_space<vmem>>
    %dma_start3A_381 = tpu.memref_squeeze %dma_start3A_380 : memref<1x125x128xf32, #tpu.memory_space<vmem>> -> memref<125x128xf32, #tpu.memory_space<vmem>>
    %dma_start3A_382 = arith.constant 0 : i32
    %dma_start3A_383 = tpu.memref_slice %arg12[%rem3A_52, %dma_start3A_376, %dma_start3A_382] : memref<2x16x125xi32, #tpu.memory_space<vmem>> -> memref<1x1x125xi32, #tpu.memory_space<vmem>>
    %dma_start3A_384 = tpu.memref_squeeze %dma_start3A_383 : memref<1x1x125xi32, #tpu.memory_space<vmem>> -> memref<125xi32, #tpu.memory_space<vmem>>
    %dma_start3A_385 = arith.constant 0 : i32
    %dma_start3A_386 = arith.constant 0 : i32
    %dma_start3A_387 = tpu.memref_slice %arg4[%dma_start3A_385, %dma_start3A_386] : memref<10000x128xf32, #tpu.memory_space<hbm>> -> memref<10000x128xf32, #tpu.memory_space<hbm>>
    tpu.enqueue_indirect_dma source(%dma_start3A_387 : memref<10000x128xf32, #tpu.memory_space<hbm>>) target(%dma_start3A_381 : memref<125x128xf32, #tpu.memory_space<vmem>>) offsets(%dma_start3A_384 : memref<125xi32, #tpu.memory_space<vmem>>) semaphore(%arg17 : memref<!tpu.dma_semaphore, #tpu.memory_space<semaphore_mem>>)
    %dma_wait3A_388 = arith.constant 0 : i32
    %dma_wait3A_389 = arith.constant 0 : i32
    %dma_wait3A_390 = arith.constant 0 : i32
    %dma_wait3A_391 = arith.constant 0 : i32
    %dma_wait3A_392 = arith.constant 0 : i32
    %dma_wait3A_393 = tpu.memref_slice %arg14[%dma_wait3A_390, %dma_wait3A_391, %dma_wait3A_392] : memref<2x125x128xf32, #tpu.memory_space<vmem>> -> memref<1x125x128xf32, #tpu.memory_space<vmem>>
    %dma_wait3A_394 = tpu.memref_squeeze %dma_wait3A_393 : memref<1x125x128xf32, #tpu.memory_space<vmem>> -> memref<125x128xf32, #tpu.memory_space<vmem>>
    %dma_wait3A_395 = arith.constant 0 : i32
    %dma_wait3A_396 = tpu.memref_slice %arg12[%dma_wait3A_388, %dma_wait3A_389, %dma_wait3A_395] : memref<2x16x125xi32, #tpu.memory_space<vmem>> -> memref<1x1x125xi32, #tpu.memory_space<vmem>>
    %dma_wait3A_397 = tpu.memref_squeeze %dma_wait3A_396 : memref<1x1x125xi32, #tpu.memory_space<vmem>> -> memref<125xi32, #tpu.memory_space<vmem>>
    %dma_wait3A_398 = arith.constant 0 : i32
    %dma_wait3A_399 = arith.constant 0 : i32
    %dma_wait3A_400 = tpu.memref_slice %arg4[%dma_wait3A_398, %dma_wait3A_399] : memref<10000x128xf32, #tpu.memory_space<hbm>> -> memref<10000x128xf32, #tpu.memory_space<hbm>>
    tpu.wait_indirect_dma semaphore(%arg16 : memref<!tpu.dma_semaphore, #tpu.memory_space<semaphore_mem>>) src(%dma_wait3A_400 : memref<10000x128xf32, #tpu.memory_space<hbm>>) dst(%dma_wait3A_394 : memref<125x128xf32, #tpu.memory_space<vmem>>)
    %run_scoped3A_401 = arith.constant 0 : i32
    %run_scoped3A_402 = arith.constant 12 : i32
    "tpu.region"() ({
      %run_scoped3A_477 = tpu.sem_alloc : memref<!tpu.dma_semaphore, #tpu.memory_space<semaphore_mem>>
      %dma_start3A_478 = arith.constant 0 : i32
      %dma_start3A_479 = arith.constant 0 : i32
      %dma_start3A_480 = tpu.memref_slice %arg14[%run_scoped3A_401, %dma_start3A_478, %dma_start3A_479] : memref<2x125x128xf32, #tpu.memory_space<vmem>> -> memref<1x125x128xf32, #tpu.memory_space<vmem>>
      %dma_start3A_481 = tpu.memref_squeeze %dma_start3A_480 : memref<1x125x128xf32, #tpu.memory_space<vmem>> -> memref<125x128xf32, #tpu.memory_space<vmem>>
      %dma_start3A_482 = arith.constant 0 : i32
      %dma_start3A_483 = tpu.memref_slice %arg13[%rem3A_52, %run_scoped3A_402, %dma_start3A_482] : memref<2x16x125xi32, #tpu.memory_space<vmem>> -> memref<1x1x125xi32, #tpu.memory_space<vmem>>
      %dma_start3A_484 = tpu.memref_squeeze %dma_start3A_483 : memref<1x1x125xi32, #tpu.memory_space<vmem>> -> memref<125xi32, #tpu.memory_space<vmem>>
      %dma_start3A_485 = arith.constant 0 : i32
      %dma_start3A_486 = arith.constant 0 : i32
      %dma_start3A_487 = tpu.memref_slice %arg10[%dma_start3A_485, %dma_start3A_486] : memref<10000x128xf32, #tpu.memory_space<vmem_shared>> -> memref<10000x128xf32, #tpu.memory_space<vmem_shared>>
      tpu.enqueue_indirect_dma source(%dma_start3A_481 : memref<125x128xf32, #tpu.memory_space<vmem>>) target(%dma_start3A_487 : memref<10000x128xf32, #tpu.memory_space<vmem_shared>>) offsets(%dma_start3A_484 : memref<125xi32, #tpu.memory_space<vmem>>) semaphore(%run_scoped3A_477 : memref<!tpu.dma_semaphore, #tpu.memory_space<semaphore_mem>>) {add = true}
      %dma_wait3A_488 = arith.constant 0 : i32
      %dma_wait3A_489 = arith.constant 0 : i32
      %dma_wait3A_490 = tpu.memref_slice %arg14[%run_scoped3A_401, %dma_wait3A_488, %dma_wait3A_489] : memref<2x125x128xf32, #tpu.memory_space<vmem>> -> memref<1x125x128xf32, #tpu.memory_space<vmem>>
      %dma_wait3A_491 = tpu.memref_squeeze %dma_wait3A_490 : memref<1x125x128xf32, #tpu.memory_space<vmem>> -> memref<125x128xf32, #tpu.memory_space<vmem>>
      %dma_wait3A_492 = arith.constant 0 : i32
      %dma_wait3A_493 = tpu.memref_slice %arg13[%rem3A_52, %run_scoped3A_402, %dma_wait3A_492] : memref<2x16x125xi32, #tpu.memory_space<vmem>> -> memref<1x1x125xi32, #tpu.memory_space<vmem>>
      %dma_wait3A_494 = tpu.memref_squeeze %dma_wait3A_493 : memref<1x1x125xi32, #tpu.memory_space<vmem>> -> memref<125xi32, #tpu.memory_space<vmem>>
      %dma_wait3A_495 = arith.constant 0 : i32
      %dma_wait3A_496 = arith.constant 0 : i32
      %dma_wait3A_497 = tpu.memref_slice %arg10[%dma_wait3A_495, %dma_wait3A_496] : memref<10000x128xf32, #tpu.memory_space<vmem_shared>> -> memref<10000x128xf32, #tpu.memory_space<vmem_shared>>
      tpu.wait_indirect_dma semaphore(%run_scoped3A_477 : memref<!tpu.dma_semaphore, #tpu.memory_space<semaphore_mem>>) src(%dma_wait3A_491 : memref<125x128xf32, #tpu.memory_space<vmem>>) dst(%dma_wait3A_497 : memref<10000x128xf32, #tpu.memory_space<vmem_shared>>)
      tpu.yield
    }) : () -> ()
    %run_scoped3A_403 = arith.constant 12 : i32
    "tpu.region"() ({
      %run_scoped3A_477 = tpu.sem_alloc : memref<!tpu.dma_semaphore, #tpu.memory_space<semaphore_mem>>
      %dma_start3A_478 = arith.constant 0 : i32
      %dma_start3A_479 = tpu.memref_slice %arg13[%rem3A_52, %run_scoped3A_403, %dma_start3A_478] : memref<2x16x125xi32, #tpu.memory_space<vmem>> -> memref<1x1x125xi32, #tpu.memory_space<vmem>>
      %dma_start3A_480 = tpu.memref_squeeze %dma_start3A_479 : memref<1x1x125xi32, #tpu.memory_space<vmem>> -> memref<125xi32, #tpu.memory_space<vmem>>
      %dma_start3A_481 = arith.constant 0 : i32
      %dma_start3A_482 = arith.constant 0 : i32
      %dma_start3A_483 = tpu.memref_slice %arg11[%dma_start3A_481, %dma_start3A_482] : memref<10000x8xf32, #tpu.memory_space<vmem_shared>> -> memref<10000x8xf32, #tpu.memory_space<vmem_shared>>
      tpu.enqueue_indirect_dma source(%arg15 : memref<125x8xf32, #tpu.memory_space<vmem>>) target(%dma_start3A_483 : memref<10000x8xf32, #tpu.memory_space<vmem_shared>>) offsets(%dma_start3A_480 : memref<125xi32, #tpu.memory_space<vmem>>) semaphore(%run_scoped3A_477 : memref<!tpu.dma_semaphore, #tpu.memory_space<semaphore_mem>>) {add = true}
      %dma_wait3A_484 = arith.constant 0 : i32
      %dma_wait3A_485 = tpu.memref_slice %arg13[%rem3A_52, %run_scoped3A_403, %dma_wait3A_484] : memref<2x16x125xi32, #tpu.memory_space<vmem>> -> memref<1x1x125xi32, #tpu.memory_space<vmem>>
      %dma_wait3A_486 = tpu.memref_squeeze %dma_wait3A_485 : memref<1x1x125xi32, #tpu.memory_space<vmem>> -> memref<125xi32, #tpu.memory_space<vmem>>
      %dma_wait3A_487 = arith.constant 0 : i32
      %dma_wait3A_488 = arith.constant 0 : i32
      %dma_wait3A_489 = tpu.memref_slice %arg11[%dma_wait3A_487, %dma_wait3A_488] : memref<10000x8xf32, #tpu.memory_space<vmem_shared>> -> memref<10000x8xf32, #tpu.memory_space<vmem_shared>>
      tpu.wait_indirect_dma semaphore(%run_scoped3A_477 : memref<!tpu.dma_semaphore, #tpu.memory_space<semaphore_mem>>) src(%arg15 : memref<125x8xf32, #tpu.memory_space<vmem>>) dst(%dma_wait3A_489 : memref<10000x8xf32, #tpu.memory_space<vmem_shared>>)
      tpu.yield
    }) : () -> ()
    %dma_start3A_404 = arith.constant 14 : i32
    %dma_start3A_405 = arith.constant 0 : i32
    %dma_start3A_406 = arith.constant 0 : i32
    %dma_start3A_407 = arith.constant 0 : i32
    %dma_start3A_408 = tpu.memref_slice %arg14[%dma_start3A_405, %dma_start3A_406, %dma_start3A_407] : memref<2x125x128xf32, #tpu.memory_space<vmem>> -> memref<1x125x128xf32, #tpu.memory_space<vmem>>
    %dma_start3A_409 = tpu.memref_squeeze %dma_start3A_408 : memref<1x125x128xf32, #tpu.memory_space<vmem>> -> memref<125x128xf32, #tpu.memory_space<vmem>>
    %dma_start3A_410 = arith.constant 0 : i32
    %dma_start3A_411 = tpu.memref_slice %arg12[%rem3A_52, %dma_start3A_404, %dma_start3A_410] : memref<2x16x125xi32, #tpu.memory_space<vmem>> -> memref<1x1x125xi32, #tpu.memory_space<vmem>>
    %dma_start3A_412 = tpu.memref_squeeze %dma_start3A_411 : memref<1x1x125xi32, #tpu.memory_space<vmem>> -> memref<125xi32, #tpu.memory_space<vmem>>
    %dma_start3A_413 = arith.constant 0 : i32
    %dma_start3A_414 = arith.constant 0 : i32
    %dma_start3A_415 = tpu.memref_slice %arg4[%dma_start3A_413, %dma_start3A_414] : memref<10000x128xf32, #tpu.memory_space<hbm>> -> memref<10000x128xf32, #tpu.memory_space<hbm>>
    tpu.enqueue_indirect_dma source(%dma_start3A_415 : memref<10000x128xf32, #tpu.memory_space<hbm>>) target(%dma_start3A_409 : memref<125x128xf32, #tpu.memory_space<vmem>>) offsets(%dma_start3A_412 : memref<125xi32, #tpu.memory_space<vmem>>) semaphore(%arg16 : memref<!tpu.dma_semaphore, #tpu.memory_space<semaphore_mem>>)
    %dma_wait3A_416 = arith.constant 0 : i32
    %dma_wait3A_417 = arith.constant 0 : i32
    %dma_wait3A_418 = arith.constant 1 : i32
    %dma_wait3A_419 = arith.constant 0 : i32
    %dma_wait3A_420 = arith.constant 0 : i32
    %dma_wait3A_421 = tpu.memref_slice %arg14[%dma_wait3A_418, %dma_wait3A_419, %dma_wait3A_420] : memref<2x125x128xf32, #tpu.memory_space<vmem>> -> memref<1x125x128xf32, #tpu.memory_space<vmem>>
    %dma_wait3A_422 = tpu.memref_squeeze %dma_wait3A_421 : memref<1x125x128xf32, #tpu.memory_space<vmem>> -> memref<125x128xf32, #tpu.memory_space<vmem>>
    %dma_wait3A_423 = arith.constant 0 : i32
    %dma_wait3A_424 = tpu.memref_slice %arg12[%dma_wait3A_416, %dma_wait3A_417, %dma_wait3A_423] : memref<2x16x125xi32, #tpu.memory_space<vmem>> -> memref<1x1x125xi32, #tpu.memory_space<vmem>>
    %dma_wait3A_425 = tpu.memref_squeeze %dma_wait3A_424 : memref<1x1x125xi32, #tpu.memory_space<vmem>> -> memref<125xi32, #tpu.memory_space<vmem>>
    %dma_wait3A_426 = arith.constant 0 : i32
    %dma_wait3A_427 = arith.constant 0 : i32
    %dma_wait3A_428 = tpu.memref_slice %arg4[%dma_wait3A_426, %dma_wait3A_427] : memref<10000x128xf32, #tpu.memory_space<hbm>> -> memref<10000x128xf32, #tpu.memory_space<hbm>>
    tpu.wait_indirect_dma semaphore(%arg17 : memref<!tpu.dma_semaphore, #tpu.memory_space<semaphore_mem>>) src(%dma_wait3A_428 : memref<10000x128xf32, #tpu.memory_space<hbm>>) dst(%dma_wait3A_422 : memref<125x128xf32, #tpu.memory_space<vmem>>)
    %run_scoped3A_429 = arith.constant 1 : i32
    %run_scoped3A_430 = arith.constant 13 : i32
    "tpu.region"() ({
      %run_scoped3A_477 = tpu.sem_alloc : memref<!tpu.dma_semaphore, #tpu.memory_space<semaphore_mem>>
      %dma_start3A_478 = arith.constant 0 : i32
      %dma_start3A_479 = arith.constant 0 : i32
      %dma_start3A_480 = tpu.memref_slice %arg14[%run_scoped3A_429, %dma_start3A_478, %dma_start3A_479] : memref<2x125x128xf32, #tpu.memory_space<vmem>> -> memref<1x125x128xf32, #tpu.memory_space<vmem>>
      %dma_start3A_481 = tpu.memref_squeeze %dma_start3A_480 : memref<1x125x128xf32, #tpu.memory_space<vmem>> -> memref<125x128xf32, #tpu.memory_space<vmem>>
      %dma_start3A_482 = arith.constant 0 : i32
      %dma_start3A_483 = tpu.memref_slice %arg13[%rem3A_52, %run_scoped3A_430, %dma_start3A_482] : memref<2x16x125xi32, #tpu.memory_space<vmem>> -> memref<1x1x125xi32, #tpu.memory_space<vmem>>
      %dma_start3A_484 = tpu.memref_squeeze %dma_start3A_483 : memref<1x1x125xi32, #tpu.memory_space<vmem>> -> memref<125xi32, #tpu.memory_space<vmem>>
      %dma_start3A_485 = arith.constant 0 : i32
      %dma_start3A_486 = arith.constant 0 : i32
      %dma_start3A_487 = tpu.memref_slice %arg10[%dma_start3A_485, %dma_start3A_486] : memref<10000x128xf32, #tpu.memory_space<vmem_shared>> -> memref<10000x128xf32, #tpu.memory_space<vmem_shared>>
      tpu.enqueue_indirect_dma source(%dma_start3A_481 : memref<125x128xf32, #tpu.memory_space<vmem>>) target(%dma_start3A_487 : memref<10000x128xf32, #tpu.memory_space<vmem_shared>>) offsets(%dma_start3A_484 : memref<125xi32, #tpu.memory_space<vmem>>) semaphore(%run_scoped3A_477 : memref<!tpu.dma_semaphore, #tpu.memory_space<semaphore_mem>>) {add = true}
      %dma_wait3A_488 = arith.constant 0 : i32
      %dma_wait3A_489 = arith.constant 0 : i32
      %dma_wait3A_490 = tpu.memref_slice %arg14[%run_scoped3A_429, %dma_wait3A_488, %dma_wait3A_489] : memref<2x125x128xf32, #tpu.memory_space<vmem>> -> memref<1x125x128xf32, #tpu.memory_space<vmem>>
      %dma_wait3A_491 = tpu.memref_squeeze %dma_wait3A_490 : memref<1x125x128xf32, #tpu.memory_space<vmem>> -> memref<125x128xf32, #tpu.memory_space<vmem>>
      %dma_wait3A_492 = arith.constant 0 : i32
      %dma_wait3A_493 = tpu.memref_slice %arg13[%rem3A_52, %run_scoped3A_430, %dma_wait3A_492] : memref<2x16x125xi32, #tpu.memory_space<vmem>> -> memref<1x1x125xi32, #tpu.memory_space<vmem>>
      %dma_wait3A_494 = tpu.memref_squeeze %dma_wait3A_493 : memref<1x1x125xi32, #tpu.memory_space<vmem>> -> memref<125xi32, #tpu.memory_space<vmem>>
      %dma_wait3A_495 = arith.constant 0 : i32
      %dma_wait3A_496 = arith.constant 0 : i32
      %dma_wait3A_497 = tpu.memref_slice %arg10[%dma_wait3A_495, %dma_wait3A_496] : memref<10000x128xf32, #tpu.memory_space<vmem_shared>> -> memref<10000x128xf32, #tpu.memory_space<vmem_shared>>
      tpu.wait_indirect_dma semaphore(%run_scoped3A_477 : memref<!tpu.dma_semaphore, #tpu.memory_space<semaphore_mem>>) src(%dma_wait3A_491 : memref<125x128xf32, #tpu.memory_space<vmem>>) dst(%dma_wait3A_497 : memref<10000x128xf32, #tpu.memory_space<vmem_shared>>)
      tpu.yield
    }) : () -> ()
    %run_scoped3A_431 = arith.constant 13 : i32
    "tpu.region"() ({
      %run_scoped3A_477 = tpu.sem_alloc : memref<!tpu.dma_semaphore, #tpu.memory_space<semaphore_mem>>
      %dma_start3A_478 = arith.constant 0 : i32
      %dma_start3A_479 = tpu.memref_slice %arg13[%rem3A_52, %run_scoped3A_431, %dma_start3A_478] : memref<2x16x125xi32, #tpu.memory_space<vmem>> -> memref<1x1x125xi32, #tpu.memory_space<vmem>>
      %dma_start3A_480 = tpu.memref_squeeze %dma_start3A_479 : memref<1x1x125xi32, #tpu.memory_space<vmem>> -> memref<125xi32, #tpu.memory_space<vmem>>
      %dma_start3A_481 = arith.constant 0 : i32
      %dma_start3A_482 = arith.constant 0 : i32
      %dma_start3A_483 = tpu.memref_slice %arg11[%dma_start3A_481, %dma_start3A_482] : memref<10000x8xf32, #tpu.memory_space<vmem_shared>> -> memref<10000x8xf32, #tpu.memory_space<vmem_shared>>
      tpu.enqueue_indirect_dma source(%arg15 : memref<125x8xf32, #tpu.memory_space<vmem>>) target(%dma_start3A_483 : memref<10000x8xf32, #tpu.memory_space<vmem_shared>>) offsets(%dma_start3A_480 : memref<125xi32, #tpu.memory_space<vmem>>) semaphore(%run_scoped3A_477 : memref<!tpu.dma_semaphore, #tpu.memory_space<semaphore_mem>>) {add = true}
      %dma_wait3A_484 = arith.constant 0 : i32
      %dma_wait3A_485 = tpu.memref_slice %arg13[%rem3A_52, %run_scoped3A_431, %dma_wait3A_484] : memref<2x16x125xi32, #tpu.memory_space<vmem>> -> memref<1x1x125xi32, #tpu.memory_space<vmem>>
      %dma_wait3A_486 = tpu.memref_squeeze %dma_wait3A_485 : memref<1x1x125xi32, #tpu.memory_space<vmem>> -> memref<125xi32, #tpu.memory_space<vmem>>
      %dma_wait3A_487 = arith.constant 0 : i32
      %dma_wait3A_488 = arith.constant 0 : i32
      %dma_wait3A_489 = tpu.memref_slice %arg11[%dma_wait3A_487, %dma_wait3A_488] : memref<10000x8xf32, #tpu.memory_space<vmem_shared>> -> memref<10000x8xf32, #tpu.memory_space<vmem_shared>>
      tpu.wait_indirect_dma semaphore(%run_scoped3A_477 : memref<!tpu.dma_semaphore, #tpu.memory_space<semaphore_mem>>) src(%arg15 : memref<125x8xf32, #tpu.memory_space<vmem>>) dst(%dma_wait3A_489 : memref<10000x8xf32, #tpu.memory_space<vmem_shared>>)
      tpu.yield
    }) : () -> ()
    %dma_start3A_432 = arith.constant 15 : i32
    %dma_start3A_433 = arith.constant 1 : i32
    %dma_start3A_434 = arith.constant 0 : i32
    %dma_start3A_435 = arith.constant 0 : i32
    %dma_start3A_436 = tpu.memref_slice %arg14[%dma_start3A_433, %dma_start3A_434, %dma_start3A_435] : memref<2x125x128xf32, #tpu.memory_space<vmem>> -> memref<1x125x128xf32, #tpu.memory_space<vmem>>
    %dma_start3A_437 = tpu.memref_squeeze %dma_start3A_436 : memref<1x125x128xf32, #tpu.memory_space<vmem>> -> memref<125x128xf32, #tpu.memory_space<vmem>>
    %dma_start3A_438 = arith.constant 0 : i32
    %dma_start3A_439 = tpu.memref_slice %arg12[%rem3A_52, %dma_start3A_432, %dma_start3A_438] : memref<2x16x125xi32, #tpu.memory_space<vmem>> -> memref<1x1x125xi32, #tpu.memory_space<vmem>>
    %dma_start3A_440 = tpu.memref_squeeze %dma_start3A_439 : memref<1x1x125xi32, #tpu.memory_space<vmem>> -> memref<125xi32, #tpu.memory_space<vmem>>
    %dma_start3A_441 = arith.constant 0 : i32
    %dma_start3A_442 = arith.constant 0 : i32
    %dma_start3A_443 = tpu.memref_slice %arg4[%dma_start3A_441, %dma_start3A_442] : memref<10000x128xf32, #tpu.memory_space<hbm>> -> memref<10000x128xf32, #tpu.memory_space<hbm>>
    tpu.enqueue_indirect_dma source(%dma_start3A_443 : memref<10000x128xf32, #tpu.memory_space<hbm>>) target(%dma_start3A_437 : memref<125x128xf32, #tpu.memory_space<vmem>>) offsets(%dma_start3A_440 : memref<125xi32, #tpu.memory_space<vmem>>) semaphore(%arg17 : memref<!tpu.dma_semaphore, #tpu.memory_space<semaphore_mem>>)
    %dma_wait3A_444 = arith.constant 0 : i32
    %dma_wait3A_445 = arith.constant 0 : i32
    %dma_wait3A_446 = arith.constant 0 : i32
    %dma_wait3A_447 = arith.constant 0 : i32
    %dma_wait3A_448 = arith.constant 0 : i32
    %dma_wait3A_449 = tpu.memref_slice %arg14[%dma_wait3A_446, %dma_wait3A_447, %dma_wait3A_448] : memref<2x125x128xf32, #tpu.memory_space<vmem>> -> memref<1x125x128xf32, #tpu.memory_space<vmem>>
    %dma_wait3A_450 = tpu.memref_squeeze %dma_wait3A_449 : memref<1x125x128xf32, #tpu.memory_space<vmem>> -> memref<125x128xf32, #tpu.memory_space<vmem>>
    %dma_wait3A_451 = arith.constant 0 : i32
    %dma_wait3A_452 = tpu.memref_slice %arg12[%dma_wait3A_444, %dma_wait3A_445, %dma_wait3A_451] : memref<2x16x125xi32, #tpu.memory_space<vmem>> -> memref<1x1x125xi32, #tpu.memory_space<vmem>>
    %dma_wait3A_453 = tpu.memref_squeeze %dma_wait3A_452 : memref<1x1x125xi32, #tpu.memory_space<vmem>> -> memref<125xi32, #tpu.memory_space<vmem>>
    %dma_wait3A_454 = arith.constant 0 : i32
    %dma_wait3A_455 = arith.constant 0 : i32
    %dma_wait3A_456 = tpu.memref_slice %arg4[%dma_wait3A_454, %dma_wait3A_455] : memref<10000x128xf32, #tpu.memory_space<hbm>> -> memref<10000x128xf32, #tpu.memory_space<hbm>>
    tpu.wait_indirect_dma semaphore(%arg16 : memref<!tpu.dma_semaphore, #tpu.memory_space<semaphore_mem>>) src(%dma_wait3A_456 : memref<10000x128xf32, #tpu.memory_space<hbm>>) dst(%dma_wait3A_450 : memref<125x128xf32, #tpu.memory_space<vmem>>)
    %run_scoped3A_457 = arith.constant 0 : i32
    %run_scoped3A_458 = arith.constant 14 : i32
    "tpu.region"() ({
      %run_scoped3A_477 = tpu.sem_alloc : memref<!tpu.dma_semaphore, #tpu.memory_space<semaphore_mem>>
      %dma_start3A_478 = arith.constant 0 : i32
      %dma_start3A_479 = arith.constant 0 : i32
      %dma_start3A_480 = tpu.memref_slice %arg14[%run_scoped3A_457, %dma_start3A_478, %dma_start3A_479] : memref<2x125x128xf32, #tpu.memory_space<vmem>> -> memref<1x125x128xf32, #tpu.memory_space<vmem>>
      %dma_start3A_481 = tpu.memref_squeeze %dma_start3A_480 : memref<1x125x128xf32, #tpu.memory_space<vmem>> -> memref<125x128xf32, #tpu.memory_space<vmem>>
      %dma_start3A_482 = arith.constant 0 : i32
      %dma_start3A_483 = tpu.memref_slice %arg13[%rem3A_52, %run_scoped3A_458, %dma_start3A_482] : memref<2x16x125xi32, #tpu.memory_space<vmem>> -> memref<1x1x125xi32, #tpu.memory_space<vmem>>
      %dma_start3A_484 = tpu.memref_squeeze %dma_start3A_483 : memref<1x1x125xi32, #tpu.memory_space<vmem>> -> memref<125xi32, #tpu.memory_space<vmem>>
      %dma_start3A_485 = arith.constant 0 : i32
      %dma_start3A_486 = arith.constant 0 : i32
      %dma_start3A_487 = tpu.memref_slice %arg10[%dma_start3A_485, %dma_start3A_486] : memref<10000x128xf32, #tpu.memory_space<vmem_shared>> -> memref<10000x128xf32, #tpu.memory_space<vmem_shared>>
      tpu.enqueue_indirect_dma source(%dma_start3A_481 : memref<125x128xf32, #tpu.memory_space<vmem>>) target(%dma_start3A_487 : memref<10000x128xf32, #tpu.memory_space<vmem_shared>>) offsets(%dma_start3A_484 : memref<125xi32, #tpu.memory_space<vmem>>) semaphore(%run_scoped3A_477 : memref<!tpu.dma_semaphore, #tpu.memory_space<semaphore_mem>>) {add = true}
      %dma_wait3A_488 = arith.constant 0 : i32
      %dma_wait3A_489 = arith.constant 0 : i32
      %dma_wait3A_490 = tpu.memref_slice %arg14[%run_scoped3A_457, %dma_wait3A_488, %dma_wait3A_489] : memref<2x125x128xf32, #tpu.memory_space<vmem>> -> memref<1x125x128xf32, #tpu.memory_space<vmem>>
      %dma_wait3A_491 = tpu.memref_squeeze %dma_wait3A_490 : memref<1x125x128xf32, #tpu.memory_space<vmem>> -> memref<125x128xf32, #tpu.memory_space<vmem>>
      %dma_wait3A_492 = arith.constant 0 : i32
      %dma_wait3A_493 = tpu.memref_slice %arg13[%rem3A_52, %run_scoped3A_458, %dma_wait3A_492] : memref<2x16x125xi32, #tpu.memory_space<vmem>> -> memref<1x1x125xi32, #tpu.memory_space<vmem>>
      %dma_wait3A_494 = tpu.memref_squeeze %dma_wait3A_493 : memref<1x1x125xi32, #tpu.memory_space<vmem>> -> memref<125xi32, #tpu.memory_space<vmem>>
      %dma_wait3A_495 = arith.constant 0 : i32
      %dma_wait3A_496 = arith.constant 0 : i32
      %dma_wait3A_497 = tpu.memref_slice %arg10[%dma_wait3A_495, %dma_wait3A_496] : memref<10000x128xf32, #tpu.memory_space<vmem_shared>> -> memref<10000x128xf32, #tpu.memory_space<vmem_shared>>
      tpu.wait_indirect_dma semaphore(%run_scoped3A_477 : memref<!tpu.dma_semaphore, #tpu.memory_space<semaphore_mem>>) src(%dma_wait3A_491 : memref<125x128xf32, #tpu.memory_space<vmem>>) dst(%dma_wait3A_497 : memref<10000x128xf32, #tpu.memory_space<vmem_shared>>)
      tpu.yield
    }) : () -> ()
    %run_scoped3A_459 = arith.constant 14 : i32
    "tpu.region"() ({
      %run_scoped3A_477 = tpu.sem_alloc : memref<!tpu.dma_semaphore, #tpu.memory_space<semaphore_mem>>
      %dma_start3A_478 = arith.constant 0 : i32
      %dma_start3A_479 = tpu.memref_slice %arg13[%rem3A_52, %run_scoped3A_459, %dma_start3A_478] : memref<2x16x125xi32, #tpu.memory_space<vmem>> -> memref<1x1x125xi32, #tpu.memory_space<vmem>>
      %dma_start3A_480 = tpu.memref_squeeze %dma_start3A_479 : memref<1x1x125xi32, #tpu.memory_space<vmem>> -> memref<125xi32, #tpu.memory_space<vmem>>
      %dma_start3A_481 = arith.constant 0 : i32
      %dma_start3A_482 = arith.constant 0 : i32
      %dma_start3A_483 = tpu.memref_slice %arg11[%dma_start3A_481, %dma_start3A_482] : memref<10000x8xf32, #tpu.memory_space<vmem_shared>> -> memref<10000x8xf32, #tpu.memory_space<vmem_shared>>
      tpu.enqueue_indirect_dma source(%arg15 : memref<125x8xf32, #tpu.memory_space<vmem>>) target(%dma_start3A_483 : memref<10000x8xf32, #tpu.memory_space<vmem_shared>>) offsets(%dma_start3A_480 : memref<125xi32, #tpu.memory_space<vmem>>) semaphore(%run_scoped3A_477 : memref<!tpu.dma_semaphore, #tpu.memory_space<semaphore_mem>>) {add = true}
      %dma_wait3A_484 = arith.constant 0 : i32
      %dma_wait3A_485 = tpu.memref_slice %arg13[%rem3A_52, %run_scoped3A_459, %dma_wait3A_484] : memref<2x16x125xi32, #tpu.memory_space<vmem>> -> memref<1x1x125xi32, #tpu.memory_space<vmem>>
      %dma_wait3A_486 = tpu.memref_squeeze %dma_wait3A_485 : memref<1x1x125xi32, #tpu.memory_space<vmem>> -> memref<125xi32, #tpu.memory_space<vmem>>
      %dma_wait3A_487 = arith.constant 0 : i32
      %dma_wait3A_488 = arith.constant 0 : i32
      %dma_wait3A_489 = tpu.memref_slice %arg11[%dma_wait3A_487, %dma_wait3A_488] : memref<10000x8xf32, #tpu.memory_space<vmem_shared>> -> memref<10000x8xf32, #tpu.memory_space<vmem_shared>>
      tpu.wait_indirect_dma semaphore(%run_scoped3A_477 : memref<!tpu.dma_semaphore, #tpu.memory_space<semaphore_mem>>) src(%arg15 : memref<125x8xf32, #tpu.memory_space<vmem>>) dst(%dma_wait3A_489 : memref<10000x8xf32, #tpu.memory_space<vmem_shared>>)
      tpu.yield
    }) : () -> ()
    %dma_wait3A_460 = arith.constant 0 : i32
    %dma_wait3A_461 = arith.constant 0 : i32
    %dma_wait3A_462 = arith.constant 1 : i32
    %dma_wait3A_463 = arith.constant 0 : i32
    %dma_wait3A_464 = arith.constant 0 : i32
    %dma_wait3A_465 = tpu.memref_slice %arg14[%dma_wait3A_462, %dma_wait3A_463, %dma_wait3A_464] : memref<2x125x128xf32, #tpu.memory_space<vmem>> -> memref<1x125x128xf32, #tpu.memory_space<vmem>>
    %dma_wait3A_466 = tpu.memref_squeeze %dma_wait3A_465 : memref<1x125x128xf32, #tpu.memory_space<vmem>> -> memref<125x128xf32, #tpu.memory_space<vmem>>
    %dma_wait3A_467 = arith.constant 0 : i32
    %dma_wait3A_468 = tpu.memref_slice %arg12[%dma_wait3A_460, %dma_wait3A_461, %dma_wait3A_467] : memref<2x16x125xi32, #tpu.memory_space<vmem>> -> memref<1x1x125xi32, #tpu.memory_space<vmem>>
    %dma_wait3A_469 = tpu.memref_squeeze %dma_wait3A_468 : memref<1x1x125xi32, #tpu.memory_space<vmem>> -> memref<125xi32, #tpu.memory_space<vmem>>
    %dma_wait3A_470 = arith.constant 0 : i32
    %dma_wait3A_471 = arith.constant 0 : i32
    %dma_wait3A_472 = tpu.memref_slice %arg4[%dma_wait3A_470, %dma_wait3A_471] : memref<10000x128xf32, #tpu.memory_space<hbm>> -> memref<10000x128xf32, #tpu.memory_space<hbm>>
    tpu.wait_indirect_dma semaphore(%arg17 : memref<!tpu.dma_semaphore, #tpu.memory_space<semaphore_mem>>) src(%dma_wait3A_472 : memref<10000x128xf32, #tpu.memory_space<hbm>>) dst(%dma_wait3A_466 : memref<125x128xf32, #tpu.memory_space<vmem>>)
    %run_scoped3A_473 = arith.constant 1 : i32
    %run_scoped3A_474 = arith.constant 15 : i32
    "tpu.region"() ({
      %run_scoped3A_477 = tpu.sem_alloc : memref<!tpu.dma_semaphore, #tpu.memory_space<semaphore_mem>>
      %dma_start3A_478 = arith.constant 0 : i32
      %dma_start3A_479 = arith.constant 0 : i32
      %dma_start3A_480 = tpu.memref_slice %arg14[%run_scoped3A_473, %dma_start3A_478, %dma_start3A_479] : memref<2x125x128xf32, #tpu.memory_space<vmem>> -> memref<1x125x128xf32, #tpu.memory_space<vmem>>
      %dma_start3A_481 = tpu.memref_squeeze %dma_start3A_480 : memref<1x125x128xf32, #tpu.memory_space<vmem>> -> memref<125x128xf32, #tpu.memory_space<vmem>>
      %dma_start3A_482 = arith.constant 0 : i32
      %dma_start3A_483 = tpu.memref_slice %arg13[%rem3A_52, %run_scoped3A_474, %dma_start3A_482] : memref<2x16x125xi32, #tpu.memory_space<vmem>> -> memref<1x1x125xi32, #tpu.memory_space<vmem>>
      %dma_start3A_484 = tpu.memref_squeeze %dma_start3A_483 : memref<1x1x125xi32, #tpu.memory_space<vmem>> -> memref<125xi32, #tpu.memory_space<vmem>>
      %dma_start3A_485 = arith.constant 0 : i32
      %dma_start3A_486 = arith.constant 0 : i32
      %dma_start3A_487 = tpu.memref_slice %arg10[%dma_start3A_485, %dma_start3A_486] : memref<10000x128xf32, #tpu.memory_space<vmem_shared>> -> memref<10000x128xf32, #tpu.memory_space<vmem_shared>>
      tpu.enqueue_indirect_dma source(%dma_start3A_481 : memref<125x128xf32, #tpu.memory_space<vmem>>) target(%dma_start3A_487 : memref<10000x128xf32, #tpu.memory_space<vmem_shared>>) offsets(%dma_start3A_484 : memref<125xi32, #tpu.memory_space<vmem>>) semaphore(%run_scoped3A_477 : memref<!tpu.dma_semaphore, #tpu.memory_space<semaphore_mem>>) {add = true}
      %dma_wait3A_488 = arith.constant 0 : i32
      %dma_wait3A_489 = arith.constant 0 : i32
      %dma_wait3A_490 = tpu.memref_slice %arg14[%run_scoped3A_473, %dma_wait3A_488, %dma_wait3A_489] : memref<2x125x128xf32, #tpu.memory_space<vmem>> -> memref<1x125x128xf32, #tpu.memory_space<vmem>>
      %dma_wait3A_491 = tpu.memref_squeeze %dma_wait3A_490 : memref<1x125x128xf32, #tpu.memory_space<vmem>> -> memref<125x128xf32, #tpu.memory_space<vmem>>
      %dma_wait3A_492 = arith.constant 0 : i32
      %dma_wait3A_493 = tpu.memref_slice %arg13[%rem3A_52, %run_scoped3A_474, %dma_wait3A_492] : memref<2x16x125xi32, #tpu.memory_space<vmem>> -> memref<1x1x125xi32, #tpu.memory_space<vmem>>
      %dma_wait3A_494 = tpu.memref_squeeze %dma_wait3A_493 : memref<1x1x125xi32, #tpu.memory_space<vmem>> -> memref<125xi32, #tpu.memory_space<vmem>>
      %dma_wait3A_495 = arith.constant 0 : i32
      %dma_wait3A_496 = arith.constant 0 : i32
      %dma_wait3A_497 = tpu.memref_slice %arg10[%dma_wait3A_495, %dma_wait3A_496] : memref<10000x128xf32, #tpu.memory_space<vmem_shared>> -> memref<10000x128xf32, #tpu.memory_space<vmem_shared>>
      tpu.wait_indirect_dma semaphore(%run_scoped3A_477 : memref<!tpu.dma_semaphore, #tpu.memory_space<semaphore_mem>>) src(%dma_wait3A_491 : memref<125x128xf32, #tpu.memory_space<vmem>>) dst(%dma_wait3A_497 : memref<10000x128xf32, #tpu.memory_space<vmem_shared>>)
      tpu.yield
    }) : () -> ()
    %run_scoped3A_475 = arith.constant 15 : i32
    "tpu.region"() ({
      %run_scoped3A_477 = tpu.sem_alloc : memref<!tpu.dma_semaphore, #tpu.memory_space<semaphore_mem>>
      %dma_start3A_478 = arith.constant 0 : i32
      %dma_start3A_479 = tpu.memref_slice %arg13[%rem3A_52, %run_scoped3A_475, %dma_start3A_478] : memref<2x16x125xi32, #tpu.memory_space<vmem>> -> memref<1x1x125xi32, #tpu.memory_space<vmem>>
      %dma_start3A_480 = tpu.memref_squeeze %dma_start3A_479 : memref<1x1x125xi32, #tpu.memory_space<vmem>> -> memref<125xi32, #tpu.memory_space<vmem>>
      %dma_start3A_481 = arith.constant 0 : i32
      %dma_start3A_482 = arith.constant 0 : i32
      %dma_start3A_483 = tpu.memref_slice %arg11[%dma_start3A_481, %dma_start3A_482] : memref<10000x8xf32, #tpu.memory_space<vmem_shared>> -> memref<10000x8xf32, #tpu.memory_space<vmem_shared>>
      tpu.enqueue_indirect_dma source(%arg15 : memref<125x8xf32, #tpu.memory_space<vmem>>) target(%dma_start3A_483 : memref<10000x8xf32, #tpu.memory_space<vmem_shared>>) offsets(%dma_start3A_480 : memref<125xi32, #tpu.memory_space<vmem>>) semaphore(%run_scoped3A_477 : memref<!tpu.dma_semaphore, #tpu.memory_space<semaphore_mem>>) {add = true}
      %dma_wait3A_484 = arith.constant 0 : i32
      %dma_wait3A_485 = tpu.memref_slice %arg13[%rem3A_52, %run_scoped3A_475, %dma_wait3A_484] : memref<2x16x125xi32, #tpu.memory_space<vmem>> -> memref<1x1x125xi32, #tpu.memory_space<vmem>>
      %dma_wait3A_486 = tpu.memref_squeeze %dma_wait3A_485 : memref<1x1x125xi32, #tpu.memory_space<vmem>> -> memref<125xi32, #tpu.memory_space<vmem>>
      %dma_wait3A_487 = arith.constant 0 : i32
      %dma_wait3A_488 = arith.constant 0 : i32
      %dma_wait3A_489 = tpu.memref_slice %arg11[%dma_wait3A_487, %dma_wait3A_488] : memref<10000x8xf32, #tpu.memory_space<vmem_shared>> -> memref<10000x8xf32, #tpu.memory_space<vmem_shared>>
      tpu.wait_indirect_dma semaphore(%run_scoped3A_477 : memref<!tpu.dma_semaphore, #tpu.memory_space<semaphore_mem>>) src(%arg15 : memref<125x8xf32, #tpu.memory_space<vmem>>) dst(%dma_wait3A_489 : memref<10000x8xf32, #tpu.memory_space<vmem_shared>>)
      tpu.yield
    }) : () -> ()
    %barrier3A_476 = arith.constant 0 : index
    tpu.barrier barrier_id(%barrier3A_476)
    "tpu.region"() ({
      %run_scoped3A_477 = tpu.sem_alloc : memref<!tpu.dma_semaphore, #tpu.memory_space<semaphore_mem>>
      %dma_start3A_478 = arith.constant 0 : i32
      %dma_start3A_479 = tpu.memref_slice %arg8[%arg0, %mul3A_2, %dma_start3A_478] : memref<2x10000x128xf32, #tpu.memory_space<hbm>> -> memref<1x625x128xf32, #tpu.memory_space<hbm>>
      %dma_start3A_480 = tpu.memref_squeeze %dma_start3A_479 : memref<1x625x128xf32, #tpu.memory_space<hbm>> -> memref<625x128xf32, #tpu.memory_space<hbm>>
      %dma_start3A_481 = arith.constant 0 : i32
      %dma_start3A_482 = tpu.memref_slice %arg10[%mul3A_2, %dma_start3A_481] : memref<10000x128xf32, #tpu.memory_space<vmem_shared>> -> memref<625x128xf32, #tpu.memory_space<vmem_shared>>
      tpu.enqueue_dma source(%dma_start3A_482 : memref<625x128xf32, #tpu.memory_space<vmem_shared>>) target(%dma_start3A_480 : memref<625x128xf32, #tpu.memory_space<hbm>>) target_semaphore(%run_scoped3A_477 : memref<!tpu.dma_semaphore, #tpu.memory_space<semaphore_mem>>)
      %dma_wait3A_483 = arith.constant 0 : i32
      %dma_wait3A_484 = tpu.memref_slice %arg8[%arg0, %mul3A_2, %dma_wait3A_483] : memref<2x10000x128xf32, #tpu.memory_space<hbm>> -> memref<1x625x128xf32, #tpu.memory_space<hbm>>
      %dma_wait3A_485 = tpu.memref_squeeze %dma_wait3A_484 : memref<1x625x128xf32, #tpu.memory_space<hbm>> -> memref<625x128xf32, #tpu.memory_space<hbm>>
      %dma_wait3A_486 = arith.constant 0 : i32
      %dma_wait3A_487 = tpu.memref_slice %arg10[%mul3A_2, %dma_wait3A_486] : memref<10000x128xf32, #tpu.memory_space<vmem_shared>> -> memref<625x128xf32, #tpu.memory_space<vmem_shared>>
      tpu.wait_dma2 semaphore(%run_scoped3A_477 : memref<!tpu.dma_semaphore, #tpu.memory_space<semaphore_mem>>) src(%dma_wait3A_487 : memref<625x128xf32, #tpu.memory_space<vmem_shared>>) dst(%dma_wait3A_485 : memref<625x128xf32, #tpu.memory_space<hbm>>)
      tpu.yield
    }) : () -> ()
    "tpu.region"() ({
      %run_scoped3A_477 = tpu.sem_alloc : memref<!tpu.dma_semaphore, #tpu.memory_space<semaphore_mem>>
      %dma_start3A_478 = arith.constant 0 : i32
      %dma_start3A_479 = tpu.memref_slice %arg9[%arg0, %mul3A_2, %dma_start3A_478] : memref<2x10000x8xf32, #tpu.memory_space<hbm>> -> memref<1x625x8xf32, #tpu.memory_space<hbm>>
      %dma_start3A_480 = tpu.memref_squeeze %dma_start3A_479 : memref<1x625x8xf32, #tpu.memory_space<hbm>> -> memref<625x8xf32, #tpu.memory_space<hbm>>
      %dma_start3A_481 = arith.constant 0 : i32
      %dma_start3A_482 = tpu.memref_slice %arg11[%mul3A_2, %dma_start3A_481] : memref<10000x8xf32, #tpu.memory_space<vmem_shared>> -> memref<625x8xf32, #tpu.memory_space<vmem_shared>>
      tpu.enqueue_dma source(%dma_start3A_482 : memref<625x8xf32, #tpu.memory_space<vmem_shared>>) target(%dma_start3A_480 : memref<625x8xf32, #tpu.memory_space<hbm>>) target_semaphore(%run_scoped3A_477 : memref<!tpu.dma_semaphore, #tpu.memory_space<semaphore_mem>>)
      %dma_wait3A_483 = arith.constant 0 : i32
      %dma_wait3A_484 = tpu.memref_slice %arg9[%arg0, %mul3A_2, %dma_wait3A_483] : memref<2x10000x8xf32, #tpu.memory_space<hbm>> -> memref<1x625x8xf32, #tpu.memory_space<hbm>>
      %dma_wait3A_485 = tpu.memref_squeeze %dma_wait3A_484 : memref<1x625x8xf32, #tpu.memory_space<hbm>> -> memref<625x8xf32, #tpu.memory_space<hbm>>
      %dma_wait3A_486 = arith.constant 0 : i32
      %dma_wait3A_487 = tpu.memref_slice %arg11[%mul3A_2, %dma_wait3A_486] : memref<10000x8xf32, #tpu.memory_space<vmem_shared>> -> memref<625x8xf32, #tpu.memory_space<vmem_shared>>
      tpu.wait_dma2 semaphore(%run_scoped3A_477 : memref<!tpu.dma_semaphore, #tpu.memory_space<semaphore_mem>>) src(%dma_wait3A_487 : memref<625x8xf32, #tpu.memory_space<vmem_shared>>) dst(%dma_wait3A_485 : memref<625x8xf32, #tpu.memory_space<hbm>>)
      tpu.yield
    }) : () -> ()
    return
  }
}

module attributes {stable_mosaic.version = 14 : i64} {
  func.func @_tc_heads_body(%arg0: i32, %arg1: memref<2x1000x128xf32, #tpu.memory_space<vmem>>, %arg2: memref<2x1000x8xf32, #tpu.memory_space<vmem>>, %arg3: memref<128x128xf32, #tpu.memory_space<vmem>>, %arg4: memref<1x128xf32, #tpu.memory_space<vmem>>, %arg5: memref<128x128xf32, #tpu.memory_space<vmem>>, %arg6: memref<1x128xf32, #tpu.memory_space<vmem>>, %arg7: memref<128x128xf32, #tpu.memory_space<vmem>>, %arg8: memref<1x128xf32, #tpu.memory_space<vmem>>, %arg9: memref<128x128xf32, #tpu.memory_space<vmem>>, %arg10: memref<1x128xf32, #tpu.memory_space<vmem>>, %arg11: memref<1000x128xf32, #tpu.memory_space<vmem>>, %arg12: memref<1000x128xf32, #tpu.memory_space<vmem>>) attributes {dimension_semantics = [#tpu.dimension_semantics<arbitrary>], iteration_bounds = array<i64: 10>, scalar_prefetch = 0 : i64, scratch_operands = 0 : i64, tpu.core_type = #tpu.core_type<tc>, window_params = [{transform_indices = @transform_0, window_bounds = array<i64: 2, 1000, 128>}, {transform_indices = @transform_1, window_bounds = array<i64: 2, 1000, 8>}, {pipeline_mode = #tpu.pipeline_mode<synchronous>, transform_indices = @transform_2, window_bounds = array<i64: 128, 128>}, {pipeline_mode = #tpu.pipeline_mode<synchronous>, transform_indices = @transform_3, window_bounds = array<i64: 1, 128>}, {pipeline_mode = #tpu.pipeline_mode<synchronous>, transform_indices = @transform_4, window_bounds = array<i64: 128, 128>}, {pipeline_mode = #tpu.pipeline_mode<synchronous>, transform_indices = @transform_5, window_bounds = array<i64: 1, 128>}, {pipeline_mode = #tpu.pipeline_mode<synchronous>, transform_indices = @transform_6, window_bounds = array<i64: 128, 128>}, {pipeline_mode = #tpu.pipeline_mode<synchronous>, transform_indices = @transform_7, window_bounds = array<i64: 1, 128>}, {pipeline_mode = #tpu.pipeline_mode<synchronous>, transform_indices = @transform_8, window_bounds = array<i64: 128, 128>}, {pipeline_mode = #tpu.pipeline_mode<synchronous>, transform_indices = @transform_9, window_bounds = array<i64: 1, 128>}, {transform_indices = @transform_10, window_bounds = array<i64: 1000, 128>}, {transform_indices = @transform_11, window_bounds = array<i64: 1000, 128>}]} {
    %get3A = arith.constant 0 : index
    %get3A_0 = arith.constant 0 : index
    %get3A_1 = arith.constant 0 : index
    %get3A_2 = vector.load %arg1[%get3A, %get3A_0, %get3A_1] : memref<2x1000x128xf32, #tpu.memory_space<vmem>>, vector<1x1000x128xf32>
    %get3A_3 = vector.shape_cast %get3A_2 : vector<1x1000x128xf32> to vector<1000x128xf32>
    %get3A_4 = arith.constant 1 : index
    %get3A_5 = arith.constant 0 : index
    %get3A_6 = arith.constant 0 : index
    %get3A_7 = vector.load %arg1[%get3A_4, %get3A_5, %get3A_6] : memref<2x1000x128xf32, #tpu.memory_space<vmem>>, vector<1x1000x128xf32>
    %get3A_8 = vector.shape_cast %get3A_7 : vector<1x1000x128xf32> to vector<1000x128xf32>
    %add3A = arith.addf %get3A_3, %get3A_8 : vector<1000x128xf32>
    %get3A_9 = arith.constant 0 : index
    %get3A_10 = arith.constant 0 : index
    %get3A_11 = arith.constant 0 : index
    %get3A_12 = vector.load %arg2[%get3A_9, %get3A_10, %get3A_11] : memref<2x1000x8xf32, #tpu.memory_space<vmem>>, vector<1x1000x1xf32>
    %get3A_13 = vector.shape_cast %get3A_12 : vector<1x1000x1xf32> to vector<1000x1xf32>
    %get3A_14 = arith.constant 1 : index
    %get3A_15 = arith.constant 0 : index
    %get3A_16 = arith.constant 0 : index
    %get3A_17 = vector.load %arg2[%get3A_14, %get3A_15, %get3A_16] : memref<2x1000x8xf32, #tpu.memory_space<vmem>>, vector<1x1000x1xf32>
    %get3A_18 = vector.shape_cast %get3A_17 : vector<1x1000x1xf32> to vector<1000x1xf32>
    %add3A_19 = arith.addf %get3A_13, %get3A_18 : vector<1000x1xf32>
    %max3A = arith.constant 1.000000e+00 : f32
    %max3A_20 = vector.broadcast %max3A : f32 to vector<1000x1xf32>
    %max3A_21 = arith.maximumf %add3A_19, %max3A_20 : vector<1000x1xf32>
    %div3A = vector.broadcast %max3A_21 : vector<1000x1xf32> to vector<1000x128xf32>
    %div3A_22 = arith.divf %add3A, %div3A : vector<1000x128xf32>
    %get3A_23 = arith.constant 0 : index
    %get3A_24 = arith.constant 0 : index
    %get3A_25 = vector.load %arg3[%get3A_23, %get3A_24] : memref<128x128xf32, #tpu.memory_space<vmem>>, vector<128x128xf32>
    %dot_general3A = arith.constant dense<0.000000e+00> : vector<1000x128xf32>
    %dot_general3A_26 = tpu.matmul %div3A_22, %get3A_25, %dot_general3A {dimension_numbers = #tpu.dot_dimension_numbers<[1], [0], [0], [1], [0, 0, 1, 1], [], []>, transpose_lhs_hint = false} : vector<1000x128xf32>, vector<128x128xf32>, vector<1000x128xf32> -> vector<1000x128xf32>
    %get3A_27 = arith.constant 0 : index
    %get3A_28 = arith.constant 0 : index
    %get3A_29 = vector.load %arg4[%get3A_27, %get3A_28] : memref<1x128xf32, #tpu.memory_space<vmem>>, vector<1x128xf32>
    %add3A_30 = vector.broadcast %get3A_29 : vector<1x128xf32> to vector<1000x128xf32>
    %add3A_31 = arith.addf %dot_general3A_26, %add3A_30 : vector<1000x128xf32>
    %max3A_32 = arith.constant 0.000000e+00 : f32
    %max3A_33 = vector.broadcast %max3A_32 : f32 to vector<1000x128xf32>
    %max3A_34 = arith.maximumf %add3A_31, %max3A_33 : vector<1000x128xf32>
    %get3A_35 = arith.constant 0 : index
    %get3A_36 = arith.constant 0 : index
    %get3A_37 = vector.load %arg7[%get3A_35, %get3A_36] : memref<128x128xf32, #tpu.memory_space<vmem>>, vector<128x128xf32>
    %dot_general3A_38 = arith.constant dense<0.000000e+00> : vector<1000x128xf32>
    %dot_general3A_39 = tpu.matmul %max3A_34, %get3A_37, %dot_general3A_38 {dimension_numbers = #tpu.dot_dimension_numbers<[1], [0], [0], [1], [0, 0, 1, 1], [], []>, transpose_lhs_hint = false} : vector<1000x128xf32>, vector<128x128xf32>, vector<1000x128xf32> -> vector<1000x128xf32>
    %get3A_40 = arith.constant 0 : index
    %get3A_41 = arith.constant 0 : index
    %get3A_42 = vector.load %arg8[%get3A_40, %get3A_41] : memref<1x128xf32, #tpu.memory_space<vmem>>, vector<1x128xf32>
    %add3A_43 = vector.broadcast %get3A_42 : vector<1x128xf32> to vector<1000x128xf32>
    %add3A_44 = arith.addf %dot_general3A_39, %add3A_43 : vector<1000x128xf32>
    %swap3A = arith.constant 0 : index
    %swap3A_45 = arith.constant 0 : index
    %swap3A_46 = vector.load %arg11[%swap3A, %swap3A_45] : memref<1000x128xf32, #tpu.memory_space<vmem>>, vector<1000x128xf32>
    tpu.vector_store %arg11[%swap3A, %swap3A_45], %add3A_44 {strides = array<i32>} : memref<1000x128xf32, #tpu.memory_space<vmem>>, vector<1000x128xf32>,
    %get3A_47 = arith.constant 0 : index
    %get3A_48 = arith.constant 0 : index
    %get3A_49 = vector.load %arg5[%get3A_47, %get3A_48] : memref<128x128xf32, #tpu.memory_space<vmem>>, vector<128x128xf32>
    %dot_general3A_50 = arith.constant dense<0.000000e+00> : vector<1000x128xf32>
    %dot_general3A_51 = tpu.matmul %div3A_22, %get3A_49, %dot_general3A_50 {dimension_numbers = #tpu.dot_dimension_numbers<[1], [0], [0], [1], [0, 0, 1, 1], [], []>, transpose_lhs_hint = false} : vector<1000x128xf32>, vector<128x128xf32>, vector<1000x128xf32> -> vector<1000x128xf32>
    %get3A_52 = arith.constant 0 : index
    %get3A_53 = arith.constant 0 : index
    %get3A_54 = vector.load %arg6[%get3A_52, %get3A_53] : memref<1x128xf32, #tpu.memory_space<vmem>>, vector<1x128xf32>
    %add3A_55 = vector.broadcast %get3A_54 : vector<1x128xf32> to vector<1000x128xf32>
    %add3A_56 = arith.addf %dot_general3A_51, %add3A_55 : vector<1000x128xf32>
    %max3A_57 = arith.constant 0.000000e+00 : f32
    %max3A_58 = vector.broadcast %max3A_57 : f32 to vector<1000x128xf32>
    %max3A_59 = arith.maximumf %add3A_56, %max3A_58 : vector<1000x128xf32>
    %get3A_60 = arith.constant 0 : index
    %get3A_61 = arith.constant 0 : index
    %get3A_62 = vector.load %arg9[%get3A_60, %get3A_61] : memref<128x128xf32, #tpu.memory_space<vmem>>, vector<128x128xf32>
    %dot_general3A_63 = arith.constant dense<0.000000e+00> : vector<1000x128xf32>
    %dot_general3A_64 = tpu.matmul %max3A_59, %get3A_62, %dot_general3A_63 {dimension_numbers = #tpu.dot_dimension_numbers<[1], [0], [0], [1], [0, 0, 1, 1], [], []>, transpose_lhs_hint = false} : vector<1000x128xf32>, vector<128x128xf32>, vector<1000x128xf32> -> vector<1000x128xf32>
    %get3A_65 = arith.constant 0 : index
    %get3A_66 = arith.constant 0 : index
    %get3A_67 = vector.load %arg10[%get3A_65, %get3A_66] : memref<1x128xf32, #tpu.memory_space<vmem>>, vector<1x128xf32>
    %add3A_68 = vector.broadcast %get3A_67 : vector<1x128xf32> to vector<1000x128xf32>
    %add3A_69 = arith.addf %dot_general3A_64, %add3A_68 : vector<1000x128xf32>
    %swap3A_70 = arith.constant 0 : index
    %swap3A_71 = arith.constant 0 : index
    %swap3A_72 = vector.load %arg12[%swap3A_70, %swap3A_71] : memref<1000x128xf32, #tpu.memory_space<vmem>>, vector<1000x128xf32>
    tpu.vector_store %arg12[%swap3A_70, %swap3A_71], %add3A_69 {strides = array<i32>} : memref<1000x128xf32, #tpu.memory_space<vmem>>, vector<1000x128xf32>,
    return
  }
  func.func @transform_0(%arg0: i32) -> (i32, i32, i32) {
    %c0_i32 = arith.constant 0 : i32
    %c0_i32_0 = arith.constant 0 : i32
    %c0_i32_1 = arith.constant 0 : i32
    return %c0_i32, %arg0, %c0_i32_0 : i32, i32, i32
  }
  func.func @transform_1(%arg0: i32) -> (i32, i32, i32) {
    %c0_i32 = arith.constant 0 : i32
    %c0_i32_0 = arith.constant 0 : i32
    %c0_i32_1 = arith.constant 0 : i32
    return %c0_i32, %arg0, %c0_i32_0 : i32, i32, i32
  }
  func.func @transform_2(%arg0: i32) -> (i32, i32) {
    %c0_i32 = arith.constant 0 : i32
    %c0_i32_0 = arith.constant 0 : i32
    %c0_i32_1 = arith.constant 0 : i32
    return %c0_i32, %c0_i32_0 : i32, i32
  }
  func.func @transform_3(%arg0: i32) -> (i32, i32) {
    %c0_i32 = arith.constant 0 : i32
    %c0_i32_0 = arith.constant 0 : i32
    %c0_i32_1 = arith.constant 0 : i32
    return %c0_i32, %c0_i32_0 : i32, i32
  }
  func.func @transform_4(%arg0: i32) -> (i32, i32) {
    %c0_i32 = arith.constant 0 : i32
    %c0_i32_0 = arith.constant 0 : i32
    %c0_i32_1 = arith.constant 0 : i32
    return %c0_i32, %c0_i32_0 : i32, i32
  }
  func.func @transform_5(%arg0: i32) -> (i32, i32) {
    %c0_i32 = arith.constant 0 : i32
    %c0_i32_0 = arith.constant 0 : i32
    %c0_i32_1 = arith.constant 0 : i32
    return %c0_i32, %c0_i32_0 : i32, i32
  }
  func.func @transform_6(%arg0: i32) -> (i32, i32) {
    %c0_i32 = arith.constant 0 : i32
    %c0_i32_0 = arith.constant 0 : i32
    %c0_i32_1 = arith.constant 0 : i32
    return %c0_i32, %c0_i32_0 : i32, i32
  }
  func.func @transform_7(%arg0: i32) -> (i32, i32) {
    %c0_i32 = arith.constant 0 : i32
    %c0_i32_0 = arith.constant 0 : i32
    %c0_i32_1 = arith.constant 0 : i32
    return %c0_i32, %c0_i32_0 : i32, i32
  }
  func.func @transform_8(%arg0: i32) -> (i32, i32) {
    %c0_i32 = arith.constant 0 : i32
    %c0_i32_0 = arith.constant 0 : i32
    %c0_i32_1 = arith.constant 0 : i32
    return %c0_i32, %c0_i32_0 : i32, i32
  }
  func.func @transform_9(%arg0: i32) -> (i32, i32) {
    %c0_i32 = arith.constant 0 : i32
    %c0_i32_0 = arith.constant 0 : i32
    %c0_i32_1 = arith.constant 0 : i32
    return %c0_i32, %c0_i32_0 : i32, i32
  }
  func.func @transform_10(%arg0: i32) -> (i32, i32) {
    %c0_i32 = arith.constant 0 : i32
    %c0_i32_0 = arith.constant 0 : i32
    return %arg0, %c0_i32 : i32, i32
  }
  func.func @transform_11(%arg0: i32) -> (i32, i32) {
    %c0_i32 = arith.constant 0 : i32
    %c0_i32_0 = arith.constant 0 : i32
    return %arg0, %c0_i32 : i32, i32
  }
}

</mosaic_0001>

<sc_bundles>
// kernel: kernel.4.cloned.1.call-start
scs
__scs_entry_jumppad:
0x0: {  	(pc) =	sbr.rel $0x88, $3  }
0x1: {  	(tag) =	ssettag $0x0;
	lr =	simm.s32 $0x1  }
0x2: {  	[smem:$0x3F97] =	sst lr;
	_ =	strace $0xD0000000  }
0x3: {  	_ = 	snop  }
0x4: {  	_ = 	snop  }
0x5: {  	_ = 	snop  }
0x6: {  	_ = 	snop  }
0x7: {  	_ = 	snop  }
__scs_overlays_trampoline_lowered:
0x8: {  	[smem:$0x3FA6] =	sst s0  }
0x9: {  	[smem:$0x3FA7] =	sst s1  }
0xa: {  	[smem:$0x3FA8] =	sst s2  }
0xb: {  	[smem:$0x3FA9] =	sst s3  }
0xc: {  	[smem:$0x3FAA] =	sst s4  }
0xd: {  	[smem:$0x3FAB] =	sst s5  }
0xe: {  	[smem:$0x3FAC] =	sst s6  }
0xf: {  	[smem:$0x3FAD] =	sst s7  }
0x10: {  	[smem:$0x3FAE] =	sst s8  }
0x11: {  	[smem:$0x3FAF] =	sst s9;
	s0 =	simm.s32 @!p0 $0x0  }
0x12: {  	s1 =	sld [smem:$0x3F95];
	s0 =	simm.s32 @p0 $0x1  }
0x13: {  	[smem:$0x3FB0] =	sst s0;
	s0 =	simm.s32 @!p1 $0x0  }
0x14: {  	s2 =	sld [smem:$0x3F94];
	s0 =	simm.s32 @p1 $0x1  }
0x15: {  	[smem:$0x3FB1] =	sst s0;
	s0 =	simm.s32 @!p2 $0x0  }
0x16: {  	s3 =	sld [smem:$0x3FDB];
	s0 =	simm.s32 @p2 $0x1  }
0x17: {  	s4 =	simm.s32 $0x1BF5;
	[smem:$0x3FB3] =	sst s0  }
0x18: {  	s0 =	sld [smem:$0x3F96];
	_ =	swait.ge [sflag:s4], $0x0  }
0x19: {  	s7 =	sld [smem:$0x3F97]  }
0x1a: {  	s8 =	sadd.s32 $0xFFFFE003, lr  }
0x1b: {  	s9 =	sadd.s32 $0xFFFFFEF7, lr;
	s5 =	simm.s32 $0xFFFFFFFF;
	p2 =	slt.u32 s8, $0xFFFFF086  }
0x1c: {  	p1 =	slt.u32 s9, $0xF7A;
	s5 =	simm.s32 @!p2 $0x0  }
0x1d: {  	s5 =	simm.s32 @p1 $0x1;
	p0 =	seq.s32 s7, s2  }
0x1e: {  	s7 =	smul.u32 @!p0 $0xF7A, s2;
	p2 =	seq.s32 @!p0 s5, $0x0  }
0x1f: {  	s9 =	smul.u32 $0xF7A, s1;
	s8 =	simm.s32 @!p0 $0x1BF5;
	p2 =	por !p2, p0  }
0x20: {  	[sflag:s8] =	ssyncset.s32 @!p0 $0xFFFFF086;
	s6 =	sadd.s32 @!p0 s3, s7;
	s7 =	simm.s32 @!p0 $0x108  }
0x21: {  	s3 =	sadd.s32 s3, s9;
	s6 =	sadd.s32 @!p0 $0x88, s6;
	s7 =	simm.s32 @p2 $0x1082  }
0x22: {  	[simem:s7], [sflag:s8] =	dma.local @!p0 [hbm:s6], $0xF7A  }
0x23: {  	s9 =	sor.u32 $0xD0000000, s2;
	s6 =	simm.s32 $0x108;
	_ =	swait.ge @!p0 [sflag:s8], $0x0  }
0x24: {  	s3 =	sadd.s32 $0x88, s3;
	s6 =	simm.s32 @!p1 $0x1082;
	[sflag:s4] =	ssyncset.s32 $0xFFFFF086  }
0x25: {  	[simem:s6], [sflag:s4] =	dma.local [hbm:s3], $0xF7A  }
0x26: {  	[smem:$0x3F97] =	sst s1;
	(tag) =	ssettag s2;
	_ =	strace s9  }
0x27: {  	s1 =	sld [smem:$0x3FA7]  }
0x28: {  	s2 =	sld [smem:$0x3FA8]  }
0x29: {  	s4 =	sld [smem:$0x3FAA]  }
0x2a: {  	p0 =	seq.s32 s5, $0x0;
	s5 =	sld [smem:$0x3FAB]  }
0x2b: {  	s6 =	sld [smem:$0x3FAC]  }
0x2c: {  	s7 =	sld [smem:$0x3FAD]  }
0x2d: {  	s3 =	simm.s32 $0x108;
	s8 =	sld [smem:$0x3FAE]  }
0x2e: {  	s3 =	simm.s32 @!p0 $0x1082;
	s9 =	sld [smem:$0x3FAF]  }
0x2f: {  	lr =	sadd.s32 s0, s3;
	s0 =	sld [smem:$0x3FA6]  }
0x30: {  	s3 =	sld [smem:$0x3FA9]  }
0x31: {  	[smem:$0x3FB2] =	sst s10  }
0x32: {  	s10 =	sld [smem:$0x3FB0];
	_ =	sdelay $0x3  }
0x33: {  	p0 =	seq.s32 s10, $0x1;
	s10 =	sld [smem:$0x3FB2];
	_ =	sdelay $0x3  }
0x34: {  	[smem:$0x3FB2] =	sst s10  }
0x35: {  	s10 =	sld [smem:$0x3FB1];
	_ =	sdelay $0x3  }
0x36: {  	p1 =	seq.s32 s10, $0x1;
	s10 =	sld [smem:$0x3FB2];
	_ =	sdelay $0x3  }
0x37: {  	[smem:$0x3FB2] =	sst s10  }
0x38: {  	s10 =	sld [smem:$0x3FB3]  }
0x39: {  	_ = 	snop;
	(pc) =	sbr.ind lr, $3  }
0x3a: {  	_ = 	snop  }
0x3b: {  	_ = 	snop  }
0x3c: {  	p2 =	seq.s32 s10, $0x1;
	s10 =	sld [smem:$0x3FB2]  }
0x3d: {  	_ =	shalt  }
0x3e: {  	_ =	shalt  }
0x3f: {  	_ =	shalt  }
0x40: {  	_ =	shalt  }
0x41: {  	_ =	shalt  }
0x42: {  	_ =	shalt  }
0x43: {  	_ =	shalt  }
0x44: {  	_ =	shalt  }
0x45: {  	_ =	shalt  }
0x46: {  	_ =	shalt  }
0x47: {  	_ =	shalt  }
0x48: {  	_ =	shalt  }
0x49: {  	_ =	shalt  }
0x4a: {  	_ =	shalt  }
0x4b: {  	_ =	shalt  }
0x4c: {  	_ =	shalt  }
0x4d: {  	_ =	shalt  }
0x4e: {  	_ =	shalt  }
0x4f: {  	_ =	shalt  }
0x50: {  	_ =	shalt  }
0x51: {  	_ =	shalt  }
0x52: {  	_ =	shalt  }
0x53: {  	_ =	shalt  }
0x54: {  	_ =	shalt  }
0x55: {  	_ =	shalt  }
0x56: {  	_ =	shalt  }
0x57: {  	_ =	shalt  }
0x58: {  	_ =	shalt  }
0x59: {  	_ =	shalt  }
0x5a: {  	_ =	shalt  }
0x5b: {  	_ =	shalt  }
0x5c: {  	_ =	shalt  }
0x5d: {  	_ =	shalt  }
0x5e: {  	_ =	shalt  }
0x5f: {  	_ =	shalt  }
0x60: {  	_ =	shalt  }
0x61: {  	_ =	shalt  }
0x62: {  	_ =	shalt  }
0x63: {  	_ =	shalt  }
0x64: {  	_ =	shalt  }
0x65: {  	_ =	shalt  }
0x66: {  	_ =	shalt  }
0x67: {  	_ =	shalt  }
0x68: {  	_ =	shalt  }
0x69: {  	_ =	shalt  }
0x6a: {  	_ =	shalt  }
0x6b: {  	_ =	shalt  }
0x6c: {  	_ =	shalt  }
0x6d: {  	_ =	shalt  }
0x6e: {  	_ =	shalt  }
0x6f: {  	_ =	shalt  }
0x70: {  	_ =	shalt  }
0x71: {  	_ =	shalt  }
0x72: {  	_ =	shalt  }
0x73: {  	_ =	shalt  }
0x74: {  	_ =	shalt  }
0x75: {  	_ =	shalt  }
0x76: {  	_ =	shalt  }
0x77: {  	_ =	shalt  }
0x78: {  	_ =	shalt  }
0x79: {  	_ =	shalt  }
0x7a: {  	_ =	shalt  }
0x7b: {  	_ =	shalt  }
0x7c: {  	_ =	shalt  }
0x7d: {  	_ =	shalt  }
0x7e: {  	_ =	shalt  }
0x7f: {  	_ =	shalt  }
0x80: {  	_ =	shalt  }
0x81: {  	_ =	shalt  }
0x82: {  	_ =	shalt  }
0x83: {  	_ =	shalt  }
0x84: {  	_ =	shalt  }
0x85: {  	_ =	shalt  }
0x86: {  	_ =	shalt  }
0x87: {  	_ =	shalt  }
.Lfunc_end0:
.L_simem_size_0:
called_computation_lowered:
.L_overlay_start_0:
0x88: {  	s2 =	sld [smem:$0x3FD9]  }
0x89: {  	s3 =	sld [smem:$0x3FFE];
	_ =	sdelay $0x1  }
0x8a: {  	s1 =	srdreg.scid  }
0x8b: {  	s0 =	sand.u32 $0x1, s1  }
0x8c: {  	s14 =	sshll.u32 s0, $0xA;
	s2 =	sadd.s32 s3, s2  }
0x8d: {  	s2 =	sadd.s32 s2, s14  }
0x8e: {  	[smem:$0x3FBE] =	sst s2  }
0x8f: {  	_ = 	snop  }
0x90: {  	s2 =	sld [smem:$0x3FD0];
	_ =	sdelay $0x2  }
0x91: {  	s4 =	simm.s32 $0xA;
	s5 =	simm.s32 $0x10;
	s15 =	sld [smem:$0x3FC9]  }
0x92: {  	[smem:s5], [sflag:s4] =	dma.local [hbm:s2], $0x1  }
0x93: {  	_ =	swait.eq [sflag:s4], $0x1  }
0x94: {  	[sflag:s4] =	ssyncset.done $0x0  }
0x95: {  	s16 =	sld [smem:$0x10];
	[sflag:s4] =	ssyncadd.s32 $0xFFFFFFFF  }
0x96: {  	s17 =	sld [smem:$0x11];
	(tm) =	ssettm $0x1  }
0x97: {  	s18 =	sld [smem:$0x3FFB];
	_ =	sdelay $0x3  }
0x98: {  	_ =	strace s18  }
0x99: {  	s5 =	sld [smem:$0x3FFC];
	_ =	sdelay $0x3  }
0x9a: {  	_ =	strace s5  }
0x9b: {  	s5 =	sld [smem:$0x3FFD];
	_ =	sdelay $0x3  }
0x9c: {  	_ =	strace s5  }
0x9d: {  	_ =	strace $0x8FFFFFFF  }
0x9e: {  	s19 =	sld [smem:$0x3FDB];
	_ =	sdelay $0x1  }
0x9f: {  	s6 =	simm.s32 $_scs_section_size  }
0xa0: {  	s7 =	simm.s32 $_size__tile_overlayer_lowered;
	s8 =	simm.s32 $_tile_overlayer_lowered  }
0xa1: {  	s22 =	simm.s32 $0x1BFF;
	s21 =	sshll.u32 s8, $0x1;
	s5 =	sadd.s32 s6, s19  }
0xa2: {  	s9 =	simm.s32 $0x0;
	s20 =	sshll.u32 s7, $0x1;
	s7 =	sadd.s32 s21, s5  }
0xa3: {  	[timem:s9], [sflag:s22] =	dma.local [hbm:s7], s20  }
0xa4: {  	_ =	swait.ge [sflag:s22], s20  }
0xa5: {  	s6 =	ssub.s32 $0x0, s20;
	[sflag:s22] =	ssyncset.done $0x0  }
0xa6: {  	[sflag:s22] =	ssyncadd.s32 s6;
	_ =	sdelay $0x1  }
0xa7: {  	s23 =	simm.s32 $0x1B8B  }
0xa8: {  	_ =	swait.ge [sflag:s23], $0x1  }
0xa9: {  	[sflag:s23] =	ssyncset.done $0x0  }
0xaa: {  	s25 =	simm.s32 $0x1B8E;
	s24 =	sld [smem:$0x3FFE];
	[sflag:s23] =	ssyncadd.s32 $0xFFFFFFFF  }
0xab: {  	s26 =	simm.s32 $execute0_lowered;
	[smem:$0x3FD2] =	sst s25  }
0xac: {  	s7 =	sshll.u32 s26, $0x1;
	_ =	strace $0x80000046;
	[dreg:$0x1] =	wrdreg $0xFFFFFFFF  }
0xad: {  	s28 =	simm.s32 $_size_execute0_lowered;
	s5 =	sadd.s32 s5, s7;
	[dreg:$0x0] =	wrdreg $0x0  }
0xae: {  	s7 =	sshll.u32 s28, $0x1;
	[dreg:$0x2] =	wrdreg s5  }
0xaf: {  	[dreg:$0x3] =	wrdreg s7  }
0xb0: {  	[dreg:$0x4] =	wrdreg $0xC0  }
0xb1: {  	_ =	task [dreg:s9], $0x5FFFF  }
0xb2: {  	[dreg:$0x1] =	wrdreg $0xFFFFFFFF  }
0xb3: {  	[dreg:$0x0] =	wrdreg $0x60  }
0xb4: {  	[dreg:$0x2] =	wrdreg s17  }
0xb5: {  	[dreg:$0x3] =	wrdreg s16  }
0xb6: {  	[dreg:$0x4] =	wrdreg s15  }
0xb7: {  	[dreg:$0x5] =	wrdreg s24  }
0xb8: {  	[dreg:$0x6] =	wrdreg $0x138800  }
0xb9: {  	[dreg:$0x7] =	wrdreg $0x0  }
0xba: {  	[dreg:$0x8] =	wrdreg $0x9  }
0xbb: {  	_ =	task.clear_ibuf [dreg:s9], $0x9FFFF;
	_ =	strace $0x90000046  }
0xbc: {  	s29 =	simm.s32 $0x9;
	_ =	strace $0x80000048  }
0xbd: {  	_ =	swait.ge [sflag:s29], $0x1  }
0xbe: {  	[sflag:s29] =	ssyncadd.s32 $0xFFFFFFFF  }
0xbf: {  	_ =	strace $0x90000048  }
0xc0: {  	_ =	sfence  }
0xc1: {  	s30 =	sld [smem:$0x0];
	_ =	sdelay $0x2  }
0xc2: {  	s31 =	sshll.u32 s1, $0xD;
	s1 =	sshrl.u32 s1, $0x2  }
0xc3: {  	s3 =	sand.u32 $0x4000, s31;
	s1 =	sadd.s32 s1, s30  }
0xc4: {  	s0 =	sor.u32 s3, s0;
	s1 =	sshll.u32 s1, $0x11  }
0xc5: {  	s0 =	sor.u32 s1, s0  }
0xc6: {  	s0 =	sadd.s32 $0x8F2B, s0  }
0xc7: {  	[sflag:s0] =	ssyncadd.remote.s32 $0x1  }
0xc8: {  	_ =	sfence.sel $0xFFFF  }
0xc9: {  	[dreg:$0x0] =	wrdreg $0xFFFFFFFF;
	(pc) =	sbr.abs _section_cstart, $3  }
0xca: {  	[dreg:$0x1] =	wrdreg $0xFFFFFFFF  }
0xcb: {  	_ =	task.clear_ibuf [dreg:s9], $0x2FFFF;
	_ =	strace $0x9FFFFFFF  }
0xcc: {  	(tm) =	ssettm $0x7FFFFFFF  }
0xcd: {  	_ =	shalt  }
tec
execute0_lowered:
.L_overlay_start_1:
0x0: {  	(tag) =	ssettag $0x1  }
0x1: {  	s0 =	rddreg [dreg:$0x0]  }
0x2: {  	s2 =	rddreg [dreg:$0x1]  }
0x3: {  	s3 =	rddreg [dreg:$0x2]  }
0x4: {  	s1 =	rddreg [dreg:$0x3]  }
0x5: {  	s4 =	srdreg.scid;
	s5 =	rddreg [dreg:$0x4]  }
0x6: {  	s15 =	stileid.u32;
	s6 =	rddreg [dreg:$0x5]  }
0x7: {  	s7 =	simm.s32 $0x0;
	s28 =	simm.s32 $0x15C08;
	s29 =	simm.s32 $0x7D  }
0x8: {  	s31 =	simm.s32 $0x1AA88;
	s30 =	simm.s32 $0x16308;
	s8 =	smul.u32 $0x13880, s15  }
0x9: {  	s4 =	sand.u32 $0x1, s4;
	s10 =	smul.u32 $0x1388, s15;
	[smem:$0x7FF] =	sst s7  }
0xa: {  	s12 =	sadd.s32 $0x1800, s1;
	s24 =	sadd.s32 $0x1400, s1;
	s25 =	sadd.s32 $0x1200, s1  }
0xb: {  	s19 =	smul.u32 $0x5000, s15;
	_ =	strace $0x80000047;
	[dreg:$0x8] =	wrdreg s12  }
0xc: {  	s14 =	sshll.u32 s15, $0x1;
	s9 =	smul.u32 $0x138800, s4;
	[dreg:$0x9] =	wrdreg s24  }
0xd: {  	s16 =	sshll.u32 s15, $0x6;
	s11 =	smul.u32 $0x13880, s4;
	[dreg:$0xa] =	wrdreg s25  }
0xe: {  	s26 =	ssub.s32 $0x2, s4;
	s14 =	sor.u32 s4, s14;
	s12 =	sor.u32 $0x1C03, s16  }
0xf: {  	s4 =	smul.u32 $0x2800, s4;
	s16 =	simm.s32 $0x16088;
	s13 =	sshrl.u32 s26, $0x1  }
0x10: {  	s14 =	smul.u32 $0x2800, s14;
	s9 =	sadd.s32 s8, s9;
	s11 =	sadd.s32 s10, s11  }
0x11: {  	s10 =	sadd.s32 s10, s5;
	s4 =	sadd.s32 s4, s19;
	s19 =	simm.s32 $0x16208  }
0x12: {  	s9 =	sshrl.u32 s9, $0x3;
	s11 =	sshrl.u32 s11, $0x3;
	[dreg:$0xb] =	wrdreg s10  }
0x13: {  	s23 =	sshrl.u32 s14, $0x3;
	s25 =	sadd.s32 $0x800, s4;
	s4 =	simm.s32 $0x1  }
0x14: {  	s9 =	sadd.s32 s9, s1;
	s1 =	sadd.s32 s11, s1;
	s11 =	ssub.s32 s26, s13  }
0x15: {  	s13 =	smul.u32 $0x4E200, s15;
	s14 =	sadd.s32 s0, s23;
	[dreg:$0x7] =	wrdreg s25  }
0x16: {  	s25 =	simm.s32 $0x16C08;
	[dreg:$0x10] =	wrdreg s14;
	s24 =	sadd.s32 $0x7000, s9  }
0x17: {  	s1 =	sadd.s32 $0x2000, s1;
	s17 =	sshrl.u32 s13, $0x2;
	[dreg:$0x12] =	wrdreg s24  }
0x18: {  	s26 =	smax.u32 s11, $0x1;
	[dreg:$0x13] =	wrdreg s1;
	s18 =	sadd.s32 s17, s6  }
0x19: {  	s13 =	sadd.s32 s8, s6;
	[dreg:$0x14] =	wrdreg s26;
	s20 =	sadd.s32 $0x3E80, s18  }
0x1a: {  	s24 =	simm.s32 $0x1E908;
	s21 =	sadd.s32 $0x7D00, s18;
	[dreg:$0xc] =	wrdreg s20  }
0x1b: {  	s1 =	simm.s32 $0x2;
	s22 =	sadd.s32 $0xBB80, s18;
	[dreg:$0xd] =	wrdreg s21  }
0x1c: {  	s26 =	simm.s32 $0x16008;
	s8 =	sadd.s32 $0xFA00, s18;
	[dreg:$0xe] =	wrdreg s22  }
0x1d: {  	s17 =	simm.s32 $0x16108;
	s18 =	simm.s32 $0x16188;
	[dreg:$0xf] =	wrdreg s8  }
0x1e: {  	s8 =	sadd.s32 s2, s23;
	s23 =	simm.s32 $0x3;
	s20 =	simm.s32 $0x16288  }
0x1f: {  	s21 =	simm.s32 $0x16388;
	[dreg:$0x11] =	wrdreg s8;
	s8 =	simm.s32 $0x0  }
.LBB2_1:
0x20: {  	s9 =	rddreg [dreg:$0xb]  }
0x21: {  	s15 =	rddreg [dreg:$0x9];
	s22 =	sshrl.u32 s9, $0x3  }
0x22: {  	[spmem:s22], [sflag:s12] =	dma.local [hbm:s15], $0x271  }
0x23: {  	_ =	swait.ge [sflag:s23], $0x271  }
0x24: {  	[sflag:s23] =	ssyncset.done $0x0  }
0x25: {  	s10 =	rddreg [dreg:$0xa];
	[sflag:s23] =	ssyncadd.s32 $0xFFFFFD8F  }
0x26: {  	[tilespmem:s24], [sflag:$0x3] =	stream.linear.gather [hbm4b:s10+s7], $0x3E8, $0x38;
	[tilespmem:$0x1ECF0] =	vst v63  }
0x27: {  	_ =	swait.ge [sflag:s23], $0x3E8  }
0x28: {  	[sflag:s23] =	ssyncset.done $0x0  }
0x29: {  	s11 =	rddreg [dreg:$0x8];
	[sflag:s23] =	ssyncadd.s32 $0xFFFFFC18  }
0x2a: {  	[tilespmem:s25], [sflag:$0x3] =	stream.linear.gather [hbm4b:s11+s7], $0x3E80, $0x38;
	[tilespmem:$0x1ECF0] =	vst v63  }
0x2b: {  	_ =	swait.ge [sflag:s23], $0x3E80  }
0x2c: {  	[sflag:s23] =	ssyncset.done $0x0  }
0x2d: {  	[sflag:s23] =	ssyncadd.s32 $0xFFFFC180  }
0x2e: {  	[spmem:s13] =	stream.linear.scatter [tilespmem:s25], [sflag:$0x3], $0x3E80, $0x38;
	[tilespmem:$0x1ECF0] =	vst v63  }
0x2f: {  	_ =	swait.ge [sflag:s23], $0x3E80  }
0x30: {  	[sflag:s23] =	ssyncset.done $0x0  }
0x31: {  	s14 =	rddreg [dreg:$0xc];
	[sflag:s23] =	ssyncadd.s32 $0xFFFFC180  }
0x32: {  	[spmem:s14] =	stream.linear.scatter [tilespmem:s25], [sflag:$0x3], $0x3E80, $0x38;
	[tilespmem:$0x1ECF0] =	vst v63  }
0x33: {  	_ =	swait.ge [sflag:s23], $0x3E80  }
0x34: {  	[sflag:s23] =	ssyncset.done $0x0  }
0x35: {  	s15 =	rddreg [dreg:$0xd];
	[sflag:s23] =	ssyncadd.s32 $0xFFFFC180  }
0x36: {  	[spmem:s15] =	stream.linear.scatter [tilespmem:s25], [sflag:$0x3], $0x3E80, $0x38;
	[tilespmem:$0x1ECF0] =	vst v63  }
0x37: {  	_ =	swait.ge [sflag:s23], $0x3E80  }
0x38: {  	[sflag:s23] =	ssyncset.done $0x0  }
0x39: {  	s10 =	rddreg [dreg:$0xe];
	[sflag:s23] =	ssyncadd.s32 $0xFFFFC180  }
0x3a: {  	[spmem:s10] =	stream.linear.scatter [tilespmem:s25], [sflag:$0x3], $0x3E80, $0x38;
	[tilespmem:$0x1ECF0] =	vst v63  }
0x3b: {  	_ =	swait.ge [sflag:s23], $0x3E80  }
0x3c: {  	[sflag:s23] =	ssyncset.done $0x0  }
0x3d: {  	s11 =	rddreg [dreg:$0xf];
	[sflag:s23] =	ssyncadd.s32 $0xFFFFC180  }
0x3e: {  	[spmem:s11] =	stream.linear.scatter [tilespmem:s25], [sflag:$0x3], $0x3E80, $0x38;
	[tilespmem:$0x1ECF0] =	vst v63  }
0x3f: {  	_ =	swait.ge [sflag:s23], $0x3E80  }
0x40: {  	[sflag:s23] =	ssyncset.done $0x0  }
0x41: {  	s10 =	simm.s32 $0x14C08;
	s14 =	rddreg [dreg:$0x10];
	[sflag:s23] =	ssyncadd.s32 $0xFFFFC180  }
0x42: {  	[tilespmem:s10], [sflag:$0x3] =	stream.linear.gather [hbm4b:s14+s7], $0x800, $0x38;
	[tilespmem:$0x1ECF0] =	vst v63  }
0x43: {  	_ =	swait.ge [sflag:s23], $0x800  }
0x44: {  	[sflag:s23] =	ssyncset.done $0x0  }
0x45: {  	s15 =	rddreg [dreg:$0x11];
	[sflag:s23] =	ssyncadd.s32 $0xFFFFF800  }
0x46: {  	[tilespmem:s28], [sflag:$0x3] =	stream.linear.gather [hbm4b:s15+s7], $0x800, $0x38;
	[tilespmem:$0x1ECF0] =	vst v63  }
0x47: {  	_ =	swait.ge [sflag:s23], $0x800  }
0x48: {  	[sflag:s23] =	ssyncset.done $0x0  }
0x49: {  	[sflag:s23] =	ssyncadd.s32 $0xFFFFF800  }
0x4a: {  	[tilespmem:s25], [sflag:$0x1] =	stream.indirect.gather [hbm4b:s3+s29], $0x80, s10, s29, $0xb8;
	[tilespmem:$0x1ECF0] =	vst v63  }
0x4b: {  	s10 =	simm.s32 $0x14C88  }
0x4c: {  	[tilespmem:s31], [sflag:$0x2] =	stream.indirect.gather [hbm4b:s3+s29], $0x80, s10, s29, $0xb8;
	[tilespmem:$0x1ECF0] =	vst v63  }
0x4d: {  	[bflag:$0x0] =	sbarrier.arrive $0xFFFF  }
0x4e: {  	s11 =	rddreg [dreg:$0x7]  }
0x4f: {  	s14 =	sadd.s32 $0x0, s11  }
0x50: {  	s9 =	sand.u32 $0x800, s7;
	s11 =	sshrl.u32 s14, $0x3  }
0x51: {  	s10 =	ssub.s32 $0x15408, s9;
	s14 =	sadd.s32 s0, s11  }
0x52: {  	[tilespmem:s10], [sflag:$0x3] =	stream.linear.gather [hbm4b:s14+s7], $0x800, $0x38;
	[tilespmem:$0x1ECF0] =	vst v63  }
0x53: {  	_ =	swait.ge [sflag:s23], $0x800  }
0x54: {  	[sflag:s23] =	ssyncset.done $0x0  }
0x55: {  	s15 =	ssub.s32 $0x16408, s9;
	s11 =	sadd.s32 s2, s11;
	[sflag:s23] =	ssyncadd.s32 $0xFFFFF800  }
0x56: {  	[tilespmem:s15], [sflag:$0x3] =	stream.linear.gather [hbm4b:s11+s7], $0x800, $0x38;
	[tilespmem:$0x1ECF0] =	vst v63  }
0x57: {  	_ =	swait.ge [sflag:s23], $0x800  }
0x58: {  	[sflag:s23] =	ssyncset.done $0x0  }
0x59: {  	[sflag:s23] =	ssyncadd.s32 $0xFFFFF800  }
0x5a: {  	_ =	swait.ge [sflag:s4], $0x3E80  }
0x5b: {  	[sflag:s4] =	ssyncset.done $0x0  }
0x5c: {  	s14 =	sadd.s32 $0x15C08, s9;
	[sflag:s4] =	ssyncadd.s32 $0xFFFFC180  }
0x5d: {  	[spmem:s6] =	stream.indirect.scatter.add.f32 [tilespmem:s25], [sflag:$0x3], $0x80, s14, s29, $0xb8;
	[tilespmem:$0x1ECF0] =	vst v63  }
0x5e: {  	_ =	swait.ge [sflag:s23], $0x3E80  }
0x5f: {  	[sflag:s23] =	ssyncset.done $0x0  }
0x60: {  	[sflag:s23] =	ssyncadd.s32 $0xFFFFC180  }
0x61: {  	[spmem:s5] =	stream.indirect.scatter.add.f32 [tilespmem:s24], [sflag:$0x3], $0x8, s14, s29, $0xb8;
	[tilespmem:$0x1ECF0] =	vst v63  }
0x62: {  	_ =	swait.ge [sflag:s23], $0x3E8  }
0x63: {  	[sflag:s23] =	ssyncset.done $0x0  }
0x64: {  	s15 =	sadd.s32 $0x14D08, s9;
	[sflag:s23] =	ssyncadd.s32 $0xFFFFFC18  }
0x65: {  	[tilespmem:s25], [sflag:$0x1] =	stream.indirect.gather [hbm4b:s3+s29], $0x80, s15, s29, $0xb8;
	[tilespmem:$0x1ECF0] =	vst v63  }
0x66: {  	_ =	swait.ge [sflag:s1], $0x3E80  }
0x67: {  	[sflag:s1] =	ssyncset.done $0x0  }
0x68: {  	s14 =	sadd.s32 $0x15C88, s9;
	[sflag:s1] =	ssyncadd.s32 $0xFFFFC180  }
0x69: {  	[spmem:s6] =	stream.indirect.scatter.add.f32 [tilespmem:s31], [sflag:$0x3], $0x80, s14, s29, $0xb8;
	[tilespmem:$0x1ECF0] =	vst v63  }
0x6a: {  	_ =	swait.ge [sflag:s23], $0x3E80  }
0x6b: {  	[sflag:s23] =	ssyncset.done $0x0  }
0x6c: {  	[sflag:s23] =	ssyncadd.s32 $0xFFFFC180  }
0x6d: {  	[spmem:s5] =	stream.indirect.scatter.add.f32 [tilespmem:s24], [sflag:$0x3], $0x8, s14, s29, $0xb8;
	[tilespmem:$0x1ECF0] =	vst v63  }
0x6e: {  	_ =	swait.ge [sflag:s23], $0x3E8  }
0x6f: {  	[sflag:s23] =	ssyncset.done $0x0  }
0x70: {  	s15 =	sadd.s32 $0x14D88, s9;
	[sflag:s23] =	ssyncadd.s32 $0xFFFFFC18  }
0x71: {  	[tilespmem:s31], [sflag:$0x2] =	stream.indirect.gather [hbm4b:s3+s29], $0x80, s15, s29, $0xb8;
	[tilespmem:$0x1ECF0] =	vst v63  }
0x72: {  	_ =	swait.ge [sflag:s4], $0x3E80  }
0x73: {  	[sflag:s4] =	ssyncset.done $0x0  }
0x74: {  	s14 =	sadd.s32 $0x15D08, s9;
	[sflag:s4] =	ssyncadd.s32 $0xFFFFC180  }
0x75: {  	[spmem:s6] =	stream.indirect.scatter.add.f32 [tilespmem:s25], [sflag:$0x3], $0x80, s14, s29, $0xb8;
	[tilespmem:$0x1ECF0] =	vst v63  }
0x76: {  	_ =	swait.ge [sflag:s23], $0x3E80  }
0x77: {  	[sflag:s23] =	ssyncset.done $0x0  }
0x78: {  	[sflag:s23] =	ssyncadd.s32 $0xFFFFC180  }
0x79: {  	[spmem:s5] =	stream.indirect.scatter.add.f32 [tilespmem:s24], [sflag:$0x3], $0x8, s14, s29, $0xb8;
	[tilespmem:$0x1ECF0] =	vst v63  }
0x7a: {  	_ =	swait.ge [sflag:s23], $0x3E8  }
0x7b: {  	[sflag:s23] =	ssyncset.done $0x0  }
0x7c: {  	s15 =	sadd.s32 $0x14E08, s9;
	[sflag:s23] =	ssyncadd.s32 $0xFFFFFC18  }
0x7d: {  	[tilespmem:s25], [sflag:$0x1] =	stream.indirect.gather [hbm4b:s3+s29], $0x80, s15, s29, $0xb8;
	[tilespmem:$0x1ECF0] =	vst v63  }
0x7e: {  	_ =	swait.ge [sflag:s1], $0x3E80  }
0x7f: {  	[sflag:s1] =	ssyncset.done $0x0  }
0x80: {  	s14 =	sadd.s32 $0x15D88, s9;
	[sflag:s1] =	ssyncadd.s32 $0xFFFFC180  }
0x81: {  	[spmem:s6] =	stream.indirect.scatter.add.f32 [tilespmem:s31], [sflag:$0x3], $0x80, s14, s29, $0xb8;
	[tilespmem:$0x1ECF0] =	vst v63  }
0x82: {  	_ =	swait.ge [sflag:s23], $0x3E80  }
0x83: {  	[sflag:s23] =	ssyncset.done $0x0  }
0x84: {  	[sflag:s23] =	ssyncadd.s32 $0xFFFFC180  }
0x85: {  	[spmem:s5] =	stream.indirect.scatter.add.f32 [tilespmem:s24], [sflag:$0x3], $0x8, s14, s29, $0xb8;
	[tilespmem:$0x1ECF0] =	vst v63  }
0x86: {  	_ =	swait.ge [sflag:s23], $0x3E8  }
0x87: {  	[sflag:s23] =	ssyncset.done $0x0  }
0x88: {  	s15 =	sadd.s32 $0x14E88, s9;
	[sflag:s23] =	ssyncadd.s32 $0xFFFFFC18  }
0x89: {  	[tilespmem:s31], [sflag:$0x2] =	stream.indirect.gather [hbm4b:s3+s29], $0x80, s15, s29, $0xb8;
	[tilespmem:$0x1ECF0] =	vst v63  }
0x8a: {  	_ =	swait.ge [sflag:s4], $0x3E80  }
0x8b: {  	[sflag:s4] =	ssyncset.done $0x0  }
0x8c: {  	s14 =	sadd.s32 $0x15E08, s9;
	[sflag:s4] =	ssyncadd.s32 $0xFFFFC180  }
0x8d: {  	[spmem:s6] =	stream.indirect.scatter.add.f32 [tilespmem:s25], [sflag:$0x3], $0x80, s14, s29, $0xb8;
	[tilespmem:$0x1ECF0] =	vst v63  }
0x8e: {  	_ =	swait.ge [sflag:s23], $0x3E80  }
0x8f: {  	[sflag:s23] =	ssyncset.done $0x0  }
0x90: {  	[sflag:s23] =	ssyncadd.s32 $0xFFFFC180  }
0x91: {  	[spmem:s5] =	stream.indirect.scatter.add.f32 [tilespmem:s24], [sflag:$0x3], $0x8, s14, s29, $0xb8;
	[tilespmem:$0x1ECF0] =	vst v63  }
0x92: {  	_ =	swait.ge [sflag:s23], $0x3E8  }
0x93: {  	[sflag:s23] =	ssyncset.done $0x0  }
0x94: {  	s15 =	sadd.s32 $0x14F08, s9;
	[sflag:s23] =	ssyncadd.s32 $0xFFFFFC18  }
0x95: {  	[tilespmem:s25], [sflag:$0x1] =	stream.indirect.gather [hbm4b:s3+s29], $0x80, s15, s29, $0xb8;
	[tilespmem:$0x1ECF0] =	vst v63  }
0x96: {  	_ =	swait.ge [sflag:s1], $0x3E80  }
0x97: {  	[sflag:s1] =	ssyncset.done $0x0  }
0x98: {  	s14 =	sadd.s32 $0x15E88, s9;
	[sflag:s1] =	ssyncadd.s32 $0xFFFFC180  }
0x99: {  	[spmem:s6] =	stream.indirect.scatter.add.f32 [tilespmem:s31], [sflag:$0x3], $0x80, s14, s29, $0xb8;
	[tilespmem:$0x1ECF0] =	vst v63  }
0x9a: {  	_ =	swait.ge [sflag:s23], $0x3E80  }
0x9b: {  	[sflag:s23] =	ssyncset.done $0x0  }
0x9c: {  	[sflag:s23] =	ssyncadd.s32 $0xFFFFC180  }
0x9d: {  	[spmem:s5] =	stream.indirect.scatter.add.f32 [tilespmem:s24], [sflag:$0x3], $0x8, s14, s29, $0xb8;
	[tilespmem:$0x1ECF0] =	vst v63  }
0x9e: {  	_ =	swait.ge [sflag:s23], $0x3E8  }
0x9f: {  	[sflag:s23] =	ssyncset.done $0x0  }
0xa0: {  	s15 =	sadd.s32 $0x14F88, s9;
	[sflag:s23] =	ssyncadd.s32 $0xFFFFFC18  }
0xa1: {  	[tilespmem:s31], [sflag:$0x2] =	stream.indirect.gather [hbm4b:s3+s29], $0x80, s15, s29, $0xb8;
	[tilespmem:$0x1ECF0] =	vst v63  }
0xa2: {  	_ =	swait.ge [sflag:s4], $0x3E80  }
0xa3: {  	[sflag:s4] =	ssyncset.done $0x0  }
0xa4: {  	s14 =	sadd.s32 $0x15F08, s9;
	[sflag:s4] =	ssyncadd.s32 $0xFFFFC180  }
0xa5: {  	[spmem:s6] =	stream.indirect.scatter.add.f32 [tilespmem:s25], [sflag:$0x3], $0x80, s14, s29, $0xb8;
	[tilespmem:$0x1ECF0] =	vst v63  }
0xa6: {  	_ =	swait.ge [sflag:s23], $0x3E80  }
0xa7: {  	[sflag:s23] =	ssyncset.done $0x0  }
0xa8: {  	[sflag:s23] =	ssyncadd.s32 $0xFFFFC180  }
0xa9: {  	[spmem:s5] =	stream.indirect.scatter.add.f32 [tilespmem:s24], [sflag:$0x3], $0x8, s14, s29, $0xb8;
	[tilespmem:$0x1ECF0] =	vst v63  }
0xaa: {  	_ =	swait.ge [sflag:s23], $0x3E8  }
0xab: {  	[sflag:s23] =	ssyncset.done $0x0  }
0xac: {  	s15 =	sor.u32 $0x15008, s9;
	[sflag:s23] =	ssyncadd.s32 $0xFFFFFC18  }
0xad: {  	[tilespmem:s25], [sflag:$0x1] =	stream.indirect.gather [hbm4b:s3+s29], $0x80, s15, s29, $0xb8;
	[tilespmem:$0x1ECF0] =	vst v63  }
0xae: {  	_ =	swait.ge [sflag:s1], $0x3E80  }
0xaf: {  	[sflag:s1] =	ssyncset.done $0x0  }
0xb0: {  	s14 =	sadd.s32 $0x15F88, s9;
	[sflag:s1] =	ssyncadd.s32 $0xFFFFC180  }
0xb1: {  	[spmem:s6] =	stream.indirect.scatter.add.f32 [tilespmem:s31], [sflag:$0x3], $0x80, s14, s29, $0xb8;
	[tilespmem:$0x1ECF0] =	vst v63  }
0xb2: {  	_ =	swait.ge [sflag:s23], $0x3E80  }
0xb3: {  	[sflag:s23] =	ssyncset.done $0x0  }
0xb4: {  	[sflag:s23] =	ssyncadd.s32 $0xFFFFC180  }
0xb5: {  	[spmem:s5] =	stream.indirect.scatter.add.f32 [tilespmem:s24], [sflag:$0x3], $0x8, s14, s29, $0xb8;
	[tilespmem:$0x1ECF0] =	vst v63  }
0xb6: {  	_ =	swait.ge [sflag:s23], $0x3E8  }
0xb7: {  	[sflag:s23] =	ssyncset.done $0x0  }
0xb8: {  	s15 =	sor.u32 $0x15088, s9;
	[sflag:s23] =	ssyncadd.s32 $0xFFFFFC18  }
0xb9: {  	[tilespmem:s31], [sflag:$0x2] =	stream.indirect.gather [hbm4b:s3+s29], $0x80, s15, s29, $0xb8;
	[tilespmem:$0x1ECF0] =	vst v63  }
0xba: {  	_ =	swait.ge [sflag:s4], $0x3E80  }
0xbb: {  	[sflag:s4] =	ssyncset.done $0x0  }
0xbc: {  	s14 =	sor.u32 $0x16008, s9;
	[sflag:s4] =	ssyncadd.s32 $0xFFFFC180  }
0xbd: {  	[spmem:s6] =	stream.indirect.scatter.add.f32 [tilespmem:s25], [sflag:$0x3], $0x80, s14, s29, $0xb8;
	[tilespmem:$0x1ECF0] =	vst v63  }
0xbe: {  	_ =	swait.ge [sflag:s23], $0x3E80  }
0xbf: {  	[sflag:s23] =	ssyncset.done $0x0  }
0xc0: {  	[sflag:s23] =	ssyncadd.s32 $0xFFFFC180  }
0xc1: {  	[spmem:s5] =	stream.indirect.scatter.add.f32 [tilespmem:s24], [sflag:$0x3], $0x8, s14, s29, $0xb8;
	[tilespmem:$0x1ECF0] =	vst v63  }
0xc2: {  	_ =	swait.ge [sflag:s23], $0x3E8  }
0xc3: {  	[sflag:s23] =	ssyncset.done $0x0  }
0xc4: {  	s15 =	sor.u32 $0x15108, s9;
	[sflag:s23] =	ssyncadd.s32 $0xFFFFFC18  }
0xc5: {  	[tilespmem:s25], [sflag:$0x1] =	stream.indirect.gather [hbm4b:s3+s29], $0x80, s15, s29, $0xb8;
	[tilespmem:$0x1ECF0] =	vst v63  }
0xc6: {  	_ =	swait.ge [sflag:s1], $0x3E80  }
0xc7: {  	[sflag:s1] =	ssyncset.done $0x0  }
0xc8: {  	s14 =	sor.u32 $0x16088, s9;
	[sflag:s1] =	ssyncadd.s32 $0xFFFFC180  }
0xc9: {  	[spmem:s6] =	stream.indirect.scatter.add.f32 [tilespmem:s31], [sflag:$0x3], $0x80, s14, s29, $0xb8;
	[tilespmem:$0x1ECF0] =	vst v63  }
0xca: {  	_ =	swait.ge [sflag:s23], $0x3E80  }
0xcb: {  	[sflag:s23] =	ssyncset.done $0x0  }
0xcc: {  	[sflag:s23] =	ssyncadd.s32 $0xFFFFC180  }
0xcd: {  	[spmem:s5] =	stream.indirect.scatter.add.f32 [tilespmem:s24], [sflag:$0x3], $0x8, s14, s29, $0xb8;
	[tilespmem:$0x1ECF0] =	vst v63  }
0xce: {  	_ =	swait.ge [sflag:s23], $0x3E8  }
0xcf: {  	[sflag:s23] =	ssyncset.done $0x0  }
0xd0: {  	s15 =	sor.u32 $0x15188, s9;
	[sflag:s23] =	ssyncadd.s32 $0xFFFFFC18  }
0xd1: {  	[tilespmem:s31], [sflag:$0x2] =	stream.indirect.gather [hbm4b:s3+s29], $0x80, s15, s29, $0xb8;
	[tilespmem:$0x1ECF0] =	vst v63  }
0xd2: {  	_ =	swait.ge [sflag:s4], $0x3E80  }
0xd3: {  	[sflag:s4] =	ssyncset.done $0x0  }
0xd4: {  	s14 =	sor.u32 $0x16108, s9;
	[sflag:s4] =	ssyncadd.s32 $0xFFFFC180  }
0xd5: {  	[spmem:s6] =	stream.indirect.scatter.add.f32 [tilespmem:s25], [sflag:$0x3], $0x80, s14, s29, $0xb8;
	[tilespmem:$0x1ECF0] =	vst v63  }
0xd6: {  	_ =	swait.ge [sflag:s23], $0x3E80  }
0xd7: {  	[sflag:s23] =	ssyncset.done $0x0  }
0xd8: {  	[sflag:s23] =	ssyncadd.s32 $0xFFFFC180  }
0xd9: {  	[spmem:s5] =	stream.indirect.scatter.add.f32 [tilespmem:s24], [sflag:$0x3], $0x8, s14, s29, $0xb8;
	[tilespmem:$0x1ECF0] =	vst v63  }
0xda: {  	_ =	swait.ge [sflag:s23], $0x3E8  }
0xdb: {  	[sflag:s23] =	ssyncset.done $0x0  }
0xdc: {  	s15 =	sor.u32 $0x15208, s9;
	[sflag:s23] =	ssyncadd.s32 $0xFFFFFC18  }
0xdd: {  	[tilespmem:s25], [sflag:$0x1] =	stream.indirect.gather [hbm4b:s3+s29], $0x80, s15, s29, $0xb8;
	[tilespmem:$0x1ECF0] =	vst v63  }
0xde: {  	_ =	swait.ge [sflag:s1], $0x3E80  }
0xdf: {  	[sflag:s1] =	ssyncset.done $0x0  }
0xe0: {  	s14 =	sor.u32 $0x16188, s9;
	[sflag:s1] =	ssyncadd.s32 $0xFFFFC180  }
0xe1: {  	[spmem:s6] =	stream.indirect.scatter.add.f32 [tilespmem:s31], [sflag:$0x3], $0x80, s14, s29, $0xb8;
	[tilespmem:$0x1ECF0] =	vst v63  }
0xe2: {  	_ =	swait.ge [sflag:s23], $0x3E80  }
0xe3: {  	[sflag:s23] =	ssyncset.done $0x0  }
0xe4: {  	[sflag:s23] =	ssyncadd.s32 $0xFFFFC180  }
0xe5: {  	[spmem:s5] =	stream.indirect.scatter.add.f32 [tilespmem:s24], [sflag:$0x3], $0x8, s14, s29, $0xb8;
	[tilespmem:$0x1ECF0] =	vst v63  }
0xe6: {  	_ =	swait.ge [sflag:s23], $0x3E8  }
0xe7: {  	[sflag:s23] =	ssyncset.done $0x0  }
0xe8: {  	s15 =	sor.u32 $0x15288, s9;
	[sflag:s23] =	ssyncadd.s32 $0xFFFFFC18  }
0xe9: {  	[tilespmem:s31], [sflag:$0x2] =	stream.indirect.gather [hbm4b:s3+s29], $0x80, s15, s29, $0xb8;
	[tilespmem:$0x1ECF0] =	vst v63  }
0xea: {  	_ =	swait.ge [sflag:s4], $0x3E80  }
0xeb: {  	[sflag:s4] =	ssyncset.done $0x0  }
0xec: {  	s14 =	sor.u32 $0x16208, s9;
	[sflag:s4] =	ssyncadd.s32 $0xFFFFC180  }
0xed: {  	[spmem:s6] =	stream.indirect.scatter.add.f32 [tilespmem:s25], [sflag:$0x3], $0x80, s14, s29, $0xb8;
	[tilespmem:$0x1ECF0] =	vst v63  }
0xee: {  	_ =	swait.ge [sflag:s23], $0x3E80  }
0xef: {  	[sflag:s23] =	ssyncset.done $0x0  }
0xf0: {  	[sflag:s23] =	ssyncadd.s32 $0xFFFFC180  }
0xf1: {  	[spmem:s5] =	stream.indirect.scatter.add.f32 [tilespmem:s24], [sflag:$0x3], $0x8, s14, s29, $0xb8;
	[tilespmem:$0x1ECF0] =	vst v63  }
0xf2: {  	_ =	swait.ge [sflag:s23], $0x3E8  }
0xf3: {  	[sflag:s23] =	ssyncset.done $0x0  }
0xf4: {  	s15 =	sor.u32 $0x15308, s9;
	[sflag:s23] =	ssyncadd.s32 $0xFFFFFC18  }
0xf5: {  	[tilespmem:s25], [sflag:$0x1] =	stream.indirect.gather [hbm4b:s3+s29], $0x80, s15, s29, $0xb8;
	[tilespmem:$0x1ECF0] =	vst v63  }
0xf6: {  	_ =	swait.ge [sflag:s1], $0x3E80  }
0xf7: {  	[sflag:s1] =	ssyncset.done $0x0  }
0xf8: {  	s14 =	sor.u32 $0x16288, s9;
	[sflag:s1] =	ssyncadd.s32 $0xFFFFC180  }
0xf9: {  	[spmem:s6] =	stream.indirect.scatter.add.f32 [tilespmem:s31], [sflag:$0x3], $0x80, s14, s29, $0xb8;
	[tilespmem:$0x1ECF0] =	vst v63  }
0xfa: {  	_ =	swait.ge [sflag:s23], $0x3E80  }
0xfb: {  	[sflag:s23] =	ssyncset.done $0x0  }
0xfc: {  	[sflag:s23] =	ssyncadd.s32 $0xFFFFC180  }
0xfd: {  	[spmem:s5] =	stream.indirect.scatter.add.f32 [tilespmem:s24], [sflag:$0x3], $0x8, s14, s29, $0xb8;
	[tilespmem:$0x1ECF0] =	vst v63  }
0xfe: {  	_ =	swait.ge [sflag:s23], $0x3E8  }
0xff: {  	[sflag:s23] =	ssyncset.done $0x0  }
0x100: {  	s15 =	sor.u32 $0x15388, s9;
	[sflag:s23] =	ssyncadd.s32 $0xFFFFFC18  }
0x101: {  	[tilespmem:s31], [sflag:$0x2] =	stream.indirect.gather [hbm4b:s3+s29], $0x80, s15, s29, $0xb8;
	[tilespmem:$0x1ECF0] =	vst v63  }
0x102: {  	_ =	swait.ge [sflag:s4], $0x3E80  }
0x103: {  	[sflag:s4] =	ssyncset.done $0x0  }
0x104: {  	s14 =	sor.u32 $0x16308, s9;
	[sflag:s4] =	ssyncadd.s32 $0xFFFFC180  }
0x105: {  	[spmem:s6] =	stream.indirect.scatter.add.f32 [tilespmem:s25], [sflag:$0x3], $0x80, s14, s29, $0xb8;
	[tilespmem:$0x1ECF0] =	vst v63  }
0x106: {  	_ =	swait.ge [sflag:s23], $0x3E80  }
0x107: {  	[sflag:s23] =	ssyncset.done $0x0  }
0x108: {  	[sflag:s23] =	ssyncadd.s32 $0xFFFFC180  }
0x109: {  	[spmem:s5] =	stream.indirect.scatter.add.f32 [tilespmem:s24], [sflag:$0x3], $0x8, s14, s29, $0xb8;
	[tilespmem:$0x1ECF0] =	vst v63  }
0x10a: {  	_ =	swait.ge [sflag:s23], $0x3E8  }
0x10b: {  	[sflag:s23] =	ssyncset.done $0x0  }
0x10c: {  	[sflag:s23] =	ssyncadd.s32 $0xFFFFFC18  }
0x10d: {  	[tilespmem:s25], [sflag:$0x1] =	stream.indirect.gather [hbm4b:s3+s29], $0x80, s10, s29, $0xb8;
	[tilespmem:$0x1ECF0] =	vst v63  }
0x10e: {  	_ =	swait.ge [sflag:s1], $0x3E80  }
0x10f: {  	[sflag:s1] =	ssyncset.done $0x0  }
0x110: {  	s15 =	sor.u32 $0x16388, s9;
	[sflag:s1] =	ssyncadd.s32 $0xFFFFC180  }
0x111: {  	[spmem:s6] =	stream.indirect.scatter.add.f32 [tilespmem:s31], [sflag:$0x3], $0x80, s15, s29, $0xb8;
	[tilespmem:$0x1ECF0] =	vst v63  }
0x112: {  	_ =	swait.ge [sflag:s23], $0x3E80  }
0x113: {  	[sflag:s23] =	ssyncset.done $0x0  }
0x114: {  	[sflag:s23] =	ssyncadd.s32 $0xFFFFC180  }
0x115: {  	[spmem:s5] =	stream.indirect.scatter.add.f32 [tilespmem:s24], [sflag:$0x3], $0x8, s15, s29, $0xb8;
	[tilespmem:$0x1ECF0] =	vst v63  }
0x116: {  	s10 =	simm.s32 $0x800;
	_ =	swait.ge [sflag:s23], $0x3E8  }
.LBB2_2:
0x117: {  	s11 =	rddreg [dreg:$0x7];
	s14 =	smov.u32 s10  }
0x118: {  	[sflag:s23] =	ssyncset.done $0x0;
	s15 =	ssub.s32 $0x15488, s9;
	s11 =	sadd.s32 s14, s11  }
0x119: {  	[sflag:s23] =	ssyncadd.s32 $0xFFFFFC18;
	s9 =	sand.u32 $0x800, s14;
	s14 =	sshrl.u32 s11, $0x3  }
0x11a: {  	[tilespmem:s31], [sflag:$0x2] =	stream.indirect.gather [hbm4b:s3+s29], $0x80, s15, s29, $0xb8;
	[tilespmem:$0x1ECF0] =	vst v63  }
0x11b: {  	s11 =	ssub.s32 $0x15408, s9;
	s15 =	sadd.s32 s0, s14  }
0x11c: {  	[tilespmem:s11], [sflag:$0x3] =	stream.linear.gather [hbm4b:s15+s7], $0x800, $0x38;
	[tilespmem:$0x1ECF0] =	vst v63  }
0x11d: {  	_ =	swait.ge [sflag:s23], $0x800  }
0x11e: {  	[sflag:s23] =	ssyncset.done $0x0  }
0x11f: {  	s14 =	sadd.s32 s2, s14;
	s15 =	ssub.s32 $0x16408, s9;
	[sflag:s23] =	ssyncadd.s32 $0xFFFFF800  }
0x120: {  	[tilespmem:s15], [sflag:$0x3] =	stream.linear.gather [hbm4b:s14+s7], $0x800, $0x38;
	[tilespmem:$0x1ECF0] =	vst v63  }
0x121: {  	_ =	swait.ge [sflag:s23], $0x800  }
0x122: {  	[sflag:s23] =	ssyncset.done $0x0  }
0x123: {  	[sflag:s23] =	ssyncadd.s32 $0xFFFFF800  }
0x124: {  	_ =	swait.ge [sflag:s4], $0x3E80  }
0x125: {  	[sflag:s4] =	ssyncset.done $0x0  }
0x126: {  	s15 =	sadd.s32 $0x15C08, s9;
	[sflag:s4] =	ssyncadd.s32 $0xFFFFC180  }
0x127: {  	[spmem:s6] =	stream.indirect.scatter.add.f32 [tilespmem:s25], [sflag:$0x3], $0x80, s15, s29, $0xb8;
	[tilespmem:$0x1ECF0] =	vst v63  }
0x128: {  	_ =	swait.ge [sflag:s23], $0x3E80  }
0x129: {  	[sflag:s23] =	ssyncset.done $0x0  }
0x12a: {  	[sflag:s23] =	ssyncadd.s32 $0xFFFFC180  }
0x12b: {  	[spmem:s5] =	stream.indirect.scatter.add.f32 [tilespmem:s24], [sflag:$0x3], $0x8, s15, s29, $0xb8;
	[tilespmem:$0x1ECF0] =	vst v63  }
0x12c: {  	_ =	swait.ge [sflag:s23], $0x3E8  }
0x12d: {  	[sflag:s23] =	ssyncset.done $0x0  }
0x12e: {  	s15 =	sadd.s32 $0x14D08, s9;
	[sflag:s23] =	ssyncadd.s32 $0xFFFFFC18  }
0x12f: {  	[tilespmem:s25], [sflag:$0x1] =	stream.indirect.gather [hbm4b:s3+s29], $0x80, s15, s29, $0xb8;
	[tilespmem:$0x1ECF0] =	vst v63  }
0x130: {  	_ =	swait.ge [sflag:s1], $0x3E80  }
0x131: {  	[sflag:s1] =	ssyncset.done $0x0  }
0x132: {  	s15 =	sadd.s32 $0x15C88, s9;
	[sflag:s1] =	ssyncadd.s32 $0xFFFFC180  }
0x133: {  	[spmem:s6] =	stream.indirect.scatter.add.f32 [tilespmem:s31], [sflag:$0x3], $0x80, s15, s29, $0xb8;
	[tilespmem:$0x1ECF0] =	vst v63  }
0x134: {  	_ =	swait.ge [sflag:s23], $0x3E80  }
0x135: {  	[sflag:s23] =	ssyncset.done $0x0  }
0x136: {  	[sflag:s23] =	ssyncadd.s32 $0xFFFFC180  }
0x137: {  	[spmem:s5] =	stream.indirect.scatter.add.f32 [tilespmem:s24], [sflag:$0x3], $0x8, s15, s29, $0xb8;
	[tilespmem:$0x1ECF0] =	vst v63  }
0x138: {  	_ =	swait.ge [sflag:s23], $0x3E8  }
0x139: {  	[sflag:s23] =	ssyncset.done $0x0  }
0x13a: {  	s15 =	sadd.s32 $0x14D88, s9;
	[sflag:s23] =	ssyncadd.s32 $0xFFFFFC18  }
0x13b: {  	[tilespmem:s31], [sflag:$0x2] =	stream.indirect.gather [hbm4b:s3+s29], $0x80, s15, s29, $0xb8;
	[tilespmem:$0x1ECF0] =	vst v63  }
0x13c: {  	_ =	swait.ge [sflag:s4], $0x3E80  }
0x13d: {  	[sflag:s4] =	ssyncset.done $0x0  }
0x13e: {  	s15 =	sadd.s32 $0x15D08, s9;
	[sflag:s4] =	ssyncadd.s32 $0xFFFFC180  }
0x13f: {  	[spmem:s6] =	stream.indirect.scatter.add.f32 [tilespmem:s25], [sflag:$0x3], $0x80, s15, s29, $0xb8;
	[tilespmem:$0x1ECF0] =	vst v63  }
0x140: {  	_ =	swait.ge [sflag:s23], $0x3E80  }
0x141: {  	[sflag:s23] =	ssyncset.done $0x0  }
0x142: {  	[sflag:s23] =	ssyncadd.s32 $0xFFFFC180  }
0x143: {  	[spmem:s5] =	stream.indirect.scatter.add.f32 [tilespmem:s24], [sflag:$0x3], $0x8, s15, s29, $0xb8;
	[tilespmem:$0x1ECF0] =	vst v63  }
0x144: {  	_ =	swait.ge [sflag:s23], $0x3E8  }
0x145: {  	[sflag:s23] =	ssyncset.done $0x0  }
0x146: {  	s15 =	sadd.s32 $0x14E08, s9;
	[sflag:s23] =	ssyncadd.s32 $0xFFFFFC18  }
0x147: {  	[tilespmem:s25], [sflag:$0x1] =	stream.indirect.gather [hbm4b:s3+s29], $0x80, s15, s29, $0xb8;
	[tilespmem:$0x1ECF0] =	vst v63  }
0x148: {  	_ =	swait.ge [sflag:s1], $0x3E80  }
0x149: {  	[sflag:s1] =	ssyncset.done $0x0  }
0x14a: {  	s15 =	sadd.s32 $0x15D88, s9;
	[sflag:s1] =	ssyncadd.s32 $0xFFFFC180  }
0x14b: {  	[spmem:s6] =	stream.indirect.scatter.add.f32 [tilespmem:s31], [sflag:$0x3], $0x80, s15, s29, $0xb8;
	[tilespmem:$0x1ECF0] =	vst v63  }
0x14c: {  	_ =	swait.ge [sflag:s23], $0x3E80  }
0x14d: {  	[sflag:s23] =	ssyncset.done $0x0  }
0x14e: {  	[sflag:s23] =	ssyncadd.s32 $0xFFFFC180  }
0x14f: {  	[spmem:s5] =	stream.indirect.scatter.add.f32 [tilespmem:s24], [sflag:$0x3], $0x8, s15, s29, $0xb8;
	[tilespmem:$0x1ECF0] =	vst v63  }
0x150: {  	_ =	swait.ge [sflag:s23], $0x3E8  }
0x151: {  	[sflag:s23] =	ssyncset.done $0x0  }
0x152: {  	s15 =	sadd.s32 $0x14E88, s9;
	[sflag:s23] =	ssyncadd.s32 $0xFFFFFC18  }
0x153: {  	[tilespmem:s31], [sflag:$0x2] =	stream.indirect.gather [hbm4b:s3+s29], $0x80, s15, s29, $0xb8;
	[tilespmem:$0x1ECF0] =	vst v63  }
0x154: {  	_ =	swait.ge [sflag:s4], $0x3E80  }
0x155: {  	[sflag:s4] =	ssyncset.done $0x0  }
0x156: {  	s15 =	sadd.s32 $0x15E08, s9;
	[sflag:s4] =	ssyncadd.s32 $0xFFFFC180  }
0x157: {  	[spmem:s6] =	stream.indirect.scatter.add.f32 [tilespmem:s25], [sflag:$0x3], $0x80, s15, s29, $0xb8;
	[tilespmem:$0x1ECF0] =	vst v63  }
0x158: {  	_ =	swait.ge [sflag:s23], $0x3E80  }
0x159: {  	[sflag:s23] =	ssyncset.done $0x0  }
0x15a: {  	[sflag:s23] =	ssyncadd.s32 $0xFFFFC180  }
0x15b: {  	[spmem:s5] =	stream.indirect.scatter.add.f32 [tilespmem:s24], [sflag:$0x3], $0x8, s15, s29, $0xb8;
	[tilespmem:$0x1ECF0] =	vst v63  }
0x15c: {  	_ =	swait.ge [sflag:s23], $0x3E8  }
0x15d: {  	[sflag:s23] =	ssyncset.done $0x0  }
0x15e: {  	s15 =	sadd.s32 $0x14F08, s9;
	[sflag:s23] =	ssyncadd.s32 $0xFFFFFC18  }
0x15f: {  	[tilespmem:s25], [sflag:$0x1] =	stream.indirect.gather [hbm4b:s3+s29], $0x80, s15, s29, $0xb8;
	[tilespmem:$0x1ECF0] =	vst v63  }
0x160: {  	_ =	swait.ge [sflag:s1], $0x3E80  }
0x161: {  	[sflag:s1] =	ssyncset.done $0x0  }
0x162: {  	s15 =	sadd.s32 $0x15E88, s9;
	[sflag:s1] =	ssyncadd.s32 $0xFFFFC180  }
0x163: {  	[spmem:s6] =	stream.indirect.scatter.add.f32 [tilespmem:s31], [sflag:$0x3], $0x80, s15, s29, $0xb8;
	[tilespmem:$0x1ECF0] =	vst v63  }
0x164: {  	_ =	swait.ge [sflag:s23], $0x3E80  }
0x165: {  	[sflag:s23] =	ssyncset.done $0x0  }
0x166: {  	[sflag:s23] =	ssyncadd.s32 $0xFFFFC180  }
0x167: {  	[spmem:s5] =	stream.indirect.scatter.add.f32 [tilespmem:s24], [sflag:$0x3], $0x8, s15, s29, $0xb8;
	[tilespmem:$0x1ECF0] =	vst v63  }
0x168: {  	_ =	swait.ge [sflag:s23], $0x3E8  }
0x169: {  	[sflag:s23] =	ssyncset.done $0x0  }
0x16a: {  	s15 =	sadd.s32 $0x14F88, s9;
	[sflag:s23] =	ssyncadd.s32 $0xFFFFFC18  }
0x16b: {  	[tilespmem:s31], [sflag:$0x2] =	stream.indirect.gather [hbm4b:s3+s29], $0x80, s15, s29, $0xb8;
	[tilespmem:$0x1ECF0] =	vst v63  }
0x16c: {  	_ =	swait.ge [sflag:s4], $0x3E80  }
0x16d: {  	[sflag:s4] =	ssyncset.done $0x0  }
0x16e: {  	s15 =	sadd.s32 $0x15F08, s9;
	[sflag:s4] =	ssyncadd.s32 $0xFFFFC180  }
0x16f: {  	[spmem:s6] =	stream.indirect.scatter.add.f32 [tilespmem:s25], [sflag:$0x3], $0x80, s15, s29, $0xb8;
	[tilespmem:$0x1ECF0] =	vst v63  }
0x170: {  	_ =	swait.ge [sflag:s23], $0x3E80  }
0x171: {  	[sflag:s23] =	ssyncset.done $0x0  }
0x172: {  	[sflag:s23] =	ssyncadd.s32 $0xFFFFC180  }
0x173: {  	[spmem:s5] =	stream.indirect.scatter.add.f32 [tilespmem:s24], [sflag:$0x3], $0x8, s15, s29, $0xb8;
	[tilespmem:$0x1ECF0] =	vst v63  }
0x174: {  	_ =	swait.ge [sflag:s23], $0x3E8  }
0x175: {  	[sflag:s23] =	ssyncset.done $0x0  }
0x176: {  	s15 =	sor.u32 $0x15008, s9;
	[sflag:s23] =	ssyncadd.s32 $0xFFFFFC18  }
0x177: {  	[tilespmem:s25], [sflag:$0x1] =	stream.indirect.gather [hbm4b:s3+s29], $0x80, s15, s29, $0xb8;
	[tilespmem:$0x1ECF0] =	vst v63  }
0x178: {  	_ =	swait.ge [sflag:s1], $0x3E80  }
0x179: {  	[sflag:s1] =	ssyncset.done $0x0  }
0x17a: {  	s15 =	sadd.s32 $0x15F88, s9;
	[sflag:s1] =	ssyncadd.s32 $0xFFFFC180  }
0x17b: {  	[spmem:s6] =	stream.indirect.scatter.add.f32 [tilespmem:s31], [sflag:$0x3], $0x80, s15, s29, $0xb8;
	[tilespmem:$0x1ECF0] =	vst v63  }
0x17c: {  	_ =	swait.ge [sflag:s23], $0x3E80  }
0x17d: {  	[sflag:s23] =	ssyncset.done $0x0  }
0x17e: {  	[sflag:s23] =	ssyncadd.s32 $0xFFFFC180  }
0x17f: {  	[spmem:s5] =	stream.indirect.scatter.add.f32 [tilespmem:s24], [sflag:$0x3], $0x8, s15, s29, $0xb8;
	[tilespmem:$0x1ECF0] =	vst v63  }
0x180: {  	_ =	swait.ge [sflag:s23], $0x3E8  }
0x181: {  	[sflag:s23] =	ssyncset.done $0x0  }
0x182: {  	s15 =	sor.u32 $0x15088, s9;
	[sflag:s23] =	ssyncadd.s32 $0xFFFFFC18  }
0x183: {  	[tilespmem:s31], [sflag:$0x2] =	stream.indirect.gather [hbm4b:s3+s29], $0x80, s15, s29, $0xb8;
	[tilespmem:$0x1ECF0] =	vst v63  }
0x184: {  	_ =	swait.ge [sflag:s4], $0x3E80  }
0x185: {  	[sflag:s4] =	ssyncset.done $0x0  }
0x186: {  	s15 =	sor.u32 $0x16008, s9;
	[sflag:s4] =	ssyncadd.s32 $0xFFFFC180  }
0x187: {  	[spmem:s6] =	stream.indirect.scatter.add.f32 [tilespmem:s25], [sflag:$0x3], $0x80, s15, s29, $0xb8;
	[tilespmem:$0x1ECF0] =	vst v63  }
0x188: {  	_ =	swait.ge [sflag:s23], $0x3E80  }
0x189: {  	[sflag:s23] =	ssyncset.done $0x0  }
0x18a: {  	[sflag:s23] =	ssyncadd.s32 $0xFFFFC180  }
0x18b: {  	[spmem:s5] =	stream.indirect.scatter.add.f32 [tilespmem:s24], [sflag:$0x3], $0x8, s15, s29, $0xb8;
	[tilespmem:$0x1ECF0] =	vst v63  }
0x18c: {  	_ =	swait.ge [sflag:s23], $0x3E8  }
0x18d: {  	[sflag:s23] =	ssyncset.done $0x0  }
0x18e: {  	s15 =	sor.u32 $0x15108, s9;
	[sflag:s23] =	ssyncadd.s32 $0xFFFFFC18  }
0x18f: {  	[tilespmem:s25], [sflag:$0x1] =	stream.indirect.gather [hbm4b:s3+s29], $0x80, s15, s29, $0xb8;
	[tilespmem:$0x1ECF0] =	vst v63  }
0x190: {  	_ =	swait.ge [sflag:s1], $0x3E80  }
0x191: {  	[sflag:s1] =	ssyncset.done $0x0  }
0x192: {  	s15 =	sor.u32 $0x16088, s9;
	[sflag:s1] =	ssyncadd.s32 $0xFFFFC180  }
0x193: {  	[spmem:s6] =	stream.indirect.scatter.add.f32 [tilespmem:s31], [sflag:$0x3], $0x80, s15, s29, $0xb8;
	[tilespmem:$0x1ECF0] =	vst v63  }
0x194: {  	_ =	swait.ge [sflag:s23], $0x3E80  }
0x195: {  	[sflag:s23] =	ssyncset.done $0x0  }
0x196: {  	[sflag:s23] =	ssyncadd.s32 $0xFFFFC180  }
0x197: {  	[spmem:s5] =	stream.indirect.scatter.add.f32 [tilespmem:s24], [sflag:$0x3], $0x8, s15, s29, $0xb8;
	[tilespmem:$0x1ECF0] =	vst v63  }
0x198: {  	_ =	swait.ge [sflag:s23], $0x3E8  }
0x199: {  	[sflag:s23] =	ssyncset.done $0x0  }
0x19a: {  	s15 =	sor.u32 $0x15188, s9;
	[sflag:s23] =	ssyncadd.s32 $0xFFFFFC18  }
0x19b: {  	[tilespmem:s31], [sflag:$0x2] =	stream.indirect.gather [hbm4b:s3+s29], $0x80, s15, s29, $0xb8;
	[tilespmem:$0x1ECF0] =	vst v63  }
0x19c: {  	_ =	swait.ge [sflag:s4], $0x3E80  }
0x19d: {  	[sflag:s4] =	ssyncset.done $0x0  }
0x19e: {  	s15 =	sor.u32 $0x16108, s9;
	[sflag:s4] =	ssyncadd.s32 $0xFFFFC180  }
0x19f: {  	[spmem:s6] =	stream.indirect.scatter.add.f32 [tilespmem:s25], [sflag:$0x3], $0x80, s15, s29, $0xb8;
	[tilespmem:$0x1ECF0] =	vst v63  }
0x1a0: {  	_ =	swait.ge [sflag:s23], $0x3E80  }
0x1a1: {  	[sflag:s23] =	ssyncset.done $0x0  }
0x1a2: {  	[sflag:s23] =	ssyncadd.s32 $0xFFFFC180  }
0x1a3: {  	[spmem:s5] =	stream.indirect.scatter.add.f32 [tilespmem:s24], [sflag:$0x3], $0x8, s15, s29, $0xb8;
	[tilespmem:$0x1ECF0] =	vst v63  }
0x1a4: {  	_ =	swait.ge [sflag:s23], $0x3E8  }
0x1a5: {  	[sflag:s23] =	ssyncset.done $0x0  }
0x1a6: {  	s15 =	sor.u32 $0x15208, s9;
	[sflag:s23] =	ssyncadd.s32 $0xFFFFFC18  }
0x1a7: {  	[tilespmem:s25], [sflag:$0x1] =	stream.indirect.gather [hbm4b:s3+s29], $0x80, s15, s29, $0xb8;
	[tilespmem:$0x1ECF0] =	vst v63  }
0x1a8: {  	_ =	swait.ge [sflag:s1], $0x3E80  }
0x1a9: {  	[sflag:s1] =	ssyncset.done $0x0  }
0x1aa: {  	s15 =	sor.u32 $0x16188, s9;
	[sflag:s1] =	ssyncadd.s32 $0xFFFFC180  }
0x1ab: {  	[spmem:s6] =	stream.indirect.scatter.add.f32 [tilespmem:s31], [sflag:$0x3], $0x80, s15, s29, $0xb8;
	[tilespmem:$0x1ECF0] =	vst v63  }
0x1ac: {  	_ =	swait.ge [sflag:s23], $0x3E80  }
0x1ad: {  	[sflag:s23] =	ssyncset.done $0x0  }
0x1ae: {  	[sflag:s23] =	ssyncadd.s32 $0xFFFFC180  }
0x1af: {  	[spmem:s5] =	stream.indirect.scatter.add.f32 [tilespmem:s24], [sflag:$0x3], $0x8, s15, s29, $0xb8;
	[tilespmem:$0x1ECF0] =	vst v63  }
0x1b0: {  	_ =	swait.ge [sflag:s23], $0x3E8  }
0x1b1: {  	[sflag:s23] =	ssyncset.done $0x0  }
0x1b2: {  	s15 =	sor.u32 $0x15288, s9;
	[sflag:s23] =	ssyncadd.s32 $0xFFFFFC18  }
0x1b3: {  	[tilespmem:s31], [sflag:$0x2] =	stream.indirect.gather [hbm4b:s3+s29], $0x80, s15, s29, $0xb8;
	[tilespmem:$0x1ECF0] =	vst v63  }
0x1b4: {  	_ =	swait.ge [sflag:s4], $0x3E80  }
0x1b5: {  	[sflag:s4] =	ssyncset.done $0x0  }
0x1b6: {  	s15 =	sor.u32 $0x16208, s9;
	[sflag:s4] =	ssyncadd.s32 $0xFFFFC180  }
0x1b7: {  	[spmem:s6] =	stream.indirect.scatter.add.f32 [tilespmem:s25], [sflag:$0x3], $0x80, s15, s29, $0xb8;
	[tilespmem:$0x1ECF0] =	vst v63  }
0x1b8: {  	_ =	swait.ge [sflag:s23], $0x3E80  }
0x1b9: {  	[sflag:s23] =	ssyncset.done $0x0  }
0x1ba: {  	[sflag:s23] =	ssyncadd.s32 $0xFFFFC180  }
0x1bb: {  	[spmem:s5] =	stream.indirect.scatter.add.f32 [tilespmem:s24], [sflag:$0x3], $0x8, s15, s29, $0xb8;
	[tilespmem:$0x1ECF0] =	vst v63  }
0x1bc: {  	_ =	swait.ge [sflag:s23], $0x3E8  }
0x1bd: {  	[sflag:s23] =	ssyncset.done $0x0  }
0x1be: {  	s15 =	sor.u32 $0x15308, s9;
	[sflag:s23] =	ssyncadd.s32 $0xFFFFFC18  }
0x1bf: {  	[tilespmem:s25], [sflag:$0x1] =	stream.indirect.gather [hbm4b:s3+s29], $0x80, s15, s29, $0xb8;
	[tilespmem:$0x1ECF0] =	vst v63  }
0x1c0: {  	_ =	swait.ge [sflag:s1], $0x3E80  }
0x1c1: {  	[sflag:s1] =	ssyncset.done $0x0  }
0x1c2: {  	s15 =	sor.u32 $0x16288, s9;
	[sflag:s1] =	ssyncadd.s32 $0xFFFFC180  }
0x1c3: {  	[spmem:s6] =	stream.indirect.scatter.add.f32 [tilespmem:s31], [sflag:$0x3], $0x80, s15, s29, $0xb8;
	[tilespmem:$0x1ECF0] =	vst v63  }
0x1c4: {  	_ =	swait.ge [sflag:s23], $0x3E80  }
0x1c5: {  	[sflag:s23] =	ssyncset.done $0x0  }
0x1c6: {  	[sflag:s23] =	ssyncadd.s32 $0xFFFFC180  }
0x1c7: {  	[spmem:s5] =	stream.indirect.scatter.add.f32 [tilespmem:s24], [sflag:$0x3], $0x8, s15, s29, $0xb8;
	[tilespmem:$0x1ECF0] =	vst v63  }
0x1c8: {  	_ =	swait.ge [sflag:s23], $0x3E8  }
0x1c9: {  	[sflag:s23] =	ssyncset.done $0x0  }
0x1ca: {  	s15 =	sor.u32 $0x15388, s9;
	[sflag:s23] =	ssyncadd.s32 $0xFFFFFC18  }
0x1cb: {  	[tilespmem:s31], [sflag:$0x2] =	stream.indirect.gather [hbm4b:s3+s29], $0x80, s15, s29, $0xb8;
	[tilespmem:$0x1ECF0] =	vst v63  }
0x1cc: {  	_ =	swait.ge [sflag:s4], $0x3E80  }
0x1cd: {  	[sflag:s4] =	ssyncset.done $0x0  }
0x1ce: {  	s15 =	sor.u32 $0x16308, s9;
	[sflag:s4] =	ssyncadd.s32 $0xFFFFC180  }
0x1cf: {  	[spmem:s6] =	stream.indirect.scatter.add.f32 [tilespmem:s25], [sflag:$0x3], $0x80, s15, s29, $0xb8;
	[tilespmem:$0x1ECF0] =	vst v63  }
0x1d0: {  	_ =	swait.ge [sflag:s23], $0x3E80  }
0x1d1: {  	[sflag:s23] =	ssyncset.done $0x0  }
0x1d2: {  	[sflag:s23] =	ssyncadd.s32 $0xFFFFC180  }
0x1d3: {  	[spmem:s5] =	stream.indirect.scatter.add.f32 [tilespmem:s24], [sflag:$0x3], $0x8, s15, s29, $0xb8;
	[tilespmem:$0x1ECF0] =	vst v63  }
0x1d4: {  	_ =	swait.ge [sflag:s23], $0x3E8  }
0x1d5: {  	[sflag:s23] =	ssyncset.done $0x0  }
0x1d6: {  	[sflag:s23] =	ssyncadd.s32 $0xFFFFFC18  }
0x1d7: {  	[tilespmem:s25], [sflag:$0x1] =	stream.indirect.gather [hbm4b:s3+s29], $0x80, s11, s29, $0xb8;
	[tilespmem:$0x1ECF0] =	vst v63  }
0x1d8: {  	_ =	swait.ge [sflag:s1], $0x3E80  }
0x1d9: {  	[sflag:s1] =	ssyncset.done $0x0  }
0x1da: {  	p0 =	sne.s32 s10, $0x1800;
	s15 =	sor.u32 $0x16388, s9;
	[sflag:s1] =	ssyncadd.s32 $0xFFFFC180  }
0x1db: {  	[spmem:s6] =	stream.indirect.scatter.add.f32 [tilespmem:s31], [sflag:$0x3], $0x80, s15, s29, $0xb8;
	[tilespmem:$0x1ECF0] =	vst v63  }
.Ltmp0:
0x1dc: {  	_ =	swait.ge [sflag:s23], $0x3E80;
	(pc) =	sbr.rel @p0 .LBB2_2-.Ltmp0, $4  }
0x1dd: {  	[sflag:s23] =	ssyncset.done $0x0  }
0x1de: {  	[sflag:s23] =	ssyncadd.s32 $0xFFFFC180  }
0x1df: {  	[spmem:s5] =	stream.indirect.scatter.add.f32 [tilespmem:s24], [sflag:$0x3], $0x8, s15, s29, $0xb8;
	[tilespmem:$0x1ECF0] =	vst v63  }
0x1e0: {  	s10 =	sadd.s32 $0x800, s10;
	_ =	swait.ge [sflag:s23], $0x3E8  }
0x1e1: {  	[sflag:s23] =	ssyncset.done $0x0  }
0x1e2: {  	s9 =	ssub.s32 $0x15488, s9;
	[sflag:s23] =	ssyncadd.s32 $0xFFFFFC18  }
0x1e3: {  	[tilespmem:s31], [sflag:$0x2] =	stream.indirect.gather [hbm4b:s3+s29], $0x80, s9, s29, $0xb8;
	[tilespmem:$0x1ECF0] =	vst v63  }
0x1e4: {  	_ =	swait.ge [sflag:s4], $0x3E80  }
0x1e5: {  	[sflag:s4] =	ssyncset.done $0x0  }
0x1e6: {  	[sflag:s4] =	ssyncadd.s32 $0xFFFFC180  }
0x1e7: {  	[spmem:s6] =	stream.indirect.scatter.add.f32 [tilespmem:s25], [sflag:$0x3], $0x80, s28, s29, $0xb8;
	[tilespmem:$0x1ECF0] =	vst v63  }
0x1e8: {  	_ =	swait.ge [sflag:s23], $0x3E80  }
0x1e9: {  	[sflag:s23] =	ssyncset.done $0x0  }
0x1ea: {  	[sflag:s23] =	ssyncadd.s32 $0xFFFFC180  }
0x1eb: {  	[spmem:s5] =	stream.indirect.scatter.add.f32 [tilespmem:s24], [sflag:$0x3], $0x8, s28, s29, $0xb8;
	[tilespmem:$0x1ECF0] =	vst v63  }
0x1ec: {  	_ =	swait.ge [sflag:s23], $0x3E8  }
0x1ed: {  	[sflag:s23] =	ssyncset.done $0x0  }
0x1ee: {  	s11 =	simm.s32 $0x14D08;
	[sflag:s23] =	ssyncadd.s32 $0xFFFFFC18  }
0x1ef: {  	[tilespmem:s25], [sflag:$0x1] =	stream.indirect.gather [hbm4b:s3+s29], $0x80, s11, s29, $0xb8;
	[tilespmem:$0x1ECF0] =	vst v63  }
0x1f0: {  	_ =	swait.ge [sflag:s1], $0x3E80  }
0x1f1: {  	[sflag:s1] =	ssyncset.done $0x0  }
0x1f2: {  	s14 =	simm.s32 $0x15C88;
	[sflag:s1] =	ssyncadd.s32 $0xFFFFC180  }
0x1f3: {  	[spmem:s6] =	stream.indirect.scatter.add.f32 [tilespmem:s31], [sflag:$0x3], $0x80, s14, s29, $0xb8;
	[tilespmem:$0x1ECF0] =	vst v63  }
0x1f4: {  	_ =	swait.ge [sflag:s23], $0x3E80  }
0x1f5: {  	[sflag:s23] =	ssyncset.done $0x0  }
0x1f6: {  	[sflag:s23] =	ssyncadd.s32 $0xFFFFC180  }
0x1f7: {  	[spmem:s5] =	stream.indirect.scatter.add.f32 [tilespmem:s24], [sflag:$0x3], $0x8, s14, s29, $0xb8;
	[tilespmem:$0x1ECF0] =	vst v63  }
0x1f8: {  	_ =	swait.ge [sflag:s23], $0x3E8  }
0x1f9: {  	[sflag:s23] =	ssyncset.done $0x0  }
0x1fa: {  	s15 =	simm.s32 $0x14D88;
	[sflag:s23] =	ssyncadd.s32 $0xFFFFFC18  }
0x1fb: {  	[tilespmem:s31], [sflag:$0x2] =	stream.indirect.gather [hbm4b:s3+s29], $0x80, s15, s29, $0xb8;
	[tilespmem:$0x1ECF0] =	vst v63  }
0x1fc: {  	_ =	swait.ge [sflag:s4], $0x3E80  }
0x1fd: {  	[sflag:s4] =	ssyncset.done $0x0  }
0x1fe: {  	s10 =	simm.s32 $0x15D08;
	[sflag:s4] =	ssyncadd.s32 $0xFFFFC180  }
0x1ff: {  	[spmem:s6] =	stream.indirect.scatter.add.f32 [tilespmem:s25], [sflag:$0x3], $0x80, s10, s29, $0xb8;
	[tilespmem:$0x1ECF0] =	vst v63  }
0x200: {  	_ =	swait.ge [sflag:s23], $0x3E80  }
0x201: {  	[sflag:s23] =	ssyncset.done $0x0  }
0x202: {  	[sflag:s23] =	ssyncadd.s32 $0xFFFFC180  }
0x203: {  	[spmem:s5] =	stream.indirect.scatter.add.f32 [tilespmem:s24], [sflag:$0x3], $0x8, s10, s29, $0xb8;
	[tilespmem:$0x1ECF0] =	vst v63  }
0x204: {  	_ =	swait.ge [sflag:s23], $0x3E8  }
0x205: {  	[sflag:s23] =	ssyncset.done $0x0  }
0x206: {  	s11 =	simm.s32 $0x14E08;
	[sflag:s23] =	ssyncadd.s32 $0xFFFFFC18  }
0x207: {  	[tilespmem:s25], [sflag:$0x1] =	stream.indirect.gather [hbm4b:s3+s29], $0x80, s11, s29, $0xb8;
	[tilespmem:$0x1ECF0] =	vst v63  }
0x208: {  	_ =	swait.ge [sflag:s1], $0x3E80  }
0x209: {  	[sflag:s1] =	ssyncset.done $0x0  }
0x20a: {  	s14 =	simm.s32 $0x15D88;
	[sflag:s1] =	ssyncadd.s32 $0xFFFFC180  }
0x20b: {  	[spmem:s6] =	stream.indirect.scatter.add.f32 [tilespmem:s31], [sflag:$0x3], $0x80, s14, s29, $0xb8;
	[tilespmem:$0x1ECF0] =	vst v63  }
0x20c: {  	_ =	swait.ge [sflag:s23], $0x3E80  }
0x20d: {  	[sflag:s23] =	ssyncset.done $0x0  }
0x20e: {  	[sflag:s23] =	ssyncadd.s32 $0xFFFFC180  }
0x20f: {  	[spmem:s5] =	stream.indirect.scatter.add.f32 [tilespmem:s24], [sflag:$0x3], $0x8, s14, s29, $0xb8;
	[tilespmem:$0x1ECF0] =	vst v63  }
0x210: {  	_ =	swait.ge [sflag:s23], $0x3E8  }
0x211: {  	[sflag:s23] =	ssyncset.done $0x0  }
0x212: {  	s15 =	simm.s32 $0x14E88;
	[sflag:s23] =	ssyncadd.s32 $0xFFFFFC18  }
0x213: {  	[tilespmem:s31], [sflag:$0x2] =	stream.indirect.gather [hbm4b:s3+s29], $0x80, s15, s29, $0xb8;
	[tilespmem:$0x1ECF0] =	vst v63  }
0x214: {  	_ =	swait.ge [sflag:s4], $0x3E80  }
0x215: {  	[sflag:s4] =	ssyncset.done $0x0  }
0x216: {  	s10 =	simm.s32 $0x15E08;
	[sflag:s4] =	ssyncadd.s32 $0xFFFFC180  }
0x217: {  	[spmem:s6] =	stream.indirect.scatter.add.f32 [tilespmem:s25], [sflag:$0x3], $0x80, s10, s29, $0xb8;
	[tilespmem:$0x1ECF0] =	vst v63  }
0x218: {  	_ =	swait.ge [sflag:s23], $0x3E80  }
0x219: {  	[sflag:s23] =	ssyncset.done $0x0  }
0x21a: {  	[sflag:s23] =	ssyncadd.s32 $0xFFFFC180  }
0x21b: {  	[spmem:s5] =	stream.indirect.scatter.add.f32 [tilespmem:s24], [sflag:$0x3], $0x8, s10, s29, $0xb8;
	[tilespmem:$0x1ECF0] =	vst v63  }
0x21c: {  	_ =	swait.ge [sflag:s23], $0x3E8  }
0x21d: {  	[sflag:s23] =	ssyncset.done $0x0  }
0x21e: {  	s11 =	simm.s32 $0x14F08;
	[sflag:s23] =	ssyncadd.s32 $0xFFFFFC18  }
0x21f: {  	[tilespmem:s25], [sflag:$0x1] =	stream.indirect.gather [hbm4b:s3+s29], $0x80, s11, s29, $0xb8;
	[tilespmem:$0x1ECF0] =	vst v63  }
0x220: {  	_ =	swait.ge [sflag:s1], $0x3E80  }
0x221: {  	[sflag:s1] =	ssyncset.done $0x0  }
0x222: {  	s14 =	simm.s32 $0x15E88;
	[sflag:s1] =	ssyncadd.s32 $0xFFFFC180  }
0x223: {  	[spmem:s6] =	stream.indirect.scatter.add.f32 [tilespmem:s31], [sflag:$0x3], $0x80, s14, s29, $0xb8;
	[tilespmem:$0x1ECF0] =	vst v63  }
0x224: {  	_ =	swait.ge [sflag:s23], $0x3E80  }
0x225: {  	[sflag:s23] =	ssyncset.done $0x0  }
0x226: {  	[sflag:s23] =	ssyncadd.s32 $0xFFFFC180  }
0x227: {  	[spmem:s5] =	stream.indirect.scatter.add.f32 [tilespmem:s24], [sflag:$0x3], $0x8, s14, s29, $0xb8;
	[tilespmem:$0x1ECF0] =	vst v63  }
0x228: {  	_ =	swait.ge [sflag:s23], $0x3E8  }
0x229: {  	[sflag:s23] =	ssyncset.done $0x0  }
0x22a: {  	s15 =	simm.s32 $0x14F88;
	[sflag:s23] =	ssyncadd.s32 $0xFFFFFC18  }
0x22b: {  	[tilespmem:s31], [sflag:$0x2] =	stream.indirect.gather [hbm4b:s3+s29], $0x80, s15, s29, $0xb8;
	[tilespmem:$0x1ECF0] =	vst v63  }
0x22c: {  	_ =	swait.ge [sflag:s4], $0x3E80  }
0x22d: {  	[sflag:s4] =	ssyncset.done $0x0  }
0x22e: {  	s10 =	simm.s32 $0x15F08;
	[sflag:s4] =	ssyncadd.s32 $0xFFFFC180  }
0x22f: {  	[spmem:s6] =	stream.indirect.scatter.add.f32 [tilespmem:s25], [sflag:$0x3], $0x80, s10, s29, $0xb8;
	[tilespmem:$0x1ECF0] =	vst v63  }
0x230: {  	_ =	swait.ge [sflag:s23], $0x3E80  }
0x231: {  	[sflag:s23] =	ssyncset.done $0x0  }
0x232: {  	[sflag:s23] =	ssyncadd.s32 $0xFFFFC180  }
0x233: {  	[spmem:s5] =	stream.indirect.scatter.add.f32 [tilespmem:s24], [sflag:$0x3], $0x8, s10, s29, $0xb8;
	[tilespmem:$0x1ECF0] =	vst v63  }
0x234: {  	_ =	swait.ge [sflag:s23], $0x3E8  }
0x235: {  	[sflag:s23] =	ssyncset.done $0x0  }
0x236: {  	s11 =	simm.s32 $0x15008;
	[sflag:s23] =	ssyncadd.s32 $0xFFFFFC18  }
0x237: {  	[tilespmem:s25], [sflag:$0x1] =	stream.indirect.gather [hbm4b:s3+s29], $0x80, s11, s29, $0xb8;
	[tilespmem:$0x1ECF0] =	vst v63  }
0x238: {  	_ =	swait.ge [sflag:s1], $0x3E80  }
0x239: {  	[sflag:s1] =	ssyncset.done $0x0  }
0x23a: {  	s14 =	simm.s32 $0x15F88;
	[sflag:s1] =	ssyncadd.s32 $0xFFFFC180  }
0x23b: {  	[spmem:s6] =	stream.indirect.scatter.add.f32 [tilespmem:s31], [sflag:$0x3], $0x80, s14, s29, $0xb8;
	[tilespmem:$0x1ECF0] =	vst v63  }
0x23c: {  	_ =	swait.ge [sflag:s23], $0x3E80  }
0x23d: {  	[sflag:s23] =	ssyncset.done $0x0  }
0x23e: {  	[sflag:s23] =	ssyncadd.s32 $0xFFFFC180  }
0x23f: {  	[spmem:s5] =	stream.indirect.scatter.add.f32 [tilespmem:s24], [sflag:$0x3], $0x8, s14, s29, $0xb8;
	[tilespmem:$0x1ECF0] =	vst v63  }
0x240: {  	_ =	swait.ge [sflag:s23], $0x3E8  }
0x241: {  	[sflag:s23] =	ssyncset.done $0x0  }
0x242: {  	s15 =	simm.s32 $0x15088;
	[sflag:s23] =	ssyncadd.s32 $0xFFFFFC18  }
0x243: {  	[tilespmem:s31], [sflag:$0x2] =	stream.indirect.gather [hbm4b:s3+s29], $0x80, s15, s29, $0xb8;
	[tilespmem:$0x1ECF0] =	vst v63  }
0x244: {  	_ =	swait.ge [sflag:s4], $0x3E80  }
0x245: {  	[sflag:s4] =	ssyncset.done $0x0  }
0x246: {  	[sflag:s4] =	ssyncadd.s32 $0xFFFFC180  }
0x247: {  	[spmem:s6] =	stream.indirect.scatter.add.f32 [tilespmem:s25], [sflag:$0x3], $0x80, s26, s29, $0xb8;
	[tilespmem:$0x1ECF0] =	vst v63  }
0x248: {  	_ =	swait.ge [sflag:s23], $0x3E80  }
0x249: {  	[sflag:s23] =	ssyncset.done $0x0  }
0x24a: {  	[sflag:s23] =	ssyncadd.s32 $0xFFFFC180  }
0x24b: {  	[spmem:s5] =	stream.indirect.scatter.add.f32 [tilespmem:s24], [sflag:$0x3], $0x8, s26, s29, $0xb8;
	[tilespmem:$0x1ECF0] =	vst v63  }
0x24c: {  	_ =	swait.ge [sflag:s23], $0x3E8  }
0x24d: {  	[sflag:s23] =	ssyncset.done $0x0  }
0x24e: {  	s10 =	simm.s32 $0x15108;
	[sflag:s23] =	ssyncadd.s32 $0xFFFFFC18  }
0x24f: {  	[tilespmem:s25], [sflag:$0x1] =	stream.indirect.gather [hbm4b:s3+s29], $0x80, s10, s29, $0xb8;
	[tilespmem:$0x1ECF0] =	vst v63  }
0x250: {  	_ =	swait.ge [sflag:s1], $0x3E80  }
0x251: {  	[sflag:s1] =	ssyncset.done $0x0  }
0x252: {  	[sflag:s1] =	ssyncadd.s32 $0xFFFFC180  }
0x253: {  	[spmem:s6] =	stream.indirect.scatter.add.f32 [tilespmem:s31], [sflag:$0x3], $0x80, s16, s29, $0xb8;
	[tilespmem:$0x1ECF0] =	vst v63  }
0x254: {  	_ =	swait.ge [sflag:s23], $0x3E80  }
0x255: {  	[sflag:s23] =	ssyncset.done $0x0  }
0x256: {  	[sflag:s23] =	ssyncadd.s32 $0xFFFFC180  }
0x257: {  	[spmem:s5] =	stream.indirect.scatter.add.f32 [tilespmem:s24], [sflag:$0x3], $0x8, s16, s29, $0xb8;
	[tilespmem:$0x1ECF0] =	vst v63  }
0x258: {  	_ =	swait.ge [sflag:s23], $0x3E8  }
0x259: {  	[sflag:s23] =	ssyncset.done $0x0  }
0x25a: {  	s11 =	simm.s32 $0x15188;
	[sflag:s23] =	ssyncadd.s32 $0xFFFFFC18  }
0x25b: {  	[tilespmem:s31], [sflag:$0x2] =	stream.indirect.gather [hbm4b:s3+s29], $0x80, s11, s29, $0xb8;
	[tilespmem:$0x1ECF0] =	vst v63  }
0x25c: {  	_ =	swait.ge [sflag:s4], $0x3E80  }
0x25d: {  	[sflag:s4] =	ssyncset.done $0x0  }
0x25e: {  	[sflag:s4] =	ssyncadd.s32 $0xFFFFC180  }
0x25f: {  	[spmem:s6] =	stream.indirect.scatter.add.f32 [tilespmem:s25], [sflag:$0x3], $0x80, s17, s29, $0xb8;
	[tilespmem:$0x1ECF0] =	vst v63  }
0x260: {  	_ =	swait.ge [sflag:s23], $0x3E80  }
0x261: {  	[sflag:s23] =	ssyncset.done $0x0  }
0x262: {  	[sflag:s23] =	ssyncadd.s32 $0xFFFFC180  }
0x263: {  	[spmem:s5] =	stream.indirect.scatter.add.f32 [tilespmem:s24], [sflag:$0x3], $0x8, s17, s29, $0xb8;
	[tilespmem:$0x1ECF0] =	vst v63  }
0x264: {  	_ =	swait.ge [sflag:s23], $0x3E8  }
0x265: {  	[sflag:s23] =	ssyncset.done $0x0  }
0x266: {  	s14 =	simm.s32 $0x15208;
	[sflag:s23] =	ssyncadd.s32 $0xFFFFFC18  }
0x267: {  	[tilespmem:s25], [sflag:$0x1] =	stream.indirect.gather [hbm4b:s3+s29], $0x80, s14, s29, $0xb8;
	[tilespmem:$0x1ECF0] =	vst v63  }
0x268: {  	_ =	swait.ge [sflag:s1], $0x3E80  }
0x269: {  	[sflag:s1] =	ssyncset.done $0x0  }
0x26a: {  	[sflag:s1] =	ssyncadd.s32 $0xFFFFC180  }
0x26b: {  	[spmem:s6] =	stream.indirect.scatter.add.f32 [tilespmem:s31], [sflag:$0x3], $0x80, s18, s29, $0xb8;
	[tilespmem:$0x1ECF0] =	vst v63  }
0x26c: {  	_ =	swait.ge [sflag:s23], $0x3E80  }
0x26d: {  	[sflag:s23] =	ssyncset.done $0x0  }
0x26e: {  	[sflag:s23] =	ssyncadd.s32 $0xFFFFC180  }
0x26f: {  	[spmem:s5] =	stream.indirect.scatter.add.f32 [tilespmem:s24], [sflag:$0x3], $0x8, s18, s29, $0xb8;
	[tilespmem:$0x1ECF0] =	vst v63  }
0x270: {  	_ =	swait.ge [sflag:s23], $0x3E8  }
0x271: {  	[sflag:s23] =	ssyncset.done $0x0  }
0x272: {  	s15 =	simm.s32 $0x15288;
	[sflag:s23] =	ssyncadd.s32 $0xFFFFFC18  }
0x273: {  	[tilespmem:s31], [sflag:$0x2] =	stream.indirect.gather [hbm4b:s3+s29], $0x80, s15, s29, $0xb8;
	[tilespmem:$0x1ECF0] =	vst v63  }
0x274: {  	_ =	swait.ge [sflag:s4], $0x3E80  }
0x275: {  	[sflag:s4] =	ssyncset.done $0x0  }
0x276: {  	[sflag:s4] =	ssyncadd.s32 $0xFFFFC180  }
0x277: {  	[spmem:s6] =	stream.indirect.scatter.add.f32 [tilespmem:s25], [sflag:$0x3], $0x80, s19, s29, $0xb8;
	[tilespmem:$0x1ECF0] =	vst v63  }
0x278: {  	_ =	swait.ge [sflag:s23], $0x3E80  }
0x279: {  	[sflag:s23] =	ssyncset.done $0x0  }
0x27a: {  	[sflag:s23] =	ssyncadd.s32 $0xFFFFC180  }
0x27b: {  	[spmem:s5] =	stream.indirect.scatter.add.f32 [tilespmem:s24], [sflag:$0x3], $0x8, s19, s29, $0xb8;
	[tilespmem:$0x1ECF0] =	vst v63  }
0x27c: {  	_ =	swait.ge [sflag:s23], $0x3E8  }
0x27d: {  	[sflag:s23] =	ssyncset.done $0x0  }
0x27e: {  	s10 =	simm.s32 $0x15308;
	[sflag:s23] =	ssyncadd.s32 $0xFFFFFC18  }
0x27f: {  	[tilespmem:s25], [sflag:$0x1] =	stream.indirect.gather [hbm4b:s3+s29], $0x80, s10, s29, $0xb8;
	[tilespmem:$0x1ECF0] =	vst v63  }
0x280: {  	_ =	swait.ge [sflag:s1], $0x3E80  }
0x281: {  	[sflag:s1] =	ssyncset.done $0x0  }
0x282: {  	[sflag:s1] =	ssyncadd.s32 $0xFFFFC180  }
0x283: {  	[spmem:s6] =	stream.indirect.scatter.add.f32 [tilespmem:s31], [sflag:$0x3], $0x80, s20, s29, $0xb8;
	[tilespmem:$0x1ECF0] =	vst v63  }
0x284: {  	_ =	swait.ge [sflag:s23], $0x3E80  }
0x285: {  	[sflag:s23] =	ssyncset.done $0x0  }
0x286: {  	[sflag:s23] =	ssyncadd.s32 $0xFFFFC180  }
0x287: {  	[spmem:s5] =	stream.indirect.scatter.add.f32 [tilespmem:s24], [sflag:$0x3], $0x8, s20, s29, $0xb8;
	[tilespmem:$0x1ECF0] =	vst v63  }
0x288: {  	_ =	swait.ge [sflag:s23], $0x3E8  }
0x289: {  	[sflag:s23] =	ssyncset.done $0x0  }
0x28a: {  	s11 =	simm.s32 $0x15388;
	[sflag:s23] =	ssyncadd.s32 $0xFFFFFC18  }
0x28b: {  	[tilespmem:s31], [sflag:$0x2] =	stream.indirect.gather [hbm4b:s3+s29], $0x80, s11, s29, $0xb8;
	[tilespmem:$0x1ECF0] =	vst v63  }
0x28c: {  	_ =	swait.ge [sflag:s4], $0x3E80  }
0x28d: {  	[sflag:s4] =	ssyncset.done $0x0  }
0x28e: {  	[sflag:s4] =	ssyncadd.s32 $0xFFFFC180  }
0x28f: {  	[spmem:s6] =	stream.indirect.scatter.add.f32 [tilespmem:s25], [sflag:$0x3], $0x80, s30, s29, $0xb8;
	[tilespmem:$0x1ECF0] =	vst v63  }
0x290: {  	_ =	swait.ge [sflag:s23], $0x3E80  }
0x291: {  	[sflag:s23] =	ssyncset.done $0x0  }
0x292: {  	[sflag:s23] =	ssyncadd.s32 $0xFFFFC180  }
0x293: {  	[spmem:s5] =	stream.indirect.scatter.add.f32 [tilespmem:s24], [sflag:$0x3], $0x8, s30, s29, $0xb8;
	[tilespmem:$0x1ECF0] =	vst v63  }
0x294: {  	_ =	swait.ge [sflag:s23], $0x3E8  }
0x295: {  	[sflag:s23] =	ssyncset.done $0x0  }
0x296: {  	[sflag:s23] =	ssyncadd.s32 $0xFFFFFC18  }
0x297: {  	_ =	swait.ge [sflag:s1], $0x3E80  }
0x298: {  	[sflag:s1] =	ssyncset.done $0x0  }
0x299: {  	[sflag:s1] =	ssyncadd.s32 $0xFFFFC180  }
0x29a: {  	[spmem:s6] =	stream.indirect.scatter.add.f32 [tilespmem:s31], [sflag:$0x3], $0x80, s21, s29, $0xb8;
	[tilespmem:$0x1ECF0] =	vst v63  }
0x29b: {  	_ =	swait.ge [sflag:s23], $0x3E80  }
0x29c: {  	[sflag:s23] =	ssyncset.done $0x0  }
0x29d: {  	[sflag:s23] =	ssyncadd.s32 $0xFFFFC180  }
0x29e: {  	[spmem:s5] =	stream.indirect.scatter.add.f32 [tilespmem:s24], [sflag:$0x3], $0x8, s21, s29, $0xb8;
	[tilespmem:$0x1ECF0] =	vst v63  }
0x29f: {  	_ =	swait.ge [sflag:s23], $0x3E8  }
0x2a0: {  	[sflag:s23] =	ssyncset.done $0x0  }
0x2a1: {  	[sflag:s23] =	ssyncadd.s32 $0xFFFFFC18  }
0x2a2: {  	[bflag:$0x0] =	sbarrier.arrive $0xFFFF  }
0x2a3: {  	s14 =	sshrl.u32 s13, $0x3;
	s10 =	rddreg [dreg:$0x12]  }
0x2a4: {  	[hbm:s10], [sflag:s12] =	dma.local [spmem:s14], $0x2710  }
0x2a5: {  	_ =	swait.ge [sflag:s23], $0x2710  }
0x2a6: {  	[sflag:s23] =	ssyncset.done $0x0  }
0x2a7: {  	s15 =	rddreg [dreg:$0x13];
	[sflag:s23] =	ssyncadd.s32 $0xFFFFD8F0  }
0x2a8: {  	[hbm:s15], [sflag:s12] =	dma.local [spmem:s22], $0x271  }
0x2a9: {  	_ =	swait.ge [sflag:s23], $0x271  }
0x2aa: {  	s8 =	sadd.s32 $0x1, s8;
	s22 =	rddreg [dreg:$0x14]  }
0x2ab: {  	p0 =	sne.s32 s8, s22  }
.Ltmp1:
0x2ac: {  	_ = 	snop;
	(pc) =	sbr.rel @p0 .LBB2_1-.Ltmp1, $3  }
0x2ad: {  	_ =	sdelay $0x1  }
0x2ae: {  	[sflag:s23] =	ssyncset.done $0x0  }
0x2af: {  	[sflag:s23] =	ssyncadd.s32 $0xFFFFFD8F  }
0x2b0: {  	_ =	sfence.sel $0x180000  }
0x2b1: {  	[bflag:$0x0] =	sbarrier.arrive $0xFFFF  }
0x2b2: {  	_ =	strace $0x90000047  }
0x2b3: {  	s0 =	stileid.u32;
	[bflag:$0x2] =	sbarrier.arrive $0xFFFF  }
0x2b4: {  	p0 =	sne.s32 s0, $0x0;
	s0 =	rddreg [dreg:$0x6]  }
0x2b5: {  	s0 =	sadd.s32 @!p0 $0x100000, s0  }
0x2b6: {  	[sflag:s0] =	ssyncadd.tile.s32 @!p0 $0x1;
	_ =	shalt  }
.Lfunc_end2:
_tile_overlayer_lowered:
.L_overlay_start_2:
0x2b7: {  	(tag) =	ssettag $0x2  }
0x2b8: {  	s0 =	rddreg [dreg:$0x0];
	s2 =	stileid.u32  }
0x2b9: {  	s1 =	rddreg [dreg:$0x1];
	p0 =	sne.s32 s2, $0x0  }
0x2ba: {  	s3 =	rddreg [dreg:$0x2];
	[bflag:$0x3] =	sbarrier.arrive $0xFFFF;
	s2 =	simm.s32 @!p0 $0x1C03  }
0x2bb: {  	[timem:s3], [sflag:s2] =	dma.local @!p0 [hbm:s0], s1  }
0x2bc: {  	s0 =	simm.s32 @!p0 $0x3  }
0x2bd: {  	_ =	swait.ge @!p0 [sflag:s0], s1  }
0x2be: {  	s1 =	ssub.s32 @!p0 $0x0, s1;
	[sflag:s0] =	ssyncset.done @!p0 $0x0  }
0x2bf: {  	[sflag:s0] =	ssyncadd.s32 @!p0 s1  }
0x2c0: {  	[bflag:$0x3] =	sbarrier.arrive $0xFFFF  }
0x2c1: {  	_ =	shalt  }

</sc_bundles>
